<compile_context>
chip_gen: v7x
topology: tpu7x:2x2x1
jax: 0.10.2.dev20260603
libtpu: 0.0.44.dev20260713+nightly
codegen_flags: <defaults>
</compile_context>

<pallas_src>
import functools

import jax
import jax.numpy as jnp
from jax.experimental import pallas as pl
from jax.experimental.pallas import tpu as pltpu
from jax.experimental.pallas import tpu_sc as plsc


_SC_W = 128


def _sc_gather(table, row_idx, col_idx):
    e = row_idx.shape[1]
    mesh = plsc.VectorSubcoreMesh(core_axis_name="c", subcore_axis_name="s")
    out_type = [
        jax.ShapeDtypeStruct((e, 128), jnp.float32),
        jax.ShapeDtypeStruct((e, 128), jnp.float32),
    ]

    @pl.kernel(out_type=out_type, mesh=mesh)
    def gather_kernel(t_hbm, ri_hbm, ci_hbm, gr_hbm, gc_hbm):
        def body(i_vmem, o_vmem):
            pltpu.sync_copy(t_hbm.at[i_vmem.at[0]], o_vmem)

        for idx_hbm, o_hbm in ((ri_hbm, gr_hbm), (ci_hbm, gc_hbm)):
            pltpu.emit_pipeline(
                body,
                grid=(e // _SC_W,),
                in_specs=[pl.BlockSpec((1, _SC_W), lambda i: (0, i))],
                out_specs=[pl.BlockSpec((_SC_W, 128), lambda i: (i, 0))],
                core_axis_name=("c", "s"),
                dimension_semantics=(pltpu.PARALLEL,),
            )(idx_hbm, o_hbm)

    return gather_kernel(table, row_idx, col_idx)


_SC_SCH = 128
_SC_HALF = 50048
_SC_SLC = _SC_HALF // 16


def _sc_scatter(payload, idx0, idx1, zeros, width, col_block):
    e = payload.shape[0]
    mesh = plsc.VectorSubcoreMesh(core_axis_name="c", subcore_axis_name="s")
    out_type = jax.ShapeDtypeStruct((2 * _SC_HALF, 128), jnp.float32)

    @pl.kernel(out_type=out_type, mesh=mesh,
               compiler_params=pltpu.CompilerParams(use_tc_tiling_on_sc=False),
               scratch_types=[
                   pltpu.VMEM_SHARED((_SC_HALF, width), jnp.float32),
                   pltpu.VMEM((8, width), jnp.float32),
                   pltpu.VMEM((8, 128), jnp.float32)])
    def scatter_kernel(pay_hbm, i0_hbm, i1_hbm, z_hbm, out_hbm,
                       acc, bw, b128):
        c = jax.lax.axis_index("c")
        s = jax.lax.axis_index("s")
        pltpu.sync_copy(z_hbm, bw)

        @pl.loop(0, _SC_SLC // 8)
        def _(k):
            pltpu.sync_copy(bw, acc.at[pl.ds(s * _SC_SLC + k * 8, 8)])

        plsc.subcore_barrier()

        def body(pay_vmem, i0_vmem, i1_vmem):
            @pl.when(c == 0)
            def _():
                pltpu.sync_copy(pay_vmem, acc.at[i0_vmem.at[0]], add=True)

            @pl.when(c == 1)
            def _():
                pltpu.sync_copy(pay_vmem, acc.at[i1_vmem.at[0]], add=True)

        pltpu.emit_pipeline(
            body,
            grid=(e // _SC_SCH,),
            in_specs=[pl.BlockSpec((_SC_SCH, width),
                                   lambda i: (i, col_block)),
                      pl.BlockSpec((1, _SC_SCH), lambda i: (0, i)),
                      pl.BlockSpec((1, _SC_SCH), lambda i: (0, i))],
            out_specs=[],
            core_axis_name="s",
            dimension_semantics=(pltpu.PARALLEL,),
        )(pay_hbm, i0_hbm, i1_hbm)
        plsc.subcore_barrier()

        @pl.loop(0, _SC_SLC // 8)
        def _(k):
            pltpu.sync_copy(acc.at[pl.ds(s * _SC_SLC + k * 8, 8)], bw)
            for r in range(8):
                for j in range(width // 16):
                    b128[r, pl.ds(16 * j, 16)] = bw[r, pl.ds(16 * j, 16)]
            pltpu.sync_copy(
                b128,
                out_hbm.at[pl.ds(c * _SC_HALF + s * _SC_SLC + k * 8, 8)])

    return scatter_kernel(payload, idx0, idx1, zeros)


def _largest_block(total, cap, mult):
    best = mult
    b = mult
    while b <= cap:
        if total % b == 0:
            best = b
        b += mult
    return best


def _edge_mlp_body(gr_ref, gc_ref,
                   We1_ref, be1_ref, We2_ref, be2_ref, Wa_ref, ba_ref,
                   Wc1_ref, bc1_ref, Wc2_ref, out_ref):
    gr = gr_ref[...]
    gc = gc_ref[...]
    rel = gr[:, 16:19] - gc[:, 16:19]
    dist = jnp.sum(rel * rel, axis=-1, keepdims=True)
    ef = jnp.concatenate([gr[:, 0:16], gc[:, 0:16], dist], axis=-1)
    m = jax.nn.silu(jnp.dot(ef, We1_ref[...],
                            preferred_element_type=jnp.float32) + be1_ref[...])
    m = jax.nn.silu(jnp.dot(m, We2_ref[...],
                            preferred_element_type=jnp.float32) + be2_ref[...])
    att = jax.nn.sigmoid(jnp.dot(m, Wa_ref[...],
                                 preferred_element_type=jnp.float32) + ba_ref[...])
    m = m * att
    t = jax.nn.silu(jnp.dot(m, Wc1_ref[...],
                            preferred_element_type=jnp.float32) + bc1_ref[...])
    w = jnp.dot(t, Wc2_ref[...], preferred_element_type=jnp.float32)
    trans = rel * w
    ones = jnp.ones_like(w)
    pad = jnp.zeros((trans.shape[0], 92), jnp.float32)
    out_ref[...] = jnp.concatenate([m, trans, ones, pad], axis=-1)


def _edge_mlp(gr, gc, We1, be1, We2, be2, Wa, ba, Wc1, bc1, Wc2):
    e = gr.shape[0]
    be = _largest_block(e, 2000, 8)
    grid = e // be
    return pl.pallas_call(
        _edge_mlp_body,
        grid=(grid,),
        in_specs=[
            pl.BlockSpec((be, 128), lambda i: (i, 0)),
            pl.BlockSpec((be, 128), lambda i: (i, 0)),
            pl.BlockSpec((33, 32), lambda i: (0, 0)),
            pl.BlockSpec((1, 32), lambda i: (0, 0)),
            pl.BlockSpec((32, 32), lambda i: (0, 0)),
            pl.BlockSpec((1, 32), lambda i: (0, 0)),
            pl.BlockSpec((32, 1), lambda i: (0, 0)),
            pl.BlockSpec((1, 1), lambda i: (0, 0)),
            pl.BlockSpec((32, 32), lambda i: (0, 0)),
            pl.BlockSpec((1, 32), lambda i: (0, 0)),
            pl.BlockSpec((32, 1), lambda i: (0, 0)),
        ],
        out_specs=pl.BlockSpec((be, 128), lambda i: (i, 0)),
        out_shape=jax.ShapeDtypeStruct((e, 128), jnp.float32),
    )(gr, gc, We1, be1.reshape(1, -1), We2, be2.reshape(1, -1),
      Wa, ba.reshape(1, -1), Wc1, bc1.reshape(1, -1), Wc2)


def _node_body(aggm_ref, aggtc_ref, coords_ref, hidden_ref,
               Wn1h_ref, Wn1m_ref, bn1_ref, Wn2_ref, bn2_ref,
               coords_out_ref, hout_ref, stats_ref):
    i = pl.program_id(0)
    msg = aggm_ref[...]
    tc = aggtc_ref[...]
    num = tc[:, 0:3]
    cnt = tc[:, 3:4]
    coords_out_ref[...] = coords_ref[...] + num / jnp.maximum(cnt, 1.0)
    h = hidden_ref[...]
    nh = jax.nn.silu(
        jnp.dot(h, Wn1h_ref[...], preferred_element_type=jnp.float32)
        + jnp.dot(msg, Wn1m_ref[...], preferred_element_type=jnp.float32)
        + bn1_ref[...])
    h_out = h + (jnp.dot(nh, Wn2_ref[...],
                         preferred_element_type=jnp.float32) + bn2_ref[...])
    hout_ref[...] = h_out
    colsum = jnp.sum(h_out, axis=0, keepdims=True)
    sumsq = jnp.sum(h_out * h_out).reshape(1, 1)
    s = jnp.concatenate([colsum, sumsq], axis=1)
    s = jnp.pad(s, ((0, 0), (0, 128 - s.shape[1])))
    blk = jnp.broadcast_to(s, (8, 128))

    @pl.when(i == 0)
    def _():
        stats_ref[...] = jnp.zeros_like(stats_ref)

    stats_ref[...] += blk


def _node_update(aggm, aggtc, coords, hidden, Wn1, bn1, Wn2, bn2):
    n = coords.shape[0]
    bn = _largest_block(n, 2000, 8)
    grid = n // bn
    return pl.pallas_call(
        _node_body,
        grid=(grid,),
        in_specs=[
            pl.BlockSpec((bn, 32), lambda i: (i, 0)),
            pl.BlockSpec((bn, 16), lambda i: (i, 0)),
            pl.BlockSpec((bn, 3), lambda i: (i, 0)),
            pl.BlockSpec((bn, 16), lambda i: (i, 0)),
            pl.BlockSpec((16, 32), lambda i: (0, 0)),
            pl.BlockSpec((32, 32), lambda i: (0, 0)),
            pl.BlockSpec((1, 32), lambda i: (0, 0)),
            pl.BlockSpec((32, 16), lambda i: (0, 0)),
            pl.BlockSpec((1, 16), lambda i: (0, 0)),
        ],
        out_specs=[
            pl.BlockSpec((bn, 3), lambda i: (i, 0)),
            pl.BlockSpec((bn, 16), lambda i: (i, 0)),
            pl.BlockSpec((8, 128), lambda i: (0, 0)),
        ],
        out_shape=[
            jax.ShapeDtypeStruct((n, 3), jnp.float32),
            jax.ShapeDtypeStruct((n, 16), jnp.float32),
            jax.ShapeDtypeStruct((8, 128), jnp.float32),
        ],
    )(aggm, aggtc, coords, hidden, Wn1[:16], Wn1[16:], bn1.reshape(1, -1),
      Wn2, bn2.reshape(1, -1))


def _norm_body(hout_ref, stats_ref, out_ref, *, n):
    s = stats_ref[...]
    colsum = s[0:1, 0:16]
    sumsq = s[0:1, 16:17]
    mu = colsum / n
    var = sumsq / n - jnp.sum(mu * mu).reshape(1, 1)
    inv = jax.lax.rsqrt(1e-6 + var)
    out_ref[...] = (hout_ref[...] - mu) * inv


def _normalize(hout, stats):
    n = hout.shape[0]
    bn = _largest_block(n, 4000, 8)
    grid = n // bn
    return pl.pallas_call(
        functools.partial(_norm_body, n=float(n)),
        grid=(grid,),
        in_specs=[
            pl.BlockSpec((bn, 16), lambda i: (i, 0)),
            pl.BlockSpec((8, 128), lambda i: (0, 0)),
        ],
        out_specs=pl.BlockSpec((bn, 16), lambda i: (i, 0)),
        out_shape=jax.ShapeDtypeStruct((n, 16), jnp.float32),
    )(hout, stats)


def kernel(batch_coords, batch_hidden, edges, We1, be1, We2, be2, Wa, ba,
           Wc1, bc1, Wc2, Wn1, bn1, Wn2, bn2):
    n = batch_coords.shape[0]
    row = edges[0]
    table = jnp.pad(jnp.concatenate([batch_hidden, batch_coords], axis=1),
                    ((0, 0), (0, 109)))
    gr, gc = _sc_gather(table, edges[0:1], edges[1:2])
    payload = _edge_mlp(gr, gc, We1, be1, We2, be2, Wa, ba,
                        Wc1, bc1, Wc2)
    half = n // 2
    trash = jnp.int32(half)
    idx0 = jnp.where(row < half, row, trash).reshape(1, -1)
    idx1 = jnp.where(row >= half, row - half, trash).reshape(1, -1)
    zeros32 = jnp.zeros((8, 32), jnp.float32)
    zeros16 = jnp.zeros((8, 16), jnp.float32)
    aggpm = _sc_scatter(payload, idx0, idx1, zeros32, 32, 0)
    aggptc = _sc_scatter(payload, idx0, idx1, zeros16, 16, 2)
    aggm = jnp.concatenate([aggpm[:half, :32],
                            aggpm[_SC_HALF:_SC_HALF + half, :32]], axis=0)
    aggtc = jnp.concatenate([aggptc[:half, :16],
                             aggptc[_SC_HALF:_SC_HALF + half, :16]], axis=0)
    coords_out, h_out, stats = _node_update(
        aggm, aggtc, batch_coords, batch_hidden, Wn1, bn1, Wn2, bn2)
    h_norm = _normalize(h_out, stats)
    return coords_out, h_norm

# --- scband reference (transcript-rebuilt; emitter-appended) ---
"""Pipeline reference for scband-fixed-target-egnca-18502719111197 (READ-ONLY COPY).

The authoritative reference and input builder live on the scoring server;
editing this copy changes nothing except your own understanding.
"""

import jax, jax.numpy as jnp
import numpy as np

N = 100000
E = 1600000
C = 3
H = 16
M = 32


def _glorot(key, shape):
    fan_in = shape[0]
    return (jax.random.normal(key, shape, dtype=jnp.float32) / jnp.sqrt(float(fan_in))).astype(jnp.float32)


def setup_inputs(seed: int = 0) -> dict:
    key = jax.random.key(seed)
    ks = jax.random.split(key, 16)
    batch_coords = jax.random.normal(ks[0], (N, C), dtype=jnp.float32)
    batch_hidden = jax.random.uniform(ks[1], (N, H), dtype=jnp.float32)
    edges = jax.random.randint(ks[2], (2, E), 0, N, dtype=jnp.int32)
    params = {
        'We1': _glorot(ks[3], (2 * H + 1, M)), 'be1': jnp.zeros((M,), jnp.float32),
        'We2': _glorot(ks[4], (M, M)), 'be2': jnp.zeros((M,), jnp.float32),
        'Wa': _glorot(ks[5], (M, 1)), 'ba': jnp.zeros((1,), jnp.float32),
        'Wc1': _glorot(ks[6], (M, M)), 'bc1': jnp.zeros((M,), jnp.float32),
        'Wc2': _glorot(ks[7], (M, 1)),
        'Wn1': _glorot(ks[8], (H + M, M)), 'bn1': jnp.zeros((M,), jnp.float32),
        'Wn2': _glorot(ks[9], (M, H)), 'bn2': jnp.zeros((H,), jnp.float32),
    }
    out = {'batch_coords': batch_coords, 'batch_hidden': batch_hidden, 'edges': edges}
    out.update(params)
    return out


def reference(batch_coords, batch_hidden, edges, We1, be1, We2, be2, Wa, ba, Wc1, bc1, Wc2, Wn1, bn1, Wn2, bn2):
    row, col = edges[0], edges[1]
    n = batch_coords.shape[0]
    rel = batch_coords[row] - batch_coords[col]
    dist = jnp.sum(rel * rel, axis=-1, keepdims=True)
    # edge MLP (phi_e)
    ef = jnp.concatenate([batch_hidden[row], batch_hidden[col], dist], axis=-1)
    m = jax.nn.silu(ef @ We1 + be1)
    m = jax.nn.silu(m @ We2 + be2)
    # attention gate
    att = jax.nn.sigmoid(m @ Wa + ba)
    m = m * att
    # coordinate update (phi_x), mean aggregation per EGNN
    t = jax.nn.silu(m @ Wc1 + bc1)
    w = t @ Wc2
    trans = rel * w
    num = jax.ops.segment_sum(trans, row, num_segments=n)
    cnt = jax.ops.segment_sum(jnp.ones((row.shape[0], 1), jnp.float32), row, num_segments=n)
    coords_out = batch_coords + num / jnp.maximum(cnt, 1.0)
    # node update (phi_h) with residual
    msg = jax.ops.segment_sum(m, row, num_segments=n)
    nh = jax.nn.silu(jnp.concatenate([batch_hidden, msg], axis=-1) @ Wn1 + bn1)
    h_out = batch_hidden + (nh @ Wn2 + bn2)
    # PairNorm(scale=1.0)
    h_c = h_out - jnp.mean(h_out, axis=0, keepdims=True)
    rownorm_mean = jnp.sqrt(1e-6 + jnp.mean(jnp.sum(h_c * h_c, axis=1)))
    h_norm = h_c / rownorm_mean
    return coords_out, h_norm

if __name__ == "__main__":
    import jax
    _d = setup_inputs()
    print(jax.jit(kernel)(*tuple(_d.values())))

</pallas_src>

<mosaic_0001>
#map = affine_map<(d0, d1) -> (0, 0)>
module attributes {stable_mosaic.version = 14 : i64} {
  func.func @scatter_kernel(%arg0: i32, %arg1: i32, %arg2: memref<1600000x128xf32, #tpu.memory_space<hbm>>, %arg3: memref<1x1600000xi32, #tpu.memory_space<hbm>>, %arg4: memref<1x1600000xi32, #tpu.memory_space<hbm>>, %arg5: memref<8x32xf32, #tpu.memory_space<hbm>>, %arg6: memref<100096x128xf32, #tpu.memory_space<hbm>>, %arg7: memref<50048x32xf32, #tpu.memory_space<vmem_shared>>, %arg8: memref<8x32xf32, #tpu.memory_space<vmem>>, %arg9: memref<8x128xf32, #tpu.memory_space<vmem>>) attributes {dimension_semantics = [#tpu.dimension_semantics<core_parallel>, #tpu.dimension_semantics<subcore_parallel>], iteration_bounds = array<i64: 2, 16>, scalar_prefetch = 0 : i64, scratch_operands = 3 : i64, tpu.core_type = #tpu.core_type<sc_vector_subcore>, window_params = [{transform_indices = #map}, {transform_indices = #map}, {transform_indices = #map}, {transform_indices = #map}, {transform_indices = #map}]} {
    "tpu.region"() ({
      %run_scoped3A = tpu.sem_alloc : memref<!tpu.dma_semaphore, #tpu.memory_space<semaphore_mem>>
      tpu.enqueue_dma source(%arg5 : memref<8x32xf32, #tpu.memory_space<hbm>>) target(%arg8 : memref<8x32xf32, #tpu.memory_space<vmem>>) target_semaphore(%run_scoped3A : memref<!tpu.dma_semaphore, #tpu.memory_space<semaphore_mem>>)
      tpu.wait_dma2 semaphore(%run_scoped3A : memref<!tpu.dma_semaphore, #tpu.memory_space<semaphore_mem>>) src(%arg5 : memref<8x32xf32, #tpu.memory_space<hbm>>) dst(%arg8 : memref<8x32xf32, #tpu.memory_space<vmem>>)
      tpu.yield
    }) : () -> ()
    %scan3A = arith.constant 0 : i32
    %scan3A_0 = arith.constant 391 : i32
    %scan3A_1 = arith.addi %scan3A, %scan3A_0 : i32
    %scan3A_2 = arith.constant 1 : i32
    scf.for %scan3A_20 = %scan3A to %scan3A_1 step %scan3A_2  : i32 {
      %mul3A_21 = arith.constant 1 : i32
      %mul3A_22 = arith.muli %scan3A_20, %mul3A_21 : i32
      %add3A_23 = arith.constant 0 : i32
      %add3A_24 = arith.addi %add3A_23, %mul3A_22 : i32
      %mul3A_25 = arith.constant 3128 : i32
      %mul3A_26 = arith.muli %arg1, %mul3A_25 : i32
      %mul3A_27 = arith.constant 8 : i32
      %mul3A_28 = arith.muli %add3A_24, %mul3A_27 : i32
      %add3A_29 = arith.addi %mul3A_26, %mul3A_28 : i32
      "tpu.region"() ({
        %run_scoped3A = tpu.sem_alloc : memref<!tpu.dma_semaphore, #tpu.memory_space<semaphore_mem>>
        %dma_start3A = arith.constant 0 : i32
        %dma_start3A_30 = tpu.memref_slice %arg7[%add3A_29, %dma_start3A] : memref<50048x32xf32, #tpu.memory_space<vmem_shared>> -> memref<8x32xf32, #tpu.memory_space<vmem_shared>>
        %dma_start3A_31 = arith.constant 0 : i32
        %dma_start3A_32 = tpu.memref_slice %arg7[%add3A_29, %dma_start3A_31] : memref<50048x32xf32, #tpu.memory_space<vmem_shared>> -> memref<8x32xf32, #tpu.memory_space<vmem_shared>>
        tpu.enqueue_dma source(%arg8 : memref<8x32xf32, #tpu.memory_space<vmem>>) target(%dma_start3A_32 : memref<8x32xf32, #tpu.memory_space<vmem_shared>>) target_semaphore(%run_scoped3A : memref<!tpu.dma_semaphore, #tpu.memory_space<semaphore_mem>>)
        %dma_wait3A = arith.constant 0 : i32
        %dma_wait3A_33 = tpu.memref_slice %arg7[%add3A_29, %dma_wait3A] : memref<50048x32xf32, #tpu.memory_space<vmem_shared>> -> memref<8x32xf32, #tpu.memory_space<vmem_shared>>
        %dma_wait3A_34 = arith.constant 0 : i32
        %dma_wait3A_35 = tpu.memref_slice %arg7[%add3A_29, %dma_wait3A_34] : memref<50048x32xf32, #tpu.memory_space<vmem_shared>> -> memref<8x32xf32, #tpu.memory_space<vmem_shared>>
        tpu.wait_dma2 semaphore(%run_scoped3A : memref<!tpu.dma_semaphore, #tpu.memory_space<semaphore_mem>>) src(%arg8 : memref<8x32xf32, #tpu.memory_space<vmem>>) dst(%dma_wait3A_35 : memref<8x32xf32, #tpu.memory_space<vmem_shared>>)
        tpu.yield
      }) : () -> ()
    }
    %scan3A_3 = arith.constant 391 : i32
    %barrier3A = arith.constant 0 : index
    tpu.barrier barrier_id(%barrier3A)
    %lt3A = arith.constant 4 : i32
    %lt3A_4 = arith.cmpi slt, %arg1, %lt3A : i32
    %jit3A = arith.constant 782 : i32
    %jit3A_5 = arith.constant 781 : i32
    %select_n3A = arith.select %lt3A_4, %jit3A, %jit3A_5 : i32
    %lt3A_6 = arith.constant 4 : i32
    %lt3A_7 = arith.cmpi slt, %arg1, %lt3A_6 : i32
    %mul3A = arith.muli %arg1, %select_n3A : i32
    %mul3A_8 = arith.constant 781 : i32
    %mul3A_9 = arith.muli %arg1, %mul3A_8 : i32
    %add3A = arith.constant 4 : i32
    %add3A_10 = arith.addi %mul3A_9, %add3A : i32
    %select_n3A_11 = arith.select %lt3A_7, %mul3A, %add3A_10 : i32
    %mul3A_12 = arith.constant 1 : i32
    %mul3A_13 = arith.muli %mul3A_12, %select_n3A : i32
    "tpu.region"() ({
      %run_scoped3A = memref.alloca() : memref<2x128x32xf32, #tpu.memory_space<vmem>>
      %run_scoped3A_20 = tpu.sem_alloc : memref<2x!tpu.dma_semaphore, #tpu.memory_space<semaphore_mem>>
      %run_scoped3A_21 = memref.alloca() : memref<2x1x128xi32, #tpu.memory_space<vmem>>
      %run_scoped3A_22 = tpu.sem_alloc : memref<2x!tpu.dma_semaphore, #tpu.memory_space<semaphore_mem>>
      %run_scoped3A_23 = memref.alloca() : memref<2x1x128xi32, #tpu.memory_space<vmem>>
      %run_scoped3A_24 = tpu.sem_alloc : memref<2x!tpu.dma_semaphore, #tpu.memory_space<semaphore_mem>>
      %gt3A = arith.constant 0 : i32
      %gt3A_25 = arith.cmpi sgt, %mul3A_13, %gt3A : i32
      %convert_element_type3A = arith.extui %gt3A_25 : i1 to i32
      %cond3A = arith.constant 0 : i32
      %cond3A_26 = arith.cmpi ne, %convert_element_type3A, %cond3A : i32
      scf.if %cond3A_26 {
        %mul3A_27 = arith.constant 1 : i32
        %mul3A_28 = arith.muli %mul3A_27, %select_n3A : i32
        %sub3A = arith.constant 1 : i32
        %sub3A_29 = arith.subi %mul3A_28, %sub3A : i32
        %eq3A = arith.constant 0 : i32
        %eq3A_30 = arith.cmpi eq, %sub3A_29, %eq3A : i32
        %add3A_31 = arith.constant 0 : i32
        %add3A_32 = arith.addi %add3A_31, %select_n3A_11 : i32
        %select_n3A_33 = arith.constant true
        %select_n3A_34 = arith.constant 0 : i32
        %select_n3A_35 = arith.constant -1 : i32
        %select_n3A_36 = arith.select %select_n3A_33, %select_n3A_35, %select_n3A_34 : i32
        %eq3A_37 = arith.constant -1 : i32
        %eq3A_38 = arith.cmpi eq, %select_n3A_36, %eq3A_37 : i32
        %sub3A_39 = arith.constant 1 : i32
        %sub3A_40 = arith.subi %select_n3A, %sub3A_39 : i32
        %select_n3A_41 = arith.select %eq3A_38, %sub3A_40, %select_n3A_36 : i32
        %add3A_42 = arith.addi %select_n3A_41, %select_n3A_11 : i32
        %select_n3A_43 = arith.constant true
        %select_n3A_44 = arith.constant 0 : i32
        %select_n3A_45 = arith.constant 1 : i32
        %select_n3A_46 = arith.select %select_n3A_43, %select_n3A_45, %select_n3A_44 : i32
        %eq3A_47 = arith.cmpi eq, %select_n3A_46, %select_n3A : i32
        %select_n3A_48 = arith.constant 0 : i32
        %select_n3A_49 = arith.select %eq3A_47, %select_n3A_48, %select_n3A_46 : i32
        %add3A_50 = arith.addi %select_n3A_49, %select_n3A_11 : i32
        %add3A_51 = arith.constant 1 : i32
        %add3A_52 = arith.addi %select_n3A_49, %add3A_51 : i32
        %select_n3A_53 = arith.constant true
        %select_n3A_54 = arith.select %select_n3A_53, %add3A_52, %select_n3A_49 : i32
        %eq3A_55 = arith.cmpi eq, %select_n3A_54, %select_n3A : i32
        %select_n3A_56 = arith.constant 0 : i32
        %select_n3A_57 = arith.select %eq3A_55, %select_n3A_56, %select_n3A_54 : i32
        %add3A_58 = arith.addi %select_n3A_57, %select_n3A_11 : i32
        "tpu.trace_start"() <{level = 10 : i32, message = "ep_initialize_0"}> : () -> ()
        %rem3A = arith.constant 0 : i32
        %rem3A_59 = arith.constant 2 : i32
        %rem3A_60 = arith.remui %rem3A, %rem3A_59 : i32
        %mul3A_61 = arith.constant 128 : i32
        %mul3A_62 = arith.muli %mul3A_61, %add3A_32 : i32
        %dma_start3A = arith.constant 0 : i32
        %dma_start3A_63 = arith.constant 0 : i32
        %dma_start3A_64 = tpu.memref_slice %run_scoped3A[%rem3A_60, %dma_start3A, %dma_start3A_63] : memref<2x128x32xf32, #tpu.memory_space<vmem>> -> memref<1x128x32xf32, #tpu.memory_space<vmem>>
        %dma_start3A_65 = tpu.memref_squeeze %dma_start3A_64 : memref<1x128x32xf32, #tpu.memory_space<vmem>> -> memref<128x32xf32, #tpu.memory_space<vmem>>
        %dma_start3A_66 = arith.constant 0 : i32
        %dma_start3A_67 = tpu.memref_slice %arg2[%mul3A_62, %dma_start3A_66] : memref<1600000x128xf32, #tpu.memory_space<hbm>> -> memref<128x32xf32, #tpu.memory_space<hbm>>
        %dma_start3A_68 = tpu.memref_slice %run_scoped3A_20[%rem3A_60] : memref<2x!tpu.dma_semaphore, #tpu.memory_space<semaphore_mem>> -> memref<1x!tpu.dma_semaphore, #tpu.memory_space<semaphore_mem>>
        %dma_start3A_69 = tpu.memref_squeeze %dma_start3A_68 : memref<1x!tpu.dma_semaphore, #tpu.memory_space<semaphore_mem>> -> memref<!tpu.dma_semaphore, #tpu.memory_space<semaphore_mem>>
        %dma_start3A_70 = arith.constant 0 : i32
        %dma_start3A_71 = arith.constant 0 : i32
        %dma_start3A_72 = tpu.memref_slice %run_scoped3A[%rem3A_60, %dma_start3A_70, %dma_start3A_71] : memref<2x128x32xf32, #tpu.memory_space<vmem>> -> memref<1x128x32xf32, #tpu.memory_space<vmem>>
        %dma_start3A_73 = tpu.memref_squeeze %dma_start3A_72 : memref<1x128x32xf32, #tpu.memory_space<vmem>> -> memref<128x32xf32, #tpu.memory_space<vmem>>
        %dma_start3A_74 = arith.constant 0 : i32
        %dma_start3A_75 = tpu.memref_slice %arg2[%mul3A_62, %dma_start3A_74] : memref<1600000x128xf32, #tpu.memory_space<hbm>> -> memref<128x32xf32, #tpu.memory_space<hbm>>
        tpu.enqueue_dma source(%dma_start3A_75 : memref<128x32xf32, #tpu.memory_space<hbm>>) target(%dma_start3A_73 : memref<128x32xf32, #tpu.memory_space<vmem>>) target_semaphore(%dma_start3A_69 : memref<!tpu.dma_semaphore, #tpu.memory_space<semaphore_mem>>)
        %add3A_76 = arith.constant 0 : i32
        %add3A_77 = arith.constant 1 : i32
        %add3A_78 = arith.addi %add3A_76, %add3A_77 : i32
        %select_n3A_79 = arith.constant true
        %select_n3A_80 = arith.constant 0 : i32
        %select_n3A_81 = arith.select %select_n3A_79, %add3A_78, %select_n3A_80 : i32
        %rem3A_82 = arith.constant 0 : i32
        %rem3A_83 = arith.constant 2 : i32
        %rem3A_84 = arith.remui %rem3A_82, %rem3A_83 : i32
        %mul3A_85 = arith.constant 128 : i32
        %mul3A_86 = arith.muli %mul3A_85, %add3A_32 : i32
        %dma_start3A_87 = arith.constant 0 : i32
        %dma_start3A_88 = arith.constant 0 : i32
        %dma_start3A_89 = tpu.memref_slice %run_scoped3A_21[%rem3A_84, %dma_start3A_87, %dma_start3A_88] : memref<2x1x128xi32, #tpu.memory_space<vmem>> -> memref<1x1x128xi32, #tpu.memory_space<vmem>>
        %dma_start3A_90 = tpu.memref_squeeze %dma_start3A_89 : memref<1x1x128xi32, #tpu.memory_space<vmem>> -> memref<1x128xi32, #tpu.memory_space<vmem>>
        %dma_start3A_91 = arith.constant 0 : i32
        %dma_start3A_92 = tpu.memref_slice %arg3[%dma_start3A_91, %mul3A_86] : memref<1x1600000xi32, #tpu.memory_space<hbm>> -> memref<1x128xi32, #tpu.memory_space<hbm>>
        %dma_start3A_93 = tpu.memref_slice %run_scoped3A_22[%rem3A_84] : memref<2x!tpu.dma_semaphore, #tpu.memory_space<semaphore_mem>> -> memref<1x!tpu.dma_semaphore, #tpu.memory_space<semaphore_mem>>
        %dma_start3A_94 = tpu.memref_squeeze %dma_start3A_93 : memref<1x!tpu.dma_semaphore, #tpu.memory_space<semaphore_mem>> -> memref<!tpu.dma_semaphore, #tpu.memory_space<semaphore_mem>>
        %dma_start3A_95 = arith.constant 0 : i32
        %dma_start3A_96 = arith.constant 0 : i32
        %dma_start3A_97 = tpu.memref_slice %run_scoped3A_21[%rem3A_84, %dma_start3A_95, %dma_start3A_96] : memref<2x1x128xi32, #tpu.memory_space<vmem>> -> memref<1x1x128xi32, #tpu.memory_space<vmem>>
        %dma_start3A_98 = tpu.memref_squeeze %dma_start3A_97 : memref<1x1x128xi32, #tpu.memory_space<vmem>> -> memref<1x128xi32, #tpu.memory_space<vmem>>
        %dma_start3A_99 = arith.constant 0 : i32
        %dma_start3A_100 = tpu.memref_slice %arg3[%dma_start3A_99, %mul3A_86] : memref<1x1600000xi32, #tpu.memory_space<hbm>> -> memref<1x128xi32, #tpu.memory_space<hbm>>
        tpu.enqueue_dma source(%dma_start3A_100 : memref<1x128xi32, #tpu.memory_space<hbm>>) target(%dma_start3A_98 : memref<1x128xi32, #tpu.memory_space<vmem>>) target_semaphore(%dma_start3A_94 : memref<!tpu.dma_semaphore, #tpu.memory_space<semaphore_mem>>)
        %add3A_101 = arith.constant 0 : i32
        %add3A_102 = arith.constant 1 : i32
        %add3A_103 = arith.addi %add3A_101, %add3A_102 : i32
        %select_n3A_104 = arith.constant true
        %select_n3A_105 = arith.constant 0 : i32
        %select_n3A_106 = arith.select %select_n3A_104, %add3A_103, %select_n3A_105 : i32
        %rem3A_107 = arith.constant 0 : i32
        %rem3A_108 = arith.constant 2 : i32
        %rem3A_109 = arith.remui %rem3A_107, %rem3A_108 : i32
        %mul3A_110 = arith.constant 128 : i32
        %mul3A_111 = arith.muli %mul3A_110, %add3A_32 : i32
        %dma_start3A_112 = arith.constant 0 : i32
        %dma_start3A_113 = arith.constant 0 : i32
        %dma_start3A_114 = tpu.memref_slice %run_scoped3A_23[%rem3A_109, %dma_start3A_112, %dma_start3A_113] : memref<2x1x128xi32, #tpu.memory_space<vmem>> -> memref<1x1x128xi32, #tpu.memory_space<vmem>>
        %dma_start3A_115 = tpu.memref_squeeze %dma_start3A_114 : memref<1x1x128xi32, #tpu.memory_space<vmem>> -> memref<1x128xi32, #tpu.memory_space<vmem>>
        %dma_start3A_116 = arith.constant 0 : i32
        %dma_start3A_117 = tpu.memref_slice %arg4[%dma_start3A_116, %mul3A_111] : memref<1x1600000xi32, #tpu.memory_space<hbm>> -> memref<1x128xi32, #tpu.memory_space<hbm>>
        %dma_start3A_118 = tpu.memref_slice %run_scoped3A_24[%rem3A_109] : memref<2x!tpu.dma_semaphore, #tpu.memory_space<semaphore_mem>> -> memref<1x!tpu.dma_semaphore, #tpu.memory_space<semaphore_mem>>
        %dma_start3A_119 = tpu.memref_squeeze %dma_start3A_118 : memref<1x!tpu.dma_semaphore, #tpu.memory_space<semaphore_mem>> -> memref<!tpu.dma_semaphore, #tpu.memory_space<semaphore_mem>>
        %dma_start3A_120 = arith.constant 0 : i32
        %dma_start3A_121 = arith.constant 0 : i32
        %dma_start3A_122 = tpu.memref_slice %run_scoped3A_23[%rem3A_109, %dma_start3A_120, %dma_start3A_121] : memref<2x1x128xi32, #tpu.memory_space<vmem>> -> memref<1x1x128xi32, #tpu.memory_space<vmem>>
        %dma_start3A_123 = tpu.memref_squeeze %dma_start3A_122 : memref<1x1x128xi32, #tpu.memory_space<vmem>> -> memref<1x128xi32, #tpu.memory_space<vmem>>
        %dma_start3A_124 = arith.constant 0 : i32
        %dma_start3A_125 = tpu.memref_slice %arg4[%dma_start3A_124, %mul3A_111] : memref<1x1600000xi32, #tpu.memory_space<hbm>> -> memref<1x128xi32, #tpu.memory_space<hbm>>
        tpu.enqueue_dma source(%dma_start3A_125 : memref<1x128xi32, #tpu.memory_space<hbm>>) target(%dma_start3A_123 : memref<1x128xi32, #tpu.memory_space<vmem>>) target_semaphore(%dma_start3A_119 : memref<!tpu.dma_semaphore, #tpu.memory_space<semaphore_mem>>)
        %add3A_126 = arith.constant 0 : i32
        %add3A_127 = arith.constant 1 : i32
        %add3A_128 = arith.addi %add3A_126, %add3A_127 : i32
        %select_n3A_129 = arith.constant true
        %select_n3A_130 = arith.constant 0 : i32
        %select_n3A_131 = arith.select %select_n3A_129, %add3A_128, %select_n3A_130 : i32
        %while3A = arith.constant 0 : i32
        %while3A_132 = arith.constant 0 : i32
        %while3A_133 = arith.constant 0 : i32
        %while3A_134 = arith.constant 0 : i32
        %while3A_135 = arith.constant 0 : i32
        "tpu.trace_stop"() : () -> ()
        %while3A_136 = arith.subi %mul3A_13, %while3A : i32
        %while3A_137 = arith.addi %while3A, %while3A_136 : i32
        %while3A_138 = arith.constant 1 : i32
        %while3A_139 = arith.divsi %while3A_136, %while3A_138 : i32
        %while3A_140 = arith.muli %while3A_139, %while3A_138 : i32
        %while3A_141 = arith.addi %while3A, %while3A_140 : i32
        %while3A_142 = arith.constant 1 : i32
        %while3A_143:7 = scf.for %while3A_200 = %while3A to %while3A_141 step %while3A_142 iter_args(%while3A_201 = %select_n3A_81, %while3A_202 = %while3A_132, %while3A_203 = %select_n3A_106, %while3A_204 = %while3A_133, %while3A_205 = %select_n3A_131, %while3A_206 = %while3A_134, %while3A_207 = %while3A_135) -> (i32, i32, i32, i32, i32, i32, i32)  : i32 {
          %mul3A_208 = arith.constant 1 : i32
          %mul3A_209 = arith.muli %mul3A_208, %select_n3A : i32
          %eq3A_210 = arith.constant 0 : i32
          %eq3A_211 = arith.cmpi eq, %while3A_200, %eq3A_210 : i32
          %sub3A_212 = arith.constant 1 : i32
          %sub3A_213 = arith.subi %mul3A_209, %sub3A_212 : i32
          %eq3A_214 = arith.cmpi eq, %while3A_200, %sub3A_213 : i32
          %add3A_215 = arith.addi %while3A_207, %select_n3A_11 : i32
          %sub3A_216 = arith.constant 1 : i32
          %sub3A_217 = arith.subi %while3A_207, %sub3A_216 : i32
          %select_n3A_218 = arith.constant true
          %select_n3A_219 = arith.select %select_n3A_218, %sub3A_217, %while3A_207 : i32
          %eq3A_220 = arith.constant -1 : i32
          %eq3A_221 = arith.cmpi eq, %select_n3A_219, %eq3A_220 : i32
          %sub3A_222 = arith.constant 1 : i32
          %sub3A_223 = arith.subi %select_n3A, %sub3A_222 : i32
          %select_n3A_224 = arith.select %eq3A_221, %sub3A_223, %select_n3A_219 : i32
          %add3A_225 = arith.addi %select_n3A_224, %select_n3A_11 : i32
          %add3A_226 = arith.constant 1 : i32
          %add3A_227 = arith.addi %while3A_207, %add3A_226 : i32
          %select_n3A_228 = arith.constant true
          %select_n3A_229 = arith.select %select_n3A_228, %add3A_227, %while3A_207 : i32
          %eq3A_230 = arith.cmpi eq, %select_n3A_229, %select_n3A : i32
          %select_n3A_231 = arith.constant 0 : i32
          %select_n3A_232 = arith.select %eq3A_230, %select_n3A_231, %select_n3A_229 : i32
          %add3A_233 = arith.addi %select_n3A_232, %select_n3A_11 : i32
          %add3A_234 = arith.constant 1 : i32
          %add3A_235 = arith.addi %select_n3A_232, %add3A_234 : i32
          %select_n3A_236 = arith.constant true
          %select_n3A_237 = arith.select %select_n3A_236, %add3A_235, %select_n3A_232 : i32
          %eq3A_238 = arith.cmpi eq, %select_n3A_237, %select_n3A : i32
          %select_n3A_239 = arith.constant 0 : i32
          %select_n3A_240 = arith.select %eq3A_238, %select_n3A_239, %select_n3A_237 : i32
          %add3A_241 = arith.addi %select_n3A_240, %select_n3A_11 : i32
          %ne3A = arith.cmpi ne, %add3A_215, %add3A_233 : i32
          %or3A = arith.constant false
          %or3A_242 = arith.ori %or3A, %ne3A : i1
          %or3A_243 = arith.constant false
          %or3A_244 = arith.ori %or3A_242, %or3A_243 : i1
          %sub3A_245 = arith.constant 2 : i32
          %sub3A_246 = arith.subi %mul3A_209, %sub3A_245 : i32
          %add3A_247 = arith.constant 1 : i32
          %add3A_248 = arith.addi %sub3A_246, %add3A_247 : i32
          %ge3A = arith.cmpi sge, %while3A_200, %add3A_248 : i32
          %not3A = arith.constant true
          %not3A_249 = arith.xori %ge3A, %not3A : i1
          %and3A = arith.andi %or3A_244, %not3A_249 : i1
          %convert_element_type3A_250 = arith.extui %and3A : i1 to i32
          %cond3A_251 = arith.constant 0 : i32
          %cond3A_252 = arith.cmpi ne, %convert_element_type3A_250, %cond3A_251 : i32
          scf.if %cond3A_252 {
            "tpu.trace_start"() <{level = 10 : i32, message = "ep_copy_in"}> : () -> ()
            %rem3A_429 = arith.constant 2 : i32
            %rem3A_430 = arith.remui %while3A_201, %rem3A_429 : i32
            %mul3A_431 = arith.constant 128 : i32
            %mul3A_432 = arith.muli %mul3A_431, %add3A_233 : i32
            %dma_start3A_433 = arith.constant 0 : i32
            %dma_start3A_434 = arith.constant 0 : i32
            %dma_start3A_435 = tpu.memref_slice %run_scoped3A[%rem3A_430, %dma_start3A_433, %dma_start3A_434] : memref<2x128x32xf32, #tpu.memory_space<vmem>> -> memref<1x128x32xf32, #tpu.memory_space<vmem>>
            %dma_start3A_436 = tpu.memref_squeeze %dma_start3A_435 : memref<1x128x32xf32, #tpu.memory_space<vmem>> -> memref<128x32xf32, #tpu.memory_space<vmem>>
            %dma_start3A_437 = arith.constant 0 : i32
            %dma_start3A_438 = tpu.memref_slice %arg2[%mul3A_432, %dma_start3A_437] : memref<1600000x128xf32, #tpu.memory_space<hbm>> -> memref<128x32xf32, #tpu.memory_space<hbm>>
            %dma_start3A_439 = tpu.memref_slice %run_scoped3A_20[%rem3A_430] : memref<2x!tpu.dma_semaphore, #tpu.memory_space<semaphore_mem>> -> memref<1x!tpu.dma_semaphore, #tpu.memory_space<semaphore_mem>>
            %dma_start3A_440 = tpu.memref_squeeze %dma_start3A_439 : memref<1x!tpu.dma_semaphore, #tpu.memory_space<semaphore_mem>> -> memref<!tpu.dma_semaphore, #tpu.memory_space<semaphore_mem>>
            %dma_start3A_441 = arith.constant 0 : i32
            %dma_start3A_442 = arith.constant 0 : i32
            %dma_start3A_443 = tpu.memref_slice %run_scoped3A[%rem3A_430, %dma_start3A_441, %dma_start3A_442] : memref<2x128x32xf32, #tpu.memory_space<vmem>> -> memref<1x128x32xf32, #tpu.memory_space<vmem>>
            %dma_start3A_444 = tpu.memref_squeeze %dma_start3A_443 : memref<1x128x32xf32, #tpu.memory_space<vmem>> -> memref<128x32xf32, #tpu.memory_space<vmem>>
            %dma_start3A_445 = arith.constant 0 : i32
            %dma_start3A_446 = tpu.memref_slice %arg2[%mul3A_432, %dma_start3A_445] : memref<1600000x128xf32, #tpu.memory_space<hbm>> -> memref<128x32xf32, #tpu.memory_space<hbm>>
            tpu.enqueue_dma source(%dma_start3A_446 : memref<128x32xf32, #tpu.memory_space<hbm>>) target(%dma_start3A_444 : memref<128x32xf32, #tpu.memory_space<vmem>>) target_semaphore(%dma_start3A_440 : memref<!tpu.dma_semaphore, #tpu.memory_space<semaphore_mem>>)
            "tpu.trace_stop"() : () -> ()
          } else {
          }
          %and3A_253 = arith.constant true
          %and3A_254 = arith.andi %and3A, %and3A_253 : i1
          %add3A_255 = arith.constant 1 : i32
          %add3A_256 = arith.addi %while3A_201, %add3A_255 : i32
          %select_n3A_257 = arith.select %and3A_254, %add3A_256, %while3A_201 : i32
          %ne3A_258 = arith.cmpi ne, %add3A_215, %add3A_233 : i32
          %or3A_259 = arith.constant false
          %or3A_260 = arith.ori %or3A_259, %ne3A_258 : i1
          %sub3A_261 = arith.constant 2 : i32
          %sub3A_262 = arith.subi %mul3A_209, %sub3A_261 : i32
          %add3A_263 = arith.constant 1 : i32
          %add3A_264 = arith.addi %sub3A_262, %add3A_263 : i32
          %ge3A_265 = arith.cmpi sge, %while3A_200, %add3A_264 : i32
          %not3A_266 = arith.constant true
          %not3A_267 = arith.xori %ge3A_265, %not3A_266 : i1
          %and3A_268 = arith.andi %or3A_260, %not3A_267 : i1
          %convert_element_type3A_269 = arith.extui %and3A_268 : i1 to i32
          %cond3A_270 = arith.constant 0 : i32
          %cond3A_271 = arith.cmpi ne, %convert_element_type3A_269, %cond3A_270 : i32
          scf.if %cond3A_271 {
            "tpu.trace_start"() <{level = 10 : i32, message = "ep_copy_in"}> : () -> ()
            %rem3A_429 = arith.constant 2 : i32
            %rem3A_430 = arith.remui %while3A_203, %rem3A_429 : i32
            %mul3A_431 = arith.constant 128 : i32
            %mul3A_432 = arith.muli %mul3A_431, %add3A_233 : i32
            %dma_start3A_433 = arith.constant 0 : i32
            %dma_start3A_434 = arith.constant 0 : i32
            %dma_start3A_435 = tpu.memref_slice %run_scoped3A_21[%rem3A_430, %dma_start3A_433, %dma_start3A_434] : memref<2x1x128xi32, #tpu.memory_space<vmem>> -> memref<1x1x128xi32, #tpu.memory_space<vmem>>
            %dma_start3A_436 = tpu.memref_squeeze %dma_start3A_435 : memref<1x1x128xi32, #tpu.memory_space<vmem>> -> memref<1x128xi32, #tpu.memory_space<vmem>>
            %dma_start3A_437 = arith.constant 0 : i32
            %dma_start3A_438 = tpu.memref_slice %arg3[%dma_start3A_437, %mul3A_432] : memref<1x1600000xi32, #tpu.memory_space<hbm>> -> memref<1x128xi32, #tpu.memory_space<hbm>>
            %dma_start3A_439 = tpu.memref_slice %run_scoped3A_22[%rem3A_430] : memref<2x!tpu.dma_semaphore, #tpu.memory_space<semaphore_mem>> -> memref<1x!tpu.dma_semaphore, #tpu.memory_space<semaphore_mem>>
            %dma_start3A_440 = tpu.memref_squeeze %dma_start3A_439 : memref<1x!tpu.dma_semaphore, #tpu.memory_space<semaphore_mem>> -> memref<!tpu.dma_semaphore, #tpu.memory_space<semaphore_mem>>
            %dma_start3A_441 = arith.constant 0 : i32
            %dma_start3A_442 = arith.constant 0 : i32
            %dma_start3A_443 = tpu.memref_slice %run_scoped3A_21[%rem3A_430, %dma_start3A_441, %dma_start3A_442] : memref<2x1x128xi32, #tpu.memory_space<vmem>> -> memref<1x1x128xi32, #tpu.memory_space<vmem>>
            %dma_start3A_444 = tpu.memref_squeeze %dma_start3A_443 : memref<1x1x128xi32, #tpu.memory_space<vmem>> -> memref<1x128xi32, #tpu.memory_space<vmem>>
            %dma_start3A_445 = arith.constant 0 : i32
            %dma_start3A_446 = tpu.memref_slice %arg3[%dma_start3A_445, %mul3A_432] : memref<1x1600000xi32, #tpu.memory_space<hbm>> -> memref<1x128xi32, #tpu.memory_space<hbm>>
            tpu.enqueue_dma source(%dma_start3A_446 : memref<1x128xi32, #tpu.memory_space<hbm>>) target(%dma_start3A_444 : memref<1x128xi32, #tpu.memory_space<vmem>>) target_semaphore(%dma_start3A_440 : memref<!tpu.dma_semaphore, #tpu.memory_space<semaphore_mem>>)
            "tpu.trace_stop"() : () -> ()
          } else {
          }
          %and3A_272 = arith.constant true
          %and3A_273 = arith.andi %and3A_268, %and3A_272 : i1
          %add3A_274 = arith.constant 1 : i32
          %add3A_275 = arith.addi %while3A_203, %add3A_274 : i32
          %select_n3A_276 = arith.select %and3A_273, %add3A_275, %while3A_203 : i32
          %ne3A_277 = arith.cmpi ne, %add3A_215, %add3A_233 : i32
          %or3A_278 = arith.constant false
          %or3A_279 = arith.ori %or3A_278, %ne3A_277 : i1
          %sub3A_280 = arith.constant 2 : i32
          %sub3A_281 = arith.subi %mul3A_209, %sub3A_280 : i32
          %add3A_282 = arith.constant 1 : i32
          %add3A_283 = arith.addi %sub3A_281, %add3A_282 : i32
          %ge3A_284 = arith.cmpi sge, %while3A_200, %add3A_283 : i32
          %not3A_285 = arith.constant true
          %not3A_286 = arith.xori %ge3A_284, %not3A_285 : i1
          %and3A_287 = arith.andi %or3A_279, %not3A_286 : i1
          %convert_element_type3A_288 = arith.extui %and3A_287 : i1 to i32
          %cond3A_289 = arith.constant 0 : i32
          %cond3A_290 = arith.cmpi ne, %convert_element_type3A_288, %cond3A_289 : i32
          scf.if %cond3A_290 {
            "tpu.trace_start"() <{level = 10 : i32, message = "ep_copy_in"}> : () -> ()
            %rem3A_429 = arith.constant 2 : i32
            %rem3A_430 = arith.remui %while3A_205, %rem3A_429 : i32
            %mul3A_431 = arith.constant 128 : i32
            %mul3A_432 = arith.muli %mul3A_431, %add3A_233 : i32
            %dma_start3A_433 = arith.constant 0 : i32
            %dma_start3A_434 = arith.constant 0 : i32
            %dma_start3A_435 = tpu.memref_slice %run_scoped3A_23[%rem3A_430, %dma_start3A_433, %dma_start3A_434] : memref<2x1x128xi32, #tpu.memory_space<vmem>> -> memref<1x1x128xi32, #tpu.memory_space<vmem>>
            %dma_start3A_436 = tpu.memref_squeeze %dma_start3A_435 : memref<1x1x128xi32, #tpu.memory_space<vmem>> -> memref<1x128xi32, #tpu.memory_space<vmem>>
            %dma_start3A_437 = arith.constant 0 : i32
            %dma_start3A_438 = tpu.memref_slice %arg4[%dma_start3A_437, %mul3A_432] : memref<1x1600000xi32, #tpu.memory_space<hbm>> -> memref<1x128xi32, #tpu.memory_space<hbm>>
            %dma_start3A_439 = tpu.memref_slice %run_scoped3A_24[%rem3A_430] : memref<2x!tpu.dma_semaphore, #tpu.memory_space<semaphore_mem>> -> memref<1x!tpu.dma_semaphore, #tpu.memory_space<semaphore_mem>>
            %dma_start3A_440 = tpu.memref_squeeze %dma_start3A_439 : memref<1x!tpu.dma_semaphore, #tpu.memory_space<semaphore_mem>> -> memref<!tpu.dma_semaphore, #tpu.memory_space<semaphore_mem>>
            %dma_start3A_441 = arith.constant 0 : i32
            %dma_start3A_442 = arith.constant 0 : i32
            %dma_start3A_443 = tpu.memref_slice %run_scoped3A_23[%rem3A_430, %dma_start3A_441, %dma_start3A_442] : memref<2x1x128xi32, #tpu.memory_space<vmem>> -> memref<1x1x128xi32, #tpu.memory_space<vmem>>
            %dma_start3A_444 = tpu.memref_squeeze %dma_start3A_443 : memref<1x1x128xi32, #tpu.memory_space<vmem>> -> memref<1x128xi32, #tpu.memory_space<vmem>>
            %dma_start3A_445 = arith.constant 0 : i32
            %dma_start3A_446 = tpu.memref_slice %arg4[%dma_start3A_445, %mul3A_432] : memref<1x1600000xi32, #tpu.memory_space<hbm>> -> memref<1x128xi32, #tpu.memory_space<hbm>>
            tpu.enqueue_dma source(%dma_start3A_446 : memref<1x128xi32, #tpu.memory_space<hbm>>) target(%dma_start3A_444 : memref<1x128xi32, #tpu.memory_space<vmem>>) target_semaphore(%dma_start3A_440 : memref<!tpu.dma_semaphore, #tpu.memory_space<semaphore_mem>>)
            "tpu.trace_stop"() : () -> ()
          } else {
          }
          %and3A_291 = arith.constant true
          %and3A_292 = arith.andi %and3A_287, %and3A_291 : i1
          %add3A_293 = arith.constant 1 : i32
          %add3A_294 = arith.addi %while3A_205, %add3A_293 : i32
          %select_n3A_295 = arith.select %and3A_292, %add3A_294, %while3A_205 : i32
          %ne3A_296 = arith.cmpi ne, %add3A_215, %add3A_225 : i32
          %or3A_297 = arith.constant false
          %or3A_298 = arith.ori %or3A_297, %ne3A_296 : i1
          %or3A_299 = arith.constant false
          %or3A_300 = arith.ori %or3A_298, %or3A_299 : i1
          %or3A_301 = arith.ori %or3A_300, %eq3A_211 : i1
          %convert_element_type3A_302 = arith.extui %or3A_301 : i1 to i32
          %cond3A_303 = arith.constant 0 : i32
          %cond3A_304 = arith.cmpi ne, %convert_element_type3A_302, %cond3A_303 : i32
          scf.if %cond3A_304 {
            "tpu.trace_start"() <{level = 10 : i32, message = "ep_wait_in"}> : () -> ()
            %mul3A_429 = arith.constant 128 : i32
            %mul3A_430 = arith.muli %mul3A_429, %add3A_215 : i32
            %rem3A_431 = arith.constant 2 : i32
            %rem3A_432 = arith.remui %while3A_202, %rem3A_431 : i32
            %dma_wait3A = arith.constant 0 : i32
            %dma_wait3A_433 = arith.constant 0 : i32
            %dma_wait3A_434 = tpu.memref_slice %run_scoped3A[%rem3A_432, %dma_wait3A, %dma_wait3A_433] : memref<2x128x32xf32, #tpu.memory_space<vmem>> -> memref<1x128x32xf32, #tpu.memory_space<vmem>>
            %dma_wait3A_435 = tpu.memref_squeeze %dma_wait3A_434 : memref<1x128x32xf32, #tpu.memory_space<vmem>> -> memref<128x32xf32, #tpu.memory_space<vmem>>
            %dma_wait3A_436 = arith.constant 0 : i32
            %dma_wait3A_437 = tpu.memref_slice %arg2[%mul3A_430, %dma_wait3A_436] : memref<1600000x128xf32, #tpu.memory_space<hbm>> -> memref<128x32xf32, #tpu.memory_space<hbm>>
            %dma_wait3A_438 = tpu.memref_slice %run_scoped3A_20[%rem3A_432] : memref<2x!tpu.dma_semaphore, #tpu.memory_space<semaphore_mem>> -> memref<1x!tpu.dma_semaphore, #tpu.memory_space<semaphore_mem>>
            %dma_wait3A_439 = tpu.memref_squeeze %dma_wait3A_438 : memref<1x!tpu.dma_semaphore, #tpu.memory_space<semaphore_mem>> -> memref<!tpu.dma_semaphore, #tpu.memory_space<semaphore_mem>>
            %dma_wait3A_440 = arith.constant 0 : i32
            %dma_wait3A_441 = arith.constant 0 : i32
            %dma_wait3A_442 = tpu.memref_slice %run_scoped3A[%rem3A_432, %dma_wait3A_440, %dma_wait3A_441] : memref<2x128x32xf32, #tpu.memory_space<vmem>> -> memref<1x128x32xf32, #tpu.memory_space<vmem>>
            %dma_wait3A_443 = tpu.memref_squeeze %dma_wait3A_442 : memref<1x128x32xf32, #tpu.memory_space<vmem>> -> memref<128x32xf32, #tpu.memory_space<vmem>>
            %dma_wait3A_444 = arith.constant 0 : i32
            %dma_wait3A_445 = tpu.memref_slice %arg2[%mul3A_430, %dma_wait3A_444] : memref<1600000x128xf32, #tpu.memory_space<hbm>> -> memref<128x32xf32, #tpu.memory_space<hbm>>
            tpu.wait_dma2 semaphore(%dma_wait3A_439 : memref<!tpu.dma_semaphore, #tpu.memory_space<semaphore_mem>>) src(%dma_wait3A_445 : memref<128x32xf32, #tpu.memory_space<hbm>>) dst(%dma_wait3A_443 : memref<128x32xf32, #tpu.memory_space<vmem>>)
            "tpu.trace_stop"() : () -> ()
          } else {
          }
          %ne3A_305 = arith.cmpi ne, %add3A_215, %add3A_225 : i32
          %or3A_306 = arith.constant false
          %or3A_307 = arith.ori %or3A_306, %ne3A_305 : i1
          %or3A_308 = arith.ori %or3A_307, %eq3A_211 : i1
          %convert_element_type3A_309 = arith.extui %or3A_308 : i1 to i32
          %cond3A_310 = arith.constant 0 : i32
          %cond3A_311 = arith.cmpi ne, %convert_element_type3A_309, %cond3A_310 : i32
          scf.if %cond3A_311 {
            "tpu.trace_start"() <{level = 10 : i32, message = "ep_wait_in"}> : () -> ()
            %mul3A_429 = arith.constant 128 : i32
            %mul3A_430 = arith.muli %mul3A_429, %add3A_215 : i32
            %rem3A_431 = arith.constant 2 : i32
            %rem3A_432 = arith.remui %while3A_204, %rem3A_431 : i32
            %dma_wait3A = arith.constant 0 : i32
            %dma_wait3A_433 = arith.constant 0 : i32
            %dma_wait3A_434 = tpu.memref_slice %run_scoped3A_21[%rem3A_432, %dma_wait3A, %dma_wait3A_433] : memref<2x1x128xi32, #tpu.memory_space<vmem>> -> memref<1x1x128xi32, #tpu.memory_space<vmem>>
            %dma_wait3A_435 = tpu.memref_squeeze %dma_wait3A_434 : memref<1x1x128xi32, #tpu.memory_space<vmem>> -> memref<1x128xi32, #tpu.memory_space<vmem>>
            %dma_wait3A_436 = arith.constant 0 : i32
            %dma_wait3A_437 = tpu.memref_slice %arg3[%dma_wait3A_436, %mul3A_430] : memref<1x1600000xi32, #tpu.memory_space<hbm>> -> memref<1x128xi32, #tpu.memory_space<hbm>>
            %dma_wait3A_438 = tpu.memref_slice %run_scoped3A_22[%rem3A_432] : memref<2x!tpu.dma_semaphore, #tpu.memory_space<semaphore_mem>> -> memref<1x!tpu.dma_semaphore, #tpu.memory_space<semaphore_mem>>
            %dma_wait3A_439 = tpu.memref_squeeze %dma_wait3A_438 : memref<1x!tpu.dma_semaphore, #tpu.memory_space<semaphore_mem>> -> memref<!tpu.dma_semaphore, #tpu.memory_space<semaphore_mem>>
            %dma_wait3A_440 = arith.constant 0 : i32
            %dma_wait3A_441 = arith.constant 0 : i32
            %dma_wait3A_442 = tpu.memref_slice %run_scoped3A_21[%rem3A_432, %dma_wait3A_440, %dma_wait3A_441] : memref<2x1x128xi32, #tpu.memory_space<vmem>> -> memref<1x1x128xi32, #tpu.memory_space<vmem>>
            %dma_wait3A_443 = tpu.memref_squeeze %dma_wait3A_442 : memref<1x1x128xi32, #tpu.memory_space<vmem>> -> memref<1x128xi32, #tpu.memory_space<vmem>>
            %dma_wait3A_444 = arith.constant 0 : i32
            %dma_wait3A_445 = tpu.memref_slice %arg3[%dma_wait3A_444, %mul3A_430] : memref<1x1600000xi32, #tpu.memory_space<hbm>> -> memref<1x128xi32, #tpu.memory_space<hbm>>
            tpu.wait_dma2 semaphore(%dma_wait3A_439 : memref<!tpu.dma_semaphore, #tpu.memory_space<semaphore_mem>>) src(%dma_wait3A_445 : memref<1x128xi32, #tpu.memory_space<hbm>>) dst(%dma_wait3A_443 : memref<1x128xi32, #tpu.memory_space<vmem>>)
            "tpu.trace_stop"() : () -> ()
          } else {
          }
          %ne3A_312 = arith.cmpi ne, %add3A_215, %add3A_225 : i32
          %or3A_313 = arith.constant false
          %or3A_314 = arith.ori %or3A_313, %ne3A_312 : i1
          %or3A_315 = arith.ori %or3A_314, %eq3A_211 : i1
          %convert_element_type3A_316 = arith.extui %or3A_315 : i1 to i32
          %cond3A_317 = arith.constant 0 : i32
          %cond3A_318 = arith.cmpi ne, %convert_element_type3A_316, %cond3A_317 : i32
          scf.if %cond3A_318 {
            "tpu.trace_start"() <{level = 10 : i32, message = "ep_wait_in"}> : () -> ()
            %mul3A_429 = arith.constant 128 : i32
            %mul3A_430 = arith.muli %mul3A_429, %add3A_215 : i32
            %rem3A_431 = arith.constant 2 : i32
            %rem3A_432 = arith.remui %while3A_206, %rem3A_431 : i32
            %dma_wait3A = arith.constant 0 : i32
            %dma_wait3A_433 = arith.constant 0 : i32
            %dma_wait3A_434 = tpu.memref_slice %run_scoped3A_23[%rem3A_432, %dma_wait3A, %dma_wait3A_433] : memref<2x1x128xi32, #tpu.memory_space<vmem>> -> memref<1x1x128xi32, #tpu.memory_space<vmem>>
            %dma_wait3A_435 = tpu.memref_squeeze %dma_wait3A_434 : memref<1x1x128xi32, #tpu.memory_space<vmem>> -> memref<1x128xi32, #tpu.memory_space<vmem>>
            %dma_wait3A_436 = arith.constant 0 : i32
            %dma_wait3A_437 = tpu.memref_slice %arg4[%dma_wait3A_436, %mul3A_430] : memref<1x1600000xi32, #tpu.memory_space<hbm>> -> memref<1x128xi32, #tpu.memory_space<hbm>>
            %dma_wait3A_438 = tpu.memref_slice %run_scoped3A_24[%rem3A_432] : memref<2x!tpu.dma_semaphore, #tpu.memory_space<semaphore_mem>> -> memref<1x!tpu.dma_semaphore, #tpu.memory_space<semaphore_mem>>
            %dma_wait3A_439 = tpu.memref_squeeze %dma_wait3A_438 : memref<1x!tpu.dma_semaphore, #tpu.memory_space<semaphore_mem>> -> memref<!tpu.dma_semaphore, #tpu.memory_space<semaphore_mem>>
            %dma_wait3A_440 = arith.constant 0 : i32
            %dma_wait3A_441 = arith.constant 0 : i32
            %dma_wait3A_442 = tpu.memref_slice %run_scoped3A_23[%rem3A_432, %dma_wait3A_440, %dma_wait3A_441] : memref<2x1x128xi32, #tpu.memory_space<vmem>> -> memref<1x1x128xi32, #tpu.memory_space<vmem>>
            %dma_wait3A_443 = tpu.memref_squeeze %dma_wait3A_442 : memref<1x1x128xi32, #tpu.memory_space<vmem>> -> memref<1x128xi32, #tpu.memory_space<vmem>>
            %dma_wait3A_444 = arith.constant 0 : i32
            %dma_wait3A_445 = tpu.memref_slice %arg4[%dma_wait3A_444, %mul3A_430] : memref<1x1600000xi32, #tpu.memory_space<hbm>> -> memref<1x128xi32, #tpu.memory_space<hbm>>
            tpu.wait_dma2 semaphore(%dma_wait3A_439 : memref<!tpu.dma_semaphore, #tpu.memory_space<semaphore_mem>>) src(%dma_wait3A_445 : memref<1x128xi32, #tpu.memory_space<hbm>>) dst(%dma_wait3A_443 : memref<1x128xi32, #tpu.memory_space<vmem>>)
            "tpu.trace_stop"() : () -> ()
          } else {
          }
          %rem3A_319 = arith.constant 2 : i32
          %rem3A_320 = arith.remui %while3A_202, %rem3A_319 : i32
          %rem3A_321 = arith.constant 2 : i32
          %rem3A_322 = arith.remui %while3A_204, %rem3A_321 : i32
          %rem3A_323 = arith.constant 2 : i32
          %rem3A_324 = arith.remui %while3A_206, %rem3A_323 : i32
          %eq3A_325 = arith.constant 0 : i32
          "tpu.trace_start"() <{level = 10 : i32, message = "ep_run_kernel"}> : () -> ()
          %eq3A_326 = arith.cmpi eq, %arg0, %eq3A_325 : i32
          %convert_element_type3A_327 = arith.extui %eq3A_326 : i1 to i32
          %cond3A_328 = arith.constant 0 : i32
          %cond3A_329 = arith.cmpi ne, %convert_element_type3A_327, %cond3A_328 : i32
          scf.if %cond3A_329 {
            %run_scoped3A_429 = arith.constant 0 : i32
            "tpu.region"() ({
              %run_scoped3A_430 = tpu.sem_alloc : memref<!tpu.dma_semaphore, #tpu.memory_space<semaphore_mem>>
              %dma_start3A_431 = arith.constant 0 : i32
              %dma_start3A_432 = arith.constant 0 : i32
              %dma_start3A_433 = tpu.memref_slice %run_scoped3A[%rem3A_320, %dma_start3A_431, %dma_start3A_432] : memref<2x128x32xf32, #tpu.memory_space<vmem>> -> memref<1x128x32xf32, #tpu.memory_space<vmem>>
              %dma_start3A_434 = tpu.memref_squeeze %dma_start3A_433 : memref<1x128x32xf32, #tpu.memory_space<vmem>> -> memref<128x32xf32, #tpu.memory_space<vmem>>
              %dma_start3A_435 = arith.constant 0 : i32
              %dma_start3A_436 = arith.constant 0 : i32
              %dma_start3A_437 = tpu.memref_slice %run_scoped3A_21[%rem3A_322, %dma_start3A_435, %dma_start3A_436] : memref<2x1x128xi32, #tpu.memory_space<vmem>> -> memref<1x1x128xi32, #tpu.memory_space<vmem>>
              %dma_start3A_438 = tpu.memref_squeeze %dma_start3A_437 : memref<1x1x128xi32, #tpu.memory_space<vmem>> -> memref<1x128xi32, #tpu.memory_space<vmem>>
              %dma_start3A_439 = arith.constant 0 : i32
              %dma_start3A_440 = tpu.memref_slice %dma_start3A_438[%run_scoped3A_429, %dma_start3A_439] : memref<1x128xi32, #tpu.memory_space<vmem>> -> memref<1x128xi32, #tpu.memory_space<vmem>>
              %dma_start3A_441 = tpu.memref_squeeze %dma_start3A_440 : memref<1x128xi32, #tpu.memory_space<vmem>> -> memref<128xi32, #tpu.memory_space<vmem>>
              %dma_start3A_442 = arith.constant 0 : i32
              %dma_start3A_443 = arith.constant 0 : i32
              %dma_start3A_444 = tpu.memref_slice %arg7[%dma_start3A_442, %dma_start3A_443] : memref<50048x32xf32, #tpu.memory_space<vmem_shared>> -> memref<50048x32xf32, #tpu.memory_space<vmem_shared>>
              tpu.enqueue_indirect_dma source(%dma_start3A_434 : memref<128x32xf32, #tpu.memory_space<vmem>>) target(%dma_start3A_444 : memref<50048x32xf32, #tpu.memory_space<vmem_shared>>) offsets(%dma_start3A_441 : memref<128xi32, #tpu.memory_space<vmem>>) semaphore(%run_scoped3A_430 : memref<!tpu.dma_semaphore, #tpu.memory_space<semaphore_mem>>) {add = true}
              %dma_wait3A = arith.constant 0 : i32
              %dma_wait3A_445 = arith.constant 0 : i32
              %dma_wait3A_446 = tpu.memref_slice %run_scoped3A[%rem3A_320, %dma_wait3A, %dma_wait3A_445] : memref<2x128x32xf32, #tpu.memory_space<vmem>> -> memref<1x128x32xf32, #tpu.memory_space<vmem>>
              %dma_wait3A_447 = tpu.memref_squeeze %dma_wait3A_446 : memref<1x128x32xf32, #tpu.memory_space<vmem>> -> memref<128x32xf32, #tpu.memory_space<vmem>>
              %dma_wait3A_448 = arith.constant 0 : i32
              %dma_wait3A_449 = arith.constant 0 : i32
              %dma_wait3A_450 = tpu.memref_slice %run_scoped3A_21[%rem3A_322, %dma_wait3A_448, %dma_wait3A_449] : memref<2x1x128xi32, #tpu.memory_space<vmem>> -> memref<1x1x128xi32, #tpu.memory_space<vmem>>
              %dma_wait3A_451 = tpu.memref_squeeze %dma_wait3A_450 : memref<1x1x128xi32, #tpu.memory_space<vmem>> -> memref<1x128xi32, #tpu.memory_space<vmem>>
              %dma_wait3A_452 = arith.constant 0 : i32
              %dma_wait3A_453 = tpu.memref_slice %dma_wait3A_451[%run_scoped3A_429, %dma_wait3A_452] : memref<1x128xi32, #tpu.memory_space<vmem>> -> memref<1x128xi32, #tpu.memory_space<vmem>>
              %dma_wait3A_454 = tpu.memref_squeeze %dma_wait3A_453 : memref<1x128xi32, #tpu.memory_space<vmem>> -> memref<128xi32, #tpu.memory_space<vmem>>
              %dma_wait3A_455 = arith.constant 0 : i32
              %dma_wait3A_456 = arith.constant 0 : i32
              %dma_wait3A_457 = tpu.memref_slice %arg7[%dma_wait3A_455, %dma_wait3A_456] : memref<50048x32xf32, #tpu.memory_space<vmem_shared>> -> memref<50048x32xf32, #tpu.memory_space<vmem_shared>>
              tpu.wait_indirect_dma semaphore(%run_scoped3A_430 : memref<!tpu.dma_semaphore, #tpu.memory_space<semaphore_mem>>) src(%dma_wait3A_447 : memref<128x32xf32, #tpu.memory_space<vmem>>) dst(%dma_wait3A_457 : memref<50048x32xf32, #tpu.memory_space<vmem_shared>>)
              tpu.yield
            }) : () -> ()
          } else {
          }
          %eq3A_330 = arith.constant 1 : i32
          %eq3A_331 = arith.cmpi eq, %arg0, %eq3A_330 : i32
          %convert_element_type3A_332 = arith.extui %eq3A_331 : i1 to i32
          %cond3A_333 = arith.constant 0 : i32
          %cond3A_334 = arith.cmpi ne, %convert_element_type3A_332, %cond3A_333 : i32
          scf.if %cond3A_334 {
            %run_scoped3A_429 = arith.constant 0 : i32
            "tpu.region"() ({
              %run_scoped3A_430 = tpu.sem_alloc : memref<!tpu.dma_semaphore, #tpu.memory_space<semaphore_mem>>
              %dma_start3A_431 = arith.constant 0 : i32
              %dma_start3A_432 = arith.constant 0 : i32
              %dma_start3A_433 = tpu.memref_slice %run_scoped3A[%rem3A_320, %dma_start3A_431, %dma_start3A_432] : memref<2x128x32xf32, #tpu.memory_space<vmem>> -> memref<1x128x32xf32, #tpu.memory_space<vmem>>
              %dma_start3A_434 = tpu.memref_squeeze %dma_start3A_433 : memref<1x128x32xf32, #tpu.memory_space<vmem>> -> memref<128x32xf32, #tpu.memory_space<vmem>>
              %dma_start3A_435 = arith.constant 0 : i32
              %dma_start3A_436 = arith.constant 0 : i32
              %dma_start3A_437 = tpu.memref_slice %run_scoped3A_23[%rem3A_324, %dma_start3A_435, %dma_start3A_436] : memref<2x1x128xi32, #tpu.memory_space<vmem>> -> memref<1x1x128xi32, #tpu.memory_space<vmem>>
              %dma_start3A_438 = tpu.memref_squeeze %dma_start3A_437 : memref<1x1x128xi32, #tpu.memory_space<vmem>> -> memref<1x128xi32, #tpu.memory_space<vmem>>
              %dma_start3A_439 = arith.constant 0 : i32
              %dma_start3A_440 = tpu.memref_slice %dma_start3A_438[%run_scoped3A_429, %dma_start3A_439] : memref<1x128xi32, #tpu.memory_space<vmem>> -> memref<1x128xi32, #tpu.memory_space<vmem>>
              %dma_start3A_441 = tpu.memref_squeeze %dma_start3A_440 : memref<1x128xi32, #tpu.memory_space<vmem>> -> memref<128xi32, #tpu.memory_space<vmem>>
              %dma_start3A_442 = arith.constant 0 : i32
              %dma_start3A_443 = arith.constant 0 : i32
              %dma_start3A_444 = tpu.memref_slice %arg7[%dma_start3A_442, %dma_start3A_443] : memref<50048x32xf32, #tpu.memory_space<vmem_shared>> -> memref<50048x32xf32, #tpu.memory_space<vmem_shared>>
              tpu.enqueue_indirect_dma source(%dma_start3A_434 : memref<128x32xf32, #tpu.memory_space<vmem>>) target(%dma_start3A_444 : memref<50048x32xf32, #tpu.memory_space<vmem_shared>>) offsets(%dma_start3A_441 : memref<128xi32, #tpu.memory_space<vmem>>) semaphore(%run_scoped3A_430 : memref<!tpu.dma_semaphore, #tpu.memory_space<semaphore_mem>>) {add = true}
              %dma_wait3A = arith.constant 0 : i32
              %dma_wait3A_445 = arith.constant 0 : i32
              %dma_wait3A_446 = tpu.memref_slice %run_scoped3A[%rem3A_320, %dma_wait3A, %dma_wait3A_445] : memref<2x128x32xf32, #tpu.memory_space<vmem>> -> memref<1x128x32xf32, #tpu.memory_space<vmem>>
              %dma_wait3A_447 = tpu.memref_squeeze %dma_wait3A_446 : memref<1x128x32xf32, #tpu.memory_space<vmem>> -> memref<128x32xf32, #tpu.memory_space<vmem>>
              %dma_wait3A_448 = arith.constant 0 : i32
              %dma_wait3A_449 = arith.constant 0 : i32
              %dma_wait3A_450 = tpu.memref_slice %run_scoped3A_23[%rem3A_324, %dma_wait3A_448, %dma_wait3A_449] : memref<2x1x128xi32, #tpu.memory_space<vmem>> -> memref<1x1x128xi32, #tpu.memory_space<vmem>>
              %dma_wait3A_451 = tpu.memref_squeeze %dma_wait3A_450 : memref<1x1x128xi32, #tpu.memory_space<vmem>> -> memref<1x128xi32, #tpu.memory_space<vmem>>
              %dma_wait3A_452 = arith.constant 0 : i32
              %dma_wait3A_453 = tpu.memref_slice %dma_wait3A_451[%run_scoped3A_429, %dma_wait3A_452] : memref<1x128xi32, #tpu.memory_space<vmem>> -> memref<1x128xi32, #tpu.memory_space<vmem>>
              %dma_wait3A_454 = tpu.memref_squeeze %dma_wait3A_453 : memref<1x128xi32, #tpu.memory_space<vmem>> -> memref<128xi32, #tpu.memory_space<vmem>>
              %dma_wait3A_455 = arith.constant 0 : i32
              %dma_wait3A_456 = arith.constant 0 : i32
              %dma_wait3A_457 = tpu.memref_slice %arg7[%dma_wait3A_455, %dma_wait3A_456] : memref<50048x32xf32, #tpu.memory_space<vmem_shared>> -> memref<50048x32xf32, #tpu.memory_space<vmem_shared>>
              tpu.wait_indirect_dma semaphore(%run_scoped3A_430 : memref<!tpu.dma_semaphore, #tpu.memory_space<semaphore_mem>>) src(%dma_wait3A_447 : memref<128x32xf32, #tpu.memory_space<vmem>>) dst(%dma_wait3A_457 : memref<50048x32xf32, #tpu.memory_space<vmem_shared>>)
              tpu.yield
            }) : () -> ()
          } else {
          }
          "tpu.trace_stop"() : () -> ()
          %ne3A_335 = arith.cmpi ne, %add3A_215, %add3A_233 : i32
          %or3A_336 = arith.constant false
          %or3A_337 = arith.ori %or3A_336, %ne3A_335 : i1
          %or3A_338 = arith.constant false
          %or3A_339 = arith.ori %or3A_337, %or3A_338 : i1
          %or3A_340 = arith.ori %or3A_339, %eq3A_214 : i1
          %convert_element_type3A_341 = arith.extui %or3A_340 : i1 to i32
          %cond3A_342 = arith.constant 0 : i32
          %cond3A_343 = arith.cmpi ne, %convert_element_type3A_341, %cond3A_342 : i32
          scf.if %cond3A_343 {
          } else {
          }
          %and3A_344 = arith.constant false
          %and3A_345 = arith.andi %or3A_340, %and3A_344 : i1
          %ne3A_346 = arith.cmpi ne, %add3A_215, %add3A_233 : i32
          %or3A_347 = arith.constant false
          %or3A_348 = arith.ori %or3A_347, %ne3A_346 : i1
          %or3A_349 = arith.ori %or3A_348, %eq3A_214 : i1
          %convert_element_type3A_350 = arith.extui %or3A_349 : i1 to i32
          %cond3A_351 = arith.constant 0 : i32
          %cond3A_352 = arith.cmpi ne, %convert_element_type3A_350, %cond3A_351 : i32
          scf.if %cond3A_352 {
          } else {
          }
          %and3A_353 = arith.constant false
          %and3A_354 = arith.andi %or3A_349, %and3A_353 : i1
          %ne3A_355 = arith.cmpi ne, %add3A_215, %add3A_233 : i32
          %or3A_356 = arith.constant false
          %or3A_357 = arith.ori %or3A_356, %ne3A_355 : i1
          %or3A_358 = arith.ori %or3A_357, %eq3A_214 : i1
          %convert_element_type3A_359 = arith.extui %or3A_358 : i1 to i32
          %cond3A_360 = arith.constant 0 : i32
          %cond3A_361 = arith.cmpi ne, %convert_element_type3A_359, %cond3A_360 : i32
          scf.if %cond3A_361 {
          } else {
          }
          %and3A_362 = arith.constant false
          %and3A_363 = arith.andi %or3A_358, %and3A_362 : i1
          %ne3A_364 = arith.cmpi ne, %add3A_215, %add3A_225 : i32
          %or3A_365 = arith.constant false
          %or3A_366 = arith.ori %or3A_365, %ne3A_364 : i1
          %or3A_367 = arith.constant false
          %or3A_368 = arith.ori %or3A_366, %or3A_367 : i1
          %not3A_369 = arith.constant true
          %not3A_370 = arith.xori %eq3A_211, %not3A_369 : i1
          %and3A_371 = arith.andi %or3A_368, %not3A_370 : i1
          %convert_element_type3A_372 = arith.extui %and3A_371 : i1 to i32
          %cond3A_373 = arith.constant 0 : i32
          %cond3A_374 = arith.cmpi ne, %convert_element_type3A_372, %cond3A_373 : i32
          scf.if %cond3A_374 {
          } else {
          }
          %and3A_375 = arith.constant false
          %and3A_376 = arith.andi %and3A_371, %and3A_375 : i1
          %ne3A_377 = arith.cmpi ne, %add3A_215, %add3A_225 : i32
          %or3A_378 = arith.constant false
          %or3A_379 = arith.ori %or3A_378, %ne3A_377 : i1
          %not3A_380 = arith.constant true
          %not3A_381 = arith.xori %eq3A_211, %not3A_380 : i1
          %and3A_382 = arith.andi %or3A_379, %not3A_381 : i1
          %convert_element_type3A_383 = arith.extui %and3A_382 : i1 to i32
          %cond3A_384 = arith.constant 0 : i32
          %cond3A_385 = arith.cmpi ne, %convert_element_type3A_383, %cond3A_384 : i32
          scf.if %cond3A_385 {
          } else {
          }
          %and3A_386 = arith.constant false
          %and3A_387 = arith.andi %and3A_382, %and3A_386 : i1
          %ne3A_388 = arith.cmpi ne, %add3A_215, %add3A_225 : i32
          %or3A_389 = arith.constant false
          %or3A_390 = arith.ori %or3A_389, %ne3A_388 : i1
          %not3A_391 = arith.constant true
          %not3A_392 = arith.xori %eq3A_211, %not3A_391 : i1
          %and3A_393 = arith.andi %or3A_390, %not3A_392 : i1
          %convert_element_type3A_394 = arith.extui %and3A_393 : i1 to i32
          %cond3A_395 = arith.constant 0 : i32
          %cond3A_396 = arith.cmpi ne, %convert_element_type3A_394, %cond3A_395 : i32
          scf.if %cond3A_396 {
          } else {
          }
          %and3A_397 = arith.constant false
          %and3A_398 = arith.andi %and3A_393, %and3A_397 : i1
          %ne3A_399 = arith.cmpi ne, %add3A_215, %add3A_233 : i32
          %or3A_400 = arith.constant false
          %or3A_401 = arith.ori %or3A_400, %ne3A_399 : i1
          %or3A_402 = arith.constant false
          %or3A_403 = arith.ori %or3A_401, %or3A_402 : i1
          %or3A_404 = arith.ori %or3A_403, %eq3A_214 : i1
          %add3A_405 = arith.constant 1 : i32
          %add3A_406 = arith.addi %while3A_202, %add3A_405 : i32
          %select_n3A_407 = arith.select %or3A_404, %add3A_406, %while3A_202 : i32
          %ne3A_408 = arith.cmpi ne, %add3A_215, %add3A_233 : i32
          %or3A_409 = arith.constant false
          %or3A_410 = arith.ori %or3A_409, %ne3A_408 : i1
          %or3A_411 = arith.ori %or3A_410, %eq3A_214 : i1
          %add3A_412 = arith.constant 1 : i32
          %add3A_413 = arith.addi %while3A_204, %add3A_412 : i32
          %select_n3A_414 = arith.select %or3A_411, %add3A_413, %while3A_204 : i32
          %ne3A_415 = arith.cmpi ne, %add3A_215, %add3A_233 : i32
          %or3A_416 = arith.constant false
          %or3A_417 = arith.ori %or3A_416, %ne3A_415 : i1
          %or3A_418 = arith.ori %or3A_417, %eq3A_214 : i1
          %add3A_419 = arith.constant 1 : i32
          %add3A_420 = arith.addi %while3A_206, %add3A_419 : i32
          %select_n3A_421 = arith.select %or3A_418, %add3A_420, %while3A_206 : i32
          %add3A_422 = arith.constant 1 : i32
          %add3A_423 = arith.addi %while3A_207, %add3A_422 : i32
          %select_n3A_424 = arith.constant true
          %select_n3A_425 = arith.select %select_n3A_424, %add3A_423, %while3A_207 : i32
          %eq3A_426 = arith.cmpi eq, %select_n3A_425, %select_n3A : i32
          %select_n3A_427 = arith.constant 0 : i32
          %select_n3A_428 = arith.select %eq3A_426, %select_n3A_427, %select_n3A_425 : i32
          scf.yield %select_n3A_257, %select_n3A_407, %select_n3A_276, %select_n3A_414, %select_n3A_295, %select_n3A_421, %select_n3A_428 : i32, i32, i32, i32, i32, i32, i32
        }
        %while3A_144 = arith.constant 1 : i32
        %while3A_145:7 = scf.for %while3A_200 = %while3A_141 to %while3A_137 step %while3A_144 iter_args(%while3A_201 = %while3A_143#0, %while3A_202 = %while3A_143#1, %while3A_203 = %while3A_143#2, %while3A_204 = %while3A_143#3, %while3A_205 = %while3A_143#4, %while3A_206 = %while3A_143#5, %while3A_207 = %while3A_143#6) -> (i32, i32, i32, i32, i32, i32, i32)  : i32 {
          %mul3A_208 = arith.constant 1 : i32
          %mul3A_209 = arith.muli %mul3A_208, %select_n3A : i32
          %eq3A_210 = arith.constant 0 : i32
          %eq3A_211 = arith.cmpi eq, %while3A_200, %eq3A_210 : i32
          %sub3A_212 = arith.constant 1 : i32
          %sub3A_213 = arith.subi %mul3A_209, %sub3A_212 : i32
          %eq3A_214 = arith.cmpi eq, %while3A_200, %sub3A_213 : i32
          %add3A_215 = arith.addi %while3A_207, %select_n3A_11 : i32
          %sub3A_216 = arith.constant 1 : i32
          %sub3A_217 = arith.subi %while3A_207, %sub3A_216 : i32
          %select_n3A_218 = arith.constant true
          %select_n3A_219 = arith.select %select_n3A_218, %sub3A_217, %while3A_207 : i32
          %eq3A_220 = arith.constant -1 : i32
          %eq3A_221 = arith.cmpi eq, %select_n3A_219, %eq3A_220 : i32
          %sub3A_222 = arith.constant 1 : i32
          %sub3A_223 = arith.subi %select_n3A, %sub3A_222 : i32
          %select_n3A_224 = arith.select %eq3A_221, %sub3A_223, %select_n3A_219 : i32
          %add3A_225 = arith.addi %select_n3A_224, %select_n3A_11 : i32
          %add3A_226 = arith.constant 1 : i32
          %add3A_227 = arith.addi %while3A_207, %add3A_226 : i32
          %select_n3A_228 = arith.constant true
          %select_n3A_229 = arith.select %select_n3A_228, %add3A_227, %while3A_207 : i32
          %eq3A_230 = arith.cmpi eq, %select_n3A_229, %select_n3A : i32
          %select_n3A_231 = arith.constant 0 : i32
          %select_n3A_232 = arith.select %eq3A_230, %select_n3A_231, %select_n3A_229 : i32
          %add3A_233 = arith.addi %select_n3A_232, %select_n3A_11 : i32
          %add3A_234 = arith.constant 1 : i32
          %add3A_235 = arith.addi %select_n3A_232, %add3A_234 : i32
          %select_n3A_236 = arith.constant true
          %select_n3A_237 = arith.select %select_n3A_236, %add3A_235, %select_n3A_232 : i32
          %eq3A_238 = arith.cmpi eq, %select_n3A_237, %select_n3A : i32
          %select_n3A_239 = arith.constant 0 : i32
          %select_n3A_240 = arith.select %eq3A_238, %select_n3A_239, %select_n3A_237 : i32
          %add3A_241 = arith.addi %select_n3A_240, %select_n3A_11 : i32
          %ne3A = arith.cmpi ne, %add3A_215, %add3A_233 : i32
          %or3A = arith.constant false
          %or3A_242 = arith.ori %or3A, %ne3A : i1
          %or3A_243 = arith.constant false
          %or3A_244 = arith.ori %or3A_242, %or3A_243 : i1
          %sub3A_245 = arith.constant 2 : i32
          %sub3A_246 = arith.subi %mul3A_209, %sub3A_245 : i32
          %add3A_247 = arith.constant 1 : i32
          %add3A_248 = arith.addi %sub3A_246, %add3A_247 : i32
          %ge3A = arith.cmpi sge, %while3A_200, %add3A_248 : i32
          %not3A = arith.constant true
          %not3A_249 = arith.xori %ge3A, %not3A : i1
          %and3A = arith.andi %or3A_244, %not3A_249 : i1
          %convert_element_type3A_250 = arith.extui %and3A : i1 to i32
          %cond3A_251 = arith.constant 0 : i32
          %cond3A_252 = arith.cmpi ne, %convert_element_type3A_250, %cond3A_251 : i32
          scf.if %cond3A_252 {
            "tpu.trace_start"() <{level = 10 : i32, message = "ep_copy_in"}> : () -> ()
            %rem3A_429 = arith.constant 2 : i32
            %rem3A_430 = arith.remui %while3A_201, %rem3A_429 : i32
            %mul3A_431 = arith.constant 128 : i32
            %mul3A_432 = arith.muli %mul3A_431, %add3A_233 : i32
            %dma_start3A_433 = arith.constant 0 : i32
            %dma_start3A_434 = arith.constant 0 : i32
            %dma_start3A_435 = tpu.memref_slice %run_scoped3A[%rem3A_430, %dma_start3A_433, %dma_start3A_434] : memref<2x128x32xf32, #tpu.memory_space<vmem>> -> memref<1x128x32xf32, #tpu.memory_space<vmem>>
            %dma_start3A_436 = tpu.memref_squeeze %dma_start3A_435 : memref<1x128x32xf32, #tpu.memory_space<vmem>> -> memref<128x32xf32, #tpu.memory_space<vmem>>
            %dma_start3A_437 = arith.constant 0 : i32
            %dma_start3A_438 = tpu.memref_slice %arg2[%mul3A_432, %dma_start3A_437] : memref<1600000x128xf32, #tpu.memory_space<hbm>> -> memref<128x32xf32, #tpu.memory_space<hbm>>
            %dma_start3A_439 = tpu.memref_slice %run_scoped3A_20[%rem3A_430] : memref<2x!tpu.dma_semaphore, #tpu.memory_space<semaphore_mem>> -> memref<1x!tpu.dma_semaphore, #tpu.memory_space<semaphore_mem>>
            %dma_start3A_440 = tpu.memref_squeeze %dma_start3A_439 : memref<1x!tpu.dma_semaphore, #tpu.memory_space<semaphore_mem>> -> memref<!tpu.dma_semaphore, #tpu.memory_space<semaphore_mem>>
            %dma_start3A_441 = arith.constant 0 : i32
            %dma_start3A_442 = arith.constant 0 : i32
            %dma_start3A_443 = tpu.memref_slice %run_scoped3A[%rem3A_430, %dma_start3A_441, %dma_start3A_442] : memref<2x128x32xf32, #tpu.memory_space<vmem>> -> memref<1x128x32xf32, #tpu.memory_space<vmem>>
            %dma_start3A_444 = tpu.memref_squeeze %dma_start3A_443 : memref<1x128x32xf32, #tpu.memory_space<vmem>> -> memref<128x32xf32, #tpu.memory_space<vmem>>
            %dma_start3A_445 = arith.constant 0 : i32
            %dma_start3A_446 = tpu.memref_slice %arg2[%mul3A_432, %dma_start3A_445] : memref<1600000x128xf32, #tpu.memory_space<hbm>> -> memref<128x32xf32, #tpu.memory_space<hbm>>
            tpu.enqueue_dma source(%dma_start3A_446 : memref<128x32xf32, #tpu.memory_space<hbm>>) target(%dma_start3A_444 : memref<128x32xf32, #tpu.memory_space<vmem>>) target_semaphore(%dma_start3A_440 : memref<!tpu.dma_semaphore, #tpu.memory_space<semaphore_mem>>)
            "tpu.trace_stop"() : () -> ()
          } else {
          }
          %and3A_253 = arith.constant true
          %and3A_254 = arith.andi %and3A, %and3A_253 : i1
          %add3A_255 = arith.constant 1 : i32
          %add3A_256 = arith.addi %while3A_201, %add3A_255 : i32
          %select_n3A_257 = arith.select %and3A_254, %add3A_256, %while3A_201 : i32
          %ne3A_258 = arith.cmpi ne, %add3A_215, %add3A_233 : i32
          %or3A_259 = arith.constant false
          %or3A_260 = arith.ori %or3A_259, %ne3A_258 : i1
          %sub3A_261 = arith.constant 2 : i32
          %sub3A_262 = arith.subi %mul3A_209, %sub3A_261 : i32
          %add3A_263 = arith.constant 1 : i32
          %add3A_264 = arith.addi %sub3A_262, %add3A_263 : i32
          %ge3A_265 = arith.cmpi sge, %while3A_200, %add3A_264 : i32
          %not3A_266 = arith.constant true
          %not3A_267 = arith.xori %ge3A_265, %not3A_266 : i1
          %and3A_268 = arith.andi %or3A_260, %not3A_267 : i1
          %convert_element_type3A_269 = arith.extui %and3A_268 : i1 to i32
          %cond3A_270 = arith.constant 0 : i32
          %cond3A_271 = arith.cmpi ne, %convert_element_type3A_269, %cond3A_270 : i32
          scf.if %cond3A_271 {
            "tpu.trace_start"() <{level = 10 : i32, message = "ep_copy_in"}> : () -> ()
            %rem3A_429 = arith.constant 2 : i32
            %rem3A_430 = arith.remui %while3A_203, %rem3A_429 : i32
            %mul3A_431 = arith.constant 128 : i32
            %mul3A_432 = arith.muli %mul3A_431, %add3A_233 : i32
            %dma_start3A_433 = arith.constant 0 : i32
            %dma_start3A_434 = arith.constant 0 : i32
            %dma_start3A_435 = tpu.memref_slice %run_scoped3A_21[%rem3A_430, %dma_start3A_433, %dma_start3A_434] : memref<2x1x128xi32, #tpu.memory_space<vmem>> -> memref<1x1x128xi32, #tpu.memory_space<vmem>>
            %dma_start3A_436 = tpu.memref_squeeze %dma_start3A_435 : memref<1x1x128xi32, #tpu.memory_space<vmem>> -> memref<1x128xi32, #tpu.memory_space<vmem>>
            %dma_start3A_437 = arith.constant 0 : i32
            %dma_start3A_438 = tpu.memref_slice %arg3[%dma_start3A_437, %mul3A_432] : memref<1x1600000xi32, #tpu.memory_space<hbm>> -> memref<1x128xi32, #tpu.memory_space<hbm>>
            %dma_start3A_439 = tpu.memref_slice %run_scoped3A_22[%rem3A_430] : memref<2x!tpu.dma_semaphore, #tpu.memory_space<semaphore_mem>> -> memref<1x!tpu.dma_semaphore, #tpu.memory_space<semaphore_mem>>
            %dma_start3A_440 = tpu.memref_squeeze %dma_start3A_439 : memref<1x!tpu.dma_semaphore, #tpu.memory_space<semaphore_mem>> -> memref<!tpu.dma_semaphore, #tpu.memory_space<semaphore_mem>>
            %dma_start3A_441 = arith.constant 0 : i32
            %dma_start3A_442 = arith.constant 0 : i32
            %dma_start3A_443 = tpu.memref_slice %run_scoped3A_21[%rem3A_430, %dma_start3A_441, %dma_start3A_442] : memref<2x1x128xi32, #tpu.memory_space<vmem>> -> memref<1x1x128xi32, #tpu.memory_space<vmem>>
            %dma_start3A_444 = tpu.memref_squeeze %dma_start3A_443 : memref<1x1x128xi32, #tpu.memory_space<vmem>> -> memref<1x128xi32, #tpu.memory_space<vmem>>
            %dma_start3A_445 = arith.constant 0 : i32
            %dma_start3A_446 = tpu.memref_slice %arg3[%dma_start3A_445, %mul3A_432] : memref<1x1600000xi32, #tpu.memory_space<hbm>> -> memref<1x128xi32, #tpu.memory_space<hbm>>
            tpu.enqueue_dma source(%dma_start3A_446 : memref<1x128xi32, #tpu.memory_space<hbm>>) target(%dma_start3A_444 : memref<1x128xi32, #tpu.memory_space<vmem>>) target_semaphore(%dma_start3A_440 : memref<!tpu.dma_semaphore, #tpu.memory_space<semaphore_mem>>)
            "tpu.trace_stop"() : () -> ()
          } else {
          }
          %and3A_272 = arith.constant true
          %and3A_273 = arith.andi %and3A_268, %and3A_272 : i1
          %add3A_274 = arith.constant 1 : i32
          %add3A_275 = arith.addi %while3A_203, %add3A_274 : i32
          %select_n3A_276 = arith.select %and3A_273, %add3A_275, %while3A_203 : i32
          %ne3A_277 = arith.cmpi ne, %add3A_215, %add3A_233 : i32
          %or3A_278 = arith.constant false
          %or3A_279 = arith.ori %or3A_278, %ne3A_277 : i1
          %sub3A_280 = arith.constant 2 : i32
          %sub3A_281 = arith.subi %mul3A_209, %sub3A_280 : i32
          %add3A_282 = arith.constant 1 : i32
          %add3A_283 = arith.addi %sub3A_281, %add3A_282 : i32
          %ge3A_284 = arith.cmpi sge, %while3A_200, %add3A_283 : i32
          %not3A_285 = arith.constant true
          %not3A_286 = arith.xori %ge3A_284, %not3A_285 : i1
          %and3A_287 = arith.andi %or3A_279, %not3A_286 : i1
          %convert_element_type3A_288 = arith.extui %and3A_287 : i1 to i32
          %cond3A_289 = arith.constant 0 : i32
          %cond3A_290 = arith.cmpi ne, %convert_element_type3A_288, %cond3A_289 : i32
          scf.if %cond3A_290 {
            "tpu.trace_start"() <{level = 10 : i32, message = "ep_copy_in"}> : () -> ()
            %rem3A_429 = arith.constant 2 : i32
            %rem3A_430 = arith.remui %while3A_205, %rem3A_429 : i32
            %mul3A_431 = arith.constant 128 : i32
            %mul3A_432 = arith.muli %mul3A_431, %add3A_233 : i32
            %dma_start3A_433 = arith.constant 0 : i32
            %dma_start3A_434 = arith.constant 0 : i32
            %dma_start3A_435 = tpu.memref_slice %run_scoped3A_23[%rem3A_430, %dma_start3A_433, %dma_start3A_434] : memref<2x1x128xi32, #tpu.memory_space<vmem>> -> memref<1x1x128xi32, #tpu.memory_space<vmem>>
            %dma_start3A_436 = tpu.memref_squeeze %dma_start3A_435 : memref<1x1x128xi32, #tpu.memory_space<vmem>> -> memref<1x128xi32, #tpu.memory_space<vmem>>
            %dma_start3A_437 = arith.constant 0 : i32
            %dma_start3A_438 = tpu.memref_slice %arg4[%dma_start3A_437, %mul3A_432] : memref<1x1600000xi32, #tpu.memory_space<hbm>> -> memref<1x128xi32, #tpu.memory_space<hbm>>
            %dma_start3A_439 = tpu.memref_slice %run_scoped3A_24[%rem3A_430] : memref<2x!tpu.dma_semaphore, #tpu.memory_space<semaphore_mem>> -> memref<1x!tpu.dma_semaphore, #tpu.memory_space<semaphore_mem>>
            %dma_start3A_440 = tpu.memref_squeeze %dma_start3A_439 : memref<1x!tpu.dma_semaphore, #tpu.memory_space<semaphore_mem>> -> memref<!tpu.dma_semaphore, #tpu.memory_space<semaphore_mem>>
            %dma_start3A_441 = arith.constant 0 : i32
            %dma_start3A_442 = arith.constant 0 : i32
            %dma_start3A_443 = tpu.memref_slice %run_scoped3A_23[%rem3A_430, %dma_start3A_441, %dma_start3A_442] : memref<2x1x128xi32, #tpu.memory_space<vmem>> -> memref<1x1x128xi32, #tpu.memory_space<vmem>>
            %dma_start3A_444 = tpu.memref_squeeze %dma_start3A_443 : memref<1x1x128xi32, #tpu.memory_space<vmem>> -> memref<1x128xi32, #tpu.memory_space<vmem>>
            %dma_start3A_445 = arith.constant 0 : i32
            %dma_start3A_446 = tpu.memref_slice %arg4[%dma_start3A_445, %mul3A_432] : memref<1x1600000xi32, #tpu.memory_space<hbm>> -> memref<1x128xi32, #tpu.memory_space<hbm>>
            tpu.enqueue_dma source(%dma_start3A_446 : memref<1x128xi32, #tpu.memory_space<hbm>>) target(%dma_start3A_444 : memref<1x128xi32, #tpu.memory_space<vmem>>) target_semaphore(%dma_start3A_440 : memref<!tpu.dma_semaphore, #tpu.memory_space<semaphore_mem>>)
            "tpu.trace_stop"() : () -> ()
          } else {
          }
          %and3A_291 = arith.constant true
          %and3A_292 = arith.andi %and3A_287, %and3A_291 : i1
          %add3A_293 = arith.constant 1 : i32
          %add3A_294 = arith.addi %while3A_205, %add3A_293 : i32
          %select_n3A_295 = arith.select %and3A_292, %add3A_294, %while3A_205 : i32
          %ne3A_296 = arith.cmpi ne, %add3A_215, %add3A_225 : i32
          %or3A_297 = arith.constant false
          %or3A_298 = arith.ori %or3A_297, %ne3A_296 : i1
          %or3A_299 = arith.constant false
          %or3A_300 = arith.ori %or3A_298, %or3A_299 : i1
          %or3A_301 = arith.ori %or3A_300, %eq3A_211 : i1
          %convert_element_type3A_302 = arith.extui %or3A_301 : i1 to i32
          %cond3A_303 = arith.constant 0 : i32
          %cond3A_304 = arith.cmpi ne, %convert_element_type3A_302, %cond3A_303 : i32
          scf.if %cond3A_304 {
            "tpu.trace_start"() <{level = 10 : i32, message = "ep_wait_in"}> : () -> ()
            %mul3A_429 = arith.constant 128 : i32
            %mul3A_430 = arith.muli %mul3A_429, %add3A_215 : i32
            %rem3A_431 = arith.constant 2 : i32
            %rem3A_432 = arith.remui %while3A_202, %rem3A_431 : i32
            %dma_wait3A = arith.constant 0 : i32
            %dma_wait3A_433 = arith.constant 0 : i32
            %dma_wait3A_434 = tpu.memref_slice %run_scoped3A[%rem3A_432, %dma_wait3A, %dma_wait3A_433] : memref<2x128x32xf32, #tpu.memory_space<vmem>> -> memref<1x128x32xf32, #tpu.memory_space<vmem>>
            %dma_wait3A_435 = tpu.memref_squeeze %dma_wait3A_434 : memref<1x128x32xf32, #tpu.memory_space<vmem>> -> memref<128x32xf32, #tpu.memory_space<vmem>>
            %dma_wait3A_436 = arith.constant 0 : i32
            %dma_wait3A_437 = tpu.memref_slice %arg2[%mul3A_430, %dma_wait3A_436] : memref<1600000x128xf32, #tpu.memory_space<hbm>> -> memref<128x32xf32, #tpu.memory_space<hbm>>
            %dma_wait3A_438 = tpu.memref_slice %run_scoped3A_20[%rem3A_432] : memref<2x!tpu.dma_semaphore, #tpu.memory_space<semaphore_mem>> -> memref<1x!tpu.dma_semaphore, #tpu.memory_space<semaphore_mem>>
            %dma_wait3A_439 = tpu.memref_squeeze %dma_wait3A_438 : memref<1x!tpu.dma_semaphore, #tpu.memory_space<semaphore_mem>> -> memref<!tpu.dma_semaphore, #tpu.memory_space<semaphore_mem>>
            %dma_wait3A_440 = arith.constant 0 : i32
            %dma_wait3A_441 = arith.constant 0 : i32
            %dma_wait3A_442 = tpu.memref_slice %run_scoped3A[%rem3A_432, %dma_wait3A_440, %dma_wait3A_441] : memref<2x128x32xf32, #tpu.memory_space<vmem>> -> memref<1x128x32xf32, #tpu.memory_space<vmem>>
            %dma_wait3A_443 = tpu.memref_squeeze %dma_wait3A_442 : memref<1x128x32xf32, #tpu.memory_space<vmem>> -> memref<128x32xf32, #tpu.memory_space<vmem>>
            %dma_wait3A_444 = arith.constant 0 : i32
            %dma_wait3A_445 = tpu.memref_slice %arg2[%mul3A_430, %dma_wait3A_444] : memref<1600000x128xf32, #tpu.memory_space<hbm>> -> memref<128x32xf32, #tpu.memory_space<hbm>>
            tpu.wait_dma2 semaphore(%dma_wait3A_439 : memref<!tpu.dma_semaphore, #tpu.memory_space<semaphore_mem>>) src(%dma_wait3A_445 : memref<128x32xf32, #tpu.memory_space<hbm>>) dst(%dma_wait3A_443 : memref<128x32xf32, #tpu.memory_space<vmem>>)
            "tpu.trace_stop"() : () -> ()
          } else {
          }
          %ne3A_305 = arith.cmpi ne, %add3A_215, %add3A_225 : i32
          %or3A_306 = arith.constant false
          %or3A_307 = arith.ori %or3A_306, %ne3A_305 : i1
          %or3A_308 = arith.ori %or3A_307, %eq3A_211 : i1
          %convert_element_type3A_309 = arith.extui %or3A_308 : i1 to i32
          %cond3A_310 = arith.constant 0 : i32
          %cond3A_311 = arith.cmpi ne, %convert_element_type3A_309, %cond3A_310 : i32
          scf.if %cond3A_311 {
            "tpu.trace_start"() <{level = 10 : i32, message = "ep_wait_in"}> : () -> ()
            %mul3A_429 = arith.constant 128 : i32
            %mul3A_430 = arith.muli %mul3A_429, %add3A_215 : i32
            %rem3A_431 = arith.constant 2 : i32
            %rem3A_432 = arith.remui %while3A_204, %rem3A_431 : i32
            %dma_wait3A = arith.constant 0 : i32
            %dma_wait3A_433 = arith.constant 0 : i32
            %dma_wait3A_434 = tpu.memref_slice %run_scoped3A_21[%rem3A_432, %dma_wait3A, %dma_wait3A_433] : memref<2x1x128xi32, #tpu.memory_space<vmem>> -> memref<1x1x128xi32, #tpu.memory_space<vmem>>
            %dma_wait3A_435 = tpu.memref_squeeze %dma_wait3A_434 : memref<1x1x128xi32, #tpu.memory_space<vmem>> -> memref<1x128xi32, #tpu.memory_space<vmem>>
            %dma_wait3A_436 = arith.constant 0 : i32
            %dma_wait3A_437 = tpu.memref_slice %arg3[%dma_wait3A_436, %mul3A_430] : memref<1x1600000xi32, #tpu.memory_space<hbm>> -> memref<1x128xi32, #tpu.memory_space<hbm>>
            %dma_wait3A_438 = tpu.memref_slice %run_scoped3A_22[%rem3A_432] : memref<2x!tpu.dma_semaphore, #tpu.memory_space<semaphore_mem>> -> memref<1x!tpu.dma_semaphore, #tpu.memory_space<semaphore_mem>>
            %dma_wait3A_439 = tpu.memref_squeeze %dma_wait3A_438 : memref<1x!tpu.dma_semaphore, #tpu.memory_space<semaphore_mem>> -> memref<!tpu.dma_semaphore, #tpu.memory_space<semaphore_mem>>
            %dma_wait3A_440 = arith.constant 0 : i32
            %dma_wait3A_441 = arith.constant 0 : i32
            %dma_wait3A_442 = tpu.memref_slice %run_scoped3A_21[%rem3A_432, %dma_wait3A_440, %dma_wait3A_441] : memref<2x1x128xi32, #tpu.memory_space<vmem>> -> memref<1x1x128xi32, #tpu.memory_space<vmem>>
            %dma_wait3A_443 = tpu.memref_squeeze %dma_wait3A_442 : memref<1x1x128xi32, #tpu.memory_space<vmem>> -> memref<1x128xi32, #tpu.memory_space<vmem>>
            %dma_wait3A_444 = arith.constant 0 : i32
            %dma_wait3A_445 = tpu.memref_slice %arg3[%dma_wait3A_444, %mul3A_430] : memref<1x1600000xi32, #tpu.memory_space<hbm>> -> memref<1x128xi32, #tpu.memory_space<hbm>>
            tpu.wait_dma2 semaphore(%dma_wait3A_439 : memref<!tpu.dma_semaphore, #tpu.memory_space<semaphore_mem>>) src(%dma_wait3A_445 : memref<1x128xi32, #tpu.memory_space<hbm>>) dst(%dma_wait3A_443 : memref<1x128xi32, #tpu.memory_space<vmem>>)
            "tpu.trace_stop"() : () -> ()
          } else {
          }
          %ne3A_312 = arith.cmpi ne, %add3A_215, %add3A_225 : i32
          %or3A_313 = arith.constant false
          %or3A_314 = arith.ori %or3A_313, %ne3A_312 : i1
          %or3A_315 = arith.ori %or3A_314, %eq3A_211 : i1
          %convert_element_type3A_316 = arith.extui %or3A_315 : i1 to i32
          %cond3A_317 = arith.constant 0 : i32
          %cond3A_318 = arith.cmpi ne, %convert_element_type3A_316, %cond3A_317 : i32
          scf.if %cond3A_318 {
            "tpu.trace_start"() <{level = 10 : i32, message = "ep_wait_in"}> : () -> ()
            %mul3A_429 = arith.constant 128 : i32
            %mul3A_430 = arith.muli %mul3A_429, %add3A_215 : i32
            %rem3A_431 = arith.constant 2 : i32
            %rem3A_432 = arith.remui %while3A_206, %rem3A_431 : i32
            %dma_wait3A = arith.constant 0 : i32
            %dma_wait3A_433 = arith.constant 0 : i32
            %dma_wait3A_434 = tpu.memref_slice %run_scoped3A_23[%rem3A_432, %dma_wait3A, %dma_wait3A_433] : memref<2x1x128xi32, #tpu.memory_space<vmem>> -> memref<1x1x128xi32, #tpu.memory_space<vmem>>
            %dma_wait3A_435 = tpu.memref_squeeze %dma_wait3A_434 : memref<1x1x128xi32, #tpu.memory_space<vmem>> -> memref<1x128xi32, #tpu.memory_space<vmem>>
            %dma_wait3A_436 = arith.constant 0 : i32
            %dma_wait3A_437 = tpu.memref_slice %arg4[%dma_wait3A_436, %mul3A_430] : memref<1x1600000xi32, #tpu.memory_space<hbm>> -> memref<1x128xi32, #tpu.memory_space<hbm>>
            %dma_wait3A_438 = tpu.memref_slice %run_scoped3A_24[%rem3A_432] : memref<2x!tpu.dma_semaphore, #tpu.memory_space<semaphore_mem>> -> memref<1x!tpu.dma_semaphore, #tpu.memory_space<semaphore_mem>>
            %dma_wait3A_439 = tpu.memref_squeeze %dma_wait3A_438 : memref<1x!tpu.dma_semaphore, #tpu.memory_space<semaphore_mem>> -> memref<!tpu.dma_semaphore, #tpu.memory_space<semaphore_mem>>
            %dma_wait3A_440 = arith.constant 0 : i32
            %dma_wait3A_441 = arith.constant 0 : i32
            %dma_wait3A_442 = tpu.memref_slice %run_scoped3A_23[%rem3A_432, %dma_wait3A_440, %dma_wait3A_441] : memref<2x1x128xi32, #tpu.memory_space<vmem>> -> memref<1x1x128xi32, #tpu.memory_space<vmem>>
            %dma_wait3A_443 = tpu.memref_squeeze %dma_wait3A_442 : memref<1x1x128xi32, #tpu.memory_space<vmem>> -> memref<1x128xi32, #tpu.memory_space<vmem>>
            %dma_wait3A_444 = arith.constant 0 : i32
            %dma_wait3A_445 = tpu.memref_slice %arg4[%dma_wait3A_444, %mul3A_430] : memref<1x1600000xi32, #tpu.memory_space<hbm>> -> memref<1x128xi32, #tpu.memory_space<hbm>>
            tpu.wait_dma2 semaphore(%dma_wait3A_439 : memref<!tpu.dma_semaphore, #tpu.memory_space<semaphore_mem>>) src(%dma_wait3A_445 : memref<1x128xi32, #tpu.memory_space<hbm>>) dst(%dma_wait3A_443 : memref<1x128xi32, #tpu.memory_space<vmem>>)
            "tpu.trace_stop"() : () -> ()
          } else {
          }
          %rem3A_319 = arith.constant 2 : i32
          %rem3A_320 = arith.remui %while3A_202, %rem3A_319 : i32
          %rem3A_321 = arith.constant 2 : i32
          %rem3A_322 = arith.remui %while3A_204, %rem3A_321 : i32
          %rem3A_323 = arith.constant 2 : i32
          %rem3A_324 = arith.remui %while3A_206, %rem3A_323 : i32
          %eq3A_325 = arith.constant 0 : i32
          "tpu.trace_start"() <{level = 10 : i32, message = "ep_run_kernel"}> : () -> ()
          %eq3A_326 = arith.cmpi eq, %arg0, %eq3A_325 : i32
          %convert_element_type3A_327 = arith.extui %eq3A_326 : i1 to i32
          %cond3A_328 = arith.constant 0 : i32
          %cond3A_329 = arith.cmpi ne, %convert_element_type3A_327, %cond3A_328 : i32
          scf.if %cond3A_329 {
            %run_scoped3A_429 = arith.constant 0 : i32
            "tpu.region"() ({
              %run_scoped3A_430 = tpu.sem_alloc : memref<!tpu.dma_semaphore, #tpu.memory_space<semaphore_mem>>
              %dma_start3A_431 = arith.constant 0 : i32
              %dma_start3A_432 = arith.constant 0 : i32
              %dma_start3A_433 = tpu.memref_slice %run_scoped3A[%rem3A_320, %dma_start3A_431, %dma_start3A_432] : memref<2x128x32xf32, #tpu.memory_space<vmem>> -> memref<1x128x32xf32, #tpu.memory_space<vmem>>
              %dma_start3A_434 = tpu.memref_squeeze %dma_start3A_433 : memref<1x128x32xf32, #tpu.memory_space<vmem>> -> memref<128x32xf32, #tpu.memory_space<vmem>>
              %dma_start3A_435 = arith.constant 0 : i32
              %dma_start3A_436 = arith.constant 0 : i32
              %dma_start3A_437 = tpu.memref_slice %run_scoped3A_21[%rem3A_322, %dma_start3A_435, %dma_start3A_436] : memref<2x1x128xi32, #tpu.memory_space<vmem>> -> memref<1x1x128xi32, #tpu.memory_space<vmem>>
              %dma_start3A_438 = tpu.memref_squeeze %dma_start3A_437 : memref<1x1x128xi32, #tpu.memory_space<vmem>> -> memref<1x128xi32, #tpu.memory_space<vmem>>
              %dma_start3A_439 = arith.constant 0 : i32
              %dma_start3A_440 = tpu.memref_slice %dma_start3A_438[%run_scoped3A_429, %dma_start3A_439] : memref<1x128xi32, #tpu.memory_space<vmem>> -> memref<1x128xi32, #tpu.memory_space<vmem>>
              %dma_start3A_441 = tpu.memref_squeeze %dma_start3A_440 : memref<1x128xi32, #tpu.memory_space<vmem>> -> memref<128xi32, #tpu.memory_space<vmem>>
              %dma_start3A_442 = arith.constant 0 : i32
              %dma_start3A_443 = arith.constant 0 : i32
              %dma_start3A_444 = tpu.memref_slice %arg7[%dma_start3A_442, %dma_start3A_443] : memref<50048x32xf32, #tpu.memory_space<vmem_shared>> -> memref<50048x32xf32, #tpu.memory_space<vmem_shared>>
              tpu.enqueue_indirect_dma source(%dma_start3A_434 : memref<128x32xf32, #tpu.memory_space<vmem>>) target(%dma_start3A_444 : memref<50048x32xf32, #tpu.memory_space<vmem_shared>>) offsets(%dma_start3A_441 : memref<128xi32, #tpu.memory_space<vmem>>) semaphore(%run_scoped3A_430 : memref<!tpu.dma_semaphore, #tpu.memory_space<semaphore_mem>>) {add = true}
              %dma_wait3A = arith.constant 0 : i32
              %dma_wait3A_445 = arith.constant 0 : i32
              %dma_wait3A_446 = tpu.memref_slice %run_scoped3A[%rem3A_320, %dma_wait3A, %dma_wait3A_445] : memref<2x128x32xf32, #tpu.memory_space<vmem>> -> memref<1x128x32xf32, #tpu.memory_space<vmem>>
              %dma_wait3A_447 = tpu.memref_squeeze %dma_wait3A_446 : memref<1x128x32xf32, #tpu.memory_space<vmem>> -> memref<128x32xf32, #tpu.memory_space<vmem>>
              %dma_wait3A_448 = arith.constant 0 : i32
              %dma_wait3A_449 = arith.constant 0 : i32
              %dma_wait3A_450 = tpu.memref_slice %run_scoped3A_21[%rem3A_322, %dma_wait3A_448, %dma_wait3A_449] : memref<2x1x128xi32, #tpu.memory_space<vmem>> -> memref<1x1x128xi32, #tpu.memory_space<vmem>>
              %dma_wait3A_451 = tpu.memref_squeeze %dma_wait3A_450 : memref<1x1x128xi32, #tpu.memory_space<vmem>> -> memref<1x128xi32, #tpu.memory_space<vmem>>
              %dma_wait3A_452 = arith.constant 0 : i32
              %dma_wait3A_453 = tpu.memref_slice %dma_wait3A_451[%run_scoped3A_429, %dma_wait3A_452] : memref<1x128xi32, #tpu.memory_space<vmem>> -> memref<1x128xi32, #tpu.memory_space<vmem>>
              %dma_wait3A_454 = tpu.memref_squeeze %dma_wait3A_453 : memref<1x128xi32, #tpu.memory_space<vmem>> -> memref<128xi32, #tpu.memory_space<vmem>>
              %dma_wait3A_455 = arith.constant 0 : i32
              %dma_wait3A_456 = arith.constant 0 : i32
              %dma_wait3A_457 = tpu.memref_slice %arg7[%dma_wait3A_455, %dma_wait3A_456] : memref<50048x32xf32, #tpu.memory_space<vmem_shared>> -> memref<50048x32xf32, #tpu.memory_space<vmem_shared>>
              tpu.wait_indirect_dma semaphore(%run_scoped3A_430 : memref<!tpu.dma_semaphore, #tpu.memory_space<semaphore_mem>>) src(%dma_wait3A_447 : memref<128x32xf32, #tpu.memory_space<vmem>>) dst(%dma_wait3A_457 : memref<50048x32xf32, #tpu.memory_space<vmem_shared>>)
              tpu.yield
            }) : () -> ()
          } else {
          }
          %eq3A_330 = arith.constant 1 : i32
          %eq3A_331 = arith.cmpi eq, %arg0, %eq3A_330 : i32
          %convert_element_type3A_332 = arith.extui %eq3A_331 : i1 to i32
          %cond3A_333 = arith.constant 0 : i32
          %cond3A_334 = arith.cmpi ne, %convert_element_type3A_332, %cond3A_333 : i32
          scf.if %cond3A_334 {
            %run_scoped3A_429 = arith.constant 0 : i32
            "tpu.region"() ({
              %run_scoped3A_430 = tpu.sem_alloc : memref<!tpu.dma_semaphore, #tpu.memory_space<semaphore_mem>>
              %dma_start3A_431 = arith.constant 0 : i32
              %dma_start3A_432 = arith.constant 0 : i32
              %dma_start3A_433 = tpu.memref_slice %run_scoped3A[%rem3A_320, %dma_start3A_431, %dma_start3A_432] : memref<2x128x32xf32, #tpu.memory_space<vmem>> -> memref<1x128x32xf32, #tpu.memory_space<vmem>>
              %dma_start3A_434 = tpu.memref_squeeze %dma_start3A_433 : memref<1x128x32xf32, #tpu.memory_space<vmem>> -> memref<128x32xf32, #tpu.memory_space<vmem>>
              %dma_start3A_435 = arith.constant 0 : i32
              %dma_start3A_436 = arith.constant 0 : i32
              %dma_start3A_437 = tpu.memref_slice %run_scoped3A_23[%rem3A_324, %dma_start3A_435, %dma_start3A_436] : memref<2x1x128xi32, #tpu.memory_space<vmem>> -> memref<1x1x128xi32, #tpu.memory_space<vmem>>
              %dma_start3A_438 = tpu.memref_squeeze %dma_start3A_437 : memref<1x1x128xi32, #tpu.memory_space<vmem>> -> memref<1x128xi32, #tpu.memory_space<vmem>>
              %dma_start3A_439 = arith.constant 0 : i32
              %dma_start3A_440 = tpu.memref_slice %dma_start3A_438[%run_scoped3A_429, %dma_start3A_439] : memref<1x128xi32, #tpu.memory_space<vmem>> -> memref<1x128xi32, #tpu.memory_space<vmem>>
              %dma_start3A_441 = tpu.memref_squeeze %dma_start3A_440 : memref<1x128xi32, #tpu.memory_space<vmem>> -> memref<128xi32, #tpu.memory_space<vmem>>
              %dma_start3A_442 = arith.constant 0 : i32
              %dma_start3A_443 = arith.constant 0 : i32
              %dma_start3A_444 = tpu.memref_slice %arg7[%dma_start3A_442, %dma_start3A_443] : memref<50048x32xf32, #tpu.memory_space<vmem_shared>> -> memref<50048x32xf32, #tpu.memory_space<vmem_shared>>
              tpu.enqueue_indirect_dma source(%dma_start3A_434 : memref<128x32xf32, #tpu.memory_space<vmem>>) target(%dma_start3A_444 : memref<50048x32xf32, #tpu.memory_space<vmem_shared>>) offsets(%dma_start3A_441 : memref<128xi32, #tpu.memory_space<vmem>>) semaphore(%run_scoped3A_430 : memref<!tpu.dma_semaphore, #tpu.memory_space<semaphore_mem>>) {add = true}
              %dma_wait3A = arith.constant 0 : i32
              %dma_wait3A_445 = arith.constant 0 : i32
              %dma_wait3A_446 = tpu.memref_slice %run_scoped3A[%rem3A_320, %dma_wait3A, %dma_wait3A_445] : memref<2x128x32xf32, #tpu.memory_space<vmem>> -> memref<1x128x32xf32, #tpu.memory_space<vmem>>
              %dma_wait3A_447 = tpu.memref_squeeze %dma_wait3A_446 : memref<1x128x32xf32, #tpu.memory_space<vmem>> -> memref<128x32xf32, #tpu.memory_space<vmem>>
              %dma_wait3A_448 = arith.constant 0 : i32
              %dma_wait3A_449 = arith.constant 0 : i32
              %dma_wait3A_450 = tpu.memref_slice %run_scoped3A_23[%rem3A_324, %dma_wait3A_448, %dma_wait3A_449] : memref<2x1x128xi32, #tpu.memory_space<vmem>> -> memref<1x1x128xi32, #tpu.memory_space<vmem>>
              %dma_wait3A_451 = tpu.memref_squeeze %dma_wait3A_450 : memref<1x1x128xi32, #tpu.memory_space<vmem>> -> memref<1x128xi32, #tpu.memory_space<vmem>>
              %dma_wait3A_452 = arith.constant 0 : i32
              %dma_wait3A_453 = tpu.memref_slice %dma_wait3A_451[%run_scoped3A_429, %dma_wait3A_452] : memref<1x128xi32, #tpu.memory_space<vmem>> -> memref<1x128xi32, #tpu.memory_space<vmem>>
              %dma_wait3A_454 = tpu.memref_squeeze %dma_wait3A_453 : memref<1x128xi32, #tpu.memory_space<vmem>> -> memref<128xi32, #tpu.memory_space<vmem>>
              %dma_wait3A_455 = arith.constant 0 : i32
              %dma_wait3A_456 = arith.constant 0 : i32
              %dma_wait3A_457 = tpu.memref_slice %arg7[%dma_wait3A_455, %dma_wait3A_456] : memref<50048x32xf32, #tpu.memory_space<vmem_shared>> -> memref<50048x32xf32, #tpu.memory_space<vmem_shared>>
              tpu.wait_indirect_dma semaphore(%run_scoped3A_430 : memref<!tpu.dma_semaphore, #tpu.memory_space<semaphore_mem>>) src(%dma_wait3A_447 : memref<128x32xf32, #tpu.memory_space<vmem>>) dst(%dma_wait3A_457 : memref<50048x32xf32, #tpu.memory_space<vmem_shared>>)
              tpu.yield
            }) : () -> ()
          } else {
          }
          "tpu.trace_stop"() : () -> ()
          %ne3A_335 = arith.cmpi ne, %add3A_215, %add3A_233 : i32
          %or3A_336 = arith.constant false
          %or3A_337 = arith.ori %or3A_336, %ne3A_335 : i1
          %or3A_338 = arith.constant false
          %or3A_339 = arith.ori %or3A_337, %or3A_338 : i1
          %or3A_340 = arith.ori %or3A_339, %eq3A_214 : i1
          %convert_element_type3A_341 = arith.extui %or3A_340 : i1 to i32
          %cond3A_342 = arith.constant 0 : i32
          %cond3A_343 = arith.cmpi ne, %convert_element_type3A_341, %cond3A_342 : i32
          scf.if %cond3A_343 {
          } else {
          }
          %and3A_344 = arith.constant false
          %and3A_345 = arith.andi %or3A_340, %and3A_344 : i1
          %ne3A_346 = arith.cmpi ne, %add3A_215, %add3A_233 : i32
          %or3A_347 = arith.constant false
          %or3A_348 = arith.ori %or3A_347, %ne3A_346 : i1
          %or3A_349 = arith.ori %or3A_348, %eq3A_214 : i1
          %convert_element_type3A_350 = arith.extui %or3A_349 : i1 to i32
          %cond3A_351 = arith.constant 0 : i32
          %cond3A_352 = arith.cmpi ne, %convert_element_type3A_350, %cond3A_351 : i32
          scf.if %cond3A_352 {
          } else {
          }
          %and3A_353 = arith.constant false
          %and3A_354 = arith.andi %or3A_349, %and3A_353 : i1
          %ne3A_355 = arith.cmpi ne, %add3A_215, %add3A_233 : i32
          %or3A_356 = arith.constant false
          %or3A_357 = arith.ori %or3A_356, %ne3A_355 : i1
          %or3A_358 = arith.ori %or3A_357, %eq3A_214 : i1
          %convert_element_type3A_359 = arith.extui %or3A_358 : i1 to i32
          %cond3A_360 = arith.constant 0 : i32
          %cond3A_361 = arith.cmpi ne, %convert_element_type3A_359, %cond3A_360 : i32
          scf.if %cond3A_361 {
          } else {
          }
          %and3A_362 = arith.constant false
          %and3A_363 = arith.andi %or3A_358, %and3A_362 : i1
          %ne3A_364 = arith.cmpi ne, %add3A_215, %add3A_225 : i32
          %or3A_365 = arith.constant false
          %or3A_366 = arith.ori %or3A_365, %ne3A_364 : i1
          %or3A_367 = arith.constant false
          %or3A_368 = arith.ori %or3A_366, %or3A_367 : i1
          %not3A_369 = arith.constant true
          %not3A_370 = arith.xori %eq3A_211, %not3A_369 : i1
          %and3A_371 = arith.andi %or3A_368, %not3A_370 : i1
          %convert_element_type3A_372 = arith.extui %and3A_371 : i1 to i32
          %cond3A_373 = arith.constant 0 : i32
          %cond3A_374 = arith.cmpi ne, %convert_element_type3A_372, %cond3A_373 : i32
          scf.if %cond3A_374 {
          } else {
          }
          %and3A_375 = arith.constant false
          %and3A_376 = arith.andi %and3A_371, %and3A_375 : i1
          %ne3A_377 = arith.cmpi ne, %add3A_215, %add3A_225 : i32
          %or3A_378 = arith.constant false
          %or3A_379 = arith.ori %or3A_378, %ne3A_377 : i1
          %not3A_380 = arith.constant true
          %not3A_381 = arith.xori %eq3A_211, %not3A_380 : i1
          %and3A_382 = arith.andi %or3A_379, %not3A_381 : i1
          %convert_element_type3A_383 = arith.extui %and3A_382 : i1 to i32
          %cond3A_384 = arith.constant 0 : i32
          %cond3A_385 = arith.cmpi ne, %convert_element_type3A_383, %cond3A_384 : i32
          scf.if %cond3A_385 {
          } else {
          }
          %and3A_386 = arith.constant false
          %and3A_387 = arith.andi %and3A_382, %and3A_386 : i1
          %ne3A_388 = arith.cmpi ne, %add3A_215, %add3A_225 : i32
          %or3A_389 = arith.constant false
          %or3A_390 = arith.ori %or3A_389, %ne3A_388 : i1
          %not3A_391 = arith.constant true
          %not3A_392 = arith.xori %eq3A_211, %not3A_391 : i1
          %and3A_393 = arith.andi %or3A_390, %not3A_392 : i1
          %convert_element_type3A_394 = arith.extui %and3A_393 : i1 to i32
          %cond3A_395 = arith.constant 0 : i32
          %cond3A_396 = arith.cmpi ne, %convert_element_type3A_394, %cond3A_395 : i32
          scf.if %cond3A_396 {
          } else {
          }
          %and3A_397 = arith.constant false
          %and3A_398 = arith.andi %and3A_393, %and3A_397 : i1
          %ne3A_399 = arith.cmpi ne, %add3A_215, %add3A_233 : i32
          %or3A_400 = arith.constant false
          %or3A_401 = arith.ori %or3A_400, %ne3A_399 : i1
          %or3A_402 = arith.constant false
          %or3A_403 = arith.ori %or3A_401, %or3A_402 : i1
          %or3A_404 = arith.ori %or3A_403, %eq3A_214 : i1
          %add3A_405 = arith.constant 1 : i32
          %add3A_406 = arith.addi %while3A_202, %add3A_405 : i32
          %select_n3A_407 = arith.select %or3A_404, %add3A_406, %while3A_202 : i32
          %ne3A_408 = arith.cmpi ne, %add3A_215, %add3A_233 : i32
          %or3A_409 = arith.constant false
          %or3A_410 = arith.ori %or3A_409, %ne3A_408 : i1
          %or3A_411 = arith.ori %or3A_410, %eq3A_214 : i1
          %add3A_412 = arith.constant 1 : i32
          %add3A_413 = arith.addi %while3A_204, %add3A_412 : i32
          %select_n3A_414 = arith.select %or3A_411, %add3A_413, %while3A_204 : i32
          %ne3A_415 = arith.cmpi ne, %add3A_215, %add3A_233 : i32
          %or3A_416 = arith.constant false
          %or3A_417 = arith.ori %or3A_416, %ne3A_415 : i1
          %or3A_418 = arith.ori %or3A_417, %eq3A_214 : i1
          %add3A_419 = arith.constant 1 : i32
          %add3A_420 = arith.addi %while3A_206, %add3A_419 : i32
          %select_n3A_421 = arith.select %or3A_418, %add3A_420, %while3A_206 : i32
          %add3A_422 = arith.constant 1 : i32
          %add3A_423 = arith.addi %while3A_207, %add3A_422 : i32
          %select_n3A_424 = arith.constant true
          %select_n3A_425 = arith.select %select_n3A_424, %add3A_423, %while3A_207 : i32
          %eq3A_426 = arith.cmpi eq, %select_n3A_425, %select_n3A : i32
          %select_n3A_427 = arith.constant 0 : i32
          %select_n3A_428 = arith.select %eq3A_426, %select_n3A_427, %select_n3A_425 : i32
          scf.yield %select_n3A_257, %select_n3A_407, %select_n3A_276, %select_n3A_414, %select_n3A_295, %select_n3A_421, %select_n3A_428 : i32, i32, i32, i32, i32, i32, i32
        }
        %sub3A_146 = arith.constant 1 : i32
        %sub3A_147 = arith.subi %while3A_145#6, %sub3A_146 : i32
        %select_n3A_148 = arith.constant true
        %select_n3A_149 = arith.select %select_n3A_148, %sub3A_147, %while3A_145#6 : i32
        %eq3A_150 = arith.constant -1 : i32
        %eq3A_151 = arith.cmpi eq, %select_n3A_149, %eq3A_150 : i32
        %sub3A_152 = arith.constant 1 : i32
        %sub3A_153 = arith.subi %select_n3A, %sub3A_152 : i32
        %select_n3A_154 = arith.select %eq3A_151, %sub3A_153, %select_n3A_149 : i32
        %sub3A_155 = arith.constant 1 : i32
        %sub3A_156 = arith.subi %mul3A_13, %sub3A_155 : i32
        %mul3A_157 = arith.constant 1 : i32
        %mul3A_158 = arith.muli %mul3A_157, %select_n3A : i32
        %eq3A_159 = arith.constant 0 : i32
        %eq3A_160 = arith.cmpi eq, %sub3A_156, %eq3A_159 : i32
        %sub3A_161 = arith.constant 1 : i32
        %sub3A_162 = arith.subi %mul3A_158, %sub3A_161 : i32
        %eq3A_163 = arith.cmpi eq, %sub3A_156, %sub3A_162 : i32
        %add3A_164 = arith.addi %select_n3A_154, %select_n3A_11 : i32
        %sub3A_165 = arith.constant 1 : i32
        %sub3A_166 = arith.subi %select_n3A_154, %sub3A_165 : i32
        %select_n3A_167 = arith.constant true
        %select_n3A_168 = arith.select %select_n3A_167, %sub3A_166, %select_n3A_154 : i32
        %eq3A_169 = arith.constant -1 : i32
        %eq3A_170 = arith.cmpi eq, %select_n3A_168, %eq3A_169 : i32
        %sub3A_171 = arith.constant 1 : i32
        %sub3A_172 = arith.subi %select_n3A, %sub3A_171 : i32
        %select_n3A_173 = arith.select %eq3A_170, %sub3A_172, %select_n3A_168 : i32
        %add3A_174 = arith.addi %select_n3A_173, %select_n3A_11 : i32
        %add3A_175 = arith.constant 1 : i32
        %add3A_176 = arith.addi %select_n3A_154, %add3A_175 : i32
        %select_n3A_177 = arith.constant true
        %select_n3A_178 = arith.select %select_n3A_177, %add3A_176, %select_n3A_154 : i32
        %eq3A_179 = arith.cmpi eq, %select_n3A_178, %select_n3A : i32
        %select_n3A_180 = arith.constant 0 : i32
        %select_n3A_181 = arith.select %eq3A_179, %select_n3A_180, %select_n3A_178 : i32
        %add3A_182 = arith.addi %select_n3A_181, %select_n3A_11 : i32
        %add3A_183 = arith.constant 1 : i32
        %add3A_184 = arith.addi %select_n3A_181, %add3A_183 : i32
        %select_n3A_185 = arith.constant true
        %select_n3A_186 = arith.select %select_n3A_185, %add3A_184, %select_n3A_181 : i32
        %eq3A_187 = arith.cmpi eq, %select_n3A_186, %select_n3A : i32
        %select_n3A_188 = arith.constant 0 : i32
        %select_n3A_189 = arith.select %eq3A_187, %select_n3A_188, %select_n3A_186 : i32
        %add3A_190 = arith.addi %select_n3A_189, %select_n3A_11 : i32
        %convert_element_type3A_191 = arith.extui %eq3A_163 : i1 to i32
        %cond3A_192 = arith.constant 0 : i32
        %cond3A_193 = arith.cmpi ne, %convert_element_type3A_191, %cond3A_192 : i32
        scf.if %cond3A_193 {
        } else {
        }
        %convert_element_type3A_194 = arith.extui %eq3A_163 : i1 to i32
        %cond3A_195 = arith.constant 0 : i32
        %cond3A_196 = arith.cmpi ne, %convert_element_type3A_194, %cond3A_195 : i32
        scf.if %cond3A_196 {
        } else {
        }
        %convert_element_type3A_197 = arith.extui %eq3A_163 : i1 to i32
        %cond3A_198 = arith.constant 0 : i32
        %cond3A_199 = arith.cmpi ne, %convert_element_type3A_197, %cond3A_198 : i32
        scf.if %cond3A_199 {
        } else {
        }
      } else {
      }
      tpu.yield
    }) : () -> ()
    %barrier3A_14 = arith.constant 0 : index
    tpu.barrier barrier_id(%barrier3A_14)
    %scan3A_15 = arith.constant 0 : i32
    %scan3A_16 = arith.constant 391 : i32
    %scan3A_17 = arith.addi %scan3A_15, %scan3A_16 : i32
    %scan3A_18 = arith.constant 1 : i32
    scf.for %scan3A_20 = %scan3A_15 to %scan3A_17 step %scan3A_18  : i32 {
      %mul3A_21 = arith.constant 1 : i32
      %mul3A_22 = arith.muli %scan3A_20, %mul3A_21 : i32
      %add3A_23 = arith.constant 0 : i32
      %add3A_24 = arith.addi %add3A_23, %mul3A_22 : i32
      %mul3A_25 = arith.constant 3128 : i32
      %mul3A_26 = arith.muli %arg1, %mul3A_25 : i32
      %mul3A_27 = arith.constant 8 : i32
      %mul3A_28 = arith.muli %add3A_24, %mul3A_27 : i32
      %add3A_29 = arith.addi %mul3A_26, %mul3A_28 : i32
      "tpu.region"() ({
        %run_scoped3A = tpu.sem_alloc : memref<!tpu.dma_semaphore, #tpu.memory_space<semaphore_mem>>
        %dma_start3A = arith.constant 0 : i32
        %dma_start3A_212 = tpu.memref_slice %arg7[%add3A_29, %dma_start3A] : memref<50048x32xf32, #tpu.memory_space<vmem_shared>> -> memref<8x32xf32, #tpu.memory_space<vmem_shared>>
        %dma_start3A_213 = arith.constant 0 : i32
        %dma_start3A_214 = tpu.memref_slice %arg7[%add3A_29, %dma_start3A_213] : memref<50048x32xf32, #tpu.memory_space<vmem_shared>> -> memref<8x32xf32, #tpu.memory_space<vmem_shared>>
        tpu.enqueue_dma source(%dma_start3A_214 : memref<8x32xf32, #tpu.memory_space<vmem_shared>>) target(%arg8 : memref<8x32xf32, #tpu.memory_space<vmem>>) target_semaphore(%run_scoped3A : memref<!tpu.dma_semaphore, #tpu.memory_space<semaphore_mem>>)
        %dma_wait3A = arith.constant 0 : i32
        %dma_wait3A_215 = tpu.memref_slice %arg7[%add3A_29, %dma_wait3A] : memref<50048x32xf32, #tpu.memory_space<vmem_shared>> -> memref<8x32xf32, #tpu.memory_space<vmem_shared>>
        %dma_wait3A_216 = arith.constant 0 : i32
        %dma_wait3A_217 = tpu.memref_slice %arg7[%add3A_29, %dma_wait3A_216] : memref<50048x32xf32, #tpu.memory_space<vmem_shared>> -> memref<8x32xf32, #tpu.memory_space<vmem_shared>>
        tpu.wait_dma2 semaphore(%run_scoped3A : memref<!tpu.dma_semaphore, #tpu.memory_space<semaphore_mem>>) src(%dma_wait3A_217 : memref<8x32xf32, #tpu.memory_space<vmem_shared>>) dst(%arg8 : memref<8x32xf32, #tpu.memory_space<vmem>>)
        tpu.yield
      }) : () -> ()
      %get3A = arith.constant 0 : i32
      %get3A_30 = arith.index_cast %get3A : i32 to index
      %get3A_31 = arith.constant 0 : index
      %get3A_32 = tpu.vector_load %arg8[%get3A_30, %get3A_31] {strides = array<i32>} : memref<8x32xf32, #tpu.memory_space<vmem>>, vector<1x16xf32>,
      %get3A_33 = vector.shape_cast %get3A_32 : vector<1x16xf32> to vector<16xf32>
      %swap3A = arith.constant 0 : i32
      %swap3A_34 = arith.index_cast %swap3A : i32 to index
      %swap3A_35 = arith.constant 0 : index
      %swap3A_36 = tpu.vector_load %arg9[%swap3A_34, %swap3A_35] {strides = array<i32>} : memref<8x128xf32, #tpu.memory_space<vmem>>, vector<1x16xf32>,
      %swap3A_37 = vector.shape_cast %swap3A_36 : vector<1x16xf32> to vector<16xf32>
      %swap3A_38 = vector.shape_cast %get3A_33 : vector<16xf32> to vector<1x16xf32>
      tpu.vector_store %arg9[%swap3A_34, %swap3A_35], %swap3A_38 {strides = array<i32>} : memref<8x128xf32, #tpu.memory_space<vmem>>, vector<1x16xf32>,
      %get3A_39 = arith.constant 0 : i32
      %get3A_40 = arith.index_cast %get3A_39 : i32 to index
      %get3A_41 = arith.constant 16 : index
      %get3A_42 = tpu.vector_load %arg8[%get3A_40, %get3A_41] {strides = array<i32>} : memref<8x32xf32, #tpu.memory_space<vmem>>, vector<1x16xf32>,
      %get3A_43 = vector.shape_cast %get3A_42 : vector<1x16xf32> to vector<16xf32>
      %swap3A_44 = arith.constant 0 : i32
      %swap3A_45 = arith.index_cast %swap3A_44 : i32 to index
      %swap3A_46 = arith.constant 16 : index
      %swap3A_47 = tpu.vector_load %arg9[%swap3A_45, %swap3A_46] {strides = array<i32>} : memref<8x128xf32, #tpu.memory_space<vmem>>, vector<1x16xf32>,
      %swap3A_48 = vector.shape_cast %swap3A_47 : vector<1x16xf32> to vector<16xf32>
      %swap3A_49 = vector.shape_cast %get3A_43 : vector<16xf32> to vector<1x16xf32>
      tpu.vector_store %arg9[%swap3A_45, %swap3A_46], %swap3A_49 {strides = array<i32>} : memref<8x128xf32, #tpu.memory_space<vmem>>, vector<1x16xf32>,
      %get3A_50 = arith.constant 1 : i32
      %get3A_51 = arith.index_cast %get3A_50 : i32 to index
      %get3A_52 = arith.constant 0 : index
      %get3A_53 = tpu.vector_load %arg8[%get3A_51, %get3A_52] {strides = array<i32>} : memref<8x32xf32, #tpu.memory_space<vmem>>, vector<1x16xf32>,
      %get3A_54 = vector.shape_cast %get3A_53 : vector<1x16xf32> to vector<16xf32>
      %swap3A_55 = arith.constant 1 : i32
      %swap3A_56 = arith.index_cast %swap3A_55 : i32 to index
      %swap3A_57 = arith.constant 0 : index
      %swap3A_58 = tpu.vector_load %arg9[%swap3A_56, %swap3A_57] {strides = array<i32>} : memref<8x128xf32, #tpu.memory_space<vmem>>, vector<1x16xf32>,
      %swap3A_59 = vector.shape_cast %swap3A_58 : vector<1x16xf32> to vector<16xf32>
      %swap3A_60 = vector.shape_cast %get3A_54 : vector<16xf32> to vector<1x16xf32>
      tpu.vector_store %arg9[%swap3A_56, %swap3A_57], %swap3A_60 {strides = array<i32>} : memref<8x128xf32, #tpu.memory_space<vmem>>, vector<1x16xf32>,
      %get3A_61 = arith.constant 1 : i32
      %get3A_62 = arith.index_cast %get3A_61 : i32 to index
      %get3A_63 = arith.constant 16 : index
      %get3A_64 = tpu.vector_load %arg8[%get3A_62, %get3A_63] {strides = array<i32>} : memref<8x32xf32, #tpu.memory_space<vmem>>, vector<1x16xf32>,
      %get3A_65 = vector.shape_cast %get3A_64 : vector<1x16xf32> to vector<16xf32>
      %swap3A_66 = arith.constant 1 : i32
      %swap3A_67 = arith.index_cast %swap3A_66 : i32 to index
      %swap3A_68 = arith.constant 16 : index
      %swap3A_69 = tpu.vector_load %arg9[%swap3A_67, %swap3A_68] {strides = array<i32>} : memref<8x128xf32, #tpu.memory_space<vmem>>, vector<1x16xf32>,
      %swap3A_70 = vector.shape_cast %swap3A_69 : vector<1x16xf32> to vector<16xf32>
      %swap3A_71 = vector.shape_cast %get3A_65 : vector<16xf32> to vector<1x16xf32>
      tpu.vector_store %arg9[%swap3A_67, %swap3A_68], %swap3A_71 {strides = array<i32>} : memref<8x128xf32, #tpu.memory_space<vmem>>, vector<1x16xf32>,
      %get3A_72 = arith.constant 2 : i32
      %get3A_73 = arith.index_cast %get3A_72 : i32 to index
      %get3A_74 = arith.constant 0 : index
      %get3A_75 = tpu.vector_load %arg8[%get3A_73, %get3A_74] {strides = array<i32>} : memref<8x32xf32, #tpu.memory_space<vmem>>, vector<1x16xf32>,
      %get3A_76 = vector.shape_cast %get3A_75 : vector<1x16xf32> to vector<16xf32>
      %swap3A_77 = arith.constant 2 : i32
      %swap3A_78 = arith.index_cast %swap3A_77 : i32 to index
      %swap3A_79 = arith.constant 0 : index
      %swap3A_80 = tpu.vector_load %arg9[%swap3A_78, %swap3A_79] {strides = array<i32>} : memref<8x128xf32, #tpu.memory_space<vmem>>, vector<1x16xf32>,
      %swap3A_81 = vector.shape_cast %swap3A_80 : vector<1x16xf32> to vector<16xf32>
      %swap3A_82 = vector.shape_cast %get3A_76 : vector<16xf32> to vector<1x16xf32>
      tpu.vector_store %arg9[%swap3A_78, %swap3A_79], %swap3A_82 {strides = array<i32>} : memref<8x128xf32, #tpu.memory_space<vmem>>, vector<1x16xf32>,
      %get3A_83 = arith.constant 2 : i32
      %get3A_84 = arith.index_cast %get3A_83 : i32 to index
      %get3A_85 = arith.constant 16 : index
      %get3A_86 = tpu.vector_load %arg8[%get3A_84, %get3A_85] {strides = array<i32>} : memref<8x32xf32, #tpu.memory_space<vmem>>, vector<1x16xf32>,
      %get3A_87 = vector.shape_cast %get3A_86 : vector<1x16xf32> to vector<16xf32>
      %swap3A_88 = arith.constant 2 : i32
      %swap3A_89 = arith.index_cast %swap3A_88 : i32 to index
      %swap3A_90 = arith.constant 16 : index
      %swap3A_91 = tpu.vector_load %arg9[%swap3A_89, %swap3A_90] {strides = array<i32>} : memref<8x128xf32, #tpu.memory_space<vmem>>, vector<1x16xf32>,
      %swap3A_92 = vector.shape_cast %swap3A_91 : vector<1x16xf32> to vector<16xf32>
      %swap3A_93 = vector.shape_cast %get3A_87 : vector<16xf32> to vector<1x16xf32>
      tpu.vector_store %arg9[%swap3A_89, %swap3A_90], %swap3A_93 {strides = array<i32>} : memref<8x128xf32, #tpu.memory_space<vmem>>, vector<1x16xf32>,
      %get3A_94 = arith.constant 3 : i32
      %get3A_95 = arith.index_cast %get3A_94 : i32 to index
      %get3A_96 = arith.constant 0 : index
      %get3A_97 = tpu.vector_load %arg8[%get3A_95, %get3A_96] {strides = array<i32>} : memref<8x32xf32, #tpu.memory_space<vmem>>, vector<1x16xf32>,
      %get3A_98 = vector.shape_cast %get3A_97 : vector<1x16xf32> to vector<16xf32>
      %swap3A_99 = arith.constant 3 : i32
      %swap3A_100 = arith.index_cast %swap3A_99 : i32 to index
      %swap3A_101 = arith.constant 0 : index
      %swap3A_102 = tpu.vector_load %arg9[%swap3A_100, %swap3A_101] {strides = array<i32>} : memref<8x128xf32, #tpu.memory_space<vmem>>, vector<1x16xf32>,
      %swap3A_103 = vector.shape_cast %swap3A_102 : vector<1x16xf32> to vector<16xf32>
      %swap3A_104 = vector.shape_cast %get3A_98 : vector<16xf32> to vector<1x16xf32>
      tpu.vector_store %arg9[%swap3A_100, %swap3A_101], %swap3A_104 {strides = array<i32>} : memref<8x128xf32, #tpu.memory_space<vmem>>, vector<1x16xf32>,
      %get3A_105 = arith.constant 3 : i32
      %get3A_106 = arith.index_cast %get3A_105 : i32 to index
      %get3A_107 = arith.constant 16 : index
      %get3A_108 = tpu.vector_load %arg8[%get3A_106, %get3A_107] {strides = array<i32>} : memref<8x32xf32, #tpu.memory_space<vmem>>, vector<1x16xf32>,
      %get3A_109 = vector.shape_cast %get3A_108 : vector<1x16xf32> to vector<16xf32>
      %swap3A_110 = arith.constant 3 : i32
      %swap3A_111 = arith.index_cast %swap3A_110 : i32 to index
      %swap3A_112 = arith.constant 16 : index
      %swap3A_113 = tpu.vector_load %arg9[%swap3A_111, %swap3A_112] {strides = array<i32>} : memref<8x128xf32, #tpu.memory_space<vmem>>, vector<1x16xf32>,
      %swap3A_114 = vector.shape_cast %swap3A_113 : vector<1x16xf32> to vector<16xf32>
      %swap3A_115 = vector.shape_cast %get3A_109 : vector<16xf32> to vector<1x16xf32>
      tpu.vector_store %arg9[%swap3A_111, %swap3A_112], %swap3A_115 {strides = array<i32>} : memref<8x128xf32, #tpu.memory_space<vmem>>, vector<1x16xf32>,
      %get3A_116 = arith.constant 4 : i32
      %get3A_117 = arith.index_cast %get3A_116 : i32 to index
      %get3A_118 = arith.constant 0 : index
      %get3A_119 = tpu.vector_load %arg8[%get3A_117, %get3A_118] {strides = array<i32>} : memref<8x32xf32, #tpu.memory_space<vmem>>, vector<1x16xf32>,
      %get3A_120 = vector.shape_cast %get3A_119 : vector<1x16xf32> to vector<16xf32>
      %swap3A_121 = arith.constant 4 : i32
      %swap3A_122 = arith.index_cast %swap3A_121 : i32 to index
      %swap3A_123 = arith.constant 0 : index
      %swap3A_124 = tpu.vector_load %arg9[%swap3A_122, %swap3A_123] {strides = array<i32>} : memref<8x128xf32, #tpu.memory_space<vmem>>, vector<1x16xf32>,
      %swap3A_125 = vector.shape_cast %swap3A_124 : vector<1x16xf32> to vector<16xf32>
      %swap3A_126 = vector.shape_cast %get3A_120 : vector<16xf32> to vector<1x16xf32>
      tpu.vector_store %arg9[%swap3A_122, %swap3A_123], %swap3A_126 {strides = array<i32>} : memref<8x128xf32, #tpu.memory_space<vmem>>, vector<1x16xf32>,
      %get3A_127 = arith.constant 4 : i32
      %get3A_128 = arith.index_cast %get3A_127 : i32 to index
      %get3A_129 = arith.constant 16 : index
      %get3A_130 = tpu.vector_load %arg8[%get3A_128, %get3A_129] {strides = array<i32>} : memref<8x32xf32, #tpu.memory_space<vmem>>, vector<1x16xf32>,
      %get3A_131 = vector.shape_cast %get3A_130 : vector<1x16xf32> to vector<16xf32>
      %swap3A_132 = arith.constant 4 : i32
      %swap3A_133 = arith.index_cast %swap3A_132 : i32 to index
      %swap3A_134 = arith.constant 16 : index
      %swap3A_135 = tpu.vector_load %arg9[%swap3A_133, %swap3A_134] {strides = array<i32>} : memref<8x128xf32, #tpu.memory_space<vmem>>, vector<1x16xf32>,
      %swap3A_136 = vector.shape_cast %swap3A_135 : vector<1x16xf32> to vector<16xf32>
      %swap3A_137 = vector.shape_cast %get3A_131 : vector<16xf32> to vector<1x16xf32>
      tpu.vector_store %arg9[%swap3A_133, %swap3A_134], %swap3A_137 {strides = array<i32>} : memref<8x128xf32, #tpu.memory_space<vmem>>, vector<1x16xf32>,
      %get3A_138 = arith.constant 5 : i32
      %get3A_139 = arith.index_cast %get3A_138 : i32 to index
      %get3A_140 = arith.constant 0 : index
      %get3A_141 = tpu.vector_load %arg8[%get3A_139, %get3A_140] {strides = array<i32>} : memref<8x32xf32, #tpu.memory_space<vmem>>, vector<1x16xf32>,
      %get3A_142 = vector.shape_cast %get3A_141 : vector<1x16xf32> to vector<16xf32>
      %swap3A_143 = arith.constant 5 : i32
      %swap3A_144 = arith.index_cast %swap3A_143 : i32 to index
      %swap3A_145 = arith.constant 0 : index
      %swap3A_146 = tpu.vector_load %arg9[%swap3A_144, %swap3A_145] {strides = array<i32>} : memref<8x128xf32, #tpu.memory_space<vmem>>, vector<1x16xf32>,
      %swap3A_147 = vector.shape_cast %swap3A_146 : vector<1x16xf32> to vector<16xf32>
      %swap3A_148 = vector.shape_cast %get3A_142 : vector<16xf32> to vector<1x16xf32>
      tpu.vector_store %arg9[%swap3A_144, %swap3A_145], %swap3A_148 {strides = array<i32>} : memref<8x128xf32, #tpu.memory_space<vmem>>, vector<1x16xf32>,
      %get3A_149 = arith.constant 5 : i32
      %get3A_150 = arith.index_cast %get3A_149 : i32 to index
      %get3A_151 = arith.constant 16 : index
      %get3A_152 = tpu.vector_load %arg8[%get3A_150, %get3A_151] {strides = array<i32>} : memref<8x32xf32, #tpu.memory_space<vmem>>, vector<1x16xf32>,
      %get3A_153 = vector.shape_cast %get3A_152 : vector<1x16xf32> to vector<16xf32>
      %swap3A_154 = arith.constant 5 : i32
      %swap3A_155 = arith.index_cast %swap3A_154 : i32 to index
      %swap3A_156 = arith.constant 16 : index
      %swap3A_157 = tpu.vector_load %arg9[%swap3A_155, %swap3A_156] {strides = array<i32>} : memref<8x128xf32, #tpu.memory_space<vmem>>, vector<1x16xf32>,
      %swap3A_158 = vector.shape_cast %swap3A_157 : vector<1x16xf32> to vector<16xf32>
      %swap3A_159 = vector.shape_cast %get3A_153 : vector<16xf32> to vector<1x16xf32>
      tpu.vector_store %arg9[%swap3A_155, %swap3A_156], %swap3A_159 {strides = array<i32>} : memref<8x128xf32, #tpu.memory_space<vmem>>, vector<1x16xf32>,
      %get3A_160 = arith.constant 6 : i32
      %get3A_161 = arith.index_cast %get3A_160 : i32 to index
      %get3A_162 = arith.constant 0 : index
      %get3A_163 = tpu.vector_load %arg8[%get3A_161, %get3A_162] {strides = array<i32>} : memref<8x32xf32, #tpu.memory_space<vmem>>, vector<1x16xf32>,
      %get3A_164 = vector.shape_cast %get3A_163 : vector<1x16xf32> to vector<16xf32>
      %swap3A_165 = arith.constant 6 : i32
      %swap3A_166 = arith.index_cast %swap3A_165 : i32 to index
      %swap3A_167 = arith.constant 0 : index
      %swap3A_168 = tpu.vector_load %arg9[%swap3A_166, %swap3A_167] {strides = array<i32>} : memref<8x128xf32, #tpu.memory_space<vmem>>, vector<1x16xf32>,
      %swap3A_169 = vector.shape_cast %swap3A_168 : vector<1x16xf32> to vector<16xf32>
      %swap3A_170 = vector.shape_cast %get3A_164 : vector<16xf32> to vector<1x16xf32>
      tpu.vector_store %arg9[%swap3A_166, %swap3A_167], %swap3A_170 {strides = array<i32>} : memref<8x128xf32, #tpu.memory_space<vmem>>, vector<1x16xf32>,
      %get3A_171 = arith.constant 6 : i32
      %get3A_172 = arith.index_cast %get3A_171 : i32 to index
      %get3A_173 = arith.constant 16 : index
      %get3A_174 = tpu.vector_load %arg8[%get3A_172, %get3A_173] {strides = array<i32>} : memref<8x32xf32, #tpu.memory_space<vmem>>, vector<1x16xf32>,
      %get3A_175 = vector.shape_cast %get3A_174 : vector<1x16xf32> to vector<16xf32>
      %swap3A_176 = arith.constant 6 : i32
      %swap3A_177 = arith.index_cast %swap3A_176 : i32 to index
      %swap3A_178 = arith.constant 16 : index
      %swap3A_179 = tpu.vector_load %arg9[%swap3A_177, %swap3A_178] {strides = array<i32>} : memref<8x128xf32, #tpu.memory_space<vmem>>, vector<1x16xf32>,
      %swap3A_180 = vector.shape_cast %swap3A_179 : vector<1x16xf32> to vector<16xf32>
      %swap3A_181 = vector.shape_cast %get3A_175 : vector<16xf32> to vector<1x16xf32>
      tpu.vector_store %arg9[%swap3A_177, %swap3A_178], %swap3A_181 {strides = array<i32>} : memref<8x128xf32, #tpu.memory_space<vmem>>, vector<1x16xf32>,
      %get3A_182 = arith.constant 7 : i32
      %get3A_183 = arith.index_cast %get3A_182 : i32 to index
      %get3A_184 = arith.constant 0 : index
      %get3A_185 = tpu.vector_load %arg8[%get3A_183, %get3A_184] {strides = array<i32>} : memref<8x32xf32, #tpu.memory_space<vmem>>, vector<1x16xf32>,
      %get3A_186 = vector.shape_cast %get3A_185 : vector<1x16xf32> to vector<16xf32>
      %swap3A_187 = arith.constant 7 : i32
      %swap3A_188 = arith.index_cast %swap3A_187 : i32 to index
      %swap3A_189 = arith.constant 0 : index
      %swap3A_190 = tpu.vector_load %arg9[%swap3A_188, %swap3A_189] {strides = array<i32>} : memref<8x128xf32, #tpu.memory_space<vmem>>, vector<1x16xf32>,
      %swap3A_191 = vector.shape_cast %swap3A_190 : vector<1x16xf32> to vector<16xf32>
      %swap3A_192 = vector.shape_cast %get3A_186 : vector<16xf32> to vector<1x16xf32>
      tpu.vector_store %arg9[%swap3A_188, %swap3A_189], %swap3A_192 {strides = array<i32>} : memref<8x128xf32, #tpu.memory_space<vmem>>, vector<1x16xf32>,
      %get3A_193 = arith.constant 7 : i32
      %get3A_194 = arith.index_cast %get3A_193 : i32 to index
      %get3A_195 = arith.constant 16 : index
      %get3A_196 = tpu.vector_load %arg8[%get3A_194, %get3A_195] {strides = array<i32>} : memref<8x32xf32, #tpu.memory_space<vmem>>, vector<1x16xf32>,
      %get3A_197 = vector.shape_cast %get3A_196 : vector<1x16xf32> to vector<16xf32>
      %swap3A_198 = arith.constant 7 : i32
      %swap3A_199 = arith.index_cast %swap3A_198 : i32 to index
      %swap3A_200 = arith.constant 16 : index
      %swap3A_201 = tpu.vector_load %arg9[%swap3A_199, %swap3A_200] {strides = array<i32>} : memref<8x128xf32, #tpu.memory_space<vmem>>, vector<1x16xf32>,
      %swap3A_202 = vector.shape_cast %swap3A_201 : vector<1x16xf32> to vector<16xf32>
      %swap3A_203 = vector.shape_cast %get3A_197 : vector<16xf32> to vector<1x16xf32>
      tpu.vector_store %arg9[%swap3A_199, %swap3A_200], %swap3A_203 {strides = array<i32>} : memref<8x128xf32, #tpu.memory_space<vmem>>, vector<1x16xf32>,
      %mul3A_204 = arith.constant 50048 : i32
      %mul3A_205 = arith.muli %arg0, %mul3A_204 : i32
      %mul3A_206 = arith.constant 3128 : i32
      %mul3A_207 = arith.muli %arg1, %mul3A_206 : i32
      %add3A_208 = arith.addi %mul3A_205, %mul3A_207 : i32
      %mul3A_209 = arith.constant 8 : i32
      %mul3A_210 = arith.muli %add3A_24, %mul3A_209 : i32
      %add3A_211 = arith.addi %add3A_208, %mul3A_210 : i32
      "tpu.region"() ({
        %run_scoped3A = tpu.sem_alloc : memref<!tpu.dma_semaphore, #tpu.memory_space<semaphore_mem>>
        %dma_start3A = arith.constant 0 : i32
        %dma_start3A_212 = tpu.memref_slice %arg6[%add3A_211, %dma_start3A] : memref<100096x128xf32, #tpu.memory_space<hbm>> -> memref<8x128xf32, #tpu.memory_space<hbm>>
        %dma_start3A_213 = arith.constant 0 : i32
        %dma_start3A_214 = tpu.memref_slice %arg6[%add3A_211, %dma_start3A_213] : memref<100096x128xf32, #tpu.memory_space<hbm>> -> memref<8x128xf32, #tpu.memory_space<hbm>>
        tpu.enqueue_dma source(%arg9 : memref<8x128xf32, #tpu.memory_space<vmem>>) target(%dma_start3A_214 : memref<8x128xf32, #tpu.memory_space<hbm>>) target_semaphore(%run_scoped3A : memref<!tpu.dma_semaphore, #tpu.memory_space<semaphore_mem>>)
        %dma_wait3A = arith.constant 0 : i32
        %dma_wait3A_215 = tpu.memref_slice %arg6[%add3A_211, %dma_wait3A] : memref<100096x128xf32, #tpu.memory_space<hbm>> -> memref<8x128xf32, #tpu.memory_space<hbm>>
        %dma_wait3A_216 = arith.constant 0 : i32
        %dma_wait3A_217 = tpu.memref_slice %arg6[%add3A_211, %dma_wait3A_216] : memref<100096x128xf32, #tpu.memory_space<hbm>> -> memref<8x128xf32, #tpu.memory_space<hbm>>
        tpu.wait_dma2 semaphore(%run_scoped3A : memref<!tpu.dma_semaphore, #tpu.memory_space<semaphore_mem>>) src(%arg9 : memref<8x128xf32, #tpu.memory_space<vmem>>) dst(%dma_wait3A_217 : memref<8x128xf32, #tpu.memory_space<hbm>>)
        tpu.yield
      }) : () -> ()
    }
    %scan3A_19 = arith.constant 391 : i32
    return
  }
}

#map = affine_map<(d0, d1) -> (0, 0)>
module attributes {stable_mosaic.version = 14 : i64} {
  func.func @scatter_kernel(%arg0: i32, %arg1: i32, %arg2: memref<1600000x128xf32, #tpu.memory_space<hbm>>, %arg3: memref<1x1600000xi32, #tpu.memory_space<hbm>>, %arg4: memref<1x1600000xi32, #tpu.memory_space<hbm>>, %arg5: memref<8x16xf32, #tpu.memory_space<hbm>>, %arg6: memref<100096x128xf32, #tpu.memory_space<hbm>>, %arg7: memref<50048x16xf32, #tpu.memory_space<vmem_shared>>, %arg8: memref<8x16xf32, #tpu.memory_space<vmem>>, %arg9: memref<8x128xf32, #tpu.memory_space<vmem>>) attributes {dimension_semantics = [#tpu.dimension_semantics<core_parallel>, #tpu.dimension_semantics<subcore_parallel>], iteration_bounds = array<i64: 2, 16>, scalar_prefetch = 0 : i64, scratch_operands = 3 : i64, tpu.core_type = #tpu.core_type<sc_vector_subcore>, window_params = [{transform_indices = #map}, {transform_indices = #map}, {transform_indices = #map}, {transform_indices = #map}, {transform_indices = #map}]} {
    "tpu.region"() ({
      %run_scoped3A = tpu.sem_alloc : memref<!tpu.dma_semaphore, #tpu.memory_space<semaphore_mem>>
      tpu.enqueue_dma source(%arg5 : memref<8x16xf32, #tpu.memory_space<hbm>>) target(%arg8 : memref<8x16xf32, #tpu.memory_space<vmem>>) target_semaphore(%run_scoped3A : memref<!tpu.dma_semaphore, #tpu.memory_space<semaphore_mem>>)
      tpu.wait_dma2 semaphore(%run_scoped3A : memref<!tpu.dma_semaphore, #tpu.memory_space<semaphore_mem>>) src(%arg5 : memref<8x16xf32, #tpu.memory_space<hbm>>) dst(%arg8 : memref<8x16xf32, #tpu.memory_space<vmem>>)
      tpu.yield
    }) : () -> ()
    %scan3A = arith.constant 0 : i32
    %scan3A_0 = arith.constant 391 : i32
    %scan3A_1 = arith.addi %scan3A, %scan3A_0 : i32
    %scan3A_2 = arith.constant 1 : i32
    scf.for %scan3A_20 = %scan3A to %scan3A_1 step %scan3A_2  : i32 {
      %mul3A_21 = arith.constant 1 : i32
      %mul3A_22 = arith.muli %scan3A_20, %mul3A_21 : i32
      %add3A_23 = arith.constant 0 : i32
      %add3A_24 = arith.addi %add3A_23, %mul3A_22 : i32
      %mul3A_25 = arith.constant 3128 : i32
      %mul3A_26 = arith.muli %arg1, %mul3A_25 : i32
      %mul3A_27 = arith.constant 8 : i32
      %mul3A_28 = arith.muli %add3A_24, %mul3A_27 : i32
      %add3A_29 = arith.addi %mul3A_26, %mul3A_28 : i32
      "tpu.region"() ({
        %run_scoped3A = tpu.sem_alloc : memref<!tpu.dma_semaphore, #tpu.memory_space<semaphore_mem>>
        %dma_start3A = arith.constant 0 : i32
        %dma_start3A_30 = tpu.memref_slice %arg7[%add3A_29, %dma_start3A] : memref<50048x16xf32, #tpu.memory_space<vmem_shared>> -> memref<8x16xf32, #tpu.memory_space<vmem_shared>>
        %dma_start3A_31 = arith.constant 0 : i32
        %dma_start3A_32 = tpu.memref_slice %arg7[%add3A_29, %dma_start3A_31] : memref<50048x16xf32, #tpu.memory_space<vmem_shared>> -> memref<8x16xf32, #tpu.memory_space<vmem_shared>>
        tpu.enqueue_dma source(%arg8 : memref<8x16xf32, #tpu.memory_space<vmem>>) target(%dma_start3A_32 : memref<8x16xf32, #tpu.memory_space<vmem_shared>>) target_semaphore(%run_scoped3A : memref<!tpu.dma_semaphore, #tpu.memory_space<semaphore_mem>>)
        %dma_wait3A = arith.constant 0 : i32
        %dma_wait3A_33 = tpu.memref_slice %arg7[%add3A_29, %dma_wait3A] : memref<50048x16xf32, #tpu.memory_space<vmem_shared>> -> memref<8x16xf32, #tpu.memory_space<vmem_shared>>
        %dma_wait3A_34 = arith.constant 0 : i32
        %dma_wait3A_35 = tpu.memref_slice %arg7[%add3A_29, %dma_wait3A_34] : memref<50048x16xf32, #tpu.memory_space<vmem_shared>> -> memref<8x16xf32, #tpu.memory_space<vmem_shared>>
        tpu.wait_dma2 semaphore(%run_scoped3A : memref<!tpu.dma_semaphore, #tpu.memory_space<semaphore_mem>>) src(%arg8 : memref<8x16xf32, #tpu.memory_space<vmem>>) dst(%dma_wait3A_35 : memref<8x16xf32, #tpu.memory_space<vmem_shared>>)
        tpu.yield
      }) : () -> ()
    }
    %scan3A_3 = arith.constant 391 : i32
    %barrier3A = arith.constant 0 : index
    tpu.barrier barrier_id(%barrier3A)
    %lt3A = arith.constant 4 : i32
    %lt3A_4 = arith.cmpi slt, %arg1, %lt3A : i32
    %jit3A = arith.constant 782 : i32
    %jit3A_5 = arith.constant 781 : i32
    %select_n3A = arith.select %lt3A_4, %jit3A, %jit3A_5 : i32
    %lt3A_6 = arith.constant 4 : i32
    %lt3A_7 = arith.cmpi slt, %arg1, %lt3A_6 : i32
    %mul3A = arith.muli %arg1, %select_n3A : i32
    %mul3A_8 = arith.constant 781 : i32
    %mul3A_9 = arith.muli %arg1, %mul3A_8 : i32
    %add3A = arith.constant 4 : i32
    %add3A_10 = arith.addi %mul3A_9, %add3A : i32
    %select_n3A_11 = arith.select %lt3A_7, %mul3A, %add3A_10 : i32
    %mul3A_12 = arith.constant 1 : i32
    %mul3A_13 = arith.muli %mul3A_12, %select_n3A : i32
    "tpu.region"() ({
      %run_scoped3A = memref.alloca() : memref<2x128x16xf32, #tpu.memory_space<vmem>>
      %run_scoped3A_20 = tpu.sem_alloc : memref<2x!tpu.dma_semaphore, #tpu.memory_space<semaphore_mem>>
      %run_scoped3A_21 = memref.alloca() : memref<2x1x128xi32, #tpu.memory_space<vmem>>
      %run_scoped3A_22 = tpu.sem_alloc : memref<2x!tpu.dma_semaphore, #tpu.memory_space<semaphore_mem>>
      %run_scoped3A_23 = memref.alloca() : memref<2x1x128xi32, #tpu.memory_space<vmem>>
      %run_scoped3A_24 = tpu.sem_alloc : memref<2x!tpu.dma_semaphore, #tpu.memory_space<semaphore_mem>>
      %gt3A = arith.constant 0 : i32
      %gt3A_25 = arith.cmpi sgt, %mul3A_13, %gt3A : i32
      %convert_element_type3A = arith.extui %gt3A_25 : i1 to i32
      %cond3A = arith.constant 0 : i32
      %cond3A_26 = arith.cmpi ne, %convert_element_type3A, %cond3A : i32
      scf.if %cond3A_26 {
        %mul3A_27 = arith.constant 1 : i32
        %mul3A_28 = arith.muli %mul3A_27, %select_n3A : i32
        %sub3A = arith.constant 1 : i32
        %sub3A_29 = arith.subi %mul3A_28, %sub3A : i32
        %eq3A = arith.constant 0 : i32
        %eq3A_30 = arith.cmpi eq, %sub3A_29, %eq3A : i32
        %add3A_31 = arith.constant 0 : i32
        %add3A_32 = arith.addi %add3A_31, %select_n3A_11 : i32
        %select_n3A_33 = arith.constant true
        %select_n3A_34 = arith.constant 0 : i32
        %select_n3A_35 = arith.constant -1 : i32
        %select_n3A_36 = arith.select %select_n3A_33, %select_n3A_35, %select_n3A_34 : i32
        %eq3A_37 = arith.constant -1 : i32
        %eq3A_38 = arith.cmpi eq, %select_n3A_36, %eq3A_37 : i32
        %sub3A_39 = arith.constant 1 : i32
        %sub3A_40 = arith.subi %select_n3A, %sub3A_39 : i32
        %select_n3A_41 = arith.select %eq3A_38, %sub3A_40, %select_n3A_36 : i32
        %add3A_42 = arith.addi %select_n3A_41, %select_n3A_11 : i32
        %select_n3A_43 = arith.constant true
        %select_n3A_44 = arith.constant 0 : i32
        %select_n3A_45 = arith.constant 1 : i32
        %select_n3A_46 = arith.select %select_n3A_43, %select_n3A_45, %select_n3A_44 : i32
        %eq3A_47 = arith.cmpi eq, %select_n3A_46, %select_n3A : i32
        %select_n3A_48 = arith.constant 0 : i32
        %select_n3A_49 = arith.select %eq3A_47, %select_n3A_48, %select_n3A_46 : i32
        %add3A_50 = arith.addi %select_n3A_49, %select_n3A_11 : i32
        %add3A_51 = arith.constant 1 : i32
        %add3A_52 = arith.addi %select_n3A_49, %add3A_51 : i32
        %select_n3A_53 = arith.constant true
        %select_n3A_54 = arith.select %select_n3A_53, %add3A_52, %select_n3A_49 : i32
        %eq3A_55 = arith.cmpi eq, %select_n3A_54, %select_n3A : i32
        %select_n3A_56 = arith.constant 0 : i32
        %select_n3A_57 = arith.select %eq3A_55, %select_n3A_56, %select_n3A_54 : i32
        %add3A_58 = arith.addi %select_n3A_57, %select_n3A_11 : i32
        "tpu.trace_start"() <{level = 10 : i32, message = "ep_initialize_0"}> : () -> ()
        %rem3A = arith.constant 0 : i32
        %rem3A_59 = arith.constant 2 : i32
        %rem3A_60 = arith.remui %rem3A, %rem3A_59 : i32
        %mul3A_61 = arith.constant 128 : i32
        %mul3A_62 = arith.muli %mul3A_61, %add3A_32 : i32
        %dma_start3A = arith.constant 0 : i32
        %dma_start3A_63 = arith.constant 0 : i32
        %dma_start3A_64 = tpu.memref_slice %run_scoped3A[%rem3A_60, %dma_start3A, %dma_start3A_63] : memref<2x128x16xf32, #tpu.memory_space<vmem>> -> memref<1x128x16xf32, #tpu.memory_space<vmem>>
        %dma_start3A_65 = tpu.memref_squeeze %dma_start3A_64 : memref<1x128x16xf32, #tpu.memory_space<vmem>> -> memref<128x16xf32, #tpu.memory_space<vmem>>
        %dma_start3A_66 = arith.constant 32 : i32
        %dma_start3A_67 = tpu.memref_slice %arg2[%mul3A_62, %dma_start3A_66] : memref<1600000x128xf32, #tpu.memory_space<hbm>> -> memref<128x16xf32, #tpu.memory_space<hbm>>
        %dma_start3A_68 = tpu.memref_slice %run_scoped3A_20[%rem3A_60] : memref<2x!tpu.dma_semaphore, #tpu.memory_space<semaphore_mem>> -> memref<1x!tpu.dma_semaphore, #tpu.memory_space<semaphore_mem>>
        %dma_start3A_69 = tpu.memref_squeeze %dma_start3A_68 : memref<1x!tpu.dma_semaphore, #tpu.memory_space<semaphore_mem>> -> memref<!tpu.dma_semaphore, #tpu.memory_space<semaphore_mem>>
        %dma_start3A_70 = arith.constant 0 : i32
        %dma_start3A_71 = arith.constant 0 : i32
        %dma_start3A_72 = tpu.memref_slice %run_scoped3A[%rem3A_60, %dma_start3A_70, %dma_start3A_71] : memref<2x128x16xf32, #tpu.memory_space<vmem>> -> memref<1x128x16xf32, #tpu.memory_space<vmem>>
        %dma_start3A_73 = tpu.memref_squeeze %dma_start3A_72 : memref<1x128x16xf32, #tpu.memory_space<vmem>> -> memref<128x16xf32, #tpu.memory_space<vmem>>
        %dma_start3A_74 = arith.constant 32 : i32
        %dma_start3A_75 = tpu.memref_slice %arg2[%mul3A_62, %dma_start3A_74] : memref<1600000x128xf32, #tpu.memory_space<hbm>> -> memref<128x16xf32, #tpu.memory_space<hbm>>
        tpu.enqueue_dma source(%dma_start3A_75 : memref<128x16xf32, #tpu.memory_space<hbm>>) target(%dma_start3A_73 : memref<128x16xf32, #tpu.memory_space<vmem>>) target_semaphore(%dma_start3A_69 : memref<!tpu.dma_semaphore, #tpu.memory_space<semaphore_mem>>)
        %add3A_76 = arith.constant 0 : i32
        %add3A_77 = arith.constant 1 : i32
        %add3A_78 = arith.addi %add3A_76, %add3A_77 : i32
        %select_n3A_79 = arith.constant true
        %select_n3A_80 = arith.constant 0 : i32
        %select_n3A_81 = arith.select %select_n3A_79, %add3A_78, %select_n3A_80 : i32
        %rem3A_82 = arith.constant 0 : i32
        %rem3A_83 = arith.constant 2 : i32
        %rem3A_84 = arith.remui %rem3A_82, %rem3A_83 : i32
        %mul3A_85 = arith.constant 128 : i32
        %mul3A_86 = arith.muli %mul3A_85, %add3A_32 : i32
        %dma_start3A_87 = arith.constant 0 : i32
        %dma_start3A_88 = arith.constant 0 : i32
        %dma_start3A_89 = tpu.memref_slice %run_scoped3A_21[%rem3A_84, %dma_start3A_87, %dma_start3A_88] : memref<2x1x128xi32, #tpu.memory_space<vmem>> -> memref<1x1x128xi32, #tpu.memory_space<vmem>>
        %dma_start3A_90 = tpu.memref_squeeze %dma_start3A_89 : memref<1x1x128xi32, #tpu.memory_space<vmem>> -> memref<1x128xi32, #tpu.memory_space<vmem>>
        %dma_start3A_91 = arith.constant 0 : i32
        %dma_start3A_92 = tpu.memref_slice %arg3[%dma_start3A_91, %mul3A_86] : memref<1x1600000xi32, #tpu.memory_space<hbm>> -> memref<1x128xi32, #tpu.memory_space<hbm>>
        %dma_start3A_93 = tpu.memref_slice %run_scoped3A_22[%rem3A_84] : memref<2x!tpu.dma_semaphore, #tpu.memory_space<semaphore_mem>> -> memref<1x!tpu.dma_semaphore, #tpu.memory_space<semaphore_mem>>
        %dma_start3A_94 = tpu.memref_squeeze %dma_start3A_93 : memref<1x!tpu.dma_semaphore, #tpu.memory_space<semaphore_mem>> -> memref<!tpu.dma_semaphore, #tpu.memory_space<semaphore_mem>>
        %dma_start3A_95 = arith.constant 0 : i32
        %dma_start3A_96 = arith.constant 0 : i32
        %dma_start3A_97 = tpu.memref_slice %run_scoped3A_21[%rem3A_84, %dma_start3A_95, %dma_start3A_96] : memref<2x1x128xi32, #tpu.memory_space<vmem>> -> memref<1x1x128xi32, #tpu.memory_space<vmem>>
        %dma_start3A_98 = tpu.memref_squeeze %dma_start3A_97 : memref<1x1x128xi32, #tpu.memory_space<vmem>> -> memref<1x128xi32, #tpu.memory_space<vmem>>
        %dma_start3A_99 = arith.constant 0 : i32
        %dma_start3A_100 = tpu.memref_slice %arg3[%dma_start3A_99, %mul3A_86] : memref<1x1600000xi32, #tpu.memory_space<hbm>> -> memref<1x128xi32, #tpu.memory_space<hbm>>
        tpu.enqueue_dma source(%dma_start3A_100 : memref<1x128xi32, #tpu.memory_space<hbm>>) target(%dma_start3A_98 : memref<1x128xi32, #tpu.memory_space<vmem>>) target_semaphore(%dma_start3A_94 : memref<!tpu.dma_semaphore, #tpu.memory_space<semaphore_mem>>)
        %add3A_101 = arith.constant 0 : i32
        %add3A_102 = arith.constant 1 : i32
        %add3A_103 = arith.addi %add3A_101, %add3A_102 : i32
        %select_n3A_104 = arith.constant true
        %select_n3A_105 = arith.constant 0 : i32
        %select_n3A_106 = arith.select %select_n3A_104, %add3A_103, %select_n3A_105 : i32
        %rem3A_107 = arith.constant 0 : i32
        %rem3A_108 = arith.constant 2 : i32
        %rem3A_109 = arith.remui %rem3A_107, %rem3A_108 : i32
        %mul3A_110 = arith.constant 128 : i32
        %mul3A_111 = arith.muli %mul3A_110, %add3A_32 : i32
        %dma_start3A_112 = arith.constant 0 : i32
        %dma_start3A_113 = arith.constant 0 : i32
        %dma_start3A_114 = tpu.memref_slice %run_scoped3A_23[%rem3A_109, %dma_start3A_112, %dma_start3A_113] : memref<2x1x128xi32, #tpu.memory_space<vmem>> -> memref<1x1x128xi32, #tpu.memory_space<vmem>>
        %dma_start3A_115 = tpu.memref_squeeze %dma_start3A_114 : memref<1x1x128xi32, #tpu.memory_space<vmem>> -> memref<1x128xi32, #tpu.memory_space<vmem>>
        %dma_start3A_116 = arith.constant 0 : i32
        %dma_start3A_117 = tpu.memref_slice %arg4[%dma_start3A_116, %mul3A_111] : memref<1x1600000xi32, #tpu.memory_space<hbm>> -> memref<1x128xi32, #tpu.memory_space<hbm>>
        %dma_start3A_118 = tpu.memref_slice %run_scoped3A_24[%rem3A_109] : memref<2x!tpu.dma_semaphore, #tpu.memory_space<semaphore_mem>> -> memref<1x!tpu.dma_semaphore, #tpu.memory_space<semaphore_mem>>
        %dma_start3A_119 = tpu.memref_squeeze %dma_start3A_118 : memref<1x!tpu.dma_semaphore, #tpu.memory_space<semaphore_mem>> -> memref<!tpu.dma_semaphore, #tpu.memory_space<semaphore_mem>>
        %dma_start3A_120 = arith.constant 0 : i32
        %dma_start3A_121 = arith.constant 0 : i32
        %dma_start3A_122 = tpu.memref_slice %run_scoped3A_23[%rem3A_109, %dma_start3A_120, %dma_start3A_121] : memref<2x1x128xi32, #tpu.memory_space<vmem>> -> memref<1x1x128xi32, #tpu.memory_space<vmem>>
        %dma_start3A_123 = tpu.memref_squeeze %dma_start3A_122 : memref<1x1x128xi32, #tpu.memory_space<vmem>> -> memref<1x128xi32, #tpu.memory_space<vmem>>
        %dma_start3A_124 = arith.constant 0 : i32
        %dma_start3A_125 = tpu.memref_slice %arg4[%dma_start3A_124, %mul3A_111] : memref<1x1600000xi32, #tpu.memory_space<hbm>> -> memref<1x128xi32, #tpu.memory_space<hbm>>
        tpu.enqueue_dma source(%dma_start3A_125 : memref<1x128xi32, #tpu.memory_space<hbm>>) target(%dma_start3A_123 : memref<1x128xi32, #tpu.memory_space<vmem>>) target_semaphore(%dma_start3A_119 : memref<!tpu.dma_semaphore, #tpu.memory_space<semaphore_mem>>)
        %add3A_126 = arith.constant 0 : i32
        %add3A_127 = arith.constant 1 : i32
        %add3A_128 = arith.addi %add3A_126, %add3A_127 : i32
        %select_n3A_129 = arith.constant true
        %select_n3A_130 = arith.constant 0 : i32
        %select_n3A_131 = arith.select %select_n3A_129, %add3A_128, %select_n3A_130 : i32
        %while3A = arith.constant 0 : i32
        %while3A_132 = arith.constant 0 : i32
        %while3A_133 = arith.constant 0 : i32
        %while3A_134 = arith.constant 0 : i32
        %while3A_135 = arith.constant 0 : i32
        "tpu.trace_stop"() : () -> ()
        %while3A_136 = arith.subi %mul3A_13, %while3A : i32
        %while3A_137 = arith.addi %while3A, %while3A_136 : i32
        %while3A_138 = arith.constant 1 : i32
        %while3A_139 = arith.divsi %while3A_136, %while3A_138 : i32
        %while3A_140 = arith.muli %while3A_139, %while3A_138 : i32
        %while3A_141 = arith.addi %while3A, %while3A_140 : i32
        %while3A_142 = arith.constant 1 : i32
        %while3A_143:7 = scf.for %while3A_200 = %while3A to %while3A_141 step %while3A_142 iter_args(%while3A_201 = %select_n3A_81, %while3A_202 = %while3A_132, %while3A_203 = %select_n3A_106, %while3A_204 = %while3A_133, %while3A_205 = %select_n3A_131, %while3A_206 = %while3A_134, %while3A_207 = %while3A_135) -> (i32, i32, i32, i32, i32, i32, i32)  : i32 {
          %mul3A_208 = arith.constant 1 : i32
          %mul3A_209 = arith.muli %mul3A_208, %select_n3A : i32
          %eq3A_210 = arith.constant 0 : i32
          %eq3A_211 = arith.cmpi eq, %while3A_200, %eq3A_210 : i32
          %sub3A_212 = arith.constant 1 : i32
          %sub3A_213 = arith.subi %mul3A_209, %sub3A_212 : i32
          %eq3A_214 = arith.cmpi eq, %while3A_200, %sub3A_213 : i32
          %add3A_215 = arith.addi %while3A_207, %select_n3A_11 : i32
          %sub3A_216 = arith.constant 1 : i32
          %sub3A_217 = arith.subi %while3A_207, %sub3A_216 : i32
          %select_n3A_218 = arith.constant true
          %select_n3A_219 = arith.select %select_n3A_218, %sub3A_217, %while3A_207 : i32
          %eq3A_220 = arith.constant -1 : i32
          %eq3A_221 = arith.cmpi eq, %select_n3A_219, %eq3A_220 : i32
          %sub3A_222 = arith.constant 1 : i32
          %sub3A_223 = arith.subi %select_n3A, %sub3A_222 : i32
          %select_n3A_224 = arith.select %eq3A_221, %sub3A_223, %select_n3A_219 : i32
          %add3A_225 = arith.addi %select_n3A_224, %select_n3A_11 : i32
          %add3A_226 = arith.constant 1 : i32
          %add3A_227 = arith.addi %while3A_207, %add3A_226 : i32
          %select_n3A_228 = arith.constant true
          %select_n3A_229 = arith.select %select_n3A_228, %add3A_227, %while3A_207 : i32
          %eq3A_230 = arith.cmpi eq, %select_n3A_229, %select_n3A : i32
          %select_n3A_231 = arith.constant 0 : i32
          %select_n3A_232 = arith.select %eq3A_230, %select_n3A_231, %select_n3A_229 : i32
          %add3A_233 = arith.addi %select_n3A_232, %select_n3A_11 : i32
          %add3A_234 = arith.constant 1 : i32
          %add3A_235 = arith.addi %select_n3A_232, %add3A_234 : i32
          %select_n3A_236 = arith.constant true
          %select_n3A_237 = arith.select %select_n3A_236, %add3A_235, %select_n3A_232 : i32
          %eq3A_238 = arith.cmpi eq, %select_n3A_237, %select_n3A : i32
          %select_n3A_239 = arith.constant 0 : i32
          %select_n3A_240 = arith.select %eq3A_238, %select_n3A_239, %select_n3A_237 : i32
          %add3A_241 = arith.addi %select_n3A_240, %select_n3A_11 : i32
          %ne3A = arith.cmpi ne, %add3A_215, %add3A_233 : i32
          %or3A = arith.constant false
          %or3A_242 = arith.ori %or3A, %ne3A : i1
          %or3A_243 = arith.constant false
          %or3A_244 = arith.ori %or3A_242, %or3A_243 : i1
          %sub3A_245 = arith.constant 2 : i32
          %sub3A_246 = arith.subi %mul3A_209, %sub3A_245 : i32
          %add3A_247 = arith.constant 1 : i32
          %add3A_248 = arith.addi %sub3A_246, %add3A_247 : i32
          %ge3A = arith.cmpi sge, %while3A_200, %add3A_248 : i32
          %not3A = arith.constant true
          %not3A_249 = arith.xori %ge3A, %not3A : i1
          %and3A = arith.andi %or3A_244, %not3A_249 : i1
          %convert_element_type3A_250 = arith.extui %and3A : i1 to i32
          %cond3A_251 = arith.constant 0 : i32
          %cond3A_252 = arith.cmpi ne, %convert_element_type3A_250, %cond3A_251 : i32
          scf.if %cond3A_252 {
            "tpu.trace_start"() <{level = 10 : i32, message = "ep_copy_in"}> : () -> ()
            %rem3A_429 = arith.constant 2 : i32
            %rem3A_430 = arith.remui %while3A_201, %rem3A_429 : i32
            %mul3A_431 = arith.constant 128 : i32
            %mul3A_432 = arith.muli %mul3A_431, %add3A_233 : i32
            %dma_start3A_433 = arith.constant 0 : i32
            %dma_start3A_434 = arith.constant 0 : i32
            %dma_start3A_435 = tpu.memref_slice %run_scoped3A[%rem3A_430, %dma_start3A_433, %dma_start3A_434] : memref<2x128x16xf32, #tpu.memory_space<vmem>> -> memref<1x128x16xf32, #tpu.memory_space<vmem>>
            %dma_start3A_436 = tpu.memref_squeeze %dma_start3A_435 : memref<1x128x16xf32, #tpu.memory_space<vmem>> -> memref<128x16xf32, #tpu.memory_space<vmem>>
            %dma_start3A_437 = arith.constant 32 : i32
            %dma_start3A_438 = tpu.memref_slice %arg2[%mul3A_432, %dma_start3A_437] : memref<1600000x128xf32, #tpu.memory_space<hbm>> -> memref<128x16xf32, #tpu.memory_space<hbm>>
            %dma_start3A_439 = tpu.memref_slice %run_scoped3A_20[%rem3A_430] : memref<2x!tpu.dma_semaphore, #tpu.memory_space<semaphore_mem>> -> memref<1x!tpu.dma_semaphore, #tpu.memory_space<semaphore_mem>>
            %dma_start3A_440 = tpu.memref_squeeze %dma_start3A_439 : memref<1x!tpu.dma_semaphore, #tpu.memory_space<semaphore_mem>> -> memref<!tpu.dma_semaphore, #tpu.memory_space<semaphore_mem>>
            %dma_start3A_441 = arith.constant 0 : i32
            %dma_start3A_442 = arith.constant 0 : i32
            %dma_start3A_443 = tpu.memref_slice %run_scoped3A[%rem3A_430, %dma_start3A_441, %dma_start3A_442] : memref<2x128x16xf32, #tpu.memory_space<vmem>> -> memref<1x128x16xf32, #tpu.memory_space<vmem>>
            %dma_start3A_444 = tpu.memref_squeeze %dma_start3A_443 : memref<1x128x16xf32, #tpu.memory_space<vmem>> -> memref<128x16xf32, #tpu.memory_space<vmem>>
            %dma_start3A_445 = arith.constant 32 : i32
            %dma_start3A_446 = tpu.memref_slice %arg2[%mul3A_432, %dma_start3A_445] : memref<1600000x128xf32, #tpu.memory_space<hbm>> -> memref<128x16xf32, #tpu.memory_space<hbm>>
            tpu.enqueue_dma source(%dma_start3A_446 : memref<128x16xf32, #tpu.memory_space<hbm>>) target(%dma_start3A_444 : memref<128x16xf32, #tpu.memory_space<vmem>>) target_semaphore(%dma_start3A_440 : memref<!tpu.dma_semaphore, #tpu.memory_space<semaphore_mem>>)
            "tpu.trace_stop"() : () -> ()
          } else {
          }
          %and3A_253 = arith.constant true
          %and3A_254 = arith.andi %and3A, %and3A_253 : i1
          %add3A_255 = arith.constant 1 : i32
          %add3A_256 = arith.addi %while3A_201, %add3A_255 : i32
          %select_n3A_257 = arith.select %and3A_254, %add3A_256, %while3A_201 : i32
          %ne3A_258 = arith.cmpi ne, %add3A_215, %add3A_233 : i32
          %or3A_259 = arith.constant false
          %or3A_260 = arith.ori %or3A_259, %ne3A_258 : i1
          %sub3A_261 = arith.constant 2 : i32
          %sub3A_262 = arith.subi %mul3A_209, %sub3A_261 : i32
          %add3A_263 = arith.constant 1 : i32
          %add3A_264 = arith.addi %sub3A_262, %add3A_263 : i32
          %ge3A_265 = arith.cmpi sge, %while3A_200, %add3A_264 : i32
          %not3A_266 = arith.constant true
          %not3A_267 = arith.xori %ge3A_265, %not3A_266 : i1
          %and3A_268 = arith.andi %or3A_260, %not3A_267 : i1
          %convert_element_type3A_269 = arith.extui %and3A_268 : i1 to i32
          %cond3A_270 = arith.constant 0 : i32
          %cond3A_271 = arith.cmpi ne, %convert_element_type3A_269, %cond3A_270 : i32
          scf.if %cond3A_271 {
            "tpu.trace_start"() <{level = 10 : i32, message = "ep_copy_in"}> : () -> ()
            %rem3A_429 = arith.constant 2 : i32
            %rem3A_430 = arith.remui %while3A_203, %rem3A_429 : i32
            %mul3A_431 = arith.constant 128 : i32
            %mul3A_432 = arith.muli %mul3A_431, %add3A_233 : i32
            %dma_start3A_433 = arith.constant 0 : i32
            %dma_start3A_434 = arith.constant 0 : i32
            %dma_start3A_435 = tpu.memref_slice %run_scoped3A_21[%rem3A_430, %dma_start3A_433, %dma_start3A_434] : memref<2x1x128xi32, #tpu.memory_space<vmem>> -> memref<1x1x128xi32, #tpu.memory_space<vmem>>
            %dma_start3A_436 = tpu.memref_squeeze %dma_start3A_435 : memref<1x1x128xi32, #tpu.memory_space<vmem>> -> memref<1x128xi32, #tpu.memory_space<vmem>>
            %dma_start3A_437 = arith.constant 0 : i32
            %dma_start3A_438 = tpu.memref_slice %arg3[%dma_start3A_437, %mul3A_432] : memref<1x1600000xi32, #tpu.memory_space<hbm>> -> memref<1x128xi32, #tpu.memory_space<hbm>>
            %dma_start3A_439 = tpu.memref_slice %run_scoped3A_22[%rem3A_430] : memref<2x!tpu.dma_semaphore, #tpu.memory_space<semaphore_mem>> -> memref<1x!tpu.dma_semaphore, #tpu.memory_space<semaphore_mem>>
            %dma_start3A_440 = tpu.memref_squeeze %dma_start3A_439 : memref<1x!tpu.dma_semaphore, #tpu.memory_space<semaphore_mem>> -> memref<!tpu.dma_semaphore, #tpu.memory_space<semaphore_mem>>
            %dma_start3A_441 = arith.constant 0 : i32
            %dma_start3A_442 = arith.constant 0 : i32
            %dma_start3A_443 = tpu.memref_slice %run_scoped3A_21[%rem3A_430, %dma_start3A_441, %dma_start3A_442] : memref<2x1x128xi32, #tpu.memory_space<vmem>> -> memref<1x1x128xi32, #tpu.memory_space<vmem>>
            %dma_start3A_444 = tpu.memref_squeeze %dma_start3A_443 : memref<1x1x128xi32, #tpu.memory_space<vmem>> -> memref<1x128xi32, #tpu.memory_space<vmem>>
            %dma_start3A_445 = arith.constant 0 : i32
            %dma_start3A_446 = tpu.memref_slice %arg3[%dma_start3A_445, %mul3A_432] : memref<1x1600000xi32, #tpu.memory_space<hbm>> -> memref<1x128xi32, #tpu.memory_space<hbm>>
            tpu.enqueue_dma source(%dma_start3A_446 : memref<1x128xi32, #tpu.memory_space<hbm>>) target(%dma_start3A_444 : memref<1x128xi32, #tpu.memory_space<vmem>>) target_semaphore(%dma_start3A_440 : memref<!tpu.dma_semaphore, #tpu.memory_space<semaphore_mem>>)
            "tpu.trace_stop"() : () -> ()
          } else {
          }
          %and3A_272 = arith.constant true
          %and3A_273 = arith.andi %and3A_268, %and3A_272 : i1
          %add3A_274 = arith.constant 1 : i32
          %add3A_275 = arith.addi %while3A_203, %add3A_274 : i32
          %select_n3A_276 = arith.select %and3A_273, %add3A_275, %while3A_203 : i32
          %ne3A_277 = arith.cmpi ne, %add3A_215, %add3A_233 : i32
          %or3A_278 = arith.constant false
          %or3A_279 = arith.ori %or3A_278, %ne3A_277 : i1
          %sub3A_280 = arith.constant 2 : i32
          %sub3A_281 = arith.subi %mul3A_209, %sub3A_280 : i32
          %add3A_282 = arith.constant 1 : i32
          %add3A_283 = arith.addi %sub3A_281, %add3A_282 : i32
          %ge3A_284 = arith.cmpi sge, %while3A_200, %add3A_283 : i32
          %not3A_285 = arith.constant true
          %not3A_286 = arith.xori %ge3A_284, %not3A_285 : i1
          %and3A_287 = arith.andi %or3A_279, %not3A_286 : i1
          %convert_element_type3A_288 = arith.extui %and3A_287 : i1 to i32
          %cond3A_289 = arith.constant 0 : i32
          %cond3A_290 = arith.cmpi ne, %convert_element_type3A_288, %cond3A_289 : i32
          scf.if %cond3A_290 {
            "tpu.trace_start"() <{level = 10 : i32, message = "ep_copy_in"}> : () -> ()
            %rem3A_429 = arith.constant 2 : i32
            %rem3A_430 = arith.remui %while3A_205, %rem3A_429 : i32
            %mul3A_431 = arith.constant 128 : i32
            %mul3A_432 = arith.muli %mul3A_431, %add3A_233 : i32
            %dma_start3A_433 = arith.constant 0 : i32
            %dma_start3A_434 = arith.constant 0 : i32
            %dma_start3A_435 = tpu.memref_slice %run_scoped3A_23[%rem3A_430, %dma_start3A_433, %dma_start3A_434] : memref<2x1x128xi32, #tpu.memory_space<vmem>> -> memref<1x1x128xi32, #tpu.memory_space<vmem>>
            %dma_start3A_436 = tpu.memref_squeeze %dma_start3A_435 : memref<1x1x128xi32, #tpu.memory_space<vmem>> -> memref<1x128xi32, #tpu.memory_space<vmem>>
            %dma_start3A_437 = arith.constant 0 : i32
            %dma_start3A_438 = tpu.memref_slice %arg4[%dma_start3A_437, %mul3A_432] : memref<1x1600000xi32, #tpu.memory_space<hbm>> -> memref<1x128xi32, #tpu.memory_space<hbm>>
            %dma_start3A_439 = tpu.memref_slice %run_scoped3A_24[%rem3A_430] : memref<2x!tpu.dma_semaphore, #tpu.memory_space<semaphore_mem>> -> memref<1x!tpu.dma_semaphore, #tpu.memory_space<semaphore_mem>>
            %dma_start3A_440 = tpu.memref_squeeze %dma_start3A_439 : memref<1x!tpu.dma_semaphore, #tpu.memory_space<semaphore_mem>> -> memref<!tpu.dma_semaphore, #tpu.memory_space<semaphore_mem>>
            %dma_start3A_441 = arith.constant 0 : i32
            %dma_start3A_442 = arith.constant 0 : i32
            %dma_start3A_443 = tpu.memref_slice %run_scoped3A_23[%rem3A_430, %dma_start3A_441, %dma_start3A_442] : memref<2x1x128xi32, #tpu.memory_space<vmem>> -> memref<1x1x128xi32, #tpu.memory_space<vmem>>
            %dma_start3A_444 = tpu.memref_squeeze %dma_start3A_443 : memref<1x1x128xi32, #tpu.memory_space<vmem>> -> memref<1x128xi32, #tpu.memory_space<vmem>>
            %dma_start3A_445 = arith.constant 0 : i32
            %dma_start3A_446 = tpu.memref_slice %arg4[%dma_start3A_445, %mul3A_432] : memref<1x1600000xi32, #tpu.memory_space<hbm>> -> memref<1x128xi32, #tpu.memory_space<hbm>>
            tpu.enqueue_dma source(%dma_start3A_446 : memref<1x128xi32, #tpu.memory_space<hbm>>) target(%dma_start3A_444 : memref<1x128xi32, #tpu.memory_space<vmem>>) target_semaphore(%dma_start3A_440 : memref<!tpu.dma_semaphore, #tpu.memory_space<semaphore_mem>>)
            "tpu.trace_stop"() : () -> ()
          } else {
          }
          %and3A_291 = arith.constant true
          %and3A_292 = arith.andi %and3A_287, %and3A_291 : i1
          %add3A_293 = arith.constant 1 : i32
          %add3A_294 = arith.addi %while3A_205, %add3A_293 : i32
          %select_n3A_295 = arith.select %and3A_292, %add3A_294, %while3A_205 : i32
          %ne3A_296 = arith.cmpi ne, %add3A_215, %add3A_225 : i32
          %or3A_297 = arith.constant false
          %or3A_298 = arith.ori %or3A_297, %ne3A_296 : i1
          %or3A_299 = arith.constant false
          %or3A_300 = arith.ori %or3A_298, %or3A_299 : i1
          %or3A_301 = arith.ori %or3A_300, %eq3A_211 : i1
          %convert_element_type3A_302 = arith.extui %or3A_301 : i1 to i32
          %cond3A_303 = arith.constant 0 : i32
          %cond3A_304 = arith.cmpi ne, %convert_element_type3A_302, %cond3A_303 : i32
          scf.if %cond3A_304 {
            "tpu.trace_start"() <{level = 10 : i32, message = "ep_wait_in"}> : () -> ()
            %mul3A_429 = arith.constant 128 : i32
            %mul3A_430 = arith.muli %mul3A_429, %add3A_215 : i32
            %rem3A_431 = arith.constant 2 : i32
            %rem3A_432 = arith.remui %while3A_202, %rem3A_431 : i32
            %dma_wait3A = arith.constant 0 : i32
            %dma_wait3A_433 = arith.constant 0 : i32
            %dma_wait3A_434 = tpu.memref_slice %run_scoped3A[%rem3A_432, %dma_wait3A, %dma_wait3A_433] : memref<2x128x16xf32, #tpu.memory_space<vmem>> -> memref<1x128x16xf32, #tpu.memory_space<vmem>>
            %dma_wait3A_435 = tpu.memref_squeeze %dma_wait3A_434 : memref<1x128x16xf32, #tpu.memory_space<vmem>> -> memref<128x16xf32, #tpu.memory_space<vmem>>
            %dma_wait3A_436 = arith.constant 32 : i32
            %dma_wait3A_437 = tpu.memref_slice %arg2[%mul3A_430, %dma_wait3A_436] : memref<1600000x128xf32, #tpu.memory_space<hbm>> -> memref<128x16xf32, #tpu.memory_space<hbm>>
            %dma_wait3A_438 = tpu.memref_slice %run_scoped3A_20[%rem3A_432] : memref<2x!tpu.dma_semaphore, #tpu.memory_space<semaphore_mem>> -> memref<1x!tpu.dma_semaphore, #tpu.memory_space<semaphore_mem>>
            %dma_wait3A_439 = tpu.memref_squeeze %dma_wait3A_438 : memref<1x!tpu.dma_semaphore, #tpu.memory_space<semaphore_mem>> -> memref<!tpu.dma_semaphore, #tpu.memory_space<semaphore_mem>>
            %dma_wait3A_440 = arith.constant 0 : i32
            %dma_wait3A_441 = arith.constant 0 : i32
            %dma_wait3A_442 = tpu.memref_slice %run_scoped3A[%rem3A_432, %dma_wait3A_440, %dma_wait3A_441] : memref<2x128x16xf32, #tpu.memory_space<vmem>> -> memref<1x128x16xf32, #tpu.memory_space<vmem>>
            %dma_wait3A_443 = tpu.memref_squeeze %dma_wait3A_442 : memref<1x128x16xf32, #tpu.memory_space<vmem>> -> memref<128x16xf32, #tpu.memory_space<vmem>>
            %dma_wait3A_444 = arith.constant 32 : i32
            %dma_wait3A_445 = tpu.memref_slice %arg2[%mul3A_430, %dma_wait3A_444] : memref<1600000x128xf32, #tpu.memory_space<hbm>> -> memref<128x16xf32, #tpu.memory_space<hbm>>
            tpu.wait_dma2 semaphore(%dma_wait3A_439 : memref<!tpu.dma_semaphore, #tpu.memory_space<semaphore_mem>>) src(%dma_wait3A_445 : memref<128x16xf32, #tpu.memory_space<hbm>>) dst(%dma_wait3A_443 : memref<128x16xf32, #tpu.memory_space<vmem>>)
            "tpu.trace_stop"() : () -> ()
          } else {
          }
          %ne3A_305 = arith.cmpi ne, %add3A_215, %add3A_225 : i32
          %or3A_306 = arith.constant false
          %or3A_307 = arith.ori %or3A_306, %ne3A_305 : i1
          %or3A_308 = arith.ori %or3A_307, %eq3A_211 : i1
          %convert_element_type3A_309 = arith.extui %or3A_308 : i1 to i32
          %cond3A_310 = arith.constant 0 : i32
          %cond3A_311 = arith.cmpi ne, %convert_element_type3A_309, %cond3A_310 : i32
          scf.if %cond3A_311 {
            "tpu.trace_start"() <{level = 10 : i32, message = "ep_wait_in"}> : () -> ()
            %mul3A_429 = arith.constant 128 : i32
            %mul3A_430 = arith.muli %mul3A_429, %add3A_215 : i32
            %rem3A_431 = arith.constant 2 : i32
            %rem3A_432 = arith.remui %while3A_204, %rem3A_431 : i32
            %dma_wait3A = arith.constant 0 : i32
            %dma_wait3A_433 = arith.constant 0 : i32
            %dma_wait3A_434 = tpu.memref_slice %run_scoped3A_21[%rem3A_432, %dma_wait3A, %dma_wait3A_433] : memref<2x1x128xi32, #tpu.memory_space<vmem>> -> memref<1x1x128xi32, #tpu.memory_space<vmem>>
            %dma_wait3A_435 = tpu.memref_squeeze %dma_wait3A_434 : memref<1x1x128xi32, #tpu.memory_space<vmem>> -> memref<1x128xi32, #tpu.memory_space<vmem>>
            %dma_wait3A_436 = arith.constant 0 : i32
            %dma_wait3A_437 = tpu.memref_slice %arg3[%dma_wait3A_436, %mul3A_430] : memref<1x1600000xi32, #tpu.memory_space<hbm>> -> memref<1x128xi32, #tpu.memory_space<hbm>>
            %dma_wait3A_438 = tpu.memref_slice %run_scoped3A_22[%rem3A_432] : memref<2x!tpu.dma_semaphore, #tpu.memory_space<semaphore_mem>> -> memref<1x!tpu.dma_semaphore, #tpu.memory_space<semaphore_mem>>
            %dma_wait3A_439 = tpu.memref_squeeze %dma_wait3A_438 : memref<1x!tpu.dma_semaphore, #tpu.memory_space<semaphore_mem>> -> memref<!tpu.dma_semaphore, #tpu.memory_space<semaphore_mem>>
            %dma_wait3A_440 = arith.constant 0 : i32
            %dma_wait3A_441 = arith.constant 0 : i32
            %dma_wait3A_442 = tpu.memref_slice %run_scoped3A_21[%rem3A_432, %dma_wait3A_440, %dma_wait3A_441] : memref<2x1x128xi32, #tpu.memory_space<vmem>> -> memref<1x1x128xi32, #tpu.memory_space<vmem>>
            %dma_wait3A_443 = tpu.memref_squeeze %dma_wait3A_442 : memref<1x1x128xi32, #tpu.memory_space<vmem>> -> memref<1x128xi32, #tpu.memory_space<vmem>>
            %dma_wait3A_444 = arith.constant 0 : i32
            %dma_wait3A_445 = tpu.memref_slice %arg3[%dma_wait3A_444, %mul3A_430] : memref<1x1600000xi32, #tpu.memory_space<hbm>> -> memref<1x128xi32, #tpu.memory_space<hbm>>
            tpu.wait_dma2 semaphore(%dma_wait3A_439 : memref<!tpu.dma_semaphore, #tpu.memory_space<semaphore_mem>>) src(%dma_wait3A_445 : memref<1x128xi32, #tpu.memory_space<hbm>>) dst(%dma_wait3A_443 : memref<1x128xi32, #tpu.memory_space<vmem>>)
            "tpu.trace_stop"() : () -> ()
          } else {
          }
          %ne3A_312 = arith.cmpi ne, %add3A_215, %add3A_225 : i32
          %or3A_313 = arith.constant false
          %or3A_314 = arith.ori %or3A_313, %ne3A_312 : i1
          %or3A_315 = arith.ori %or3A_314, %eq3A_211 : i1
          %convert_element_type3A_316 = arith.extui %or3A_315 : i1 to i32
          %cond3A_317 = arith.constant 0 : i32
          %cond3A_318 = arith.cmpi ne, %convert_element_type3A_316, %cond3A_317 : i32
          scf.if %cond3A_318 {
            "tpu.trace_start"() <{level = 10 : i32, message = "ep_wait_in"}> : () -> ()
            %mul3A_429 = arith.constant 128 : i32
            %mul3A_430 = arith.muli %mul3A_429, %add3A_215 : i32
            %rem3A_431 = arith.constant 2 : i32
            %rem3A_432 = arith.remui %while3A_206, %rem3A_431 : i32
            %dma_wait3A = arith.constant 0 : i32
            %dma_wait3A_433 = arith.constant 0 : i32
            %dma_wait3A_434 = tpu.memref_slice %run_scoped3A_23[%rem3A_432, %dma_wait3A, %dma_wait3A_433] : memref<2x1x128xi32, #tpu.memory_space<vmem>> -> memref<1x1x128xi32, #tpu.memory_space<vmem>>
            %dma_wait3A_435 = tpu.memref_squeeze %dma_wait3A_434 : memref<1x1x128xi32, #tpu.memory_space<vmem>> -> memref<1x128xi32, #tpu.memory_space<vmem>>
            %dma_wait3A_436 = arith.constant 0 : i32
            %dma_wait3A_437 = tpu.memref_slice %arg4[%dma_wait3A_436, %mul3A_430] : memref<1x1600000xi32, #tpu.memory_space<hbm>> -> memref<1x128xi32, #tpu.memory_space<hbm>>
            %dma_wait3A_438 = tpu.memref_slice %run_scoped3A_24[%rem3A_432] : memref<2x!tpu.dma_semaphore, #tpu.memory_space<semaphore_mem>> -> memref<1x!tpu.dma_semaphore, #tpu.memory_space<semaphore_mem>>
            %dma_wait3A_439 = tpu.memref_squeeze %dma_wait3A_438 : memref<1x!tpu.dma_semaphore, #tpu.memory_space<semaphore_mem>> -> memref<!tpu.dma_semaphore, #tpu.memory_space<semaphore_mem>>
            %dma_wait3A_440 = arith.constant 0 : i32
            %dma_wait3A_441 = arith.constant 0 : i32
            %dma_wait3A_442 = tpu.memref_slice %run_scoped3A_23[%rem3A_432, %dma_wait3A_440, %dma_wait3A_441] : memref<2x1x128xi32, #tpu.memory_space<vmem>> -> memref<1x1x128xi32, #tpu.memory_space<vmem>>
            %dma_wait3A_443 = tpu.memref_squeeze %dma_wait3A_442 : memref<1x1x128xi32, #tpu.memory_space<vmem>> -> memref<1x128xi32, #tpu.memory_space<vmem>>
            %dma_wait3A_444 = arith.constant 0 : i32
            %dma_wait3A_445 = tpu.memref_slice %arg4[%dma_wait3A_444, %mul3A_430] : memref<1x1600000xi32, #tpu.memory_space<hbm>> -> memref<1x128xi32, #tpu.memory_space<hbm>>
            tpu.wait_dma2 semaphore(%dma_wait3A_439 : memref<!tpu.dma_semaphore, #tpu.memory_space<semaphore_mem>>) src(%dma_wait3A_445 : memref<1x128xi32, #tpu.memory_space<hbm>>) dst(%dma_wait3A_443 : memref<1x128xi32, #tpu.memory_space<vmem>>)
            "tpu.trace_stop"() : () -> ()
          } else {
          }
          %rem3A_319 = arith.constant 2 : i32
          %rem3A_320 = arith.remui %while3A_202, %rem3A_319 : i32
          %rem3A_321 = arith.constant 2 : i32
          %rem3A_322 = arith.remui %while3A_204, %rem3A_321 : i32
          %rem3A_323 = arith.constant 2 : i32
          %rem3A_324 = arith.remui %while3A_206, %rem3A_323 : i32
          %eq3A_325 = arith.constant 0 : i32
          "tpu.trace_start"() <{level = 10 : i32, message = "ep_run_kernel"}> : () -> ()
          %eq3A_326 = arith.cmpi eq, %arg0, %eq3A_325 : i32
          %convert_element_type3A_327 = arith.extui %eq3A_326 : i1 to i32
          %cond3A_328 = arith.constant 0 : i32
          %cond3A_329 = arith.cmpi ne, %convert_element_type3A_327, %cond3A_328 : i32
          scf.if %cond3A_329 {
            %run_scoped3A_429 = arith.constant 0 : i32
            "tpu.region"() ({
              %run_scoped3A_430 = tpu.sem_alloc : memref<!tpu.dma_semaphore, #tpu.memory_space<semaphore_mem>>
              %dma_start3A_431 = arith.constant 0 : i32
              %dma_start3A_432 = arith.constant 0 : i32
              %dma_start3A_433 = tpu.memref_slice %run_scoped3A[%rem3A_320, %dma_start3A_431, %dma_start3A_432] : memref<2x128x16xf32, #tpu.memory_space<vmem>> -> memref<1x128x16xf32, #tpu.memory_space<vmem>>
              %dma_start3A_434 = tpu.memref_squeeze %dma_start3A_433 : memref<1x128x16xf32, #tpu.memory_space<vmem>> -> memref<128x16xf32, #tpu.memory_space<vmem>>
              %dma_start3A_435 = arith.constant 0 : i32
              %dma_start3A_436 = arith.constant 0 : i32
              %dma_start3A_437 = tpu.memref_slice %run_scoped3A_21[%rem3A_322, %dma_start3A_435, %dma_start3A_436] : memref<2x1x128xi32, #tpu.memory_space<vmem>> -> memref<1x1x128xi32, #tpu.memory_space<vmem>>
              %dma_start3A_438 = tpu.memref_squeeze %dma_start3A_437 : memref<1x1x128xi32, #tpu.memory_space<vmem>> -> memref<1x128xi32, #tpu.memory_space<vmem>>
              %dma_start3A_439 = arith.constant 0 : i32
              %dma_start3A_440 = tpu.memref_slice %dma_start3A_438[%run_scoped3A_429, %dma_start3A_439] : memref<1x128xi32, #tpu.memory_space<vmem>> -> memref<1x128xi32, #tpu.memory_space<vmem>>
              %dma_start3A_441 = tpu.memref_squeeze %dma_start3A_440 : memref<1x128xi32, #tpu.memory_space<vmem>> -> memref<128xi32, #tpu.memory_space<vmem>>
              %dma_start3A_442 = arith.constant 0 : i32
              %dma_start3A_443 = arith.constant 0 : i32
              %dma_start3A_444 = tpu.memref_slice %arg7[%dma_start3A_442, %dma_start3A_443] : memref<50048x16xf32, #tpu.memory_space<vmem_shared>> -> memref<50048x16xf32, #tpu.memory_space<vmem_shared>>
              tpu.enqueue_indirect_dma source(%dma_start3A_434 : memref<128x16xf32, #tpu.memory_space<vmem>>) target(%dma_start3A_444 : memref<50048x16xf32, #tpu.memory_space<vmem_shared>>) offsets(%dma_start3A_441 : memref<128xi32, #tpu.memory_space<vmem>>) semaphore(%run_scoped3A_430 : memref<!tpu.dma_semaphore, #tpu.memory_space<semaphore_mem>>) {add = true}
              %dma_wait3A = arith.constant 0 : i32
              %dma_wait3A_445 = arith.constant 0 : i32
              %dma_wait3A_446 = tpu.memref_slice %run_scoped3A[%rem3A_320, %dma_wait3A, %dma_wait3A_445] : memref<2x128x16xf32, #tpu.memory_space<vmem>> -> memref<1x128x16xf32, #tpu.memory_space<vmem>>
              %dma_wait3A_447 = tpu.memref_squeeze %dma_wait3A_446 : memref<1x128x16xf32, #tpu.memory_space<vmem>> -> memref<128x16xf32, #tpu.memory_space<vmem>>
              %dma_wait3A_448 = arith.constant 0 : i32
              %dma_wait3A_449 = arith.constant 0 : i32
              %dma_wait3A_450 = tpu.memref_slice %run_scoped3A_21[%rem3A_322, %dma_wait3A_448, %dma_wait3A_449] : memref<2x1x128xi32, #tpu.memory_space<vmem>> -> memref<1x1x128xi32, #tpu.memory_space<vmem>>
              %dma_wait3A_451 = tpu.memref_squeeze %dma_wait3A_450 : memref<1x1x128xi32, #tpu.memory_space<vmem>> -> memref<1x128xi32, #tpu.memory_space<vmem>>
              %dma_wait3A_452 = arith.constant 0 : i32
              %dma_wait3A_453 = tpu.memref_slice %dma_wait3A_451[%run_scoped3A_429, %dma_wait3A_452] : memref<1x128xi32, #tpu.memory_space<vmem>> -> memref<1x128xi32, #tpu.memory_space<vmem>>
              %dma_wait3A_454 = tpu.memref_squeeze %dma_wait3A_453 : memref<1x128xi32, #tpu.memory_space<vmem>> -> memref<128xi32, #tpu.memory_space<vmem>>
              %dma_wait3A_455 = arith.constant 0 : i32
              %dma_wait3A_456 = arith.constant 0 : i32
              %dma_wait3A_457 = tpu.memref_slice %arg7[%dma_wait3A_455, %dma_wait3A_456] : memref<50048x16xf32, #tpu.memory_space<vmem_shared>> -> memref<50048x16xf32, #tpu.memory_space<vmem_shared>>
              tpu.wait_indirect_dma semaphore(%run_scoped3A_430 : memref<!tpu.dma_semaphore, #tpu.memory_space<semaphore_mem>>) src(%dma_wait3A_447 : memref<128x16xf32, #tpu.memory_space<vmem>>) dst(%dma_wait3A_457 : memref<50048x16xf32, #tpu.memory_space<vmem_shared>>)
              tpu.yield
            }) : () -> ()
          } else {
          }
          %eq3A_330 = arith.constant 1 : i32
          %eq3A_331 = arith.cmpi eq, %arg0, %eq3A_330 : i32
          %convert_element_type3A_332 = arith.extui %eq3A_331 : i1 to i32
          %cond3A_333 = arith.constant 0 : i32
          %cond3A_334 = arith.cmpi ne, %convert_element_type3A_332, %cond3A_333 : i32
          scf.if %cond3A_334 {
            %run_scoped3A_429 = arith.constant 0 : i32
            "tpu.region"() ({
              %run_scoped3A_430 = tpu.sem_alloc : memref<!tpu.dma_semaphore, #tpu.memory_space<semaphore_mem>>
              %dma_start3A_431 = arith.constant 0 : i32
              %dma_start3A_432 = arith.constant 0 : i32
              %dma_start3A_433 = tpu.memref_slice %run_scoped3A[%rem3A_320, %dma_start3A_431, %dma_start3A_432] : memref<2x128x16xf32, #tpu.memory_space<vmem>> -> memref<1x128x16xf32, #tpu.memory_space<vmem>>
              %dma_start3A_434 = tpu.memref_squeeze %dma_start3A_433 : memref<1x128x16xf32, #tpu.memory_space<vmem>> -> memref<128x16xf32, #tpu.memory_space<vmem>>
              %dma_start3A_435 = arith.constant 0 : i32
              %dma_start3A_436 = arith.constant 0 : i32
              %dma_start3A_437 = tpu.memref_slice %run_scoped3A_23[%rem3A_324, %dma_start3A_435, %dma_start3A_436] : memref<2x1x128xi32, #tpu.memory_space<vmem>> -> memref<1x1x128xi32, #tpu.memory_space<vmem>>
              %dma_start3A_438 = tpu.memref_squeeze %dma_start3A_437 : memref<1x1x128xi32, #tpu.memory_space<vmem>> -> memref<1x128xi32, #tpu.memory_space<vmem>>
              %dma_start3A_439 = arith.constant 0 : i32
              %dma_start3A_440 = tpu.memref_slice %dma_start3A_438[%run_scoped3A_429, %dma_start3A_439] : memref<1x128xi32, #tpu.memory_space<vmem>> -> memref<1x128xi32, #tpu.memory_space<vmem>>
              %dma_start3A_441 = tpu.memref_squeeze %dma_start3A_440 : memref<1x128xi32, #tpu.memory_space<vmem>> -> memref<128xi32, #tpu.memory_space<vmem>>
              %dma_start3A_442 = arith.constant 0 : i32
              %dma_start3A_443 = arith.constant 0 : i32
              %dma_start3A_444 = tpu.memref_slice %arg7[%dma_start3A_442, %dma_start3A_443] : memref<50048x16xf32, #tpu.memory_space<vmem_shared>> -> memref<50048x16xf32, #tpu.memory_space<vmem_shared>>
              tpu.enqueue_indirect_dma source(%dma_start3A_434 : memref<128x16xf32, #tpu.memory_space<vmem>>) target(%dma_start3A_444 : memref<50048x16xf32, #tpu.memory_space<vmem_shared>>) offsets(%dma_start3A_441 : memref<128xi32, #tpu.memory_space<vmem>>) semaphore(%run_scoped3A_430 : memref<!tpu.dma_semaphore, #tpu.memory_space<semaphore_mem>>) {add = true}
              %dma_wait3A = arith.constant 0 : i32
              %dma_wait3A_445 = arith.constant 0 : i32
              %dma_wait3A_446 = tpu.memref_slice %run_scoped3A[%rem3A_320, %dma_wait3A, %dma_wait3A_445] : memref<2x128x16xf32, #tpu.memory_space<vmem>> -> memref<1x128x16xf32, #tpu.memory_space<vmem>>
              %dma_wait3A_447 = tpu.memref_squeeze %dma_wait3A_446 : memref<1x128x16xf32, #tpu.memory_space<vmem>> -> memref<128x16xf32, #tpu.memory_space<vmem>>
              %dma_wait3A_448 = arith.constant 0 : i32
              %dma_wait3A_449 = arith.constant 0 : i32
              %dma_wait3A_450 = tpu.memref_slice %run_scoped3A_23[%rem3A_324, %dma_wait3A_448, %dma_wait3A_449] : memref<2x1x128xi32, #tpu.memory_space<vmem>> -> memref<1x1x128xi32, #tpu.memory_space<vmem>>
              %dma_wait3A_451 = tpu.memref_squeeze %dma_wait3A_450 : memref<1x1x128xi32, #tpu.memory_space<vmem>> -> memref<1x128xi32, #tpu.memory_space<vmem>>
              %dma_wait3A_452 = arith.constant 0 : i32
              %dma_wait3A_453 = tpu.memref_slice %dma_wait3A_451[%run_scoped3A_429, %dma_wait3A_452] : memref<1x128xi32, #tpu.memory_space<vmem>> -> memref<1x128xi32, #tpu.memory_space<vmem>>
              %dma_wait3A_454 = tpu.memref_squeeze %dma_wait3A_453 : memref<1x128xi32, #tpu.memory_space<vmem>> -> memref<128xi32, #tpu.memory_space<vmem>>
              %dma_wait3A_455 = arith.constant 0 : i32
              %dma_wait3A_456 = arith.constant 0 : i32
              %dma_wait3A_457 = tpu.memref_slice %arg7[%dma_wait3A_455, %dma_wait3A_456] : memref<50048x16xf32, #tpu.memory_space<vmem_shared>> -> memref<50048x16xf32, #tpu.memory_space<vmem_shared>>
              tpu.wait_indirect_dma semaphore(%run_scoped3A_430 : memref<!tpu.dma_semaphore, #tpu.memory_space<semaphore_mem>>) src(%dma_wait3A_447 : memref<128x16xf32, #tpu.memory_space<vmem>>) dst(%dma_wait3A_457 : memref<50048x16xf32, #tpu.memory_space<vmem_shared>>)
              tpu.yield
            }) : () -> ()
          } else {
          }
          "tpu.trace_stop"() : () -> ()
          %ne3A_335 = arith.cmpi ne, %add3A_215, %add3A_233 : i32
          %or3A_336 = arith.constant false
          %or3A_337 = arith.ori %or3A_336, %ne3A_335 : i1
          %or3A_338 = arith.constant false
          %or3A_339 = arith.ori %or3A_337, %or3A_338 : i1
          %or3A_340 = arith.ori %or3A_339, %eq3A_214 : i1
          %convert_element_type3A_341 = arith.extui %or3A_340 : i1 to i32
          %cond3A_342 = arith.constant 0 : i32
          %cond3A_343 = arith.cmpi ne, %convert_element_type3A_341, %cond3A_342 : i32
          scf.if %cond3A_343 {
          } else {
          }
          %and3A_344 = arith.constant false
          %and3A_345 = arith.andi %or3A_340, %and3A_344 : i1
          %ne3A_346 = arith.cmpi ne, %add3A_215, %add3A_233 : i32
          %or3A_347 = arith.constant false
          %or3A_348 = arith.ori %or3A_347, %ne3A_346 : i1
          %or3A_349 = arith.ori %or3A_348, %eq3A_214 : i1
          %convert_element_type3A_350 = arith.extui %or3A_349 : i1 to i32
          %cond3A_351 = arith.constant 0 : i32
          %cond3A_352 = arith.cmpi ne, %convert_element_type3A_350, %cond3A_351 : i32
          scf.if %cond3A_352 {
          } else {
          }
          %and3A_353 = arith.constant false
          %and3A_354 = arith.andi %or3A_349, %and3A_353 : i1
          %ne3A_355 = arith.cmpi ne, %add3A_215, %add3A_233 : i32
          %or3A_356 = arith.constant false
          %or3A_357 = arith.ori %or3A_356, %ne3A_355 : i1
          %or3A_358 = arith.ori %or3A_357, %eq3A_214 : i1
          %convert_element_type3A_359 = arith.extui %or3A_358 : i1 to i32
          %cond3A_360 = arith.constant 0 : i32
          %cond3A_361 = arith.cmpi ne, %convert_element_type3A_359, %cond3A_360 : i32
          scf.if %cond3A_361 {
          } else {
          }
          %and3A_362 = arith.constant false
          %and3A_363 = arith.andi %or3A_358, %and3A_362 : i1
          %ne3A_364 = arith.cmpi ne, %add3A_215, %add3A_225 : i32
          %or3A_365 = arith.constant false
          %or3A_366 = arith.ori %or3A_365, %ne3A_364 : i1
          %or3A_367 = arith.constant false
          %or3A_368 = arith.ori %or3A_366, %or3A_367 : i1
          %not3A_369 = arith.constant true
          %not3A_370 = arith.xori %eq3A_211, %not3A_369 : i1
          %and3A_371 = arith.andi %or3A_368, %not3A_370 : i1
          %convert_element_type3A_372 = arith.extui %and3A_371 : i1 to i32
          %cond3A_373 = arith.constant 0 : i32
          %cond3A_374 = arith.cmpi ne, %convert_element_type3A_372, %cond3A_373 : i32
          scf.if %cond3A_374 {
          } else {
          }
          %and3A_375 = arith.constant false
          %and3A_376 = arith.andi %and3A_371, %and3A_375 : i1
          %ne3A_377 = arith.cmpi ne, %add3A_215, %add3A_225 : i32
          %or3A_378 = arith.constant false
          %or3A_379 = arith.ori %or3A_378, %ne3A_377 : i1
          %not3A_380 = arith.constant true
          %not3A_381 = arith.xori %eq3A_211, %not3A_380 : i1
          %and3A_382 = arith.andi %or3A_379, %not3A_381 : i1
          %convert_element_type3A_383 = arith.extui %and3A_382 : i1 to i32
          %cond3A_384 = arith.constant 0 : i32
          %cond3A_385 = arith.cmpi ne, %convert_element_type3A_383, %cond3A_384 : i32
          scf.if %cond3A_385 {
          } else {
          }
          %and3A_386 = arith.constant false
          %and3A_387 = arith.andi %and3A_382, %and3A_386 : i1
          %ne3A_388 = arith.cmpi ne, %add3A_215, %add3A_225 : i32
          %or3A_389 = arith.constant false
          %or3A_390 = arith.ori %or3A_389, %ne3A_388 : i1
          %not3A_391 = arith.constant true
          %not3A_392 = arith.xori %eq3A_211, %not3A_391 : i1
          %and3A_393 = arith.andi %or3A_390, %not3A_392 : i1
          %convert_element_type3A_394 = arith.extui %and3A_393 : i1 to i32
          %cond3A_395 = arith.constant 0 : i32
          %cond3A_396 = arith.cmpi ne, %convert_element_type3A_394, %cond3A_395 : i32
          scf.if %cond3A_396 {
          } else {
          }
          %and3A_397 = arith.constant false
          %and3A_398 = arith.andi %and3A_393, %and3A_397 : i1
          %ne3A_399 = arith.cmpi ne, %add3A_215, %add3A_233 : i32
          %or3A_400 = arith.constant false
          %or3A_401 = arith.ori %or3A_400, %ne3A_399 : i1
          %or3A_402 = arith.constant false
          %or3A_403 = arith.ori %or3A_401, %or3A_402 : i1
          %or3A_404 = arith.ori %or3A_403, %eq3A_214 : i1
          %add3A_405 = arith.constant 1 : i32
          %add3A_406 = arith.addi %while3A_202, %add3A_405 : i32
          %select_n3A_407 = arith.select %or3A_404, %add3A_406, %while3A_202 : i32
          %ne3A_408 = arith.cmpi ne, %add3A_215, %add3A_233 : i32
          %or3A_409 = arith.constant false
          %or3A_410 = arith.ori %or3A_409, %ne3A_408 : i1
          %or3A_411 = arith.ori %or3A_410, %eq3A_214 : i1
          %add3A_412 = arith.constant 1 : i32
          %add3A_413 = arith.addi %while3A_204, %add3A_412 : i32
          %select_n3A_414 = arith.select %or3A_411, %add3A_413, %while3A_204 : i32
          %ne3A_415 = arith.cmpi ne, %add3A_215, %add3A_233 : i32
          %or3A_416 = arith.constant false
          %or3A_417 = arith.ori %or3A_416, %ne3A_415 : i1
          %or3A_418 = arith.ori %or3A_417, %eq3A_214 : i1
          %add3A_419 = arith.constant 1 : i32
          %add3A_420 = arith.addi %while3A_206, %add3A_419 : i32
          %select_n3A_421 = arith.select %or3A_418, %add3A_420, %while3A_206 : i32
          %add3A_422 = arith.constant 1 : i32
          %add3A_423 = arith.addi %while3A_207, %add3A_422 : i32
          %select_n3A_424 = arith.constant true
          %select_n3A_425 = arith.select %select_n3A_424, %add3A_423, %while3A_207 : i32
          %eq3A_426 = arith.cmpi eq, %select_n3A_425, %select_n3A : i32
          %select_n3A_427 = arith.constant 0 : i32
          %select_n3A_428 = arith.select %eq3A_426, %select_n3A_427, %select_n3A_425 : i32
          scf.yield %select_n3A_257, %select_n3A_407, %select_n3A_276, %select_n3A_414, %select_n3A_295, %select_n3A_421, %select_n3A_428 : i32, i32, i32, i32, i32, i32, i32
        }
        %while3A_144 = arith.constant 1 : i32
        %while3A_145:7 = scf.for %while3A_200 = %while3A_141 to %while3A_137 step %while3A_144 iter_args(%while3A_201 = %while3A_143#0, %while3A_202 = %while3A_143#1, %while3A_203 = %while3A_143#2, %while3A_204 = %while3A_143#3, %while3A_205 = %while3A_143#4, %while3A_206 = %while3A_143#5, %while3A_207 = %while3A_143#6) -> (i32, i32, i32, i32, i32, i32, i32)  : i32 {
          %mul3A_208 = arith.constant 1 : i32
          %mul3A_209 = arith.muli %mul3A_208, %select_n3A : i32
          %eq3A_210 = arith.constant 0 : i32
          %eq3A_211 = arith.cmpi eq, %while3A_200, %eq3A_210 : i32
          %sub3A_212 = arith.constant 1 : i32
          %sub3A_213 = arith.subi %mul3A_209, %sub3A_212 : i32
          %eq3A_214 = arith.cmpi eq, %while3A_200, %sub3A_213 : i32
          %add3A_215 = arith.addi %while3A_207, %select_n3A_11 : i32
          %sub3A_216 = arith.constant 1 : i32
          %sub3A_217 = arith.subi %while3A_207, %sub3A_216 : i32
          %select_n3A_218 = arith.constant true
          %select_n3A_219 = arith.select %select_n3A_218, %sub3A_217, %while3A_207 : i32
          %eq3A_220 = arith.constant -1 : i32
          %eq3A_221 = arith.cmpi eq, %select_n3A_219, %eq3A_220 : i32
          %sub3A_222 = arith.constant 1 : i32
          %sub3A_223 = arith.subi %select_n3A, %sub3A_222 : i32
          %select_n3A_224 = arith.select %eq3A_221, %sub3A_223, %select_n3A_219 : i32
          %add3A_225 = arith.addi %select_n3A_224, %select_n3A_11 : i32
          %add3A_226 = arith.constant 1 : i32
          %add3A_227 = arith.addi %while3A_207, %add3A_226 : i32
          %select_n3A_228 = arith.constant true
          %select_n3A_229 = arith.select %select_n3A_228, %add3A_227, %while3A_207 : i32
          %eq3A_230 = arith.cmpi eq, %select_n3A_229, %select_n3A : i32
          %select_n3A_231 = arith.constant 0 : i32
          %select_n3A_232 = arith.select %eq3A_230, %select_n3A_231, %select_n3A_229 : i32
          %add3A_233 = arith.addi %select_n3A_232, %select_n3A_11 : i32
          %add3A_234 = arith.constant 1 : i32
          %add3A_235 = arith.addi %select_n3A_232, %add3A_234 : i32
          %select_n3A_236 = arith.constant true
          %select_n3A_237 = arith.select %select_n3A_236, %add3A_235, %select_n3A_232 : i32
          %eq3A_238 = arith.cmpi eq, %select_n3A_237, %select_n3A : i32
          %select_n3A_239 = arith.constant 0 : i32
          %select_n3A_240 = arith.select %eq3A_238, %select_n3A_239, %select_n3A_237 : i32
          %add3A_241 = arith.addi %select_n3A_240, %select_n3A_11 : i32
          %ne3A = arith.cmpi ne, %add3A_215, %add3A_233 : i32
          %or3A = arith.constant false
          %or3A_242 = arith.ori %or3A, %ne3A : i1
          %or3A_243 = arith.constant false
          %or3A_244 = arith.ori %or3A_242, %or3A_243 : i1
          %sub3A_245 = arith.constant 2 : i32
          %sub3A_246 = arith.subi %mul3A_209, %sub3A_245 : i32
          %add3A_247 = arith.constant 1 : i32
          %add3A_248 = arith.addi %sub3A_246, %add3A_247 : i32
          %ge3A = arith.cmpi sge, %while3A_200, %add3A_248 : i32
          %not3A = arith.constant true
          %not3A_249 = arith.xori %ge3A, %not3A : i1
          %and3A = arith.andi %or3A_244, %not3A_249 : i1
          %convert_element_type3A_250 = arith.extui %and3A : i1 to i32
          %cond3A_251 = arith.constant 0 : i32
          %cond3A_252 = arith.cmpi ne, %convert_element_type3A_250, %cond3A_251 : i32
          scf.if %cond3A_252 {
            "tpu.trace_start"() <{level = 10 : i32, message = "ep_copy_in"}> : () -> ()
            %rem3A_429 = arith.constant 2 : i32
            %rem3A_430 = arith.remui %while3A_201, %rem3A_429 : i32
            %mul3A_431 = arith.constant 128 : i32
            %mul3A_432 = arith.muli %mul3A_431, %add3A_233 : i32
            %dma_start3A_433 = arith.constant 0 : i32
            %dma_start3A_434 = arith.constant 0 : i32
            %dma_start3A_435 = tpu.memref_slice %run_scoped3A[%rem3A_430, %dma_start3A_433, %dma_start3A_434] : memref<2x128x16xf32, #tpu.memory_space<vmem>> -> memref<1x128x16xf32, #tpu.memory_space<vmem>>
            %dma_start3A_436 = tpu.memref_squeeze %dma_start3A_435 : memref<1x128x16xf32, #tpu.memory_space<vmem>> -> memref<128x16xf32, #tpu.memory_space<vmem>>
            %dma_start3A_437 = arith.constant 32 : i32
            %dma_start3A_438 = tpu.memref_slice %arg2[%mul3A_432, %dma_start3A_437] : memref<1600000x128xf32, #tpu.memory_space<hbm>> -> memref<128x16xf32, #tpu.memory_space<hbm>>
            %dma_start3A_439 = tpu.memref_slice %run_scoped3A_20[%rem3A_430] : memref<2x!tpu.dma_semaphore, #tpu.memory_space<semaphore_mem>> -> memref<1x!tpu.dma_semaphore, #tpu.memory_space<semaphore_mem>>
            %dma_start3A_440 = tpu.memref_squeeze %dma_start3A_439 : memref<1x!tpu.dma_semaphore, #tpu.memory_space<semaphore_mem>> -> memref<!tpu.dma_semaphore, #tpu.memory_space<semaphore_mem>>
            %dma_start3A_441 = arith.constant 0 : i32
            %dma_start3A_442 = arith.constant 0 : i32
            %dma_start3A_443 = tpu.memref_slice %run_scoped3A[%rem3A_430, %dma_start3A_441, %dma_start3A_442] : memref<2x128x16xf32, #tpu.memory_space<vmem>> -> memref<1x128x16xf32, #tpu.memory_space<vmem>>
            %dma_start3A_444 = tpu.memref_squeeze %dma_start3A_443 : memref<1x128x16xf32, #tpu.memory_space<vmem>> -> memref<128x16xf32, #tpu.memory_space<vmem>>
            %dma_start3A_445 = arith.constant 32 : i32
            %dma_start3A_446 = tpu.memref_slice %arg2[%mul3A_432, %dma_start3A_445] : memref<1600000x128xf32, #tpu.memory_space<hbm>> -> memref<128x16xf32, #tpu.memory_space<hbm>>
            tpu.enqueue_dma source(%dma_start3A_446 : memref<128x16xf32, #tpu.memory_space<hbm>>) target(%dma_start3A_444 : memref<128x16xf32, #tpu.memory_space<vmem>>) target_semaphore(%dma_start3A_440 : memref<!tpu.dma_semaphore, #tpu.memory_space<semaphore_mem>>)
            "tpu.trace_stop"() : () -> ()
          } else {
          }
          %and3A_253 = arith.constant true
          %and3A_254 = arith.andi %and3A, %and3A_253 : i1
          %add3A_255 = arith.constant 1 : i32
          %add3A_256 = arith.addi %while3A_201, %add3A_255 : i32
          %select_n3A_257 = arith.select %and3A_254, %add3A_256, %while3A_201 : i32
          %ne3A_258 = arith.cmpi ne, %add3A_215, %add3A_233 : i32
          %or3A_259 = arith.constant false
          %or3A_260 = arith.ori %or3A_259, %ne3A_258 : i1
          %sub3A_261 = arith.constant 2 : i32
          %sub3A_262 = arith.subi %mul3A_209, %sub3A_261 : i32
          %add3A_263 = arith.constant 1 : i32
          %add3A_264 = arith.addi %sub3A_262, %add3A_263 : i32
          %ge3A_265 = arith.cmpi sge, %while3A_200, %add3A_264 : i32
          %not3A_266 = arith.constant true
          %not3A_267 = arith.xori %ge3A_265, %not3A_266 : i1
          %and3A_268 = arith.andi %or3A_260, %not3A_267 : i1
          %convert_element_type3A_269 = arith.extui %and3A_268 : i1 to i32
          %cond3A_270 = arith.constant 0 : i32
          %cond3A_271 = arith.cmpi ne, %convert_element_type3A_269, %cond3A_270 : i32
          scf.if %cond3A_271 {
            "tpu.trace_start"() <{level = 10 : i32, message = "ep_copy_in"}> : () -> ()
            %rem3A_429 = arith.constant 2 : i32
            %rem3A_430 = arith.remui %while3A_203, %rem3A_429 : i32
            %mul3A_431 = arith.constant 128 : i32
            %mul3A_432 = arith.muli %mul3A_431, %add3A_233 : i32
            %dma_start3A_433 = arith.constant 0 : i32
            %dma_start3A_434 = arith.constant 0 : i32
            %dma_start3A_435 = tpu.memref_slice %run_scoped3A_21[%rem3A_430, %dma_start3A_433, %dma_start3A_434] : memref<2x1x128xi32, #tpu.memory_space<vmem>> -> memref<1x1x128xi32, #tpu.memory_space<vmem>>
            %dma_start3A_436 = tpu.memref_squeeze %dma_start3A_435 : memref<1x1x128xi32, #tpu.memory_space<vmem>> -> memref<1x128xi32, #tpu.memory_space<vmem>>
            %dma_start3A_437 = arith.constant 0 : i32
            %dma_start3A_438 = tpu.memref_slice %arg3[%dma_start3A_437, %mul3A_432] : memref<1x1600000xi32, #tpu.memory_space<hbm>> -> memref<1x128xi32, #tpu.memory_space<hbm>>
            %dma_start3A_439 = tpu.memref_slice %run_scoped3A_22[%rem3A_430] : memref<2x!tpu.dma_semaphore, #tpu.memory_space<semaphore_mem>> -> memref<1x!tpu.dma_semaphore, #tpu.memory_space<semaphore_mem>>
            %dma_start3A_440 = tpu.memref_squeeze %dma_start3A_439 : memref<1x!tpu.dma_semaphore, #tpu.memory_space<semaphore_mem>> -> memref<!tpu.dma_semaphore, #tpu.memory_space<semaphore_mem>>
            %dma_start3A_441 = arith.constant 0 : i32
            %dma_start3A_442 = arith.constant 0 : i32
            %dma_start3A_443 = tpu.memref_slice %run_scoped3A_21[%rem3A_430, %dma_start3A_441, %dma_start3A_442] : memref<2x1x128xi32, #tpu.memory_space<vmem>> -> memref<1x1x128xi32, #tpu.memory_space<vmem>>
            %dma_start3A_444 = tpu.memref_squeeze %dma_start3A_443 : memref<1x1x128xi32, #tpu.memory_space<vmem>> -> memref<1x128xi32, #tpu.memory_space<vmem>>
            %dma_start3A_445 = arith.constant 0 : i32
            %dma_start3A_446 = tpu.memref_slice %arg3[%dma_start3A_445, %mul3A_432] : memref<1x1600000xi32, #tpu.memory_space<hbm>> -> memref<1x128xi32, #tpu.memory_space<hbm>>
            tpu.enqueue_dma source(%dma_start3A_446 : memref<1x128xi32, #tpu.memory_space<hbm>>) target(%dma_start3A_444 : memref<1x128xi32, #tpu.memory_space<vmem>>) target_semaphore(%dma_start3A_440 : memref<!tpu.dma_semaphore, #tpu.memory_space<semaphore_mem>>)
            "tpu.trace_stop"() : () -> ()
          } else {
          }
          %and3A_272 = arith.constant true
          %and3A_273 = arith.andi %and3A_268, %and3A_272 : i1
          %add3A_274 = arith.constant 1 : i32
          %add3A_275 = arith.addi %while3A_203, %add3A_274 : i32
          %select_n3A_276 = arith.select %and3A_273, %add3A_275, %while3A_203 : i32
          %ne3A_277 = arith.cmpi ne, %add3A_215, %add3A_233 : i32
          %or3A_278 = arith.constant false
          %or3A_279 = arith.ori %or3A_278, %ne3A_277 : i1
          %sub3A_280 = arith.constant 2 : i32
          %sub3A_281 = arith.subi %mul3A_209, %sub3A_280 : i32
          %add3A_282 = arith.constant 1 : i32
          %add3A_283 = arith.addi %sub3A_281, %add3A_282 : i32
          %ge3A_284 = arith.cmpi sge, %while3A_200, %add3A_283 : i32
          %not3A_285 = arith.constant true
          %not3A_286 = arith.xori %ge3A_284, %not3A_285 : i1
          %and3A_287 = arith.andi %or3A_279, %not3A_286 : i1
          %convert_element_type3A_288 = arith.extui %and3A_287 : i1 to i32
          %cond3A_289 = arith.constant 0 : i32
          %cond3A_290 = arith.cmpi ne, %convert_element_type3A_288, %cond3A_289 : i32
          scf.if %cond3A_290 {
            "tpu.trace_start"() <{level = 10 : i32, message = "ep_copy_in"}> : () -> ()
            %rem3A_429 = arith.constant 2 : i32
            %rem3A_430 = arith.remui %while3A_205, %rem3A_429 : i32
            %mul3A_431 = arith.constant 128 : i32
            %mul3A_432 = arith.muli %mul3A_431, %add3A_233 : i32
            %dma_start3A_433 = arith.constant 0 : i32
            %dma_start3A_434 = arith.constant 0 : i32
            %dma_start3A_435 = tpu.memref_slice %run_scoped3A_23[%rem3A_430, %dma_start3A_433, %dma_start3A_434] : memref<2x1x128xi32, #tpu.memory_space<vmem>> -> memref<1x1x128xi32, #tpu.memory_space<vmem>>
            %dma_start3A_436 = tpu.memref_squeeze %dma_start3A_435 : memref<1x1x128xi32, #tpu.memory_space<vmem>> -> memref<1x128xi32, #tpu.memory_space<vmem>>
            %dma_start3A_437 = arith.constant 0 : i32
            %dma_start3A_438 = tpu.memref_slice %arg4[%dma_start3A_437, %mul3A_432] : memref<1x1600000xi32, #tpu.memory_space<hbm>> -> memref<1x128xi32, #tpu.memory_space<hbm>>
            %dma_start3A_439 = tpu.memref_slice %run_scoped3A_24[%rem3A_430] : memref<2x!tpu.dma_semaphore, #tpu.memory_space<semaphore_mem>> -> memref<1x!tpu.dma_semaphore, #tpu.memory_space<semaphore_mem>>
            %dma_start3A_440 = tpu.memref_squeeze %dma_start3A_439 : memref<1x!tpu.dma_semaphore, #tpu.memory_space<semaphore_mem>> -> memref<!tpu.dma_semaphore, #tpu.memory_space<semaphore_mem>>
            %dma_start3A_441 = arith.constant 0 : i32
            %dma_start3A_442 = arith.constant 0 : i32
            %dma_start3A_443 = tpu.memref_slice %run_scoped3A_23[%rem3A_430, %dma_start3A_441, %dma_start3A_442] : memref<2x1x128xi32, #tpu.memory_space<vmem>> -> memref<1x1x128xi32, #tpu.memory_space<vmem>>
            %dma_start3A_444 = tpu.memref_squeeze %dma_start3A_443 : memref<1x1x128xi32, #tpu.memory_space<vmem>> -> memref<1x128xi32, #tpu.memory_space<vmem>>
            %dma_start3A_445 = arith.constant 0 : i32
            %dma_start3A_446 = tpu.memref_slice %arg4[%dma_start3A_445, %mul3A_432] : memref<1x1600000xi32, #tpu.memory_space<hbm>> -> memref<1x128xi32, #tpu.memory_space<hbm>>
            tpu.enqueue_dma source(%dma_start3A_446 : memref<1x128xi32, #tpu.memory_space<hbm>>) target(%dma_start3A_444 : memref<1x128xi32, #tpu.memory_space<vmem>>) target_semaphore(%dma_start3A_440 : memref<!tpu.dma_semaphore, #tpu.memory_space<semaphore_mem>>)
            "tpu.trace_stop"() : () -> ()
          } else {
          }
          %and3A_291 = arith.constant true
          %and3A_292 = arith.andi %and3A_287, %and3A_291 : i1
          %add3A_293 = arith.constant 1 : i32
          %add3A_294 = arith.addi %while3A_205, %add3A_293 : i32
          %select_n3A_295 = arith.select %and3A_292, %add3A_294, %while3A_205 : i32
          %ne3A_296 = arith.cmpi ne, %add3A_215, %add3A_225 : i32
          %or3A_297 = arith.constant false
          %or3A_298 = arith.ori %or3A_297, %ne3A_296 : i1
          %or3A_299 = arith.constant false
          %or3A_300 = arith.ori %or3A_298, %or3A_299 : i1
          %or3A_301 = arith.ori %or3A_300, %eq3A_211 : i1
          %convert_element_type3A_302 = arith.extui %or3A_301 : i1 to i32
          %cond3A_303 = arith.constant 0 : i32
          %cond3A_304 = arith.cmpi ne, %convert_element_type3A_302, %cond3A_303 : i32
          scf.if %cond3A_304 {
            "tpu.trace_start"() <{level = 10 : i32, message = "ep_wait_in"}> : () -> ()
            %mul3A_429 = arith.constant 128 : i32
            %mul3A_430 = arith.muli %mul3A_429, %add3A_215 : i32
            %rem3A_431 = arith.constant 2 : i32
            %rem3A_432 = arith.remui %while3A_202, %rem3A_431 : i32
            %dma_wait3A = arith.constant 0 : i32
            %dma_wait3A_433 = arith.constant 0 : i32
            %dma_wait3A_434 = tpu.memref_slice %run_scoped3A[%rem3A_432, %dma_wait3A, %dma_wait3A_433] : memref<2x128x16xf32, #tpu.memory_space<vmem>> -> memref<1x128x16xf32, #tpu.memory_space<vmem>>
            %dma_wait3A_435 = tpu.memref_squeeze %dma_wait3A_434 : memref<1x128x16xf32, #tpu.memory_space<vmem>> -> memref<128x16xf32, #tpu.memory_space<vmem>>
            %dma_wait3A_436 = arith.constant 32 : i32
            %dma_wait3A_437 = tpu.memref_slice %arg2[%mul3A_430, %dma_wait3A_436] : memref<1600000x128xf32, #tpu.memory_space<hbm>> -> memref<128x16xf32, #tpu.memory_space<hbm>>
            %dma_wait3A_438 = tpu.memref_slice %run_scoped3A_20[%rem3A_432] : memref<2x!tpu.dma_semaphore, #tpu.memory_space<semaphore_mem>> -> memref<1x!tpu.dma_semaphore, #tpu.memory_space<semaphore_mem>>
            %dma_wait3A_439 = tpu.memref_squeeze %dma_wait3A_438 : memref<1x!tpu.dma_semaphore, #tpu.memory_space<semaphore_mem>> -> memref<!tpu.dma_semaphore, #tpu.memory_space<semaphore_mem>>
            %dma_wait3A_440 = arith.constant 0 : i32
            %dma_wait3A_441 = arith.constant 0 : i32
            %dma_wait3A_442 = tpu.memref_slice %run_scoped3A[%rem3A_432, %dma_wait3A_440, %dma_wait3A_441] : memref<2x128x16xf32, #tpu.memory_space<vmem>> -> memref<1x128x16xf32, #tpu.memory_space<vmem>>
            %dma_wait3A_443 = tpu.memref_squeeze %dma_wait3A_442 : memref<1x128x16xf32, #tpu.memory_space<vmem>> -> memref<128x16xf32, #tpu.memory_space<vmem>>
            %dma_wait3A_444 = arith.constant 32 : i32
            %dma_wait3A_445 = tpu.memref_slice %arg2[%mul3A_430, %dma_wait3A_444] : memref<1600000x128xf32, #tpu.memory_space<hbm>> -> memref<128x16xf32, #tpu.memory_space<hbm>>
            tpu.wait_dma2 semaphore(%dma_wait3A_439 : memref<!tpu.dma_semaphore, #tpu.memory_space<semaphore_mem>>) src(%dma_wait3A_445 : memref<128x16xf32, #tpu.memory_space<hbm>>) dst(%dma_wait3A_443 : memref<128x16xf32, #tpu.memory_space<vmem>>)
            "tpu.trace_stop"() : () -> ()
          } else {
          }
          %ne3A_305 = arith.cmpi ne, %add3A_215, %add3A_225 : i32
          %or3A_306 = arith.constant false
          %or3A_307 = arith.ori %or3A_306, %ne3A_305 : i1
          %or3A_308 = arith.ori %or3A_307, %eq3A_211 : i1
          %convert_element_type3A_309 = arith.extui %or3A_308 : i1 to i32
          %cond3A_310 = arith.constant 0 : i32
          %cond3A_311 = arith.cmpi ne, %convert_element_type3A_309, %cond3A_310 : i32
          scf.if %cond3A_311 {
            "tpu.trace_start"() <{level = 10 : i32, message = "ep_wait_in"}> : () -> ()
            %mul3A_429 = arith.constant 128 : i32
            %mul3A_430 = arith.muli %mul3A_429, %add3A_215 : i32
            %rem3A_431 = arith.constant 2 : i32
            %rem3A_432 = arith.remui %while3A_204, %rem3A_431 : i32
            %dma_wait3A = arith.constant 0 : i32
            %dma_wait3A_433 = arith.constant 0 : i32
            %dma_wait3A_434 = tpu.memref_slice %run_scoped3A_21[%rem3A_432, %dma_wait3A, %dma_wait3A_433] : memref<2x1x128xi32, #tpu.memory_space<vmem>> -> memref<1x1x128xi32, #tpu.memory_space<vmem>>
            %dma_wait3A_435 = tpu.memref_squeeze %dma_wait3A_434 : memref<1x1x128xi32, #tpu.memory_space<vmem>> -> memref<1x128xi32, #tpu.memory_space<vmem>>
            %dma_wait3A_436 = arith.constant 0 : i32
            %dma_wait3A_437 = tpu.memref_slice %arg3[%dma_wait3A_436, %mul3A_430] : memref<1x1600000xi32, #tpu.memory_space<hbm>> -> memref<1x128xi32, #tpu.memory_space<hbm>>
            %dma_wait3A_438 = tpu.memref_slice %run_scoped3A_22[%rem3A_432] : memref<2x!tpu.dma_semaphore, #tpu.memory_space<semaphore_mem>> -> memref<1x!tpu.dma_semaphore, #tpu.memory_space<semaphore_mem>>
            %dma_wait3A_439 = tpu.memref_squeeze %dma_wait3A_438 : memref<1x!tpu.dma_semaphore, #tpu.memory_space<semaphore_mem>> -> memref<!tpu.dma_semaphore, #tpu.memory_space<semaphore_mem>>
            %dma_wait3A_440 = arith.constant 0 : i32
            %dma_wait3A_441 = arith.constant 0 : i32
            %dma_wait3A_442 = tpu.memref_slice %run_scoped3A_21[%rem3A_432, %dma_wait3A_440, %dma_wait3A_441] : memref<2x1x128xi32, #tpu.memory_space<vmem>> -> memref<1x1x128xi32, #tpu.memory_space<vmem>>
            %dma_wait3A_443 = tpu.memref_squeeze %dma_wait3A_442 : memref<1x1x128xi32, #tpu.memory_space<vmem>> -> memref<1x128xi32, #tpu.memory_space<vmem>>
            %dma_wait3A_444 = arith.constant 0 : i32
            %dma_wait3A_445 = tpu.memref_slice %arg3[%dma_wait3A_444, %mul3A_430] : memref<1x1600000xi32, #tpu.memory_space<hbm>> -> memref<1x128xi32, #tpu.memory_space<hbm>>
            tpu.wait_dma2 semaphore(%dma_wait3A_439 : memref<!tpu.dma_semaphore, #tpu.memory_space<semaphore_mem>>) src(%dma_wait3A_445 : memref<1x128xi32, #tpu.memory_space<hbm>>) dst(%dma_wait3A_443 : memref<1x128xi32, #tpu.memory_space<vmem>>)
            "tpu.trace_stop"() : () -> ()
          } else {
          }
          %ne3A_312 = arith.cmpi ne, %add3A_215, %add3A_225 : i32
          %or3A_313 = arith.constant false
          %or3A_314 = arith.ori %or3A_313, %ne3A_312 : i1
          %or3A_315 = arith.ori %or3A_314, %eq3A_211 : i1
          %convert_element_type3A_316 = arith.extui %or3A_315 : i1 to i32
          %cond3A_317 = arith.constant 0 : i32
          %cond3A_318 = arith.cmpi ne, %convert_element_type3A_316, %cond3A_317 : i32
          scf.if %cond3A_318 {
            "tpu.trace_start"() <{level = 10 : i32, message = "ep_wait_in"}> : () -> ()
            %mul3A_429 = arith.constant 128 : i32
            %mul3A_430 = arith.muli %mul3A_429, %add3A_215 : i32
            %rem3A_431 = arith.constant 2 : i32
            %rem3A_432 = arith.remui %while3A_206, %rem3A_431 : i32
            %dma_wait3A = arith.constant 0 : i32
            %dma_wait3A_433 = arith.constant 0 : i32
            %dma_wait3A_434 = tpu.memref_slice %run_scoped3A_23[%rem3A_432, %dma_wait3A, %dma_wait3A_433] : memref<2x1x128xi32, #tpu.memory_space<vmem>> -> memref<1x1x128xi32, #tpu.memory_space<vmem>>
            %dma_wait3A_435 = tpu.memref_squeeze %dma_wait3A_434 : memref<1x1x128xi32, #tpu.memory_space<vmem>> -> memref<1x128xi32, #tpu.memory_space<vmem>>
            %dma_wait3A_436 = arith.constant 0 : i32
            %dma_wait3A_437 = tpu.memref_slice %arg4[%dma_wait3A_436, %mul3A_430] : memref<1x1600000xi32, #tpu.memory_space<hbm>> -> memref<1x128xi32, #tpu.memory_space<hbm>>
            %dma_wait3A_438 = tpu.memref_slice %run_scoped3A_24[%rem3A_432] : memref<2x!tpu.dma_semaphore, #tpu.memory_space<semaphore_mem>> -> memref<1x!tpu.dma_semaphore, #tpu.memory_space<semaphore_mem>>
            %dma_wait3A_439 = tpu.memref_squeeze %dma_wait3A_438 : memref<1x!tpu.dma_semaphore, #tpu.memory_space<semaphore_mem>> -> memref<!tpu.dma_semaphore, #tpu.memory_space<semaphore_mem>>
            %dma_wait3A_440 = arith.constant 0 : i32
            %dma_wait3A_441 = arith.constant 0 : i32
            %dma_wait3A_442 = tpu.memref_slice %run_scoped3A_23[%rem3A_432, %dma_wait3A_440, %dma_wait3A_441] : memref<2x1x128xi32, #tpu.memory_space<vmem>> -> memref<1x1x128xi32, #tpu.memory_space<vmem>>
            %dma_wait3A_443 = tpu.memref_squeeze %dma_wait3A_442 : memref<1x1x128xi32, #tpu.memory_space<vmem>> -> memref<1x128xi32, #tpu.memory_space<vmem>>
            %dma_wait3A_444 = arith.constant 0 : i32
            %dma_wait3A_445 = tpu.memref_slice %arg4[%dma_wait3A_444, %mul3A_430] : memref<1x1600000xi32, #tpu.memory_space<hbm>> -> memref<1x128xi32, #tpu.memory_space<hbm>>
            tpu.wait_dma2 semaphore(%dma_wait3A_439 : memref<!tpu.dma_semaphore, #tpu.memory_space<semaphore_mem>>) src(%dma_wait3A_445 : memref<1x128xi32, #tpu.memory_space<hbm>>) dst(%dma_wait3A_443 : memref<1x128xi32, #tpu.memory_space<vmem>>)
            "tpu.trace_stop"() : () -> ()
          } else {
          }
          %rem3A_319 = arith.constant 2 : i32
          %rem3A_320 = arith.remui %while3A_202, %rem3A_319 : i32
          %rem3A_321 = arith.constant 2 : i32
          %rem3A_322 = arith.remui %while3A_204, %rem3A_321 : i32
          %rem3A_323 = arith.constant 2 : i32
          %rem3A_324 = arith.remui %while3A_206, %rem3A_323 : i32
          %eq3A_325 = arith.constant 0 : i32
          "tpu.trace_start"() <{level = 10 : i32, message = "ep_run_kernel"}> : () -> ()
          %eq3A_326 = arith.cmpi eq, %arg0, %eq3A_325 : i32
          %convert_element_type3A_327 = arith.extui %eq3A_326 : i1 to i32
          %cond3A_328 = arith.constant 0 : i32
          %cond3A_329 = arith.cmpi ne, %convert_element_type3A_327, %cond3A_328 : i32
          scf.if %cond3A_329 {
            %run_scoped3A_429 = arith.constant 0 : i32
            "tpu.region"() ({
              %run_scoped3A_430 = tpu.sem_alloc : memref<!tpu.dma_semaphore, #tpu.memory_space<semaphore_mem>>
              %dma_start3A_431 = arith.constant 0 : i32
              %dma_start3A_432 = arith.constant 0 : i32
              %dma_start3A_433 = tpu.memref_slice %run_scoped3A[%rem3A_320, %dma_start3A_431, %dma_start3A_432] : memref<2x128x16xf32, #tpu.memory_space<vmem>> -> memref<1x128x16xf32, #tpu.memory_space<vmem>>
              %dma_start3A_434 = tpu.memref_squeeze %dma_start3A_433 : memref<1x128x16xf32, #tpu.memory_space<vmem>> -> memref<128x16xf32, #tpu.memory_space<vmem>>
              %dma_start3A_435 = arith.constant 0 : i32
              %dma_start3A_436 = arith.constant 0 : i32
              %dma_start3A_437 = tpu.memref_slice %run_scoped3A_21[%rem3A_322, %dma_start3A_435, %dma_start3A_436] : memref<2x1x128xi32, #tpu.memory_space<vmem>> -> memref<1x1x128xi32, #tpu.memory_space<vmem>>
              %dma_start3A_438 = tpu.memref_squeeze %dma_start3A_437 : memref<1x1x128xi32, #tpu.memory_space<vmem>> -> memref<1x128xi32, #tpu.memory_space<vmem>>
              %dma_start3A_439 = arith.constant 0 : i32
              %dma_start3A_440 = tpu.memref_slice %dma_start3A_438[%run_scoped3A_429, %dma_start3A_439] : memref<1x128xi32, #tpu.memory_space<vmem>> -> memref<1x128xi32, #tpu.memory_space<vmem>>
              %dma_start3A_441 = tpu.memref_squeeze %dma_start3A_440 : memref<1x128xi32, #tpu.memory_space<vmem>> -> memref<128xi32, #tpu.memory_space<vmem>>
              %dma_start3A_442 = arith.constant 0 : i32
              %dma_start3A_443 = arith.constant 0 : i32
              %dma_start3A_444 = tpu.memref_slice %arg7[%dma_start3A_442, %dma_start3A_443] : memref<50048x16xf32, #tpu.memory_space<vmem_shared>> -> memref<50048x16xf32, #tpu.memory_space<vmem_shared>>
              tpu.enqueue_indirect_dma source(%dma_start3A_434 : memref<128x16xf32, #tpu.memory_space<vmem>>) target(%dma_start3A_444 : memref<50048x16xf32, #tpu.memory_space<vmem_shared>>) offsets(%dma_start3A_441 : memref<128xi32, #tpu.memory_space<vmem>>) semaphore(%run_scoped3A_430 : memref<!tpu.dma_semaphore, #tpu.memory_space<semaphore_mem>>) {add = true}
              %dma_wait3A = arith.constant 0 : i32
              %dma_wait3A_445 = arith.constant 0 : i32
              %dma_wait3A_446 = tpu.memref_slice %run_scoped3A[%rem3A_320, %dma_wait3A, %dma_wait3A_445] : memref<2x128x16xf32, #tpu.memory_space<vmem>> -> memref<1x128x16xf32, #tpu.memory_space<vmem>>
              %dma_wait3A_447 = tpu.memref_squeeze %dma_wait3A_446 : memref<1x128x16xf32, #tpu.memory_space<vmem>> -> memref<128x16xf32, #tpu.memory_space<vmem>>
              %dma_wait3A_448 = arith.constant 0 : i32
              %dma_wait3A_449 = arith.constant 0 : i32
              %dma_wait3A_450 = tpu.memref_slice %run_scoped3A_21[%rem3A_322, %dma_wait3A_448, %dma_wait3A_449] : memref<2x1x128xi32, #tpu.memory_space<vmem>> -> memref<1x1x128xi32, #tpu.memory_space<vmem>>
              %dma_wait3A_451 = tpu.memref_squeeze %dma_wait3A_450 : memref<1x1x128xi32, #tpu.memory_space<vmem>> -> memref<1x128xi32, #tpu.memory_space<vmem>>
              %dma_wait3A_452 = arith.constant 0 : i32
              %dma_wait3A_453 = tpu.memref_slice %dma_wait3A_451[%run_scoped3A_429, %dma_wait3A_452] : memref<1x128xi32, #tpu.memory_space<vmem>> -> memref<1x128xi32, #tpu.memory_space<vmem>>
              %dma_wait3A_454 = tpu.memref_squeeze %dma_wait3A_453 : memref<1x128xi32, #tpu.memory_space<vmem>> -> memref<128xi32, #tpu.memory_space<vmem>>
              %dma_wait3A_455 = arith.constant 0 : i32
              %dma_wait3A_456 = arith.constant 0 : i32
              %dma_wait3A_457 = tpu.memref_slice %arg7[%dma_wait3A_455, %dma_wait3A_456] : memref<50048x16xf32, #tpu.memory_space<vmem_shared>> -> memref<50048x16xf32, #tpu.memory_space<vmem_shared>>
              tpu.wait_indirect_dma semaphore(%run_scoped3A_430 : memref<!tpu.dma_semaphore, #tpu.memory_space<semaphore_mem>>) src(%dma_wait3A_447 : memref<128x16xf32, #tpu.memory_space<vmem>>) dst(%dma_wait3A_457 : memref<50048x16xf32, #tpu.memory_space<vmem_shared>>)
              tpu.yield
            }) : () -> ()
          } else {
          }
          %eq3A_330 = arith.constant 1 : i32
          %eq3A_331 = arith.cmpi eq, %arg0, %eq3A_330 : i32
          %convert_element_type3A_332 = arith.extui %eq3A_331 : i1 to i32
          %cond3A_333 = arith.constant 0 : i32
          %cond3A_334 = arith.cmpi ne, %convert_element_type3A_332, %cond3A_333 : i32
          scf.if %cond3A_334 {
            %run_scoped3A_429 = arith.constant 0 : i32
            "tpu.region"() ({
              %run_scoped3A_430 = tpu.sem_alloc : memref<!tpu.dma_semaphore, #tpu.memory_space<semaphore_mem>>
              %dma_start3A_431 = arith.constant 0 : i32
              %dma_start3A_432 = arith.constant 0 : i32
              %dma_start3A_433 = tpu.memref_slice %run_scoped3A[%rem3A_320, %dma_start3A_431, %dma_start3A_432] : memref<2x128x16xf32, #tpu.memory_space<vmem>> -> memref<1x128x16xf32, #tpu.memory_space<vmem>>
              %dma_start3A_434 = tpu.memref_squeeze %dma_start3A_433 : memref<1x128x16xf32, #tpu.memory_space<vmem>> -> memref<128x16xf32, #tpu.memory_space<vmem>>
              %dma_start3A_435 = arith.constant 0 : i32
              %dma_start3A_436 = arith.constant 0 : i32
              %dma_start3A_437 = tpu.memref_slice %run_scoped3A_23[%rem3A_324, %dma_start3A_435, %dma_start3A_436] : memref<2x1x128xi32, #tpu.memory_space<vmem>> -> memref<1x1x128xi32, #tpu.memory_space<vmem>>
              %dma_start3A_438 = tpu.memref_squeeze %dma_start3A_437 : memref<1x1x128xi32, #tpu.memory_space<vmem>> -> memref<1x128xi32, #tpu.memory_space<vmem>>
              %dma_start3A_439 = arith.constant 0 : i32
              %dma_start3A_440 = tpu.memref_slice %dma_start3A_438[%run_scoped3A_429, %dma_start3A_439] : memref<1x128xi32, #tpu.memory_space<vmem>> -> memref<1x128xi32, #tpu.memory_space<vmem>>
              %dma_start3A_441 = tpu.memref_squeeze %dma_start3A_440 : memref<1x128xi32, #tpu.memory_space<vmem>> -> memref<128xi32, #tpu.memory_space<vmem>>
              %dma_start3A_442 = arith.constant 0 : i32
              %dma_start3A_443 = arith.constant 0 : i32
              %dma_start3A_444 = tpu.memref_slice %arg7[%dma_start3A_442, %dma_start3A_443] : memref<50048x16xf32, #tpu.memory_space<vmem_shared>> -> memref<50048x16xf32, #tpu.memory_space<vmem_shared>>
              tpu.enqueue_indirect_dma source(%dma_start3A_434 : memref<128x16xf32, #tpu.memory_space<vmem>>) target(%dma_start3A_444 : memref<50048x16xf32, #tpu.memory_space<vmem_shared>>) offsets(%dma_start3A_441 : memref<128xi32, #tpu.memory_space<vmem>>) semaphore(%run_scoped3A_430 : memref<!tpu.dma_semaphore, #tpu.memory_space<semaphore_mem>>) {add = true}
              %dma_wait3A = arith.constant 0 : i32
              %dma_wait3A_445 = arith.constant 0 : i32
              %dma_wait3A_446 = tpu.memref_slice %run_scoped3A[%rem3A_320, %dma_wait3A, %dma_wait3A_445] : memref<2x128x16xf32, #tpu.memory_space<vmem>> -> memref<1x128x16xf32, #tpu.memory_space<vmem>>
              %dma_wait3A_447 = tpu.memref_squeeze %dma_wait3A_446 : memref<1x128x16xf32, #tpu.memory_space<vmem>> -> memref<128x16xf32, #tpu.memory_space<vmem>>
              %dma_wait3A_448 = arith.constant 0 : i32
              %dma_wait3A_449 = arith.constant 0 : i32
              %dma_wait3A_450 = tpu.memref_slice %run_scoped3A_23[%rem3A_324, %dma_wait3A_448, %dma_wait3A_449] : memref<2x1x128xi32, #tpu.memory_space<vmem>> -> memref<1x1x128xi32, #tpu.memory_space<vmem>>
              %dma_wait3A_451 = tpu.memref_squeeze %dma_wait3A_450 : memref<1x1x128xi32, #tpu.memory_space<vmem>> -> memref<1x128xi32, #tpu.memory_space<vmem>>
              %dma_wait3A_452 = arith.constant 0 : i32
              %dma_wait3A_453 = tpu.memref_slice %dma_wait3A_451[%run_scoped3A_429, %dma_wait3A_452] : memref<1x128xi32, #tpu.memory_space<vmem>> -> memref<1x128xi32, #tpu.memory_space<vmem>>
              %dma_wait3A_454 = tpu.memref_squeeze %dma_wait3A_453 : memref<1x128xi32, #tpu.memory_space<vmem>> -> memref<128xi32, #tpu.memory_space<vmem>>
              %dma_wait3A_455 = arith.constant 0 : i32
              %dma_wait3A_456 = arith.constant 0 : i32
              %dma_wait3A_457 = tpu.memref_slice %arg7[%dma_wait3A_455, %dma_wait3A_456] : memref<50048x16xf32, #tpu.memory_space<vmem_shared>> -> memref<50048x16xf32, #tpu.memory_space<vmem_shared>>
              tpu.wait_indirect_dma semaphore(%run_scoped3A_430 : memref<!tpu.dma_semaphore, #tpu.memory_space<semaphore_mem>>) src(%dma_wait3A_447 : memref<128x16xf32, #tpu.memory_space<vmem>>) dst(%dma_wait3A_457 : memref<50048x16xf32, #tpu.memory_space<vmem_shared>>)
              tpu.yield
            }) : () -> ()
          } else {
          }
          "tpu.trace_stop"() : () -> ()
          %ne3A_335 = arith.cmpi ne, %add3A_215, %add3A_233 : i32
          %or3A_336 = arith.constant false
          %or3A_337 = arith.ori %or3A_336, %ne3A_335 : i1
          %or3A_338 = arith.constant false
          %or3A_339 = arith.ori %or3A_337, %or3A_338 : i1
          %or3A_340 = arith.ori %or3A_339, %eq3A_214 : i1
          %convert_element_type3A_341 = arith.extui %or3A_340 : i1 to i32
          %cond3A_342 = arith.constant 0 : i32
          %cond3A_343 = arith.cmpi ne, %convert_element_type3A_341, %cond3A_342 : i32
          scf.if %cond3A_343 {
          } else {
          }
          %and3A_344 = arith.constant false
          %and3A_345 = arith.andi %or3A_340, %and3A_344 : i1
          %ne3A_346 = arith.cmpi ne, %add3A_215, %add3A_233 : i32
          %or3A_347 = arith.constant false
          %or3A_348 = arith.ori %or3A_347, %ne3A_346 : i1
          %or3A_349 = arith.ori %or3A_348, %eq3A_214 : i1
          %convert_element_type3A_350 = arith.extui %or3A_349 : i1 to i32
          %cond3A_351 = arith.constant 0 : i32
          %cond3A_352 = arith.cmpi ne, %convert_element_type3A_350, %cond3A_351 : i32
          scf.if %cond3A_352 {
          } else {
          }
          %and3A_353 = arith.constant false
          %and3A_354 = arith.andi %or3A_349, %and3A_353 : i1
          %ne3A_355 = arith.cmpi ne, %add3A_215, %add3A_233 : i32
          %or3A_356 = arith.constant false
          %or3A_357 = arith.ori %or3A_356, %ne3A_355 : i1
          %or3A_358 = arith.ori %or3A_357, %eq3A_214 : i1
          %convert_element_type3A_359 = arith.extui %or3A_358 : i1 to i32
          %cond3A_360 = arith.constant 0 : i32
          %cond3A_361 = arith.cmpi ne, %convert_element_type3A_359, %cond3A_360 : i32
          scf.if %cond3A_361 {
          } else {
          }
          %and3A_362 = arith.constant false
          %and3A_363 = arith.andi %or3A_358, %and3A_362 : i1
          %ne3A_364 = arith.cmpi ne, %add3A_215, %add3A_225 : i32
          %or3A_365 = arith.constant false
          %or3A_366 = arith.ori %or3A_365, %ne3A_364 : i1
          %or3A_367 = arith.constant false
          %or3A_368 = arith.ori %or3A_366, %or3A_367 : i1
          %not3A_369 = arith.constant true
          %not3A_370 = arith.xori %eq3A_211, %not3A_369 : i1
          %and3A_371 = arith.andi %or3A_368, %not3A_370 : i1
          %convert_element_type3A_372 = arith.extui %and3A_371 : i1 to i32
          %cond3A_373 = arith.constant 0 : i32
          %cond3A_374 = arith.cmpi ne, %convert_element_type3A_372, %cond3A_373 : i32
          scf.if %cond3A_374 {
          } else {
          }
          %and3A_375 = arith.constant false
          %and3A_376 = arith.andi %and3A_371, %and3A_375 : i1
          %ne3A_377 = arith.cmpi ne, %add3A_215, %add3A_225 : i32
          %or3A_378 = arith.constant false
          %or3A_379 = arith.ori %or3A_378, %ne3A_377 : i1
          %not3A_380 = arith.constant true
          %not3A_381 = arith.xori %eq3A_211, %not3A_380 : i1
          %and3A_382 = arith.andi %or3A_379, %not3A_381 : i1
          %convert_element_type3A_383 = arith.extui %and3A_382 : i1 to i32
          %cond3A_384 = arith.constant 0 : i32
          %cond3A_385 = arith.cmpi ne, %convert_element_type3A_383, %cond3A_384 : i32
          scf.if %cond3A_385 {
          } else {
          }
          %and3A_386 = arith.constant false
          %and3A_387 = arith.andi %and3A_382, %and3A_386 : i1
          %ne3A_388 = arith.cmpi ne, %add3A_215, %add3A_225 : i32
          %or3A_389 = arith.constant false
          %or3A_390 = arith.ori %or3A_389, %ne3A_388 : i1
          %not3A_391 = arith.constant true
          %not3A_392 = arith.xori %eq3A_211, %not3A_391 : i1
          %and3A_393 = arith.andi %or3A_390, %not3A_392 : i1
          %convert_element_type3A_394 = arith.extui %and3A_393 : i1 to i32
          %cond3A_395 = arith.constant 0 : i32
          %cond3A_396 = arith.cmpi ne, %convert_element_type3A_394, %cond3A_395 : i32
          scf.if %cond3A_396 {
          } else {
          }
          %and3A_397 = arith.constant false
          %and3A_398 = arith.andi %and3A_393, %and3A_397 : i1
          %ne3A_399 = arith.cmpi ne, %add3A_215, %add3A_233 : i32
          %or3A_400 = arith.constant false
          %or3A_401 = arith.ori %or3A_400, %ne3A_399 : i1
          %or3A_402 = arith.constant false
          %or3A_403 = arith.ori %or3A_401, %or3A_402 : i1
          %or3A_404 = arith.ori %or3A_403, %eq3A_214 : i1
          %add3A_405 = arith.constant 1 : i32
          %add3A_406 = arith.addi %while3A_202, %add3A_405 : i32
          %select_n3A_407 = arith.select %or3A_404, %add3A_406, %while3A_202 : i32
          %ne3A_408 = arith.cmpi ne, %add3A_215, %add3A_233 : i32
          %or3A_409 = arith.constant false
          %or3A_410 = arith.ori %or3A_409, %ne3A_408 : i1
          %or3A_411 = arith.ori %or3A_410, %eq3A_214 : i1
          %add3A_412 = arith.constant 1 : i32
          %add3A_413 = arith.addi %while3A_204, %add3A_412 : i32
          %select_n3A_414 = arith.select %or3A_411, %add3A_413, %while3A_204 : i32
          %ne3A_415 = arith.cmpi ne, %add3A_215, %add3A_233 : i32
          %or3A_416 = arith.constant false
          %or3A_417 = arith.ori %or3A_416, %ne3A_415 : i1
          %or3A_418 = arith.ori %or3A_417, %eq3A_214 : i1
          %add3A_419 = arith.constant 1 : i32
          %add3A_420 = arith.addi %while3A_206, %add3A_419 : i32
          %select_n3A_421 = arith.select %or3A_418, %add3A_420, %while3A_206 : i32
          %add3A_422 = arith.constant 1 : i32
          %add3A_423 = arith.addi %while3A_207, %add3A_422 : i32
          %select_n3A_424 = arith.constant true
          %select_n3A_425 = arith.select %select_n3A_424, %add3A_423, %while3A_207 : i32
          %eq3A_426 = arith.cmpi eq, %select_n3A_425, %select_n3A : i32
          %select_n3A_427 = arith.constant 0 : i32
          %select_n3A_428 = arith.select %eq3A_426, %select_n3A_427, %select_n3A_425 : i32
          scf.yield %select_n3A_257, %select_n3A_407, %select_n3A_276, %select_n3A_414, %select_n3A_295, %select_n3A_421, %select_n3A_428 : i32, i32, i32, i32, i32, i32, i32
        }
        %sub3A_146 = arith.constant 1 : i32
        %sub3A_147 = arith.subi %while3A_145#6, %sub3A_146 : i32
        %select_n3A_148 = arith.constant true
        %select_n3A_149 = arith.select %select_n3A_148, %sub3A_147, %while3A_145#6 : i32
        %eq3A_150 = arith.constant -1 : i32
        %eq3A_151 = arith.cmpi eq, %select_n3A_149, %eq3A_150 : i32
        %sub3A_152 = arith.constant 1 : i32
        %sub3A_153 = arith.subi %select_n3A, %sub3A_152 : i32
        %select_n3A_154 = arith.select %eq3A_151, %sub3A_153, %select_n3A_149 : i32
        %sub3A_155 = arith.constant 1 : i32
        %sub3A_156 = arith.subi %mul3A_13, %sub3A_155 : i32
        %mul3A_157 = arith.constant 1 : i32
        %mul3A_158 = arith.muli %mul3A_157, %select_n3A : i32
        %eq3A_159 = arith.constant 0 : i32
        %eq3A_160 = arith.cmpi eq, %sub3A_156, %eq3A_159 : i32
        %sub3A_161 = arith.constant 1 : i32
        %sub3A_162 = arith.subi %mul3A_158, %sub3A_161 : i32
        %eq3A_163 = arith.cmpi eq, %sub3A_156, %sub3A_162 : i32
        %add3A_164 = arith.addi %select_n3A_154, %select_n3A_11 : i32
        %sub3A_165 = arith.constant 1 : i32
        %sub3A_166 = arith.subi %select_n3A_154, %sub3A_165 : i32
        %select_n3A_167 = arith.constant true
        %select_n3A_168 = arith.select %select_n3A_167, %sub3A_166, %select_n3A_154 : i32
        %eq3A_169 = arith.constant -1 : i32
        %eq3A_170 = arith.cmpi eq, %select_n3A_168, %eq3A_169 : i32
        %sub3A_171 = arith.constant 1 : i32
        %sub3A_172 = arith.subi %select_n3A, %sub3A_171 : i32
        %select_n3A_173 = arith.select %eq3A_170, %sub3A_172, %select_n3A_168 : i32
        %add3A_174 = arith.addi %select_n3A_173, %select_n3A_11 : i32
        %add3A_175 = arith.constant 1 : i32
        %add3A_176 = arith.addi %select_n3A_154, %add3A_175 : i32
        %select_n3A_177 = arith.constant true
        %select_n3A_178 = arith.select %select_n3A_177, %add3A_176, %select_n3A_154 : i32
        %eq3A_179 = arith.cmpi eq, %select_n3A_178, %select_n3A : i32
        %select_n3A_180 = arith.constant 0 : i32
        %select_n3A_181 = arith.select %eq3A_179, %select_n3A_180, %select_n3A_178 : i32
        %add3A_182 = arith.addi %select_n3A_181, %select_n3A_11 : i32
        %add3A_183 = arith.constant 1 : i32
        %add3A_184 = arith.addi %select_n3A_181, %add3A_183 : i32
        %select_n3A_185 = arith.constant true
        %select_n3A_186 = arith.select %select_n3A_185, %add3A_184, %select_n3A_181 : i32
        %eq3A_187 = arith.cmpi eq, %select_n3A_186, %select_n3A : i32
        %select_n3A_188 = arith.constant 0 : i32
        %select_n3A_189 = arith.select %eq3A_187, %select_n3A_188, %select_n3A_186 : i32
        %add3A_190 = arith.addi %select_n3A_189, %select_n3A_11 : i32
        %convert_element_type3A_191 = arith.extui %eq3A_163 : i1 to i32
        %cond3A_192 = arith.constant 0 : i32
        %cond3A_193 = arith.cmpi ne, %convert_element_type3A_191, %cond3A_192 : i32
        scf.if %cond3A_193 {
        } else {
        }
        %convert_element_type3A_194 = arith.extui %eq3A_163 : i1 to i32
        %cond3A_195 = arith.constant 0 : i32
        %cond3A_196 = arith.cmpi ne, %convert_element_type3A_194, %cond3A_195 : i32
        scf.if %cond3A_196 {
        } else {
        }
        %convert_element_type3A_197 = arith.extui %eq3A_163 : i1 to i32
        %cond3A_198 = arith.constant 0 : i32
        %cond3A_199 = arith.cmpi ne, %convert_element_type3A_197, %cond3A_198 : i32
        scf.if %cond3A_199 {
        } else {
        }
      } else {
      }
      tpu.yield
    }) : () -> ()
    %barrier3A_14 = arith.constant 0 : index
    tpu.barrier barrier_id(%barrier3A_14)
    %scan3A_15 = arith.constant 0 : i32
    %scan3A_16 = arith.constant 391 : i32
    %scan3A_17 = arith.addi %scan3A_15, %scan3A_16 : i32
    %scan3A_18 = arith.constant 1 : i32
    scf.for %scan3A_20 = %scan3A_15 to %scan3A_17 step %scan3A_18  : i32 {
      %mul3A_21 = arith.constant 1 : i32
      %mul3A_22 = arith.muli %scan3A_20, %mul3A_21 : i32
      %add3A_23 = arith.constant 0 : i32
      %add3A_24 = arith.addi %add3A_23, %mul3A_22 : i32
      %mul3A_25 = arith.constant 3128 : i32
      %mul3A_26 = arith.muli %arg1, %mul3A_25 : i32
      %mul3A_27 = arith.constant 8 : i32
      %mul3A_28 = arith.muli %add3A_24, %mul3A_27 : i32
      %add3A_29 = arith.addi %mul3A_26, %mul3A_28 : i32
      "tpu.region"() ({
        %run_scoped3A = tpu.sem_alloc : memref<!tpu.dma_semaphore, #tpu.memory_space<semaphore_mem>>
        %dma_start3A = arith.constant 0 : i32
        %dma_start3A_124 = tpu.memref_slice %arg7[%add3A_29, %dma_start3A] : memref<50048x16xf32, #tpu.memory_space<vmem_shared>> -> memref<8x16xf32, #tpu.memory_space<vmem_shared>>
        %dma_start3A_125 = arith.constant 0 : i32
        %dma_start3A_126 = tpu.memref_slice %arg7[%add3A_29, %dma_start3A_125] : memref<50048x16xf32, #tpu.memory_space<vmem_shared>> -> memref<8x16xf32, #tpu.memory_space<vmem_shared>>
        tpu.enqueue_dma source(%dma_start3A_126 : memref<8x16xf32, #tpu.memory_space<vmem_shared>>) target(%arg8 : memref<8x16xf32, #tpu.memory_space<vmem>>) target_semaphore(%run_scoped3A : memref<!tpu.dma_semaphore, #tpu.memory_space<semaphore_mem>>)
        %dma_wait3A = arith.constant 0 : i32
        %dma_wait3A_127 = tpu.memref_slice %arg7[%add3A_29, %dma_wait3A] : memref<50048x16xf32, #tpu.memory_space<vmem_shared>> -> memref<8x16xf32, #tpu.memory_space<vmem_shared>>
        %dma_wait3A_128 = arith.constant 0 : i32
        %dma_wait3A_129 = tpu.memref_slice %arg7[%add3A_29, %dma_wait3A_128] : memref<50048x16xf32, #tpu.memory_space<vmem_shared>> -> memref<8x16xf32, #tpu.memory_space<vmem_shared>>
        tpu.wait_dma2 semaphore(%run_scoped3A : memref<!tpu.dma_semaphore, #tpu.memory_space<semaphore_mem>>) src(%dma_wait3A_129 : memref<8x16xf32, #tpu.memory_space<vmem_shared>>) dst(%arg8 : memref<8x16xf32, #tpu.memory_space<vmem>>)
        tpu.yield
      }) : () -> ()
      %get3A = arith.constant 0 : i32
      %get3A_30 = arith.index_cast %get3A : i32 to index
      %get3A_31 = arith.constant 0 : index
      %get3A_32 = tpu.vector_load %arg8[%get3A_30, %get3A_31] {strides = array<i32>} : memref<8x16xf32, #tpu.memory_space<vmem>>, vector<1x16xf32>,
      %get3A_33 = vector.shape_cast %get3A_32 : vector<1x16xf32> to vector<16xf32>
      %swap3A = arith.constant 0 : i32
      %swap3A_34 = arith.index_cast %swap3A : i32 to index
      %swap3A_35 = arith.constant 0 : index
      %swap3A_36 = tpu.vector_load %arg9[%swap3A_34, %swap3A_35] {strides = array<i32>} : memref<8x128xf32, #tpu.memory_space<vmem>>, vector<1x16xf32>,
      %swap3A_37 = vector.shape_cast %swap3A_36 : vector<1x16xf32> to vector<16xf32>
      %swap3A_38 = vector.shape_cast %get3A_33 : vector<16xf32> to vector<1x16xf32>
      tpu.vector_store %arg9[%swap3A_34, %swap3A_35], %swap3A_38 {strides = array<i32>} : memref<8x128xf32, #tpu.memory_space<vmem>>, vector<1x16xf32>,
      %get3A_39 = arith.constant 1 : i32
      %get3A_40 = arith.index_cast %get3A_39 : i32 to index
      %get3A_41 = arith.constant 0 : index
      %get3A_42 = tpu.vector_load %arg8[%get3A_40, %get3A_41] {strides = array<i32>} : memref<8x16xf32, #tpu.memory_space<vmem>>, vector<1x16xf32>,
      %get3A_43 = vector.shape_cast %get3A_42 : vector<1x16xf32> to vector<16xf32>
      %swap3A_44 = arith.constant 1 : i32
      %swap3A_45 = arith.index_cast %swap3A_44 : i32 to index
      %swap3A_46 = arith.constant 0 : index
      %swap3A_47 = tpu.vector_load %arg9[%swap3A_45, %swap3A_46] {strides = array<i32>} : memref<8x128xf32, #tpu.memory_space<vmem>>, vector<1x16xf32>,
      %swap3A_48 = vector.shape_cast %swap3A_47 : vector<1x16xf32> to vector<16xf32>
      %swap3A_49 = vector.shape_cast %get3A_43 : vector<16xf32> to vector<1x16xf32>
      tpu.vector_store %arg9[%swap3A_45, %swap3A_46], %swap3A_49 {strides = array<i32>} : memref<8x128xf32, #tpu.memory_space<vmem>>, vector<1x16xf32>,
      %get3A_50 = arith.constant 2 : i32
      %get3A_51 = arith.index_cast %get3A_50 : i32 to index
      %get3A_52 = arith.constant 0 : index
      %get3A_53 = tpu.vector_load %arg8[%get3A_51, %get3A_52] {strides = array<i32>} : memref<8x16xf32, #tpu.memory_space<vmem>>, vector<1x16xf32>,
      %get3A_54 = vector.shape_cast %get3A_53 : vector<1x16xf32> to vector<16xf32>
      %swap3A_55 = arith.constant 2 : i32
      %swap3A_56 = arith.index_cast %swap3A_55 : i32 to index
      %swap3A_57 = arith.constant 0 : index
      %swap3A_58 = tpu.vector_load %arg9[%swap3A_56, %swap3A_57] {strides = array<i32>} : memref<8x128xf32, #tpu.memory_space<vmem>>, vector<1x16xf32>,
      %swap3A_59 = vector.shape_cast %swap3A_58 : vector<1x16xf32> to vector<16xf32>
      %swap3A_60 = vector.shape_cast %get3A_54 : vector<16xf32> to vector<1x16xf32>
      tpu.vector_store %arg9[%swap3A_56, %swap3A_57], %swap3A_60 {strides = array<i32>} : memref<8x128xf32, #tpu.memory_space<vmem>>, vector<1x16xf32>,
      %get3A_61 = arith.constant 3 : i32
      %get3A_62 = arith.index_cast %get3A_61 : i32 to index
      %get3A_63 = arith.constant 0 : index
      %get3A_64 = tpu.vector_load %arg8[%get3A_62, %get3A_63] {strides = array<i32>} : memref<8x16xf32, #tpu.memory_space<vmem>>, vector<1x16xf32>,
      %get3A_65 = vector.shape_cast %get3A_64 : vector<1x16xf32> to vector<16xf32>
      %swap3A_66 = arith.constant 3 : i32
      %swap3A_67 = arith.index_cast %swap3A_66 : i32 to index
      %swap3A_68 = arith.constant 0 : index
      %swap3A_69 = tpu.vector_load %arg9[%swap3A_67, %swap3A_68] {strides = array<i32>} : memref<8x128xf32, #tpu.memory_space<vmem>>, vector<1x16xf32>,
      %swap3A_70 = vector.shape_cast %swap3A_69 : vector<1x16xf32> to vector<16xf32>
      %swap3A_71 = vector.shape_cast %get3A_65 : vector<16xf32> to vector<1x16xf32>
      tpu.vector_store %arg9[%swap3A_67, %swap3A_68], %swap3A_71 {strides = array<i32>} : memref<8x128xf32, #tpu.memory_space<vmem>>, vector<1x16xf32>,
      %get3A_72 = arith.constant 4 : i32
      %get3A_73 = arith.index_cast %get3A_72 : i32 to index
      %get3A_74 = arith.constant 0 : index
      %get3A_75 = tpu.vector_load %arg8[%get3A_73, %get3A_74] {strides = array<i32>} : memref<8x16xf32, #tpu.memory_space<vmem>>, vector<1x16xf32>,
      %get3A_76 = vector.shape_cast %get3A_75 : vector<1x16xf32> to vector<16xf32>
      %swap3A_77 = arith.constant 4 : i32
      %swap3A_78 = arith.index_cast %swap3A_77 : i32 to index
      %swap3A_79 = arith.constant 0 : index
      %swap3A_80 = tpu.vector_load %arg9[%swap3A_78, %swap3A_79] {strides = array<i32>} : memref<8x128xf32, #tpu.memory_space<vmem>>, vector<1x16xf32>,
      %swap3A_81 = vector.shape_cast %swap3A_80 : vector<1x16xf32> to vector<16xf32>
      %swap3A_82 = vector.shape_cast %get3A_76 : vector<16xf32> to vector<1x16xf32>
      tpu.vector_store %arg9[%swap3A_78, %swap3A_79], %swap3A_82 {strides = array<i32>} : memref<8x128xf32, #tpu.memory_space<vmem>>, vector<1x16xf32>,
      %get3A_83 = arith.constant 5 : i32
      %get3A_84 = arith.index_cast %get3A_83 : i32 to index
      %get3A_85 = arith.constant 0 : index
      %get3A_86 = tpu.vector_load %arg8[%get3A_84, %get3A_85] {strides = array<i32>} : memref<8x16xf32, #tpu.memory_space<vmem>>, vector<1x16xf32>,
      %get3A_87 = vector.shape_cast %get3A_86 : vector<1x16xf32> to vector<16xf32>
      %swap3A_88 = arith.constant 5 : i32
      %swap3A_89 = arith.index_cast %swap3A_88 : i32 to index
      %swap3A_90 = arith.constant 0 : index
      %swap3A_91 = tpu.vector_load %arg9[%swap3A_89, %swap3A_90] {strides = array<i32>} : memref<8x128xf32, #tpu.memory_space<vmem>>, vector<1x16xf32>,
      %swap3A_92 = vector.shape_cast %swap3A_91 : vector<1x16xf32> to vector<16xf32>
      %swap3A_93 = vector.shape_cast %get3A_87 : vector<16xf32> to vector<1x16xf32>
      tpu.vector_store %arg9[%swap3A_89, %swap3A_90], %swap3A_93 {strides = array<i32>} : memref<8x128xf32, #tpu.memory_space<vmem>>, vector<1x16xf32>,
      %get3A_94 = arith.constant 6 : i32
      %get3A_95 = arith.index_cast %get3A_94 : i32 to index
      %get3A_96 = arith.constant 0 : index
      %get3A_97 = tpu.vector_load %arg8[%get3A_95, %get3A_96] {strides = array<i32>} : memref<8x16xf32, #tpu.memory_space<vmem>>, vector<1x16xf32>,
      %get3A_98 = vector.shape_cast %get3A_97 : vector<1x16xf32> to vector<16xf32>
      %swap3A_99 = arith.constant 6 : i32
      %swap3A_100 = arith.index_cast %swap3A_99 : i32 to index
      %swap3A_101 = arith.constant 0 : index
      %swap3A_102 = tpu.vector_load %arg9[%swap3A_100, %swap3A_101] {strides = array<i32>} : memref<8x128xf32, #tpu.memory_space<vmem>>, vector<1x16xf32>,
      %swap3A_103 = vector.shape_cast %swap3A_102 : vector<1x16xf32> to vector<16xf32>
      %swap3A_104 = vector.shape_cast %get3A_98 : vector<16xf32> to vector<1x16xf32>
      tpu.vector_store %arg9[%swap3A_100, %swap3A_101], %swap3A_104 {strides = array<i32>} : memref<8x128xf32, #tpu.memory_space<vmem>>, vector<1x16xf32>,
      %get3A_105 = arith.constant 7 : i32
      %get3A_106 = arith.index_cast %get3A_105 : i32 to index
      %get3A_107 = arith.constant 0 : index
      %get3A_108 = tpu.vector_load %arg8[%get3A_106, %get3A_107] {strides = array<i32>} : memref<8x16xf32, #tpu.memory_space<vmem>>, vector<1x16xf32>,
      %get3A_109 = vector.shape_cast %get3A_108 : vector<1x16xf32> to vector<16xf32>
      %swap3A_110 = arith.constant 7 : i32
      %swap3A_111 = arith.index_cast %swap3A_110 : i32 to index
      %swap3A_112 = arith.constant 0 : index
      %swap3A_113 = tpu.vector_load %arg9[%swap3A_111, %swap3A_112] {strides = array<i32>} : memref<8x128xf32, #tpu.memory_space<vmem>>, vector<1x16xf32>,
      %swap3A_114 = vector.shape_cast %swap3A_113 : vector<1x16xf32> to vector<16xf32>
      %swap3A_115 = vector.shape_cast %get3A_109 : vector<16xf32> to vector<1x16xf32>
      tpu.vector_store %arg9[%swap3A_111, %swap3A_112], %swap3A_115 {strides = array<i32>} : memref<8x128xf32, #tpu.memory_space<vmem>>, vector<1x16xf32>,
      %mul3A_116 = arith.constant 50048 : i32
      %mul3A_117 = arith.muli %arg0, %mul3A_116 : i32
      %mul3A_118 = arith.constant 3128 : i32
      %mul3A_119 = arith.muli %arg1, %mul3A_118 : i32
      %add3A_120 = arith.addi %mul3A_117, %mul3A_119 : i32
      %mul3A_121 = arith.constant 8 : i32
      %mul3A_122 = arith.muli %add3A_24, %mul3A_121 : i32
      %add3A_123 = arith.addi %add3A_120, %mul3A_122 : i32
      "tpu.region"() ({
        %run_scoped3A = tpu.sem_alloc : memref<!tpu.dma_semaphore, #tpu.memory_space<semaphore_mem>>
        %dma_start3A = arith.constant 0 : i32
        %dma_start3A_124 = tpu.memref_slice %arg6[%add3A_123, %dma_start3A] : memref<100096x128xf32, #tpu.memory_space<hbm>> -> memref<8x128xf32, #tpu.memory_space<hbm>>
        %dma_start3A_125 = arith.constant 0 : i32
        %dma_start3A_126 = tpu.memref_slice %arg6[%add3A_123, %dma_start3A_125] : memref<100096x128xf32, #tpu.memory_space<hbm>> -> memref<8x128xf32, #tpu.memory_space<hbm>>
        tpu.enqueue_dma source(%arg9 : memref<8x128xf32, #tpu.memory_space<vmem>>) target(%dma_start3A_126 : memref<8x128xf32, #tpu.memory_space<hbm>>) target_semaphore(%run_scoped3A : memref<!tpu.dma_semaphore, #tpu.memory_space<semaphore_mem>>)
        %dma_wait3A = arith.constant 0 : i32
        %dma_wait3A_127 = tpu.memref_slice %arg6[%add3A_123, %dma_wait3A] : memref<100096x128xf32, #tpu.memory_space<hbm>> -> memref<8x128xf32, #tpu.memory_space<hbm>>
        %dma_wait3A_128 = arith.constant 0 : i32
        %dma_wait3A_129 = tpu.memref_slice %arg6[%add3A_123, %dma_wait3A_128] : memref<100096x128xf32, #tpu.memory_space<hbm>> -> memref<8x128xf32, #tpu.memory_space<hbm>>
        tpu.wait_dma2 semaphore(%run_scoped3A : memref<!tpu.dma_semaphore, #tpu.memory_space<semaphore_mem>>) src(%arg9 : memref<8x128xf32, #tpu.memory_space<vmem>>) dst(%dma_wait3A_129 : memref<8x128xf32, #tpu.memory_space<hbm>>)
        tpu.yield
      }) : () -> ()
    }
    %scan3A_19 = arith.constant 391 : i32
    return
  }
}

#map = affine_map<(d0, d1) -> (0, 0)>
module attributes {stable_mosaic.version = 14 : i64} {
  func.func @gather_kernel(%arg0: i32, %arg1: i32, %arg2: memref<100000x128xf32, #tpu.memory_space<hbm>>, %arg3: memref<1x1600000xi32, #tpu.memory_space<hbm>>, %arg4: memref<1x1600000xi32, #tpu.memory_space<hbm>>, %arg5: memref<1600000x128xf32, #tpu.memory_space<hbm>>, %arg6: memref<1600000x128xf32, #tpu.memory_space<hbm>>) attributes {dimension_semantics = [#tpu.dimension_semantics<core_parallel>, #tpu.dimension_semantics<subcore_parallel>], iteration_bounds = array<i64: 2, 16>, scalar_prefetch = 0 : i64, scratch_operands = 0 : i64, tpu.core_type = #tpu.core_type<sc_vector_subcore>, window_params = [{transform_indices = #map}, {transform_indices = #map}, {transform_indices = #map}, {transform_indices = #map}, {transform_indices = #map}]} {
    %mul3A = arith.constant 1 : i32
    %mul3A_0 = arith.muli %arg1, %mul3A : i32
    %add3A = arith.constant 0 : i32
    %add3A_1 = arith.addi %add3A, %mul3A_0 : i32
    %mul3A_2 = arith.constant 16 : i32
    %mul3A_3 = arith.muli %arg0, %mul3A_2 : i32
    %add3A_4 = arith.addi %add3A_1, %mul3A_3 : i32
    %lt3A = arith.constant 20 : i32
    %lt3A_5 = arith.cmpi slt, %add3A_4, %lt3A : i32
    %jit3A = arith.constant 391 : i32
    %jit3A_6 = arith.constant 390 : i32
    %select_n3A = arith.select %lt3A_5, %jit3A, %jit3A_6 : i32
    %lt3A_7 = arith.constant 20 : i32
    %lt3A_8 = arith.cmpi slt, %add3A_4, %lt3A_7 : i32
    %mul3A_9 = arith.muli %add3A_4, %select_n3A : i32
    %mul3A_10 = arith.constant 390 : i32
    %mul3A_11 = arith.muli %add3A_4, %mul3A_10 : i32
    %add3A_12 = arith.constant 20 : i32
    %add3A_13 = arith.addi %mul3A_11, %add3A_12 : i32
    %select_n3A_14 = arith.select %lt3A_8, %mul3A_9, %add3A_13 : i32
    %mul3A_15 = arith.constant 1 : i32
    %mul3A_16 = arith.muli %mul3A_15, %select_n3A : i32
    "tpu.region"() ({
      %run_scoped3A = memref.alloca() : memref<2x1x128xi32, #tpu.memory_space<vmem>>
      %run_scoped3A_39 = tpu.sem_alloc : memref<2x!tpu.dma_semaphore, #tpu.memory_space<semaphore_mem>>
      %run_scoped3A_40 = memref.alloca() : memref<2x128x128xf32, #tpu.memory_space<vmem>>
      %run_scoped3A_41 = tpu.sem_alloc : memref<2x!tpu.dma_semaphore, #tpu.memory_space<semaphore_mem>>
      %gt3A = arith.constant 0 : i32
      %gt3A_42 = arith.cmpi sgt, %mul3A_16, %gt3A : i32
      %convert_element_type3A = arith.extui %gt3A_42 : i1 to i32
      %cond3A = arith.constant 0 : i32
      %cond3A_43 = arith.cmpi ne, %convert_element_type3A, %cond3A : i32
      scf.if %cond3A_43 {
        %mul3A_44 = arith.constant 1 : i32
        %mul3A_45 = arith.muli %mul3A_44, %select_n3A : i32
        %sub3A = arith.constant 1 : i32
        %sub3A_46 = arith.subi %mul3A_45, %sub3A : i32
        %eq3A = arith.constant 0 : i32
        %eq3A_47 = arith.cmpi eq, %sub3A_46, %eq3A : i32
        %add3A_48 = arith.constant 0 : i32
        %add3A_49 = arith.addi %add3A_48, %select_n3A_14 : i32
        %select_n3A_50 = arith.constant true
        %select_n3A_51 = arith.constant 0 : i32
        %select_n3A_52 = arith.constant -1 : i32
        %select_n3A_53 = arith.select %select_n3A_50, %select_n3A_52, %select_n3A_51 : i32
        %eq3A_54 = arith.constant -1 : i32
        %eq3A_55 = arith.cmpi eq, %select_n3A_53, %eq3A_54 : i32
        %sub3A_56 = arith.constant 1 : i32
        %sub3A_57 = arith.subi %select_n3A, %sub3A_56 : i32
        %select_n3A_58 = arith.select %eq3A_55, %sub3A_57, %select_n3A_53 : i32
        %add3A_59 = arith.addi %select_n3A_58, %select_n3A_14 : i32
        %select_n3A_60 = arith.constant true
        %select_n3A_61 = arith.constant 0 : i32
        %select_n3A_62 = arith.constant 1 : i32
        %select_n3A_63 = arith.select %select_n3A_60, %select_n3A_62, %select_n3A_61 : i32
        %eq3A_64 = arith.cmpi eq, %select_n3A_63, %select_n3A : i32
        %select_n3A_65 = arith.constant 0 : i32
        %select_n3A_66 = arith.select %eq3A_64, %select_n3A_65, %select_n3A_63 : i32
        %add3A_67 = arith.addi %select_n3A_66, %select_n3A_14 : i32
        %add3A_68 = arith.constant 1 : i32
        %add3A_69 = arith.addi %select_n3A_66, %add3A_68 : i32
        %select_n3A_70 = arith.constant true
        %select_n3A_71 = arith.select %select_n3A_70, %add3A_69, %select_n3A_66 : i32
        %eq3A_72 = arith.cmpi eq, %select_n3A_71, %select_n3A : i32
        %select_n3A_73 = arith.constant 0 : i32
        %select_n3A_74 = arith.select %eq3A_72, %select_n3A_73, %select_n3A_71 : i32
        %add3A_75 = arith.addi %select_n3A_74, %select_n3A_14 : i32
        "tpu.trace_start"() <{level = 10 : i32, message = "ep_initialize_0"}> : () -> ()
        %rem3A = arith.constant 0 : i32
        %rem3A_76 = arith.constant 2 : i32
        %rem3A_77 = arith.remui %rem3A, %rem3A_76 : i32
        %mul3A_78 = arith.constant 128 : i32
        %mul3A_79 = arith.muli %mul3A_78, %add3A_49 : i32
        %dma_start3A = arith.constant 0 : i32
        %dma_start3A_80 = arith.constant 0 : i32
        %dma_start3A_81 = tpu.memref_slice %run_scoped3A[%rem3A_77, %dma_start3A, %dma_start3A_80] : memref<2x1x128xi32, #tpu.memory_space<vmem>> -> memref<1x1x128xi32, #tpu.memory_space<vmem>>
        %dma_start3A_82 = tpu.memref_squeeze %dma_start3A_81 : memref<1x1x128xi32, #tpu.memory_space<vmem>> -> memref<1x128xi32, #tpu.memory_space<vmem>>
        %dma_start3A_83 = arith.constant 0 : i32
        %dma_start3A_84 = tpu.memref_slice %arg3[%dma_start3A_83, %mul3A_79] : memref<1x1600000xi32, #tpu.memory_space<hbm>> -> memref<1x128xi32, #tpu.memory_space<hbm>>
        %dma_start3A_85 = tpu.memref_slice %run_scoped3A_39[%rem3A_77] : memref<2x!tpu.dma_semaphore, #tpu.memory_space<semaphore_mem>> -> memref<1x!tpu.dma_semaphore, #tpu.memory_space<semaphore_mem>>
        %dma_start3A_86 = tpu.memref_squeeze %dma_start3A_85 : memref<1x!tpu.dma_semaphore, #tpu.memory_space<semaphore_mem>> -> memref<!tpu.dma_semaphore, #tpu.memory_space<semaphore_mem>>
        %dma_start3A_87 = arith.constant 0 : i32
        %dma_start3A_88 = arith.constant 0 : i32
        %dma_start3A_89 = tpu.memref_slice %run_scoped3A[%rem3A_77, %dma_start3A_87, %dma_start3A_88] : memref<2x1x128xi32, #tpu.memory_space<vmem>> -> memref<1x1x128xi32, #tpu.memory_space<vmem>>
        %dma_start3A_90 = tpu.memref_squeeze %dma_start3A_89 : memref<1x1x128xi32, #tpu.memory_space<vmem>> -> memref<1x128xi32, #tpu.memory_space<vmem>>
        %dma_start3A_91 = arith.constant 0 : i32
        %dma_start3A_92 = tpu.memref_slice %arg3[%dma_start3A_91, %mul3A_79] : memref<1x1600000xi32, #tpu.memory_space<hbm>> -> memref<1x128xi32, #tpu.memory_space<hbm>>
        tpu.enqueue_dma source(%dma_start3A_92 : memref<1x128xi32, #tpu.memory_space<hbm>>) target(%dma_start3A_90 : memref<1x128xi32, #tpu.memory_space<vmem>>) target_semaphore(%dma_start3A_86 : memref<!tpu.dma_semaphore, #tpu.memory_space<semaphore_mem>>)
        %add3A_93 = arith.constant 0 : i32
        %add3A_94 = arith.constant 1 : i32
        %add3A_95 = arith.addi %add3A_93, %add3A_94 : i32
        %select_n3A_96 = arith.constant true
        %select_n3A_97 = arith.constant 0 : i32
        %select_n3A_98 = arith.select %select_n3A_96, %add3A_95, %select_n3A_97 : i32
        %while3A = arith.constant 0 : i32
        %while3A_99 = arith.constant 0 : i32
        %while3A_100 = arith.constant 0 : i32
        %while3A_101 = arith.constant 0 : i32
        %while3A_102 = arith.constant 0 : i32
        "tpu.trace_stop"() : () -> ()
        %while3A_103 = arith.subi %mul3A_16, %while3A : i32
        %while3A_104 = arith.addi %while3A, %while3A_103 : i32
        %while3A_105 = arith.constant 1 : i32
        %while3A_106 = arith.divsi %while3A_103, %while3A_105 : i32
        %while3A_107 = arith.muli %while3A_106, %while3A_105 : i32
        %while3A_108 = arith.addi %while3A, %while3A_107 : i32
        %while3A_109 = arith.constant 1 : i32
        %while3A_110:5 = scf.for %while3A_164 = %while3A to %while3A_108 step %while3A_109 iter_args(%while3A_165 = %select_n3A_98, %while3A_166 = %while3A_99, %while3A_167 = %while3A_100, %while3A_168 = %while3A_101, %while3A_169 = %while3A_102) -> (i32, i32, i32, i32, i32)  : i32 {
          %mul3A_170 = arith.constant 1 : i32
          %mul3A_171 = arith.muli %mul3A_170, %select_n3A : i32
          %eq3A_172 = arith.constant 0 : i32
          %eq3A_173 = arith.cmpi eq, %while3A_164, %eq3A_172 : i32
          %sub3A_174 = arith.constant 1 : i32
          %sub3A_175 = arith.subi %mul3A_171, %sub3A_174 : i32
          %eq3A_176 = arith.cmpi eq, %while3A_164, %sub3A_175 : i32
          %add3A_177 = arith.addi %while3A_169, %select_n3A_14 : i32
          %sub3A_178 = arith.constant 1 : i32
          %sub3A_179 = arith.subi %while3A_169, %sub3A_178 : i32
          %select_n3A_180 = arith.constant true
          %select_n3A_181 = arith.select %select_n3A_180, %sub3A_179, %while3A_169 : i32
          %eq3A_182 = arith.constant -1 : i32
          %eq3A_183 = arith.cmpi eq, %select_n3A_181, %eq3A_182 : i32
          %sub3A_184 = arith.constant 1 : i32
          %sub3A_185 = arith.subi %select_n3A, %sub3A_184 : i32
          %select_n3A_186 = arith.select %eq3A_183, %sub3A_185, %select_n3A_181 : i32
          %add3A_187 = arith.addi %select_n3A_186, %select_n3A_14 : i32
          %add3A_188 = arith.constant 1 : i32
          %add3A_189 = arith.addi %while3A_169, %add3A_188 : i32
          %select_n3A_190 = arith.constant true
          %select_n3A_191 = arith.select %select_n3A_190, %add3A_189, %while3A_169 : i32
          %eq3A_192 = arith.cmpi eq, %select_n3A_191, %select_n3A : i32
          %select_n3A_193 = arith.constant 0 : i32
          %select_n3A_194 = arith.select %eq3A_192, %select_n3A_193, %select_n3A_191 : i32
          %add3A_195 = arith.addi %select_n3A_194, %select_n3A_14 : i32
          %add3A_196 = arith.constant 1 : i32
          %add3A_197 = arith.addi %select_n3A_194, %add3A_196 : i32
          %select_n3A_198 = arith.constant true
          %select_n3A_199 = arith.select %select_n3A_198, %add3A_197, %select_n3A_194 : i32
          %eq3A_200 = arith.cmpi eq, %select_n3A_199, %select_n3A : i32
          %select_n3A_201 = arith.constant 0 : i32
          %select_n3A_202 = arith.select %eq3A_200, %select_n3A_201, %select_n3A_199 : i32
          %add3A_203 = arith.addi %select_n3A_202, %select_n3A_14 : i32
          %ne3A = arith.cmpi ne, %add3A_177, %add3A_195 : i32
          %or3A = arith.constant false
          %or3A_204 = arith.ori %or3A, %ne3A : i1
          %sub3A_205 = arith.constant 2 : i32
          %sub3A_206 = arith.subi %mul3A_171, %sub3A_205 : i32
          %add3A_207 = arith.constant 1 : i32
          %add3A_208 = arith.addi %sub3A_206, %add3A_207 : i32
          %ge3A = arith.cmpi sge, %while3A_164, %add3A_208 : i32
          %not3A = arith.constant true
          %not3A_209 = arith.xori %ge3A, %not3A : i1
          %and3A = arith.andi %or3A_204, %not3A_209 : i1
          %convert_element_type3A_210 = arith.extui %and3A : i1 to i32
          %cond3A_211 = arith.constant 0 : i32
          %cond3A_212 = arith.cmpi ne, %convert_element_type3A_210, %cond3A_211 : i32
          scf.if %cond3A_212 {
            "tpu.trace_start"() <{level = 10 : i32, message = "ep_copy_in"}> : () -> ()
            %rem3A_316 = arith.constant 2 : i32
            %rem3A_317 = arith.remui %while3A_165, %rem3A_316 : i32
            %mul3A_318 = arith.constant 128 : i32
            %mul3A_319 = arith.muli %mul3A_318, %add3A_195 : i32
            %dma_start3A_320 = arith.constant 0 : i32
            %dma_start3A_321 = arith.constant 0 : i32
            %dma_start3A_322 = tpu.memref_slice %run_scoped3A[%rem3A_317, %dma_start3A_320, %dma_start3A_321] : memref<2x1x128xi32, #tpu.memory_space<vmem>> -> memref<1x1x128xi32, #tpu.memory_space<vmem>>
            %dma_start3A_323 = tpu.memref_squeeze %dma_start3A_322 : memref<1x1x128xi32, #tpu.memory_space<vmem>> -> memref<1x128xi32, #tpu.memory_space<vmem>>
            %dma_start3A_324 = arith.constant 0 : i32
            %dma_start3A_325 = tpu.memref_slice %arg3[%dma_start3A_324, %mul3A_319] : memref<1x1600000xi32, #tpu.memory_space<hbm>> -> memref<1x128xi32, #tpu.memory_space<hbm>>
            %dma_start3A_326 = tpu.memref_slice %run_scoped3A_39[%rem3A_317] : memref<2x!tpu.dma_semaphore, #tpu.memory_space<semaphore_mem>> -> memref<1x!tpu.dma_semaphore, #tpu.memory_space<semaphore_mem>>
            %dma_start3A_327 = tpu.memref_squeeze %dma_start3A_326 : memref<1x!tpu.dma_semaphore, #tpu.memory_space<semaphore_mem>> -> memref<!tpu.dma_semaphore, #tpu.memory_space<semaphore_mem>>
            %dma_start3A_328 = arith.constant 0 : i32
            %dma_start3A_329 = arith.constant 0 : i32
            %dma_start3A_330 = tpu.memref_slice %run_scoped3A[%rem3A_317, %dma_start3A_328, %dma_start3A_329] : memref<2x1x128xi32, #tpu.memory_space<vmem>> -> memref<1x1x128xi32, #tpu.memory_space<vmem>>
            %dma_start3A_331 = tpu.memref_squeeze %dma_start3A_330 : memref<1x1x128xi32, #tpu.memory_space<vmem>> -> memref<1x128xi32, #tpu.memory_space<vmem>>
            %dma_start3A_332 = arith.constant 0 : i32
            %dma_start3A_333 = tpu.memref_slice %arg3[%dma_start3A_332, %mul3A_319] : memref<1x1600000xi32, #tpu.memory_space<hbm>> -> memref<1x128xi32, #tpu.memory_space<hbm>>
            tpu.enqueue_dma source(%dma_start3A_333 : memref<1x128xi32, #tpu.memory_space<hbm>>) target(%dma_start3A_331 : memref<1x128xi32, #tpu.memory_space<vmem>>) target_semaphore(%dma_start3A_327 : memref<!tpu.dma_semaphore, #tpu.memory_space<semaphore_mem>>)
            "tpu.trace_stop"() : () -> ()
          } else {
          }
          %and3A_213 = arith.constant true
          %and3A_214 = arith.andi %and3A, %and3A_213 : i1
          %add3A_215 = arith.constant 1 : i32
          %add3A_216 = arith.addi %while3A_165, %add3A_215 : i32
          %select_n3A_217 = arith.select %and3A_214, %add3A_216, %while3A_165 : i32
          %ne3A_218 = arith.cmpi ne, %add3A_177, %add3A_195 : i32
          %or3A_219 = arith.constant false
          %or3A_220 = arith.ori %or3A_219, %ne3A_218 : i1
          %or3A_221 = arith.constant false
          %or3A_222 = arith.ori %or3A_220, %or3A_221 : i1
          %sub3A_223 = arith.constant 2 : i32
          %sub3A_224 = arith.subi %mul3A_171, %sub3A_223 : i32
          %add3A_225 = arith.constant 1 : i32
          %add3A_226 = arith.addi %sub3A_224, %add3A_225 : i32
          %ge3A_227 = arith.cmpi sge, %while3A_164, %add3A_226 : i32
          %not3A_228 = arith.constant true
          %not3A_229 = arith.xori %ge3A_227, %not3A_228 : i1
          %and3A_230 = arith.andi %or3A_222, %not3A_229 : i1
          %ne3A_231 = arith.cmpi ne, %add3A_177, %add3A_187 : i32
          %or3A_232 = arith.constant false
          %or3A_233 = arith.ori %or3A_232, %ne3A_231 : i1
          %or3A_234 = arith.ori %or3A_233, %eq3A_173 : i1
          %convert_element_type3A_235 = arith.extui %or3A_234 : i1 to i32
          %cond3A_236 = arith.constant 0 : i32
          %cond3A_237 = arith.cmpi ne, %convert_element_type3A_235, %cond3A_236 : i32
          scf.if %cond3A_237 {
            "tpu.trace_start"() <{level = 10 : i32, message = "ep_wait_in"}> : () -> ()
            %mul3A_316 = arith.constant 128 : i32
            %mul3A_317 = arith.muli %mul3A_316, %add3A_177 : i32
            %rem3A_318 = arith.constant 2 : i32
            %rem3A_319 = arith.remui %while3A_166, %rem3A_318 : i32
            %dma_wait3A = arith.constant 0 : i32
            %dma_wait3A_320 = arith.constant 0 : i32
            %dma_wait3A_321 = tpu.memref_slice %run_scoped3A[%rem3A_319, %dma_wait3A, %dma_wait3A_320] : memref<2x1x128xi32, #tpu.memory_space<vmem>> -> memref<1x1x128xi32, #tpu.memory_space<vmem>>
            %dma_wait3A_322 = tpu.memref_squeeze %dma_wait3A_321 : memref<1x1x128xi32, #tpu.memory_space<vmem>> -> memref<1x128xi32, #tpu.memory_space<vmem>>
            %dma_wait3A_323 = arith.constant 0 : i32
            %dma_wait3A_324 = tpu.memref_slice %arg3[%dma_wait3A_323, %mul3A_317] : memref<1x1600000xi32, #tpu.memory_space<hbm>> -> memref<1x128xi32, #tpu.memory_space<hbm>>
            %dma_wait3A_325 = tpu.memref_slice %run_scoped3A_39[%rem3A_319] : memref<2x!tpu.dma_semaphore, #tpu.memory_space<semaphore_mem>> -> memref<1x!tpu.dma_semaphore, #tpu.memory_space<semaphore_mem>>
            %dma_wait3A_326 = tpu.memref_squeeze %dma_wait3A_325 : memref<1x!tpu.dma_semaphore, #tpu.memory_space<semaphore_mem>> -> memref<!tpu.dma_semaphore, #tpu.memory_space<semaphore_mem>>
            %dma_wait3A_327 = arith.constant 0 : i32
            %dma_wait3A_328 = arith.constant 0 : i32
            %dma_wait3A_329 = tpu.memref_slice %run_scoped3A[%rem3A_319, %dma_wait3A_327, %dma_wait3A_328] : memref<2x1x128xi32, #tpu.memory_space<vmem>> -> memref<1x1x128xi32, #tpu.memory_space<vmem>>
            %dma_wait3A_330 = tpu.memref_squeeze %dma_wait3A_329 : memref<1x1x128xi32, #tpu.memory_space<vmem>> -> memref<1x128xi32, #tpu.memory_space<vmem>>
            %dma_wait3A_331 = arith.constant 0 : i32
            %dma_wait3A_332 = tpu.memref_slice %arg3[%dma_wait3A_331, %mul3A_317] : memref<1x1600000xi32, #tpu.memory_space<hbm>> -> memref<1x128xi32, #tpu.memory_space<hbm>>
            tpu.wait_dma2 semaphore(%dma_wait3A_326 : memref<!tpu.dma_semaphore, #tpu.memory_space<semaphore_mem>>) src(%dma_wait3A_332 : memref<1x128xi32, #tpu.memory_space<hbm>>) dst(%dma_wait3A_330 : memref<1x128xi32, #tpu.memory_space<vmem>>)
            "tpu.trace_stop"() : () -> ()
          } else {
          }
          %ne3A_238 = arith.cmpi ne, %add3A_177, %add3A_187 : i32
          %or3A_239 = arith.constant false
          %or3A_240 = arith.ori %or3A_239, %ne3A_238 : i1
          %or3A_241 = arith.constant false
          %or3A_242 = arith.ori %or3A_240, %or3A_241 : i1
          %or3A_243 = arith.ori %or3A_242, %eq3A_173 : i1
          %convert_element_type3A_244 = arith.extui %or3A_243 : i1 to i32
          %cond3A_245 = arith.constant 0 : i32
          %cond3A_246 = arith.cmpi ne, %convert_element_type3A_244, %cond3A_245 : i32
          scf.if %cond3A_246 {
          } else {
          }
          %rem3A_247 = arith.constant 2 : i32
          %rem3A_248 = arith.remui %while3A_166, %rem3A_247 : i32
          %rem3A_249 = arith.constant 2 : i32
          %rem3A_250 = arith.remui %while3A_167, %rem3A_249 : i32
          %run_scoped3A_251 = arith.constant 0 : i32
          "tpu.trace_start"() <{level = 10 : i32, message = "ep_run_kernel"}> : () -> ()
          "tpu.region"() ({
            %run_scoped3A_316 = tpu.sem_alloc : memref<!tpu.dma_semaphore, #tpu.memory_space<semaphore_mem>>
            %dma_start3A_317 = arith.constant 0 : i32
            %dma_start3A_318 = arith.constant 0 : i32
            %dma_start3A_319 = tpu.memref_slice %run_scoped3A_40[%rem3A_250, %dma_start3A_317, %dma_start3A_318] : memref<2x128x128xf32, #tpu.memory_space<vmem>> -> memref<1x128x128xf32, #tpu.memory_space<vmem>>
            %dma_start3A_320 = tpu.memref_squeeze %dma_start3A_319 : memref<1x128x128xf32, #tpu.memory_space<vmem>> -> memref<128x128xf32, #tpu.memory_space<vmem>>
            %dma_start3A_321 = arith.constant 0 : i32
            %dma_start3A_322 = arith.constant 0 : i32
            %dma_start3A_323 = tpu.memref_slice %run_scoped3A[%rem3A_248, %dma_start3A_321, %dma_start3A_322] : memref<2x1x128xi32, #tpu.memory_space<vmem>> -> memref<1x1x128xi32, #tpu.memory_space<vmem>>
            %dma_start3A_324 = tpu.memref_squeeze %dma_start3A_323 : memref<1x1x128xi32, #tpu.memory_space<vmem>> -> memref<1x128xi32, #tpu.memory_space<vmem>>
            %dma_start3A_325 = arith.constant 0 : i32
            %dma_start3A_326 = tpu.memref_slice %dma_start3A_324[%run_scoped3A_251, %dma_start3A_325] : memref<1x128xi32, #tpu.memory_space<vmem>> -> memref<1x128xi32, #tpu.memory_space<vmem>>
            %dma_start3A_327 = tpu.memref_squeeze %dma_start3A_326 : memref<1x128xi32, #tpu.memory_space<vmem>> -> memref<128xi32, #tpu.memory_space<vmem>>
            %dma_start3A_328 = arith.constant 0 : i32
            %dma_start3A_329 = arith.constant 0 : i32
            %dma_start3A_330 = tpu.memref_slice %arg2[%dma_start3A_328, %dma_start3A_329] : memref<100000x128xf32, #tpu.memory_space<hbm>> -> memref<100000x128xf32, #tpu.memory_space<hbm>>
            tpu.enqueue_indirect_dma source(%dma_start3A_330 : memref<100000x128xf32, #tpu.memory_space<hbm>>) target(%dma_start3A_320 : memref<128x128xf32, #tpu.memory_space<vmem>>) offsets(%dma_start3A_327 : memref<128xi32, #tpu.memory_space<vmem>>) semaphore(%run_scoped3A_316 : memref<!tpu.dma_semaphore, #tpu.memory_space<semaphore_mem>>)
            %dma_wait3A = arith.constant 0 : i32
            %dma_wait3A_331 = arith.constant 0 : i32
            %dma_wait3A_332 = tpu.memref_slice %run_scoped3A_40[%rem3A_250, %dma_wait3A, %dma_wait3A_331] : memref<2x128x128xf32, #tpu.memory_space<vmem>> -> memref<1x128x128xf32, #tpu.memory_space<vmem>>
            %dma_wait3A_333 = tpu.memref_squeeze %dma_wait3A_332 : memref<1x128x128xf32, #tpu.memory_space<vmem>> -> memref<128x128xf32, #tpu.memory_space<vmem>>
            %dma_wait3A_334 = arith.constant 0 : i32
            %dma_wait3A_335 = arith.constant 0 : i32
            %dma_wait3A_336 = tpu.memref_slice %run_scoped3A[%rem3A_248, %dma_wait3A_334, %dma_wait3A_335] : memref<2x1x128xi32, #tpu.memory_space<vmem>> -> memref<1x1x128xi32, #tpu.memory_space<vmem>>
            %dma_wait3A_337 = tpu.memref_squeeze %dma_wait3A_336 : memref<1x1x128xi32, #tpu.memory_space<vmem>> -> memref<1x128xi32, #tpu.memory_space<vmem>>
            %dma_wait3A_338 = arith.constant 0 : i32
            %dma_wait3A_339 = tpu.memref_slice %dma_wait3A_337[%run_scoped3A_251, %dma_wait3A_338] : memref<1x128xi32, #tpu.memory_space<vmem>> -> memref<1x128xi32, #tpu.memory_space<vmem>>
            %dma_wait3A_340 = tpu.memref_squeeze %dma_wait3A_339 : memref<1x128xi32, #tpu.memory_space<vmem>> -> memref<128xi32, #tpu.memory_space<vmem>>
            %dma_wait3A_341 = arith.constant 0 : i32
            %dma_wait3A_342 = arith.constant 0 : i32
            %dma_wait3A_343 = tpu.memref_slice %arg2[%dma_wait3A_341, %dma_wait3A_342] : memref<100000x128xf32, #tpu.memory_space<hbm>> -> memref<100000x128xf32, #tpu.memory_space<hbm>>
            tpu.wait_indirect_dma semaphore(%run_scoped3A_316 : memref<!tpu.dma_semaphore, #tpu.memory_space<semaphore_mem>>) src(%dma_wait3A_343 : memref<100000x128xf32, #tpu.memory_space<hbm>>) dst(%dma_wait3A_333 : memref<128x128xf32, #tpu.memory_space<vmem>>)
            tpu.yield
          }) : () -> ()
          "tpu.trace_stop"() : () -> ()
          %ne3A_252 = arith.cmpi ne, %add3A_177, %add3A_195 : i32
          %or3A_253 = arith.constant false
          %or3A_254 = arith.ori %or3A_253, %ne3A_252 : i1
          %or3A_255 = arith.ori %or3A_254, %eq3A_176 : i1
          %convert_element_type3A_256 = arith.extui %or3A_255 : i1 to i32
          %cond3A_257 = arith.constant 0 : i32
          %cond3A_258 = arith.cmpi ne, %convert_element_type3A_256, %cond3A_257 : i32
          scf.if %cond3A_258 {
          } else {
          }
          %and3A_259 = arith.constant false
          %and3A_260 = arith.andi %or3A_255, %and3A_259 : i1
          %ne3A_261 = arith.cmpi ne, %add3A_177, %add3A_195 : i32
          %or3A_262 = arith.constant false
          %or3A_263 = arith.ori %or3A_262, %ne3A_261 : i1
          %or3A_264 = arith.constant false
          %or3A_265 = arith.ori %or3A_263, %or3A_264 : i1
          %or3A_266 = arith.ori %or3A_265, %eq3A_176 : i1
          %convert_element_type3A_267 = arith.extui %or3A_266 : i1 to i32
          %cond3A_268 = arith.constant 0 : i32
          %cond3A_269 = arith.cmpi ne, %convert_element_type3A_267, %cond3A_268 : i32
          scf.if %cond3A_269 {
            "tpu.trace_start"() <{level = 10 : i32, message = "ep_copy_out"}> : () -> ()
            %rem3A_316 = arith.constant 2 : i32
            %rem3A_317 = arith.remui %while3A_167, %rem3A_316 : i32
            %mul3A_318 = arith.constant 128 : i32
            %mul3A_319 = arith.muli %mul3A_318, %add3A_177 : i32
            %dma_start3A_320 = arith.constant 0 : i32
            %dma_start3A_321 = arith.constant 0 : i32
            %dma_start3A_322 = tpu.memref_slice %run_scoped3A_40[%rem3A_317, %dma_start3A_320, %dma_start3A_321] : memref<2x128x128xf32, #tpu.memory_space<vmem>> -> memref<1x128x128xf32, #tpu.memory_space<vmem>>
            %dma_start3A_323 = tpu.memref_squeeze %dma_start3A_322 : memref<1x128x128xf32, #tpu.memory_space<vmem>> -> memref<128x128xf32, #tpu.memory_space<vmem>>
            %dma_start3A_324 = arith.constant 0 : i32
            %dma_start3A_325 = tpu.memref_slice %arg5[%mul3A_319, %dma_start3A_324] : memref<1600000x128xf32, #tpu.memory_space<hbm>> -> memref<128x128xf32, #tpu.memory_space<hbm>>
            %dma_start3A_326 = tpu.memref_slice %run_scoped3A_41[%rem3A_317] : memref<2x!tpu.dma_semaphore, #tpu.memory_space<semaphore_mem>> -> memref<1x!tpu.dma_semaphore, #tpu.memory_space<semaphore_mem>>
            %dma_start3A_327 = tpu.memref_squeeze %dma_start3A_326 : memref<1x!tpu.dma_semaphore, #tpu.memory_space<semaphore_mem>> -> memref<!tpu.dma_semaphore, #tpu.memory_space<semaphore_mem>>
            %dma_start3A_328 = arith.constant 0 : i32
            %dma_start3A_329 = tpu.memref_slice %arg5[%mul3A_319, %dma_start3A_328] : memref<1600000x128xf32, #tpu.memory_space<hbm>> -> memref<128x128xf32, #tpu.memory_space<hbm>>
            %dma_start3A_330 = arith.constant 0 : i32
            %dma_start3A_331 = arith.constant 0 : i32
            %dma_start3A_332 = tpu.memref_slice %run_scoped3A_40[%rem3A_317, %dma_start3A_330, %dma_start3A_331] : memref<2x128x128xf32, #tpu.memory_space<vmem>> -> memref<1x128x128xf32, #tpu.memory_space<vmem>>
            %dma_start3A_333 = tpu.memref_squeeze %dma_start3A_332 : memref<1x128x128xf32, #tpu.memory_space<vmem>> -> memref<128x128xf32, #tpu.memory_space<vmem>>
            tpu.enqueue_dma source(%dma_start3A_333 : memref<128x128xf32, #tpu.memory_space<vmem>>) target(%dma_start3A_329 : memref<128x128xf32, #tpu.memory_space<hbm>>) target_semaphore(%dma_start3A_327 : memref<!tpu.dma_semaphore, #tpu.memory_space<semaphore_mem>>)
            "tpu.trace_stop"() : () -> ()
          } else {
          }
          %and3A_270 = arith.constant true
          %and3A_271 = arith.andi %or3A_266, %and3A_270 : i1
          %add3A_272 = arith.constant 1 : i32
          %add3A_273 = arith.addi %while3A_167, %add3A_272 : i32
          %select_n3A_274 = arith.select %and3A_271, %add3A_273, %while3A_167 : i32
          %ne3A_275 = arith.cmpi ne, %add3A_177, %add3A_187 : i32
          %or3A_276 = arith.constant false
          %or3A_277 = arith.ori %or3A_276, %ne3A_275 : i1
          %not3A_278 = arith.constant true
          %not3A_279 = arith.xori %eq3A_173, %not3A_278 : i1
          %and3A_280 = arith.andi %or3A_277, %not3A_279 : i1
          %convert_element_type3A_281 = arith.extui %and3A_280 : i1 to i32
          %cond3A_282 = arith.constant 0 : i32
          %cond3A_283 = arith.cmpi ne, %convert_element_type3A_281, %cond3A_282 : i32
          scf.if %cond3A_283 {
          } else {
          }
          %and3A_284 = arith.constant false
          %and3A_285 = arith.andi %and3A_280, %and3A_284 : i1
          %ne3A_286 = arith.cmpi ne, %add3A_177, %add3A_187 : i32
          %or3A_287 = arith.constant false
          %or3A_288 = arith.ori %or3A_287, %ne3A_286 : i1
          %or3A_289 = arith.constant false
          %or3A_290 = arith.ori %or3A_288, %or3A_289 : i1
          %not3A_291 = arith.constant true
          %not3A_292 = arith.xori %eq3A_173, %not3A_291 : i1
          %and3A_293 = arith.andi %or3A_290, %not3A_292 : i1
          %convert_element_type3A_294 = arith.extui %and3A_293 : i1 to i32
          %cond3A_295 = arith.constant 0 : i32
          %cond3A_296 = arith.cmpi ne, %convert_element_type3A_294, %cond3A_295 : i32
          scf.if %cond3A_296 {
            "tpu.trace_start"() <{level = 10 : i32, message = "ep_wait_out"}> : () -> ()
            %rem3A_316 = arith.constant 2 : i32
            %rem3A_317 = arith.remui %while3A_168, %rem3A_316 : i32
            %mul3A_318 = arith.constant 128 : i32
            %mul3A_319 = arith.muli %mul3A_318, %add3A_187 : i32
            %dma_wait3A = arith.constant 0 : i32
            %dma_wait3A_320 = arith.constant 0 : i32
            %dma_wait3A_321 = tpu.memref_slice %run_scoped3A_40[%rem3A_317, %dma_wait3A, %dma_wait3A_320] : memref<2x128x128xf32, #tpu.memory_space<vmem>> -> memref<1x128x128xf32, #tpu.memory_space<vmem>>
            %dma_wait3A_322 = tpu.memref_squeeze %dma_wait3A_321 : memref<1x128x128xf32, #tpu.memory_space<vmem>> -> memref<128x128xf32, #tpu.memory_space<vmem>>
            %dma_wait3A_323 = arith.constant 0 : i32
            %dma_wait3A_324 = tpu.memref_slice %arg5[%mul3A_319, %dma_wait3A_323] : memref<1600000x128xf32, #tpu.memory_space<hbm>> -> memref<128x128xf32, #tpu.memory_space<hbm>>
            %dma_wait3A_325 = tpu.memref_slice %run_scoped3A_41[%rem3A_317] : memref<2x!tpu.dma_semaphore, #tpu.memory_space<semaphore_mem>> -> memref<1x!tpu.dma_semaphore, #tpu.memory_space<semaphore_mem>>
            %dma_wait3A_326 = tpu.memref_squeeze %dma_wait3A_325 : memref<1x!tpu.dma_semaphore, #tpu.memory_space<semaphore_mem>> -> memref<!tpu.dma_semaphore, #tpu.memory_space<semaphore_mem>>
            %dma_wait3A_327 = arith.constant 0 : i32
            %dma_wait3A_328 = tpu.memref_slice %arg5[%mul3A_319, %dma_wait3A_327] : memref<1600000x128xf32, #tpu.memory_space<hbm>> -> memref<128x128xf32, #tpu.memory_space<hbm>>
            %dma_wait3A_329 = arith.constant 0 : i32
            %dma_wait3A_330 = arith.constant 0 : i32
            %dma_wait3A_331 = tpu.memref_slice %run_scoped3A_40[%rem3A_317, %dma_wait3A_329, %dma_wait3A_330] : memref<2x128x128xf32, #tpu.memory_space<vmem>> -> memref<1x128x128xf32, #tpu.memory_space<vmem>>
            %dma_wait3A_332 = tpu.memref_squeeze %dma_wait3A_331 : memref<1x128x128xf32, #tpu.memory_space<vmem>> -> memref<128x128xf32, #tpu.memory_space<vmem>>
            tpu.wait_dma2 semaphore(%dma_wait3A_326 : memref<!tpu.dma_semaphore, #tpu.memory_space<semaphore_mem>>) src(%dma_wait3A_332 : memref<128x128xf32, #tpu.memory_space<vmem>>) dst(%dma_wait3A_328 : memref<128x128xf32, #tpu.memory_space<hbm>>)
            "tpu.trace_stop"() : () -> ()
          } else {
          }
          %and3A_297 = arith.constant true
          %and3A_298 = arith.andi %and3A_293, %and3A_297 : i1
          %add3A_299 = arith.constant 1 : i32
          %add3A_300 = arith.addi %while3A_168, %add3A_299 : i32
          %select_n3A_301 = arith.select %and3A_298, %add3A_300, %while3A_168 : i32
          %ne3A_302 = arith.cmpi ne, %add3A_177, %add3A_195 : i32
          %or3A_303 = arith.constant false
          %or3A_304 = arith.ori %or3A_303, %ne3A_302 : i1
          %or3A_305 = arith.ori %or3A_304, %eq3A_176 : i1
          %add3A_306 = arith.constant 1 : i32
          %add3A_307 = arith.addi %while3A_166, %add3A_306 : i32
          %select_n3A_308 = arith.select %or3A_305, %add3A_307, %while3A_166 : i32
          %add3A_309 = arith.constant 1 : i32
          %add3A_310 = arith.addi %while3A_169, %add3A_309 : i32
          %select_n3A_311 = arith.constant true
          %select_n3A_312 = arith.select %select_n3A_311, %add3A_310, %while3A_169 : i32
          %eq3A_313 = arith.cmpi eq, %select_n3A_312, %select_n3A : i32
          %select_n3A_314 = arith.constant 0 : i32
          %select_n3A_315 = arith.select %eq3A_313, %select_n3A_314, %select_n3A_312 : i32
          scf.yield %select_n3A_217, %select_n3A_308, %select_n3A_274, %select_n3A_301, %select_n3A_315 : i32, i32, i32, i32, i32
        }
        %while3A_111 = arith.constant 1 : i32
        %while3A_112:5 = scf.for %while3A_164 = %while3A_108 to %while3A_104 step %while3A_111 iter_args(%while3A_165 = %while3A_110#0, %while3A_166 = %while3A_110#1, %while3A_167 = %while3A_110#2, %while3A_168 = %while3A_110#3, %while3A_169 = %while3A_110#4) -> (i32, i32, i32, i32, i32)  : i32 {
          %mul3A_170 = arith.constant 1 : i32
          %mul3A_171 = arith.muli %mul3A_170, %select_n3A : i32
          %eq3A_172 = arith.constant 0 : i32
          %eq3A_173 = arith.cmpi eq, %while3A_164, %eq3A_172 : i32
          %sub3A_174 = arith.constant 1 : i32
          %sub3A_175 = arith.subi %mul3A_171, %sub3A_174 : i32
          %eq3A_176 = arith.cmpi eq, %while3A_164, %sub3A_175 : i32
          %add3A_177 = arith.addi %while3A_169, %select_n3A_14 : i32
          %sub3A_178 = arith.constant 1 : i32
          %sub3A_179 = arith.subi %while3A_169, %sub3A_178 : i32
          %select_n3A_180 = arith.constant true
          %select_n3A_181 = arith.select %select_n3A_180, %sub3A_179, %while3A_169 : i32
          %eq3A_182 = arith.constant -1 : i32
          %eq3A_183 = arith.cmpi eq, %select_n3A_181, %eq3A_182 : i32
          %sub3A_184 = arith.constant 1 : i32
          %sub3A_185 = arith.subi %select_n3A, %sub3A_184 : i32
          %select_n3A_186 = arith.select %eq3A_183, %sub3A_185, %select_n3A_181 : i32
          %add3A_187 = arith.addi %select_n3A_186, %select_n3A_14 : i32
          %add3A_188 = arith.constant 1 : i32
          %add3A_189 = arith.addi %while3A_169, %add3A_188 : i32
          %select_n3A_190 = arith.constant true
          %select_n3A_191 = arith.select %select_n3A_190, %add3A_189, %while3A_169 : i32
          %eq3A_192 = arith.cmpi eq, %select_n3A_191, %select_n3A : i32
          %select_n3A_193 = arith.constant 0 : i32
          %select_n3A_194 = arith.select %eq3A_192, %select_n3A_193, %select_n3A_191 : i32
          %add3A_195 = arith.addi %select_n3A_194, %select_n3A_14 : i32
          %add3A_196 = arith.constant 1 : i32
          %add3A_197 = arith.addi %select_n3A_194, %add3A_196 : i32
          %select_n3A_198 = arith.constant true
          %select_n3A_199 = arith.select %select_n3A_198, %add3A_197, %select_n3A_194 : i32
          %eq3A_200 = arith.cmpi eq, %select_n3A_199, %select_n3A : i32
          %select_n3A_201 = arith.constant 0 : i32
          %select_n3A_202 = arith.select %eq3A_200, %select_n3A_201, %select_n3A_199 : i32
          %add3A_203 = arith.addi %select_n3A_202, %select_n3A_14 : i32
          %ne3A = arith.cmpi ne, %add3A_177, %add3A_195 : i32
          %or3A = arith.constant false
          %or3A_204 = arith.ori %or3A, %ne3A : i1
          %sub3A_205 = arith.constant 2 : i32
          %sub3A_206 = arith.subi %mul3A_171, %sub3A_205 : i32
          %add3A_207 = arith.constant 1 : i32
          %add3A_208 = arith.addi %sub3A_206, %add3A_207 : i32
          %ge3A = arith.cmpi sge, %while3A_164, %add3A_208 : i32
          %not3A = arith.constant true
          %not3A_209 = arith.xori %ge3A, %not3A : i1
          %and3A = arith.andi %or3A_204, %not3A_209 : i1
          %convert_element_type3A_210 = arith.extui %and3A : i1 to i32
          %cond3A_211 = arith.constant 0 : i32
          %cond3A_212 = arith.cmpi ne, %convert_element_type3A_210, %cond3A_211 : i32
          scf.if %cond3A_212 {
            "tpu.trace_start"() <{level = 10 : i32, message = "ep_copy_in"}> : () -> ()
            %rem3A_316 = arith.constant 2 : i32
            %rem3A_317 = arith.remui %while3A_165, %rem3A_316 : i32
            %mul3A_318 = arith.constant 128 : i32
            %mul3A_319 = arith.muli %mul3A_318, %add3A_195 : i32
            %dma_start3A_320 = arith.constant 0 : i32
            %dma_start3A_321 = arith.constant 0 : i32
            %dma_start3A_322 = tpu.memref_slice %run_scoped3A[%rem3A_317, %dma_start3A_320, %dma_start3A_321] : memref<2x1x128xi32, #tpu.memory_space<vmem>> -> memref<1x1x128xi32, #tpu.memory_space<vmem>>
            %dma_start3A_323 = tpu.memref_squeeze %dma_start3A_322 : memref<1x1x128xi32, #tpu.memory_space<vmem>> -> memref<1x128xi32, #tpu.memory_space<vmem>>
            %dma_start3A_324 = arith.constant 0 : i32
            %dma_start3A_325 = tpu.memref_slice %arg3[%dma_start3A_324, %mul3A_319] : memref<1x1600000xi32, #tpu.memory_space<hbm>> -> memref<1x128xi32, #tpu.memory_space<hbm>>
            %dma_start3A_326 = tpu.memref_slice %run_scoped3A_39[%rem3A_317] : memref<2x!tpu.dma_semaphore, #tpu.memory_space<semaphore_mem>> -> memref<1x!tpu.dma_semaphore, #tpu.memory_space<semaphore_mem>>
            %dma_start3A_327 = tpu.memref_squeeze %dma_start3A_326 : memref<1x!tpu.dma_semaphore, #tpu.memory_space<semaphore_mem>> -> memref<!tpu.dma_semaphore, #tpu.memory_space<semaphore_mem>>
            %dma_start3A_328 = arith.constant 0 : i32
            %dma_start3A_329 = arith.constant 0 : i32
            %dma_start3A_330 = tpu.memref_slice %run_scoped3A[%rem3A_317, %dma_start3A_328, %dma_start3A_329] : memref<2x1x128xi32, #tpu.memory_space<vmem>> -> memref<1x1x128xi32, #tpu.memory_space<vmem>>
            %dma_start3A_331 = tpu.memref_squeeze %dma_start3A_330 : memref<1x1x128xi32, #tpu.memory_space<vmem>> -> memref<1x128xi32, #tpu.memory_space<vmem>>
            %dma_start3A_332 = arith.constant 0 : i32
            %dma_start3A_333 = tpu.memref_slice %arg3[%dma_start3A_332, %mul3A_319] : memref<1x1600000xi32, #tpu.memory_space<hbm>> -> memref<1x128xi32, #tpu.memory_space<hbm>>
            tpu.enqueue_dma source(%dma_start3A_333 : memref<1x128xi32, #tpu.memory_space<hbm>>) target(%dma_start3A_331 : memref<1x128xi32, #tpu.memory_space<vmem>>) target_semaphore(%dma_start3A_327 : memref<!tpu.dma_semaphore, #tpu.memory_space<semaphore_mem>>)
            "tpu.trace_stop"() : () -> ()
          } else {
          }
          %and3A_213 = arith.constant true
          %and3A_214 = arith.andi %and3A, %and3A_213 : i1
          %add3A_215 = arith.constant 1 : i32
          %add3A_216 = arith.addi %while3A_165, %add3A_215 : i32
          %select_n3A_217 = arith.select %and3A_214, %add3A_216, %while3A_165 : i32
          %ne3A_218 = arith.cmpi ne, %add3A_177, %add3A_195 : i32
          %or3A_219 = arith.constant false
          %or3A_220 = arith.ori %or3A_219, %ne3A_218 : i1
          %or3A_221 = arith.constant false
          %or3A_222 = arith.ori %or3A_220, %or3A_221 : i1
          %sub3A_223 = arith.constant 2 : i32
          %sub3A_224 = arith.subi %mul3A_171, %sub3A_223 : i32
          %add3A_225 = arith.constant 1 : i32
          %add3A_226 = arith.addi %sub3A_224, %add3A_225 : i32
          %ge3A_227 = arith.cmpi sge, %while3A_164, %add3A_226 : i32
          %not3A_228 = arith.constant true
          %not3A_229 = arith.xori %ge3A_227, %not3A_228 : i1
          %and3A_230 = arith.andi %or3A_222, %not3A_229 : i1
          %ne3A_231 = arith.cmpi ne, %add3A_177, %add3A_187 : i32
          %or3A_232 = arith.constant false
          %or3A_233 = arith.ori %or3A_232, %ne3A_231 : i1
          %or3A_234 = arith.ori %or3A_233, %eq3A_173 : i1
          %convert_element_type3A_235 = arith.extui %or3A_234 : i1 to i32
          %cond3A_236 = arith.constant 0 : i32
          %cond3A_237 = arith.cmpi ne, %convert_element_type3A_235, %cond3A_236 : i32
          scf.if %cond3A_237 {
            "tpu.trace_start"() <{level = 10 : i32, message = "ep_wait_in"}> : () -> ()
            %mul3A_316 = arith.constant 128 : i32
            %mul3A_317 = arith.muli %mul3A_316, %add3A_177 : i32
            %rem3A_318 = arith.constant 2 : i32
            %rem3A_319 = arith.remui %while3A_166, %rem3A_318 : i32
            %dma_wait3A = arith.constant 0 : i32
            %dma_wait3A_320 = arith.constant 0 : i32
            %dma_wait3A_321 = tpu.memref_slice %run_scoped3A[%rem3A_319, %dma_wait3A, %dma_wait3A_320] : memref<2x1x128xi32, #tpu.memory_space<vmem>> -> memref<1x1x128xi32, #tpu.memory_space<vmem>>
            %dma_wait3A_322 = tpu.memref_squeeze %dma_wait3A_321 : memref<1x1x128xi32, #tpu.memory_space<vmem>> -> memref<1x128xi32, #tpu.memory_space<vmem>>
            %dma_wait3A_323 = arith.constant 0 : i32
            %dma_wait3A_324 = tpu.memref_slice %arg3[%dma_wait3A_323, %mul3A_317] : memref<1x1600000xi32, #tpu.memory_space<hbm>> -> memref<1x128xi32, #tpu.memory_space<hbm>>
            %dma_wait3A_325 = tpu.memref_slice %run_scoped3A_39[%rem3A_319] : memref<2x!tpu.dma_semaphore, #tpu.memory_space<semaphore_mem>> -> memref<1x!tpu.dma_semaphore, #tpu.memory_space<semaphore_mem>>
            %dma_wait3A_326 = tpu.memref_squeeze %dma_wait3A_325 : memref<1x!tpu.dma_semaphore, #tpu.memory_space<semaphore_mem>> -> memref<!tpu.dma_semaphore, #tpu.memory_space<semaphore_mem>>
            %dma_wait3A_327 = arith.constant 0 : i32
            %dma_wait3A_328 = arith.constant 0 : i32
            %dma_wait3A_329 = tpu.memref_slice %run_scoped3A[%rem3A_319, %dma_wait3A_327, %dma_wait3A_328] : memref<2x1x128xi32, #tpu.memory_space<vmem>> -> memref<1x1x128xi32, #tpu.memory_space<vmem>>
            %dma_wait3A_330 = tpu.memref_squeeze %dma_wait3A_329 : memref<1x1x128xi32, #tpu.memory_space<vmem>> -> memref<1x128xi32, #tpu.memory_space<vmem>>
            %dma_wait3A_331 = arith.constant 0 : i32
            %dma_wait3A_332 = tpu.memref_slice %arg3[%dma_wait3A_331, %mul3A_317] : memref<1x1600000xi32, #tpu.memory_space<hbm>> -> memref<1x128xi32, #tpu.memory_space<hbm>>
            tpu.wait_dma2 semaphore(%dma_wait3A_326 : memref<!tpu.dma_semaphore, #tpu.memory_space<semaphore_mem>>) src(%dma_wait3A_332 : memref<1x128xi32, #tpu.memory_space<hbm>>) dst(%dma_wait3A_330 : memref<1x128xi32, #tpu.memory_space<vmem>>)
            "tpu.trace_stop"() : () -> ()
          } else {
          }
          %ne3A_238 = arith.cmpi ne, %add3A_177, %add3A_187 : i32
          %or3A_239 = arith.constant false
          %or3A_240 = arith.ori %or3A_239, %ne3A_238 : i1
          %or3A_241 = arith.constant false
          %or3A_242 = arith.ori %or3A_240, %or3A_241 : i1
          %or3A_243 = arith.ori %or3A_242, %eq3A_173 : i1
          %convert_element_type3A_244 = arith.extui %or3A_243 : i1 to i32
          %cond3A_245 = arith.constant 0 : i32
          %cond3A_246 = arith.cmpi ne, %convert_element_type3A_244, %cond3A_245 : i32
          scf.if %cond3A_246 {
          } else {
          }
          %rem3A_247 = arith.constant 2 : i32
          %rem3A_248 = arith.remui %while3A_166, %rem3A_247 : i32
          %rem3A_249 = arith.constant 2 : i32
          %rem3A_250 = arith.remui %while3A_167, %rem3A_249 : i32
          %run_scoped3A_251 = arith.constant 0 : i32
          "tpu.trace_start"() <{level = 10 : i32, message = "ep_run_kernel"}> : () -> ()
          "tpu.region"() ({
            %run_scoped3A_316 = tpu.sem_alloc : memref<!tpu.dma_semaphore, #tpu.memory_space<semaphore_mem>>
            %dma_start3A_317 = arith.constant 0 : i32
            %dma_start3A_318 = arith.constant 0 : i32
            %dma_start3A_319 = tpu.memref_slice %run_scoped3A_40[%rem3A_250, %dma_start3A_317, %dma_start3A_318] : memref<2x128x128xf32, #tpu.memory_space<vmem>> -> memref<1x128x128xf32, #tpu.memory_space<vmem>>
            %dma_start3A_320 = tpu.memref_squeeze %dma_start3A_319 : memref<1x128x128xf32, #tpu.memory_space<vmem>> -> memref<128x128xf32, #tpu.memory_space<vmem>>
            %dma_start3A_321 = arith.constant 0 : i32
            %dma_start3A_322 = arith.constant 0 : i32
            %dma_start3A_323 = tpu.memref_slice %run_scoped3A[%rem3A_248, %dma_start3A_321, %dma_start3A_322] : memref<2x1x128xi32, #tpu.memory_space<vmem>> -> memref<1x1x128xi32, #tpu.memory_space<vmem>>
            %dma_start3A_324 = tpu.memref_squeeze %dma_start3A_323 : memref<1x1x128xi32, #tpu.memory_space<vmem>> -> memref<1x128xi32, #tpu.memory_space<vmem>>
            %dma_start3A_325 = arith.constant 0 : i32
            %dma_start3A_326 = tpu.memref_slice %dma_start3A_324[%run_scoped3A_251, %dma_start3A_325] : memref<1x128xi32, #tpu.memory_space<vmem>> -> memref<1x128xi32, #tpu.memory_space<vmem>>
            %dma_start3A_327 = tpu.memref_squeeze %dma_start3A_326 : memref<1x128xi32, #tpu.memory_space<vmem>> -> memref<128xi32, #tpu.memory_space<vmem>>
            %dma_start3A_328 = arith.constant 0 : i32
            %dma_start3A_329 = arith.constant 0 : i32
            %dma_start3A_330 = tpu.memref_slice %arg2[%dma_start3A_328, %dma_start3A_329] : memref<100000x128xf32, #tpu.memory_space<hbm>> -> memref<100000x128xf32, #tpu.memory_space<hbm>>
            tpu.enqueue_indirect_dma source(%dma_start3A_330 : memref<100000x128xf32, #tpu.memory_space<hbm>>) target(%dma_start3A_320 : memref<128x128xf32, #tpu.memory_space<vmem>>) offsets(%dma_start3A_327 : memref<128xi32, #tpu.memory_space<vmem>>) semaphore(%run_scoped3A_316 : memref<!tpu.dma_semaphore, #tpu.memory_space<semaphore_mem>>)
            %dma_wait3A = arith.constant 0 : i32
            %dma_wait3A_331 = arith.constant 0 : i32
            %dma_wait3A_332 = tpu.memref_slice %run_scoped3A_40[%rem3A_250, %dma_wait3A, %dma_wait3A_331] : memref<2x128x128xf32, #tpu.memory_space<vmem>> -> memref<1x128x128xf32, #tpu.memory_space<vmem>>
            %dma_wait3A_333 = tpu.memref_squeeze %dma_wait3A_332 : memref<1x128x128xf32, #tpu.memory_space<vmem>> -> memref<128x128xf32, #tpu.memory_space<vmem>>
            %dma_wait3A_334 = arith.constant 0 : i32
            %dma_wait3A_335 = arith.constant 0 : i32
            %dma_wait3A_336 = tpu.memref_slice %run_scoped3A[%rem3A_248, %dma_wait3A_334, %dma_wait3A_335] : memref<2x1x128xi32, #tpu.memory_space<vmem>> -> memref<1x1x128xi32, #tpu.memory_space<vmem>>
            %dma_wait3A_337 = tpu.memref_squeeze %dma_wait3A_336 : memref<1x1x128xi32, #tpu.memory_space<vmem>> -> memref<1x128xi32, #tpu.memory_space<vmem>>
            %dma_wait3A_338 = arith.constant 0 : i32
            %dma_wait3A_339 = tpu.memref_slice %dma_wait3A_337[%run_scoped3A_251, %dma_wait3A_338] : memref<1x128xi32, #tpu.memory_space<vmem>> -> memref<1x128xi32, #tpu.memory_space<vmem>>
            %dma_wait3A_340 = tpu.memref_squeeze %dma_wait3A_339 : memref<1x128xi32, #tpu.memory_space<vmem>> -> memref<128xi32, #tpu.memory_space<vmem>>
            %dma_wait3A_341 = arith.constant 0 : i32
            %dma_wait3A_342 = arith.constant 0 : i32
            %dma_wait3A_343 = tpu.memref_slice %arg2[%dma_wait3A_341, %dma_wait3A_342] : memref<100000x128xf32, #tpu.memory_space<hbm>> -> memref<100000x128xf32, #tpu.memory_space<hbm>>
            tpu.wait_indirect_dma semaphore(%run_scoped3A_316 : memref<!tpu.dma_semaphore, #tpu.memory_space<semaphore_mem>>) src(%dma_wait3A_343 : memref<100000x128xf32, #tpu.memory_space<hbm>>) dst(%dma_wait3A_333 : memref<128x128xf32, #tpu.memory_space<vmem>>)
            tpu.yield
          }) : () -> ()
          "tpu.trace_stop"() : () -> ()
          %ne3A_252 = arith.cmpi ne, %add3A_177, %add3A_195 : i32
          %or3A_253 = arith.constant false
          %or3A_254 = arith.ori %or3A_253, %ne3A_252 : i1
          %or3A_255 = arith.ori %or3A_254, %eq3A_176 : i1
          %convert_element_type3A_256 = arith.extui %or3A_255 : i1 to i32
          %cond3A_257 = arith.constant 0 : i32
          %cond3A_258 = arith.cmpi ne, %convert_element_type3A_256, %cond3A_257 : i32
          scf.if %cond3A_258 {
          } else {
          }
          %and3A_259 = arith.constant false
          %and3A_260 = arith.andi %or3A_255, %and3A_259 : i1
          %ne3A_261 = arith.cmpi ne, %add3A_177, %add3A_195 : i32
          %or3A_262 = arith.constant false
          %or3A_263 = arith.ori %or3A_262, %ne3A_261 : i1
          %or3A_264 = arith.constant false
          %or3A_265 = arith.ori %or3A_263, %or3A_264 : i1
          %or3A_266 = arith.ori %or3A_265, %eq3A_176 : i1
          %convert_element_type3A_267 = arith.extui %or3A_266 : i1 to i32
          %cond3A_268 = arith.constant 0 : i32
          %cond3A_269 = arith.cmpi ne, %convert_element_type3A_267, %cond3A_268 : i32
          scf.if %cond3A_269 {
            "tpu.trace_start"() <{level = 10 : i32, message = "ep_copy_out"}> : () -> ()
            %rem3A_316 = arith.constant 2 : i32
            %rem3A_317 = arith.remui %while3A_167, %rem3A_316 : i32
            %mul3A_318 = arith.constant 128 : i32
            %mul3A_319 = arith.muli %mul3A_318, %add3A_177 : i32
            %dma_start3A_320 = arith.constant 0 : i32
            %dma_start3A_321 = arith.constant 0 : i32
            %dma_start3A_322 = tpu.memref_slice %run_scoped3A_40[%rem3A_317, %dma_start3A_320, %dma_start3A_321] : memref<2x128x128xf32, #tpu.memory_space<vmem>> -> memref<1x128x128xf32, #tpu.memory_space<vmem>>
            %dma_start3A_323 = tpu.memref_squeeze %dma_start3A_322 : memref<1x128x128xf32, #tpu.memory_space<vmem>> -> memref<128x128xf32, #tpu.memory_space<vmem>>
            %dma_start3A_324 = arith.constant 0 : i32
            %dma_start3A_325 = tpu.memref_slice %arg5[%mul3A_319, %dma_start3A_324] : memref<1600000x128xf32, #tpu.memory_space<hbm>> -> memref<128x128xf32, #tpu.memory_space<hbm>>
            %dma_start3A_326 = tpu.memref_slice %run_scoped3A_41[%rem3A_317] : memref<2x!tpu.dma_semaphore, #tpu.memory_space<semaphore_mem>> -> memref<1x!tpu.dma_semaphore, #tpu.memory_space<semaphore_mem>>
            %dma_start3A_327 = tpu.memref_squeeze %dma_start3A_326 : memref<1x!tpu.dma_semaphore, #tpu.memory_space<semaphore_mem>> -> memref<!tpu.dma_semaphore, #tpu.memory_space<semaphore_mem>>
            %dma_start3A_328 = arith.constant 0 : i32
            %dma_start3A_329 = tpu.memref_slice %arg5[%mul3A_319, %dma_start3A_328] : memref<1600000x128xf32, #tpu.memory_space<hbm>> -> memref<128x128xf32, #tpu.memory_space<hbm>>
            %dma_start3A_330 = arith.constant 0 : i32
            %dma_start3A_331 = arith.constant 0 : i32
            %dma_start3A_332 = tpu.memref_slice %run_scoped3A_40[%rem3A_317, %dma_start3A_330, %dma_start3A_331] : memref<2x128x128xf32, #tpu.memory_space<vmem>> -> memref<1x128x128xf32, #tpu.memory_space<vmem>>
            %dma_start3A_333 = tpu.memref_squeeze %dma_start3A_332 : memref<1x128x128xf32, #tpu.memory_space<vmem>> -> memref<128x128xf32, #tpu.memory_space<vmem>>
            tpu.enqueue_dma source(%dma_start3A_333 : memref<128x128xf32, #tpu.memory_space<vmem>>) target(%dma_start3A_329 : memref<128x128xf32, #tpu.memory_space<hbm>>) target_semaphore(%dma_start3A_327 : memref<!tpu.dma_semaphore, #tpu.memory_space<semaphore_mem>>)
            "tpu.trace_stop"() : () -> ()
          } else {
          }
          %and3A_270 = arith.constant true
          %and3A_271 = arith.andi %or3A_266, %and3A_270 : i1
          %add3A_272 = arith.constant 1 : i32
          %add3A_273 = arith.addi %while3A_167, %add3A_272 : i32
          %select_n3A_274 = arith.select %and3A_271, %add3A_273, %while3A_167 : i32
          %ne3A_275 = arith.cmpi ne, %add3A_177, %add3A_187 : i32
          %or3A_276 = arith.constant false
          %or3A_277 = arith.ori %or3A_276, %ne3A_275 : i1
          %not3A_278 = arith.constant true
          %not3A_279 = arith.xori %eq3A_173, %not3A_278 : i1
          %and3A_280 = arith.andi %or3A_277, %not3A_279 : i1
          %convert_element_type3A_281 = arith.extui %and3A_280 : i1 to i32
          %cond3A_282 = arith.constant 0 : i32
          %cond3A_283 = arith.cmpi ne, %convert_element_type3A_281, %cond3A_282 : i32
          scf.if %cond3A_283 {
          } else {
          }
          %and3A_284 = arith.constant false
          %and3A_285 = arith.andi %and3A_280, %and3A_284 : i1
          %ne3A_286 = arith.cmpi ne, %add3A_177, %add3A_187 : i32
          %or3A_287 = arith.constant false
          %or3A_288 = arith.ori %or3A_287, %ne3A_286 : i1
          %or3A_289 = arith.constant false
          %or3A_290 = arith.ori %or3A_288, %or3A_289 : i1
          %not3A_291 = arith.constant true
          %not3A_292 = arith.xori %eq3A_173, %not3A_291 : i1
          %and3A_293 = arith.andi %or3A_290, %not3A_292 : i1
          %convert_element_type3A_294 = arith.extui %and3A_293 : i1 to i32
          %cond3A_295 = arith.constant 0 : i32
          %cond3A_296 = arith.cmpi ne, %convert_element_type3A_294, %cond3A_295 : i32
          scf.if %cond3A_296 {
            "tpu.trace_start"() <{level = 10 : i32, message = "ep_wait_out"}> : () -> ()
            %rem3A_316 = arith.constant 2 : i32
            %rem3A_317 = arith.remui %while3A_168, %rem3A_316 : i32
            %mul3A_318 = arith.constant 128 : i32
            %mul3A_319 = arith.muli %mul3A_318, %add3A_187 : i32
            %dma_wait3A = arith.constant 0 : i32
            %dma_wait3A_320 = arith.constant 0 : i32
            %dma_wait3A_321 = tpu.memref_slice %run_scoped3A_40[%rem3A_317, %dma_wait3A, %dma_wait3A_320] : memref<2x128x128xf32, #tpu.memory_space<vmem>> -> memref<1x128x128xf32, #tpu.memory_space<vmem>>
            %dma_wait3A_322 = tpu.memref_squeeze %dma_wait3A_321 : memref<1x128x128xf32, #tpu.memory_space<vmem>> -> memref<128x128xf32, #tpu.memory_space<vmem>>
            %dma_wait3A_323 = arith.constant 0 : i32
            %dma_wait3A_324 = tpu.memref_slice %arg5[%mul3A_319, %dma_wait3A_323] : memref<1600000x128xf32, #tpu.memory_space<hbm>> -> memref<128x128xf32, #tpu.memory_space<hbm>>
            %dma_wait3A_325 = tpu.memref_slice %run_scoped3A_41[%rem3A_317] : memref<2x!tpu.dma_semaphore, #tpu.memory_space<semaphore_mem>> -> memref<1x!tpu.dma_semaphore, #tpu.memory_space<semaphore_mem>>
            %dma_wait3A_326 = tpu.memref_squeeze %dma_wait3A_325 : memref<1x!tpu.dma_semaphore, #tpu.memory_space<semaphore_mem>> -> memref<!tpu.dma_semaphore, #tpu.memory_space<semaphore_mem>>
            %dma_wait3A_327 = arith.constant 0 : i32
            %dma_wait3A_328 = tpu.memref_slice %arg5[%mul3A_319, %dma_wait3A_327] : memref<1600000x128xf32, #tpu.memory_space<hbm>> -> memref<128x128xf32, #tpu.memory_space<hbm>>
            %dma_wait3A_329 = arith.constant 0 : i32
            %dma_wait3A_330 = arith.constant 0 : i32
            %dma_wait3A_331 = tpu.memref_slice %run_scoped3A_40[%rem3A_317, %dma_wait3A_329, %dma_wait3A_330] : memref<2x128x128xf32, #tpu.memory_space<vmem>> -> memref<1x128x128xf32, #tpu.memory_space<vmem>>
            %dma_wait3A_332 = tpu.memref_squeeze %dma_wait3A_331 : memref<1x128x128xf32, #tpu.memory_space<vmem>> -> memref<128x128xf32, #tpu.memory_space<vmem>>
            tpu.wait_dma2 semaphore(%dma_wait3A_326 : memref<!tpu.dma_semaphore, #tpu.memory_space<semaphore_mem>>) src(%dma_wait3A_332 : memref<128x128xf32, #tpu.memory_space<vmem>>) dst(%dma_wait3A_328 : memref<128x128xf32, #tpu.memory_space<hbm>>)
            "tpu.trace_stop"() : () -> ()
          } else {
          }
          %and3A_297 = arith.constant true
          %and3A_298 = arith.andi %and3A_293, %and3A_297 : i1
          %add3A_299 = arith.constant 1 : i32
          %add3A_300 = arith.addi %while3A_168, %add3A_299 : i32
          %select_n3A_301 = arith.select %and3A_298, %add3A_300, %while3A_168 : i32
          %ne3A_302 = arith.cmpi ne, %add3A_177, %add3A_195 : i32
          %or3A_303 = arith.constant false
          %or3A_304 = arith.ori %or3A_303, %ne3A_302 : i1
          %or3A_305 = arith.ori %or3A_304, %eq3A_176 : i1
          %add3A_306 = arith.constant 1 : i32
          %add3A_307 = arith.addi %while3A_166, %add3A_306 : i32
          %select_n3A_308 = arith.select %or3A_305, %add3A_307, %while3A_166 : i32
          %add3A_309 = arith.constant 1 : i32
          %add3A_310 = arith.addi %while3A_169, %add3A_309 : i32
          %select_n3A_311 = arith.constant true
          %select_n3A_312 = arith.select %select_n3A_311, %add3A_310, %while3A_169 : i32
          %eq3A_313 = arith.cmpi eq, %select_n3A_312, %select_n3A : i32
          %select_n3A_314 = arith.constant 0 : i32
          %select_n3A_315 = arith.select %eq3A_313, %select_n3A_314, %select_n3A_312 : i32
          scf.yield %select_n3A_217, %select_n3A_308, %select_n3A_274, %select_n3A_301, %select_n3A_315 : i32, i32, i32, i32, i32
        }
        %sub3A_113 = arith.constant 1 : i32
        %sub3A_114 = arith.subi %while3A_112#4, %sub3A_113 : i32
        %select_n3A_115 = arith.constant true
        %select_n3A_116 = arith.select %select_n3A_115, %sub3A_114, %while3A_112#4 : i32
        %eq3A_117 = arith.constant -1 : i32
        %eq3A_118 = arith.cmpi eq, %select_n3A_116, %eq3A_117 : i32
        %sub3A_119 = arith.constant 1 : i32
        %sub3A_120 = arith.subi %select_n3A, %sub3A_119 : i32
        %select_n3A_121 = arith.select %eq3A_118, %sub3A_120, %select_n3A_116 : i32
        %sub3A_122 = arith.constant 1 : i32
        %sub3A_123 = arith.subi %mul3A_16, %sub3A_122 : i32
        %mul3A_124 = arith.constant 1 : i32
        %mul3A_125 = arith.muli %mul3A_124, %select_n3A : i32
        %eq3A_126 = arith.constant 0 : i32
        %eq3A_127 = arith.cmpi eq, %sub3A_123, %eq3A_126 : i32
        %sub3A_128 = arith.constant 1 : i32
        %sub3A_129 = arith.subi %mul3A_125, %sub3A_128 : i32
        %eq3A_130 = arith.cmpi eq, %sub3A_123, %sub3A_129 : i32
        %add3A_131 = arith.addi %select_n3A_121, %select_n3A_14 : i32
        %sub3A_132 = arith.constant 1 : i32
        %sub3A_133 = arith.subi %select_n3A_121, %sub3A_132 : i32
        %select_n3A_134 = arith.constant true
        %select_n3A_135 = arith.select %select_n3A_134, %sub3A_133, %select_n3A_121 : i32
        %eq3A_136 = arith.constant -1 : i32
        %eq3A_137 = arith.cmpi eq, %select_n3A_135, %eq3A_136 : i32
        %sub3A_138 = arith.constant 1 : i32
        %sub3A_139 = arith.subi %select_n3A, %sub3A_138 : i32
        %select_n3A_140 = arith.select %eq3A_137, %sub3A_139, %select_n3A_135 : i32
        %add3A_141 = arith.addi %select_n3A_140, %select_n3A_14 : i32
        %add3A_142 = arith.constant 1 : i32
        %add3A_143 = arith.addi %select_n3A_121, %add3A_142 : i32
        %select_n3A_144 = arith.constant true
        %select_n3A_145 = arith.select %select_n3A_144, %add3A_143, %select_n3A_121 : i32
        %eq3A_146 = arith.cmpi eq, %select_n3A_145, %select_n3A : i32
        %select_n3A_147 = arith.constant 0 : i32
        %select_n3A_148 = arith.select %eq3A_146, %select_n3A_147, %select_n3A_145 : i32
        %add3A_149 = arith.addi %select_n3A_148, %select_n3A_14 : i32
        %add3A_150 = arith.constant 1 : i32
        %add3A_151 = arith.addi %select_n3A_148, %add3A_150 : i32
        %select_n3A_152 = arith.constant true
        %select_n3A_153 = arith.select %select_n3A_152, %add3A_151, %select_n3A_148 : i32
        %eq3A_154 = arith.cmpi eq, %select_n3A_153, %select_n3A : i32
        %select_n3A_155 = arith.constant 0 : i32
        %select_n3A_156 = arith.select %eq3A_154, %select_n3A_155, %select_n3A_153 : i32
        %add3A_157 = arith.addi %select_n3A_156, %select_n3A_14 : i32
        %convert_element_type3A_158 = arith.extui %eq3A_130 : i1 to i32
        %cond3A_159 = arith.constant 0 : i32
        %cond3A_160 = arith.cmpi ne, %convert_element_type3A_158, %cond3A_159 : i32
        scf.if %cond3A_160 {
        } else {
        }
        %convert_element_type3A_161 = arith.extui %eq3A_130 : i1 to i32
        %cond3A_162 = arith.constant 0 : i32
        %cond3A_163 = arith.cmpi ne, %convert_element_type3A_161, %cond3A_162 : i32
        scf.if %cond3A_163 {
          "tpu.trace_start"() <{level = 10 : i32, message = "ep_finalize"}> : () -> ()
          %rem3A_164 = arith.constant 2 : i32
          %rem3A_165 = arith.remui %while3A_112#3, %rem3A_164 : i32
          %mul3A_166 = arith.constant 128 : i32
          %mul3A_167 = arith.muli %mul3A_166, %add3A_131 : i32
          %dma_wait3A = arith.constant 0 : i32
          %dma_wait3A_168 = arith.constant 0 : i32
          %dma_wait3A_169 = tpu.memref_slice %run_scoped3A_40[%rem3A_165, %dma_wait3A, %dma_wait3A_168] : memref<2x128x128xf32, #tpu.memory_space<vmem>> -> memref<1x128x128xf32, #tpu.memory_space<vmem>>
          %dma_wait3A_170 = tpu.memref_squeeze %dma_wait3A_169 : memref<1x128x128xf32, #tpu.memory_space<vmem>> -> memref<128x128xf32, #tpu.memory_space<vmem>>
          %dma_wait3A_171 = arith.constant 0 : i32
          %dma_wait3A_172 = tpu.memref_slice %arg5[%mul3A_167, %dma_wait3A_171] : memref<1600000x128xf32, #tpu.memory_space<hbm>> -> memref<128x128xf32, #tpu.memory_space<hbm>>
          %dma_wait3A_173 = tpu.memref_slice %run_scoped3A_41[%rem3A_165] : memref<2x!tpu.dma_semaphore, #tpu.memory_space<semaphore_mem>> -> memref<1x!tpu.dma_semaphore, #tpu.memory_space<semaphore_mem>>
          %dma_wait3A_174 = tpu.memref_squeeze %dma_wait3A_173 : memref<1x!tpu.dma_semaphore, #tpu.memory_space<semaphore_mem>> -> memref<!tpu.dma_semaphore, #tpu.memory_space<semaphore_mem>>
          %dma_wait3A_175 = arith.constant 0 : i32
          %dma_wait3A_176 = tpu.memref_slice %arg5[%mul3A_167, %dma_wait3A_175] : memref<1600000x128xf32, #tpu.memory_space<hbm>> -> memref<128x128xf32, #tpu.memory_space<hbm>>
          %dma_wait3A_177 = arith.constant 0 : i32
          %dma_wait3A_178 = arith.constant 0 : i32
          %dma_wait3A_179 = tpu.memref_slice %run_scoped3A_40[%rem3A_165, %dma_wait3A_177, %dma_wait3A_178] : memref<2x128x128xf32, #tpu.memory_space<vmem>> -> memref<1x128x128xf32, #tpu.memory_space<vmem>>
          %dma_wait3A_180 = tpu.memref_squeeze %dma_wait3A_179 : memref<1x128x128xf32, #tpu.memory_space<vmem>> -> memref<128x128xf32, #tpu.memory_space<vmem>>
          tpu.wait_dma2 semaphore(%dma_wait3A_174 : memref<!tpu.dma_semaphore, #tpu.memory_space<semaphore_mem>>) src(%dma_wait3A_180 : memref<128x128xf32, #tpu.memory_space<vmem>>) dst(%dma_wait3A_176 : memref<128x128xf32, #tpu.memory_space<hbm>>)
          "tpu.trace_stop"() : () -> ()
        } else {
        }
      } else {
      }
      tpu.yield
    }) : () -> ()
    %mul3A_17 = arith.constant 1 : i32
    %mul3A_18 = arith.muli %arg1, %mul3A_17 : i32
    %add3A_19 = arith.constant 0 : i32
    %add3A_20 = arith.addi %add3A_19, %mul3A_18 : i32
    %mul3A_21 = arith.constant 16 : i32
    %mul3A_22 = arith.muli %arg0, %mul3A_21 : i32
    %add3A_23 = arith.addi %add3A_20, %mul3A_22 : i32
    %lt3A_24 = arith.constant 20 : i32
    %lt3A_25 = arith.cmpi slt, %add3A_23, %lt3A_24 : i32
    %jit3A_26 = arith.constant 391 : i32
    %jit3A_27 = arith.constant 390 : i32
    %select_n3A_28 = arith.select %lt3A_25, %jit3A_26, %jit3A_27 : i32
    %lt3A_29 = arith.constant 20 : i32
    %lt3A_30 = arith.cmpi slt, %add3A_23, %lt3A_29 : i32
    %mul3A_31 = arith.muli %add3A_23, %select_n3A_28 : i32
    %mul3A_32 = arith.constant 390 : i32
    %mul3A_33 = arith.muli %add3A_23, %mul3A_32 : i32
    %add3A_34 = arith.constant 20 : i32
    %add3A_35 = arith.addi %mul3A_33, %add3A_34 : i32
    %select_n3A_36 = arith.select %lt3A_30, %mul3A_31, %add3A_35 : i32
    %mul3A_37 = arith.constant 1 : i32
    %mul3A_38 = arith.muli %mul3A_37, %select_n3A_28 : i32
    "tpu.region"() ({
      %run_scoped3A = memref.alloca() : memref<2x1x128xi32, #tpu.memory_space<vmem>>
      %run_scoped3A_39 = tpu.sem_alloc : memref<2x!tpu.dma_semaphore, #tpu.memory_space<semaphore_mem>>
      %run_scoped3A_40 = memref.alloca() : memref<2x128x128xf32, #tpu.memory_space<vmem>>
      %run_scoped3A_41 = tpu.sem_alloc : memref<2x!tpu.dma_semaphore, #tpu.memory_space<semaphore_mem>>
      %gt3A = arith.constant 0 : i32
      %gt3A_42 = arith.cmpi sgt, %mul3A_38, %gt3A : i32
      %convert_element_type3A = arith.extui %gt3A_42 : i1 to i32
      %cond3A = arith.constant 0 : i32
      %cond3A_43 = arith.cmpi ne, %convert_element_type3A, %cond3A : i32
      scf.if %cond3A_43 {
        %mul3A_44 = arith.constant 1 : i32
        %mul3A_45 = arith.muli %mul3A_44, %select_n3A_28 : i32
        %sub3A = arith.constant 1 : i32
        %sub3A_46 = arith.subi %mul3A_45, %sub3A : i32
        %eq3A = arith.constant 0 : i32
        %eq3A_47 = arith.cmpi eq, %sub3A_46, %eq3A : i32
        %add3A_48 = arith.constant 0 : i32
        %add3A_49 = arith.addi %add3A_48, %select_n3A_36 : i32
        %select_n3A_50 = arith.constant true
        %select_n3A_51 = arith.constant 0 : i32
        %select_n3A_52 = arith.constant -1 : i32
        %select_n3A_53 = arith.select %select_n3A_50, %select_n3A_52, %select_n3A_51 : i32
        %eq3A_54 = arith.constant -1 : i32
        %eq3A_55 = arith.cmpi eq, %select_n3A_53, %eq3A_54 : i32
        %sub3A_56 = arith.constant 1 : i32
        %sub3A_57 = arith.subi %select_n3A_28, %sub3A_56 : i32
        %select_n3A_58 = arith.select %eq3A_55, %sub3A_57, %select_n3A_53 : i32
        %add3A_59 = arith.addi %select_n3A_58, %select_n3A_36 : i32
        %select_n3A_60 = arith.constant true
        %select_n3A_61 = arith.constant 0 : i32
        %select_n3A_62 = arith.constant 1 : i32
        %select_n3A_63 = arith.select %select_n3A_60, %select_n3A_62, %select_n3A_61 : i32
        %eq3A_64 = arith.cmpi eq, %select_n3A_63, %select_n3A_28 : i32
        %select_n3A_65 = arith.constant 0 : i32
        %select_n3A_66 = arith.select %eq3A_64, %select_n3A_65, %select_n3A_63 : i32
        %add3A_67 = arith.addi %select_n3A_66, %select_n3A_36 : i32
        %add3A_68 = arith.constant 1 : i32
        %add3A_69 = arith.addi %select_n3A_66, %add3A_68 : i32
        %select_n3A_70 = arith.constant true
        %select_n3A_71 = arith.select %select_n3A_70, %add3A_69, %select_n3A_66 : i32
        %eq3A_72 = arith.cmpi eq, %select_n3A_71, %select_n3A_28 : i32
        %select_n3A_73 = arith.constant 0 : i32
        %select_n3A_74 = arith.select %eq3A_72, %select_n3A_73, %select_n3A_71 : i32
        %add3A_75 = arith.addi %select_n3A_74, %select_n3A_36 : i32
        "tpu.trace_start"() <{level = 10 : i32, message = "ep_initialize_0"}> : () -> ()
        %rem3A = arith.constant 0 : i32
        %rem3A_76 = arith.constant 2 : i32
        %rem3A_77 = arith.remui %rem3A, %rem3A_76 : i32
        %mul3A_78 = arith.constant 128 : i32
        %mul3A_79 = arith.muli %mul3A_78, %add3A_49 : i32
        %dma_start3A = arith.constant 0 : i32
        %dma_start3A_80 = arith.constant 0 : i32
        %dma_start3A_81 = tpu.memref_slice %run_scoped3A[%rem3A_77, %dma_start3A, %dma_start3A_80] : memref<2x1x128xi32, #tpu.memory_space<vmem>> -> memref<1x1x128xi32, #tpu.memory_space<vmem>>
        %dma_start3A_82 = tpu.memref_squeeze %dma_start3A_81 : memref<1x1x128xi32, #tpu.memory_space<vmem>> -> memref<1x128xi32, #tpu.memory_space<vmem>>
        %dma_start3A_83 = arith.constant 0 : i32
        %dma_start3A_84 = tpu.memref_slice %arg4[%dma_start3A_83, %mul3A_79] : memref<1x1600000xi32, #tpu.memory_space<hbm>> -> memref<1x128xi32, #tpu.memory_space<hbm>>
        %dma_start3A_85 = tpu.memref_slice %run_scoped3A_39[%rem3A_77] : memref<2x!tpu.dma_semaphore, #tpu.memory_space<semaphore_mem>> -> memref<1x!tpu.dma_semaphore, #tpu.memory_space<semaphore_mem>>
        %dma_start3A_86 = tpu.memref_squeeze %dma_start3A_85 : memref<1x!tpu.dma_semaphore, #tpu.memory_space<semaphore_mem>> -> memref<!tpu.dma_semaphore, #tpu.memory_space<semaphore_mem>>
        %dma_start3A_87 = arith.constant 0 : i32
        %dma_start3A_88 = arith.constant 0 : i32
        %dma_start3A_89 = tpu.memref_slice %run_scoped3A[%rem3A_77, %dma_start3A_87, %dma_start3A_88] : memref<2x1x128xi32, #tpu.memory_space<vmem>> -> memref<1x1x128xi32, #tpu.memory_space<vmem>>
        %dma_start3A_90 = tpu.memref_squeeze %dma_start3A_89 : memref<1x1x128xi32, #tpu.memory_space<vmem>> -> memref<1x128xi32, #tpu.memory_space<vmem>>
        %dma_start3A_91 = arith.constant 0 : i32
        %dma_start3A_92 = tpu.memref_slice %arg4[%dma_start3A_91, %mul3A_79] : memref<1x1600000xi32, #tpu.memory_space<hbm>> -> memref<1x128xi32, #tpu.memory_space<hbm>>
        tpu.enqueue_dma source(%dma_start3A_92 : memref<1x128xi32, #tpu.memory_space<hbm>>) target(%dma_start3A_90 : memref<1x128xi32, #tpu.memory_space<vmem>>) target_semaphore(%dma_start3A_86 : memref<!tpu.dma_semaphore, #tpu.memory_space<semaphore_mem>>)
        %add3A_93 = arith.constant 0 : i32
        %add3A_94 = arith.constant 1 : i32
        %add3A_95 = arith.addi %add3A_93, %add3A_94 : i32
        %select_n3A_96 = arith.constant true
        %select_n3A_97 = arith.constant 0 : i32
        %select_n3A_98 = arith.select %select_n3A_96, %add3A_95, %select_n3A_97 : i32
        %while3A = arith.constant 0 : i32
        %while3A_99 = arith.constant 0 : i32
        %while3A_100 = arith.constant 0 : i32
        %while3A_101 = arith.constant 0 : i32
        %while3A_102 = arith.constant 0 : i32
        "tpu.trace_stop"() : () -> ()
        %while3A_103 = arith.subi %mul3A_38, %while3A : i32
        %while3A_104 = arith.addi %while3A, %while3A_103 : i32
        %while3A_105 = arith.constant 1 : i32
        %while3A_106 = arith.divsi %while3A_103, %while3A_105 : i32
        %while3A_107 = arith.muli %while3A_106, %while3A_105 : i32
        %while3A_108 = arith.addi %while3A, %while3A_107 : i32
        %while3A_109 = arith.constant 1 : i32
        %while3A_110:5 = scf.for %while3A_164 = %while3A to %while3A_108 step %while3A_109 iter_args(%while3A_165 = %select_n3A_98, %while3A_166 = %while3A_99, %while3A_167 = %while3A_100, %while3A_168 = %while3A_101, %while3A_169 = %while3A_102) -> (i32, i32, i32, i32, i32)  : i32 {
          %mul3A_170 = arith.constant 1 : i32
          %mul3A_171 = arith.muli %mul3A_170, %select_n3A_28 : i32
          %eq3A_172 = arith.constant 0 : i32
          %eq3A_173 = arith.cmpi eq, %while3A_164, %eq3A_172 : i32
          %sub3A_174 = arith.constant 1 : i32
          %sub3A_175 = arith.subi %mul3A_171, %sub3A_174 : i32
          %eq3A_176 = arith.cmpi eq, %while3A_164, %sub3A_175 : i32
          %add3A_177 = arith.addi %while3A_169, %select_n3A_36 : i32
          %sub3A_178 = arith.constant 1 : i32
          %sub3A_179 = arith.subi %while3A_169, %sub3A_178 : i32
          %select_n3A_180 = arith.constant true
          %select_n3A_181 = arith.select %select_n3A_180, %sub3A_179, %while3A_169 : i32
          %eq3A_182 = arith.constant -1 : i32
          %eq3A_183 = arith.cmpi eq, %select_n3A_181, %eq3A_182 : i32
          %sub3A_184 = arith.constant 1 : i32
          %sub3A_185 = arith.subi %select_n3A_28, %sub3A_184 : i32
          %select_n3A_186 = arith.select %eq3A_183, %sub3A_185, %select_n3A_181 : i32
          %add3A_187 = arith.addi %select_n3A_186, %select_n3A_36 : i32
          %add3A_188 = arith.constant 1 : i32
          %add3A_189 = arith.addi %while3A_169, %add3A_188 : i32
          %select_n3A_190 = arith.constant true
          %select_n3A_191 = arith.select %select_n3A_190, %add3A_189, %while3A_169 : i32
          %eq3A_192 = arith.cmpi eq, %select_n3A_191, %select_n3A_28 : i32
          %select_n3A_193 = arith.constant 0 : i32
          %select_n3A_194 = arith.select %eq3A_192, %select_n3A_193, %select_n3A_191 : i32
          %add3A_195 = arith.addi %select_n3A_194, %select_n3A_36 : i32
          %add3A_196 = arith.constant 1 : i32
          %add3A_197 = arith.addi %select_n3A_194, %add3A_196 : i32
          %select_n3A_198 = arith.constant true
          %select_n3A_199 = arith.select %select_n3A_198, %add3A_197, %select_n3A_194 : i32
          %eq3A_200 = arith.cmpi eq, %select_n3A_199, %select_n3A_28 : i32
          %select_n3A_201 = arith.constant 0 : i32
          %select_n3A_202 = arith.select %eq3A_200, %select_n3A_201, %select_n3A_199 : i32
          %add3A_203 = arith.addi %select_n3A_202, %select_n3A_36 : i32
          %ne3A = arith.cmpi ne, %add3A_177, %add3A_195 : i32
          %or3A = arith.constant false
          %or3A_204 = arith.ori %or3A, %ne3A : i1
          %sub3A_205 = arith.constant 2 : i32
          %sub3A_206 = arith.subi %mul3A_171, %sub3A_205 : i32
          %add3A_207 = arith.constant 1 : i32
          %add3A_208 = arith.addi %sub3A_206, %add3A_207 : i32
          %ge3A = arith.cmpi sge, %while3A_164, %add3A_208 : i32
          %not3A = arith.constant true
          %not3A_209 = arith.xori %ge3A, %not3A : i1
          %and3A = arith.andi %or3A_204, %not3A_209 : i1
          %convert_element_type3A_210 = arith.extui %and3A : i1 to i32
          %cond3A_211 = arith.constant 0 : i32
          %cond3A_212 = arith.cmpi ne, %convert_element_type3A_210, %cond3A_211 : i32
          scf.if %cond3A_212 {
            "tpu.trace_start"() <{level = 10 : i32, message = "ep_copy_in"}> : () -> ()
            %rem3A_316 = arith.constant 2 : i32
            %rem3A_317 = arith.remui %while3A_165, %rem3A_316 : i32
            %mul3A_318 = arith.constant 128 : i32
            %mul3A_319 = arith.muli %mul3A_318, %add3A_195 : i32
            %dma_start3A_320 = arith.constant 0 : i32
            %dma_start3A_321 = arith.constant 0 : i32
            %dma_start3A_322 = tpu.memref_slice %run_scoped3A[%rem3A_317, %dma_start3A_320, %dma_start3A_321] : memref<2x1x128xi32, #tpu.memory_space<vmem>> -> memref<1x1x128xi32, #tpu.memory_space<vmem>>
            %dma_start3A_323 = tpu.memref_squeeze %dma_start3A_322 : memref<1x1x128xi32, #tpu.memory_space<vmem>> -> memref<1x128xi32, #tpu.memory_space<vmem>>
            %dma_start3A_324 = arith.constant 0 : i32
            %dma_start3A_325 = tpu.memref_slice %arg4[%dma_start3A_324, %mul3A_319] : memref<1x1600000xi32, #tpu.memory_space<hbm>> -> memref<1x128xi32, #tpu.memory_space<hbm>>
            %dma_start3A_326 = tpu.memref_slice %run_scoped3A_39[%rem3A_317] : memref<2x!tpu.dma_semaphore, #tpu.memory_space<semaphore_mem>> -> memref<1x!tpu.dma_semaphore, #tpu.memory_space<semaphore_mem>>
            %dma_start3A_327 = tpu.memref_squeeze %dma_start3A_326 : memref<1x!tpu.dma_semaphore, #tpu.memory_space<semaphore_mem>> -> memref<!tpu.dma_semaphore, #tpu.memory_space<semaphore_mem>>
            %dma_start3A_328 = arith.constant 0 : i32
            %dma_start3A_329 = arith.constant 0 : i32
            %dma_start3A_330 = tpu.memref_slice %run_scoped3A[%rem3A_317, %dma_start3A_328, %dma_start3A_329] : memref<2x1x128xi32, #tpu.memory_space<vmem>> -> memref<1x1x128xi32, #tpu.memory_space<vmem>>
            %dma_start3A_331 = tpu.memref_squeeze %dma_start3A_330 : memref<1x1x128xi32, #tpu.memory_space<vmem>> -> memref<1x128xi32, #tpu.memory_space<vmem>>
            %dma_start3A_332 = arith.constant 0 : i32
            %dma_start3A_333 = tpu.memref_slice %arg4[%dma_start3A_332, %mul3A_319] : memref<1x1600000xi32, #tpu.memory_space<hbm>> -> memref<1x128xi32, #tpu.memory_space<hbm>>
            tpu.enqueue_dma source(%dma_start3A_333 : memref<1x128xi32, #tpu.memory_space<hbm>>) target(%dma_start3A_331 : memref<1x128xi32, #tpu.memory_space<vmem>>) target_semaphore(%dma_start3A_327 : memref<!tpu.dma_semaphore, #tpu.memory_space<semaphore_mem>>)
            "tpu.trace_stop"() : () -> ()
          } else {
          }
          %and3A_213 = arith.constant true
          %and3A_214 = arith.andi %and3A, %and3A_213 : i1
          %add3A_215 = arith.constant 1 : i32
          %add3A_216 = arith.addi %while3A_165, %add3A_215 : i32
          %select_n3A_217 = arith.select %and3A_214, %add3A_216, %while3A_165 : i32
          %ne3A_218 = arith.cmpi ne, %add3A_177, %add3A_195 : i32
          %or3A_219 = arith.constant false
          %or3A_220 = arith.ori %or3A_219, %ne3A_218 : i1
          %or3A_221 = arith.constant false
          %or3A_222 = arith.ori %or3A_220, %or3A_221 : i1
          %sub3A_223 = arith.constant 2 : i32
          %sub3A_224 = arith.subi %mul3A_171, %sub3A_223 : i32
          %add3A_225 = arith.constant 1 : i32
          %add3A_226 = arith.addi %sub3A_224, %add3A_225 : i32
          %ge3A_227 = arith.cmpi sge, %while3A_164, %add3A_226 : i32
          %not3A_228 = arith.constant true
          %not3A_229 = arith.xori %ge3A_227, %not3A_228 : i1
          %and3A_230 = arith.andi %or3A_222, %not3A_229 : i1
          %ne3A_231 = arith.cmpi ne, %add3A_177, %add3A_187 : i32
          %or3A_232 = arith.constant false
          %or3A_233 = arith.ori %or3A_232, %ne3A_231 : i1
          %or3A_234 = arith.ori %or3A_233, %eq3A_173 : i1
          %convert_element_type3A_235 = arith.extui %or3A_234 : i1 to i32
          %cond3A_236 = arith.constant 0 : i32
          %cond3A_237 = arith.cmpi ne, %convert_element_type3A_235, %cond3A_236 : i32
          scf.if %cond3A_237 {
            "tpu.trace_start"() <{level = 10 : i32, message = "ep_wait_in"}> : () -> ()
            %mul3A_316 = arith.constant 128 : i32
            %mul3A_317 = arith.muli %mul3A_316, %add3A_177 : i32
            %rem3A_318 = arith.constant 2 : i32
            %rem3A_319 = arith.remui %while3A_166, %rem3A_318 : i32
            %dma_wait3A = arith.constant 0 : i32
            %dma_wait3A_320 = arith.constant 0 : i32
            %dma_wait3A_321 = tpu.memref_slice %run_scoped3A[%rem3A_319, %dma_wait3A, %dma_wait3A_320] : memref<2x1x128xi32, #tpu.memory_space<vmem>> -> memref<1x1x128xi32, #tpu.memory_space<vmem>>
            %dma_wait3A_322 = tpu.memref_squeeze %dma_wait3A_321 : memref<1x1x128xi32, #tpu.memory_space<vmem>> -> memref<1x128xi32, #tpu.memory_space<vmem>>
            %dma_wait3A_323 = arith.constant 0 : i32
            %dma_wait3A_324 = tpu.memref_slice %arg4[%dma_wait3A_323, %mul3A_317] : memref<1x1600000xi32, #tpu.memory_space<hbm>> -> memref<1x128xi32, #tpu.memory_space<hbm>>
            %dma_wait3A_325 = tpu.memref_slice %run_scoped3A_39[%rem3A_319] : memref<2x!tpu.dma_semaphore, #tpu.memory_space<semaphore_mem>> -> memref<1x!tpu.dma_semaphore, #tpu.memory_space<semaphore_mem>>
            %dma_wait3A_326 = tpu.memref_squeeze %dma_wait3A_325 : memref<1x!tpu.dma_semaphore, #tpu.memory_space<semaphore_mem>> -> memref<!tpu.dma_semaphore, #tpu.memory_space<semaphore_mem>>
            %dma_wait3A_327 = arith.constant 0 : i32
            %dma_wait3A_328 = arith.constant 0 : i32
            %dma_wait3A_329 = tpu.memref_slice %run_scoped3A[%rem3A_319, %dma_wait3A_327, %dma_wait3A_328] : memref<2x1x128xi32, #tpu.memory_space<vmem>> -> memref<1x1x128xi32, #tpu.memory_space<vmem>>
            %dma_wait3A_330 = tpu.memref_squeeze %dma_wait3A_329 : memref<1x1x128xi32, #tpu.memory_space<vmem>> -> memref<1x128xi32, #tpu.memory_space<vmem>>
            %dma_wait3A_331 = arith.constant 0 : i32
            %dma_wait3A_332 = tpu.memref_slice %arg4[%dma_wait3A_331, %mul3A_317] : memref<1x1600000xi32, #tpu.memory_space<hbm>> -> memref<1x128xi32, #tpu.memory_space<hbm>>
            tpu.wait_dma2 semaphore(%dma_wait3A_326 : memref<!tpu.dma_semaphore, #tpu.memory_space<semaphore_mem>>) src(%dma_wait3A_332 : memref<1x128xi32, #tpu.memory_space<hbm>>) dst(%dma_wait3A_330 : memref<1x128xi32, #tpu.memory_space<vmem>>)
            "tpu.trace_stop"() : () -> ()
          } else {
          }
          %ne3A_238 = arith.cmpi ne, %add3A_177, %add3A_187 : i32
          %or3A_239 = arith.constant false
          %or3A_240 = arith.ori %or3A_239, %ne3A_238 : i1
          %or3A_241 = arith.constant false
          %or3A_242 = arith.ori %or3A_240, %or3A_241 : i1
          %or3A_243 = arith.ori %or3A_242, %eq3A_173 : i1
          %convert_element_type3A_244 = arith.extui %or3A_243 : i1 to i32
          %cond3A_245 = arith.constant 0 : i32
          %cond3A_246 = arith.cmpi ne, %convert_element_type3A_244, %cond3A_245 : i32
          scf.if %cond3A_246 {
          } else {
          }
          %rem3A_247 = arith.constant 2 : i32
          %rem3A_248 = arith.remui %while3A_166, %rem3A_247 : i32
          %rem3A_249 = arith.constant 2 : i32
          %rem3A_250 = arith.remui %while3A_167, %rem3A_249 : i32
          %run_scoped3A_251 = arith.constant 0 : i32
          "tpu.trace_start"() <{level = 10 : i32, message = "ep_run_kernel"}> : () -> ()
          "tpu.region"() ({
            %run_scoped3A_316 = tpu.sem_alloc : memref<!tpu.dma_semaphore, #tpu.memory_space<semaphore_mem>>
            %dma_start3A_317 = arith.constant 0 : i32
            %dma_start3A_318 = arith.constant 0 : i32
            %dma_start3A_319 = tpu.memref_slice %run_scoped3A_40[%rem3A_250, %dma_start3A_317, %dma_start3A_318] : memref<2x128x128xf32, #tpu.memory_space<vmem>> -> memref<1x128x128xf32, #tpu.memory_space<vmem>>
            %dma_start3A_320 = tpu.memref_squeeze %dma_start3A_319 : memref<1x128x128xf32, #tpu.memory_space<vmem>> -> memref<128x128xf32, #tpu.memory_space<vmem>>
            %dma_start3A_321 = arith.constant 0 : i32
            %dma_start3A_322 = arith.constant 0 : i32
            %dma_start3A_323 = tpu.memref_slice %run_scoped3A[%rem3A_248, %dma_start3A_321, %dma_start3A_322] : memref<2x1x128xi32, #tpu.memory_space<vmem>> -> memref<1x1x128xi32, #tpu.memory_space<vmem>>
            %dma_start3A_324 = tpu.memref_squeeze %dma_start3A_323 : memref<1x1x128xi32, #tpu.memory_space<vmem>> -> memref<1x128xi32, #tpu.memory_space<vmem>>
            %dma_start3A_325 = arith.constant 0 : i32
            %dma_start3A_326 = tpu.memref_slice %dma_start3A_324[%run_scoped3A_251, %dma_start3A_325] : memref<1x128xi32, #tpu.memory_space<vmem>> -> memref<1x128xi32, #tpu.memory_space<vmem>>
            %dma_start3A_327 = tpu.memref_squeeze %dma_start3A_326 : memref<1x128xi32, #tpu.memory_space<vmem>> -> memref<128xi32, #tpu.memory_space<vmem>>
            %dma_start3A_328 = arith.constant 0 : i32
            %dma_start3A_329 = arith.constant 0 : i32
            %dma_start3A_330 = tpu.memref_slice %arg2[%dma_start3A_328, %dma_start3A_329] : memref<100000x128xf32, #tpu.memory_space<hbm>> -> memref<100000x128xf32, #tpu.memory_space<hbm>>
            tpu.enqueue_indirect_dma source(%dma_start3A_330 : memref<100000x128xf32, #tpu.memory_space<hbm>>) target(%dma_start3A_320 : memref<128x128xf32, #tpu.memory_space<vmem>>) offsets(%dma_start3A_327 : memref<128xi32, #tpu.memory_space<vmem>>) semaphore(%run_scoped3A_316 : memref<!tpu.dma_semaphore, #tpu.memory_space<semaphore_mem>>)
            %dma_wait3A = arith.constant 0 : i32
            %dma_wait3A_331 = arith.constant 0 : i32
            %dma_wait3A_332 = tpu.memref_slice %run_scoped3A_40[%rem3A_250, %dma_wait3A, %dma_wait3A_331] : memref<2x128x128xf32, #tpu.memory_space<vmem>> -> memref<1x128x128xf32, #tpu.memory_space<vmem>>
            %dma_wait3A_333 = tpu.memref_squeeze %dma_wait3A_332 : memref<1x128x128xf32, #tpu.memory_space<vmem>> -> memref<128x128xf32, #tpu.memory_space<vmem>>
            %dma_wait3A_334 = arith.constant 0 : i32
            %dma_wait3A_335 = arith.constant 0 : i32
            %dma_wait3A_336 = tpu.memref_slice %run_scoped3A[%rem3A_248, %dma_wait3A_334, %dma_wait3A_335] : memref<2x1x128xi32, #tpu.memory_space<vmem>> -> memref<1x1x128xi32, #tpu.memory_space<vmem>>
            %dma_wait3A_337 = tpu.memref_squeeze %dma_wait3A_336 : memref<1x1x128xi32, #tpu.memory_space<vmem>> -> memref<1x128xi32, #tpu.memory_space<vmem>>
            %dma_wait3A_338 = arith.constant 0 : i32
            %dma_wait3A_339 = tpu.memref_slice %dma_wait3A_337[%run_scoped3A_251, %dma_wait3A_338] : memref<1x128xi32, #tpu.memory_space<vmem>> -> memref<1x128xi32, #tpu.memory_space<vmem>>
            %dma_wait3A_340 = tpu.memref_squeeze %dma_wait3A_339 : memref<1x128xi32, #tpu.memory_space<vmem>> -> memref<128xi32, #tpu.memory_space<vmem>>
            %dma_wait3A_341 = arith.constant 0 : i32
            %dma_wait3A_342 = arith.constant 0 : i32
            %dma_wait3A_343 = tpu.memref_slice %arg2[%dma_wait3A_341, %dma_wait3A_342] : memref<100000x128xf32, #tpu.memory_space<hbm>> -> memref<100000x128xf32, #tpu.memory_space<hbm>>
            tpu.wait_indirect_dma semaphore(%run_scoped3A_316 : memref<!tpu.dma_semaphore, #tpu.memory_space<semaphore_mem>>) src(%dma_wait3A_343 : memref<100000x128xf32, #tpu.memory_space<hbm>>) dst(%dma_wait3A_333 : memref<128x128xf32, #tpu.memory_space<vmem>>)
            tpu.yield
          }) : () -> ()
          "tpu.trace_stop"() : () -> ()
          %ne3A_252 = arith.cmpi ne, %add3A_177, %add3A_195 : i32
          %or3A_253 = arith.constant false
          %or3A_254 = arith.ori %or3A_253, %ne3A_252 : i1
          %or3A_255 = arith.ori %or3A_254, %eq3A_176 : i1
          %convert_element_type3A_256 = arith.extui %or3A_255 : i1 to i32
          %cond3A_257 = arith.constant 0 : i32
          %cond3A_258 = arith.cmpi ne, %convert_element_type3A_256, %cond3A_257 : i32
          scf.if %cond3A_258 {
          } else {
          }
          %and3A_259 = arith.constant false
          %and3A_260 = arith.andi %or3A_255, %and3A_259 : i1
          %ne3A_261 = arith.cmpi ne, %add3A_177, %add3A_195 : i32
          %or3A_262 = arith.constant false
          %or3A_263 = arith.ori %or3A_262, %ne3A_261 : i1
          %or3A_264 = arith.constant false
          %or3A_265 = arith.ori %or3A_263, %or3A_264 : i1
          %or3A_266 = arith.ori %or3A_265, %eq3A_176 : i1
          %convert_element_type3A_267 = arith.extui %or3A_266 : i1 to i32
          %cond3A_268 = arith.constant 0 : i32
          %cond3A_269 = arith.cmpi ne, %convert_element_type3A_267, %cond3A_268 : i32
          scf.if %cond3A_269 {
            "tpu.trace_start"() <{level = 10 : i32, message = "ep_copy_out"}> : () -> ()
            %rem3A_316 = arith.constant 2 : i32
            %rem3A_317 = arith.remui %while3A_167, %rem3A_316 : i32
            %mul3A_318 = arith.constant 128 : i32
            %mul3A_319 = arith.muli %mul3A_318, %add3A_177 : i32
            %dma_start3A_320 = arith.constant 0 : i32
            %dma_start3A_321 = arith.constant 0 : i32
            %dma_start3A_322 = tpu.memref_slice %run_scoped3A_40[%rem3A_317, %dma_start3A_320, %dma_start3A_321] : memref<2x128x128xf32, #tpu.memory_space<vmem>> -> memref<1x128x128xf32, #tpu.memory_space<vmem>>
            %dma_start3A_323 = tpu.memref_squeeze %dma_start3A_322 : memref<1x128x128xf32, #tpu.memory_space<vmem>> -> memref<128x128xf32, #tpu.memory_space<vmem>>
            %dma_start3A_324 = arith.constant 0 : i32
            %dma_start3A_325 = tpu.memref_slice %arg6[%mul3A_319, %dma_start3A_324] : memref<1600000x128xf32, #tpu.memory_space<hbm>> -> memref<128x128xf32, #tpu.memory_space<hbm>>
            %dma_start3A_326 = tpu.memref_slice %run_scoped3A_41[%rem3A_317] : memref<2x!tpu.dma_semaphore, #tpu.memory_space<semaphore_mem>> -> memref<1x!tpu.dma_semaphore, #tpu.memory_space<semaphore_mem>>
            %dma_start3A_327 = tpu.memref_squeeze %dma_start3A_326 : memref<1x!tpu.dma_semaphore, #tpu.memory_space<semaphore_mem>> -> memref<!tpu.dma_semaphore, #tpu.memory_space<semaphore_mem>>
            %dma_start3A_328 = arith.constant 0 : i32
            %dma_start3A_329 = tpu.memref_slice %arg6[%mul3A_319, %dma_start3A_328] : memref<1600000x128xf32, #tpu.memory_space<hbm>> -> memref<128x128xf32, #tpu.memory_space<hbm>>
            %dma_start3A_330 = arith.constant 0 : i32
            %dma_start3A_331 = arith.constant 0 : i32
            %dma_start3A_332 = tpu.memref_slice %run_scoped3A_40[%rem3A_317, %dma_start3A_330, %dma_start3A_331] : memref<2x128x128xf32, #tpu.memory_space<vmem>> -> memref<1x128x128xf32, #tpu.memory_space<vmem>>
            %dma_start3A_333 = tpu.memref_squeeze %dma_start3A_332 : memref<1x128x128xf32, #tpu.memory_space<vmem>> -> memref<128x128xf32, #tpu.memory_space<vmem>>
            tpu.enqueue_dma source(%dma_start3A_333 : memref<128x128xf32, #tpu.memory_space<vmem>>) target(%dma_start3A_329 : memref<128x128xf32, #tpu.memory_space<hbm>>) target_semaphore(%dma_start3A_327 : memref<!tpu.dma_semaphore, #tpu.memory_space<semaphore_mem>>)
            "tpu.trace_stop"() : () -> ()
          } else {
          }
          %and3A_270 = arith.constant true
          %and3A_271 = arith.andi %or3A_266, %and3A_270 : i1
          %add3A_272 = arith.constant 1 : i32
          %add3A_273 = arith.addi %while3A_167, %add3A_272 : i32
          %select_n3A_274 = arith.select %and3A_271, %add3A_273, %while3A_167 : i32
          %ne3A_275 = arith.cmpi ne, %add3A_177, %add3A_187 : i32
          %or3A_276 = arith.constant false
          %or3A_277 = arith.ori %or3A_276, %ne3A_275 : i1
          %not3A_278 = arith.constant true
          %not3A_279 = arith.xori %eq3A_173, %not3A_278 : i1
          %and3A_280 = arith.andi %or3A_277, %not3A_279 : i1
          %convert_element_type3A_281 = arith.extui %and3A_280 : i1 to i32
          %cond3A_282 = arith.constant 0 : i32
          %cond3A_283 = arith.cmpi ne, %convert_element_type3A_281, %cond3A_282 : i32
          scf.if %cond3A_283 {
          } else {
          }
          %and3A_284 = arith.constant false
          %and3A_285 = arith.andi %and3A_280, %and3A_284 : i1
          %ne3A_286 = arith.cmpi ne, %add3A_177, %add3A_187 : i32
          %or3A_287 = arith.constant false
          %or3A_288 = arith.ori %or3A_287, %ne3A_286 : i1
          %or3A_289 = arith.constant false
          %or3A_290 = arith.ori %or3A_288, %or3A_289 : i1
          %not3A_291 = arith.constant true
          %not3A_292 = arith.xori %eq3A_173, %not3A_291 : i1
          %and3A_293 = arith.andi %or3A_290, %not3A_292 : i1
          %convert_element_type3A_294 = arith.extui %and3A_293 : i1 to i32
          %cond3A_295 = arith.constant 0 : i32
          %cond3A_296 = arith.cmpi ne, %convert_element_type3A_294, %cond3A_295 : i32
          scf.if %cond3A_296 {
            "tpu.trace_start"() <{level = 10 : i32, message = "ep_wait_out"}> : () -> ()
            %rem3A_316 = arith.constant 2 : i32
            %rem3A_317 = arith.remui %while3A_168, %rem3A_316 : i32
            %mul3A_318 = arith.constant 128 : i32
            %mul3A_319 = arith.muli %mul3A_318, %add3A_187 : i32
            %dma_wait3A = arith.constant 0 : i32
            %dma_wait3A_320 = arith.constant 0 : i32
            %dma_wait3A_321 = tpu.memref_slice %run_scoped3A_40[%rem3A_317, %dma_wait3A, %dma_wait3A_320] : memref<2x128x128xf32, #tpu.memory_space<vmem>> -> memref<1x128x128xf32, #tpu.memory_space<vmem>>
            %dma_wait3A_322 = tpu.memref_squeeze %dma_wait3A_321 : memref<1x128x128xf32, #tpu.memory_space<vmem>> -> memref<128x128xf32, #tpu.memory_space<vmem>>
            %dma_wait3A_323 = arith.constant 0 : i32
            %dma_wait3A_324 = tpu.memref_slice %arg6[%mul3A_319, %dma_wait3A_323] : memref<1600000x128xf32, #tpu.memory_space<hbm>> -> memref<128x128xf32, #tpu.memory_space<hbm>>
            %dma_wait3A_325 = tpu.memref_slice %run_scoped3A_41[%rem3A_317] : memref<2x!tpu.dma_semaphore, #tpu.memory_space<semaphore_mem>> -> memref<1x!tpu.dma_semaphore, #tpu.memory_space<semaphore_mem>>
            %dma_wait3A_326 = tpu.memref_squeeze %dma_wait3A_325 : memref<1x!tpu.dma_semaphore, #tpu.memory_space<semaphore_mem>> -> memref<!tpu.dma_semaphore, #tpu.memory_space<semaphore_mem>>
            %dma_wait3A_327 = arith.constant 0 : i32
            %dma_wait3A_328 = tpu.memref_slice %arg6[%mul3A_319, %dma_wait3A_327] : memref<1600000x128xf32, #tpu.memory_space<hbm>> -> memref<128x128xf32, #tpu.memory_space<hbm>>
            %dma_wait3A_329 = arith.constant 0 : i32
            %dma_wait3A_330 = arith.constant 0 : i32
            %dma_wait3A_331 = tpu.memref_slice %run_scoped3A_40[%rem3A_317, %dma_wait3A_329, %dma_wait3A_330] : memref<2x128x128xf32, #tpu.memory_space<vmem>> -> memref<1x128x128xf32, #tpu.memory_space<vmem>>
            %dma_wait3A_332 = tpu.memref_squeeze %dma_wait3A_331 : memref<1x128x128xf32, #tpu.memory_space<vmem>> -> memref<128x128xf32, #tpu.memory_space<vmem>>
            tpu.wait_dma2 semaphore(%dma_wait3A_326 : memref<!tpu.dma_semaphore, #tpu.memory_space<semaphore_mem>>) src(%dma_wait3A_332 : memref<128x128xf32, #tpu.memory_space<vmem>>) dst(%dma_wait3A_328 : memref<128x128xf32, #tpu.memory_space<hbm>>)
            "tpu.trace_stop"() : () -> ()
          } else {
          }
          %and3A_297 = arith.constant true
          %and3A_298 = arith.andi %and3A_293, %and3A_297 : i1
          %add3A_299 = arith.constant 1 : i32
          %add3A_300 = arith.addi %while3A_168, %add3A_299 : i32
          %select_n3A_301 = arith.select %and3A_298, %add3A_300, %while3A_168 : i32
          %ne3A_302 = arith.cmpi ne, %add3A_177, %add3A_195 : i32
          %or3A_303 = arith.constant false
          %or3A_304 = arith.ori %or3A_303, %ne3A_302 : i1
          %or3A_305 = arith.ori %or3A_304, %eq3A_176 : i1
          %add3A_306 = arith.constant 1 : i32
          %add3A_307 = arith.addi %while3A_166, %add3A_306 : i32
          %select_n3A_308 = arith.select %or3A_305, %add3A_307, %while3A_166 : i32
          %add3A_309 = arith.constant 1 : i32
          %add3A_310 = arith.addi %while3A_169, %add3A_309 : i32
          %select_n3A_311 = arith.constant true
          %select_n3A_312 = arith.select %select_n3A_311, %add3A_310, %while3A_169 : i32
          %eq3A_313 = arith.cmpi eq, %select_n3A_312, %select_n3A_28 : i32
          %select_n3A_314 = arith.constant 0 : i32
          %select_n3A_315 = arith.select %eq3A_313, %select_n3A_314, %select_n3A_312 : i32
          scf.yield %select_n3A_217, %select_n3A_308, %select_n3A_274, %select_n3A_301, %select_n3A_315 : i32, i32, i32, i32, i32
        }
        %while3A_111 = arith.constant 1 : i32
        %while3A_112:5 = scf.for %while3A_164 = %while3A_108 to %while3A_104 step %while3A_111 iter_args(%while3A_165 = %while3A_110#0, %while3A_166 = %while3A_110#1, %while3A_167 = %while3A_110#2, %while3A_168 = %while3A_110#3, %while3A_169 = %while3A_110#4) -> (i32, i32, i32, i32, i32)  : i32 {
          %mul3A_170 = arith.constant 1 : i32
          %mul3A_171 = arith.muli %mul3A_170, %select_n3A_28 : i32
          %eq3A_172 = arith.constant 0 : i32
          %eq3A_173 = arith.cmpi eq, %while3A_164, %eq3A_172 : i32
          %sub3A_174 = arith.constant 1 : i32
          %sub3A_175 = arith.subi %mul3A_171, %sub3A_174 : i32
          %eq3A_176 = arith.cmpi eq, %while3A_164, %sub3A_175 : i32
          %add3A_177 = arith.addi %while3A_169, %select_n3A_36 : i32
          %sub3A_178 = arith.constant 1 : i32
          %sub3A_179 = arith.subi %while3A_169, %sub3A_178 : i32
          %select_n3A_180 = arith.constant true
          %select_n3A_181 = arith.select %select_n3A_180, %sub3A_179, %while3A_169 : i32
          %eq3A_182 = arith.constant -1 : i32
          %eq3A_183 = arith.cmpi eq, %select_n3A_181, %eq3A_182 : i32
          %sub3A_184 = arith.constant 1 : i32
          %sub3A_185 = arith.subi %select_n3A_28, %sub3A_184 : i32
          %select_n3A_186 = arith.select %eq3A_183, %sub3A_185, %select_n3A_181 : i32
          %add3A_187 = arith.addi %select_n3A_186, %select_n3A_36 : i32
          %add3A_188 = arith.constant 1 : i32
          %add3A_189 = arith.addi %while3A_169, %add3A_188 : i32
          %select_n3A_190 = arith.constant true
          %select_n3A_191 = arith.select %select_n3A_190, %add3A_189, %while3A_169 : i32
          %eq3A_192 = arith.cmpi eq, %select_n3A_191, %select_n3A_28 : i32
          %select_n3A_193 = arith.constant 0 : i32
          %select_n3A_194 = arith.select %eq3A_192, %select_n3A_193, %select_n3A_191 : i32
          %add3A_195 = arith.addi %select_n3A_194, %select_n3A_36 : i32
          %add3A_196 = arith.constant 1 : i32
          %add3A_197 = arith.addi %select_n3A_194, %add3A_196 : i32
          %select_n3A_198 = arith.constant true
          %select_n3A_199 = arith.select %select_n3A_198, %add3A_197, %select_n3A_194 : i32
          %eq3A_200 = arith.cmpi eq, %select_n3A_199, %select_n3A_28 : i32
          %select_n3A_201 = arith.constant 0 : i32
          %select_n3A_202 = arith.select %eq3A_200, %select_n3A_201, %select_n3A_199 : i32
          %add3A_203 = arith.addi %select_n3A_202, %select_n3A_36 : i32
          %ne3A = arith.cmpi ne, %add3A_177, %add3A_195 : i32
          %or3A = arith.constant false
          %or3A_204 = arith.ori %or3A, %ne3A : i1
          %sub3A_205 = arith.constant 2 : i32
          %sub3A_206 = arith.subi %mul3A_171, %sub3A_205 : i32
          %add3A_207 = arith.constant 1 : i32
          %add3A_208 = arith.addi %sub3A_206, %add3A_207 : i32
          %ge3A = arith.cmpi sge, %while3A_164, %add3A_208 : i32
          %not3A = arith.constant true
          %not3A_209 = arith.xori %ge3A, %not3A : i1
          %and3A = arith.andi %or3A_204, %not3A_209 : i1
          %convert_element_type3A_210 = arith.extui %and3A : i1 to i32
          %cond3A_211 = arith.constant 0 : i32
          %cond3A_212 = arith.cmpi ne, %convert_element_type3A_210, %cond3A_211 : i32
          scf.if %cond3A_212 {
            "tpu.trace_start"() <{level = 10 : i32, message = "ep_copy_in"}> : () -> ()
            %rem3A_316 = arith.constant 2 : i32
            %rem3A_317 = arith.remui %while3A_165, %rem3A_316 : i32
            %mul3A_318 = arith.constant 128 : i32
            %mul3A_319 = arith.muli %mul3A_318, %add3A_195 : i32
            %dma_start3A_320 = arith.constant 0 : i32
            %dma_start3A_321 = arith.constant 0 : i32
            %dma_start3A_322 = tpu.memref_slice %run_scoped3A[%rem3A_317, %dma_start3A_320, %dma_start3A_321] : memref<2x1x128xi32, #tpu.memory_space<vmem>> -> memref<1x1x128xi32, #tpu.memory_space<vmem>>
            %dma_start3A_323 = tpu.memref_squeeze %dma_start3A_322 : memref<1x1x128xi32, #tpu.memory_space<vmem>> -> memref<1x128xi32, #tpu.memory_space<vmem>>
            %dma_start3A_324 = arith.constant 0 : i32
            %dma_start3A_325 = tpu.memref_slice %arg4[%dma_start3A_324, %mul3A_319] : memref<1x1600000xi32, #tpu.memory_space<hbm>> -> memref<1x128xi32, #tpu.memory_space<hbm>>
            %dma_start3A_326 = tpu.memref_slice %run_scoped3A_39[%rem3A_317] : memref<2x!tpu.dma_semaphore, #tpu.memory_space<semaphore_mem>> -> memref<1x!tpu.dma_semaphore, #tpu.memory_space<semaphore_mem>>
            %dma_start3A_327 = tpu.memref_squeeze %dma_start3A_326 : memref<1x!tpu.dma_semaphore, #tpu.memory_space<semaphore_mem>> -> memref<!tpu.dma_semaphore, #tpu.memory_space<semaphore_mem>>
            %dma_start3A_328 = arith.constant 0 : i32
            %dma_start3A_329 = arith.constant 0 : i32
            %dma_start3A_330 = tpu.memref_slice %run_scoped3A[%rem3A_317, %dma_start3A_328, %dma_start3A_329] : memref<2x1x128xi32, #tpu.memory_space<vmem>> -> memref<1x1x128xi32, #tpu.memory_space<vmem>>
            %dma_start3A_331 = tpu.memref_squeeze %dma_start3A_330 : memref<1x1x128xi32, #tpu.memory_space<vmem>> -> memref<1x128xi32, #tpu.memory_space<vmem>>
            %dma_start3A_332 = arith.constant 0 : i32
            %dma_start3A_333 = tpu.memref_slice %arg4[%dma_start3A_332, %mul3A_319] : memref<1x1600000xi32, #tpu.memory_space<hbm>> -> memref<1x128xi32, #tpu.memory_space<hbm>>
            tpu.enqueue_dma source(%dma_start3A_333 : memref<1x128xi32, #tpu.memory_space<hbm>>) target(%dma_start3A_331 : memref<1x128xi32, #tpu.memory_space<vmem>>) target_semaphore(%dma_start3A_327 : memref<!tpu.dma_semaphore, #tpu.memory_space<semaphore_mem>>)
            "tpu.trace_stop"() : () -> ()
          } else {
          }
          %and3A_213 = arith.constant true
          %and3A_214 = arith.andi %and3A, %and3A_213 : i1
          %add3A_215 = arith.constant 1 : i32
          %add3A_216 = arith.addi %while3A_165, %add3A_215 : i32
          %select_n3A_217 = arith.select %and3A_214, %add3A_216, %while3A_165 : i32
          %ne3A_218 = arith.cmpi ne, %add3A_177, %add3A_195 : i32
          %or3A_219 = arith.constant false
          %or3A_220 = arith.ori %or3A_219, %ne3A_218 : i1
          %or3A_221 = arith.constant false
          %or3A_222 = arith.ori %or3A_220, %or3A_221 : i1
          %sub3A_223 = arith.constant 2 : i32
          %sub3A_224 = arith.subi %mul3A_171, %sub3A_223 : i32
          %add3A_225 = arith.constant 1 : i32
          %add3A_226 = arith.addi %sub3A_224, %add3A_225 : i32
          %ge3A_227 = arith.cmpi sge, %while3A_164, %add3A_226 : i32
          %not3A_228 = arith.constant true
          %not3A_229 = arith.xori %ge3A_227, %not3A_228 : i1
          %and3A_230 = arith.andi %or3A_222, %not3A_229 : i1
          %ne3A_231 = arith.cmpi ne, %add3A_177, %add3A_187 : i32
          %or3A_232 = arith.constant false
          %or3A_233 = arith.ori %or3A_232, %ne3A_231 : i1
          %or3A_234 = arith.ori %or3A_233, %eq3A_173 : i1
          %convert_element_type3A_235 = arith.extui %or3A_234 : i1 to i32
          %cond3A_236 = arith.constant 0 : i32
          %cond3A_237 = arith.cmpi ne, %convert_element_type3A_235, %cond3A_236 : i32
          scf.if %cond3A_237 {
            "tpu.trace_start"() <{level = 10 : i32, message = "ep_wait_in"}> : () -> ()
            %mul3A_316 = arith.constant 128 : i32
            %mul3A_317 = arith.muli %mul3A_316, %add3A_177 : i32
            %rem3A_318 = arith.constant 2 : i32
            %rem3A_319 = arith.remui %while3A_166, %rem3A_318 : i32
            %dma_wait3A = arith.constant 0 : i32
            %dma_wait3A_320 = arith.constant 0 : i32
            %dma_wait3A_321 = tpu.memref_slice %run_scoped3A[%rem3A_319, %dma_wait3A, %dma_wait3A_320] : memref<2x1x128xi32, #tpu.memory_space<vmem>> -> memref<1x1x128xi32, #tpu.memory_space<vmem>>
            %dma_wait3A_322 = tpu.memref_squeeze %dma_wait3A_321 : memref<1x1x128xi32, #tpu.memory_space<vmem>> -> memref<1x128xi32, #tpu.memory_space<vmem>>
            %dma_wait3A_323 = arith.constant 0 : i32
            %dma_wait3A_324 = tpu.memref_slice %arg4[%dma_wait3A_323, %mul3A_317] : memref<1x1600000xi32, #tpu.memory_space<hbm>> -> memref<1x128xi32, #tpu.memory_space<hbm>>
            %dma_wait3A_325 = tpu.memref_slice %run_scoped3A_39[%rem3A_319] : memref<2x!tpu.dma_semaphore, #tpu.memory_space<semaphore_mem>> -> memref<1x!tpu.dma_semaphore, #tpu.memory_space<semaphore_mem>>
            %dma_wait3A_326 = tpu.memref_squeeze %dma_wait3A_325 : memref<1x!tpu.dma_semaphore, #tpu.memory_space<semaphore_mem>> -> memref<!tpu.dma_semaphore, #tpu.memory_space<semaphore_mem>>
            %dma_wait3A_327 = arith.constant 0 : i32
            %dma_wait3A_328 = arith.constant 0 : i32
            %dma_wait3A_329 = tpu.memref_slice %run_scoped3A[%rem3A_319, %dma_wait3A_327, %dma_wait3A_328] : memref<2x1x128xi32, #tpu.memory_space<vmem>> -> memref<1x1x128xi32, #tpu.memory_space<vmem>>
            %dma_wait3A_330 = tpu.memref_squeeze %dma_wait3A_329 : memref<1x1x128xi32, #tpu.memory_space<vmem>> -> memref<1x128xi32, #tpu.memory_space<vmem>>
            %dma_wait3A_331 = arith.constant 0 : i32
            %dma_wait3A_332 = tpu.memref_slice %arg4[%dma_wait3A_331, %mul3A_317] : memref<1x1600000xi32, #tpu.memory_space<hbm>> -> memref<1x128xi32, #tpu.memory_space<hbm>>
            tpu.wait_dma2 semaphore(%dma_wait3A_326 : memref<!tpu.dma_semaphore, #tpu.memory_space<semaphore_mem>>) src(%dma_wait3A_332 : memref<1x128xi32, #tpu.memory_space<hbm>>) dst(%dma_wait3A_330 : memref<1x128xi32, #tpu.memory_space<vmem>>)
            "tpu.trace_stop"() : () -> ()
          } else {
          }
          %ne3A_238 = arith.cmpi ne, %add3A_177, %add3A_187 : i32
          %or3A_239 = arith.constant false
          %or3A_240 = arith.ori %or3A_239, %ne3A_238 : i1
          %or3A_241 = arith.constant false
          %or3A_242 = arith.ori %or3A_240, %or3A_241 : i1
          %or3A_243 = arith.ori %or3A_242, %eq3A_173 : i1
          %convert_element_type3A_244 = arith.extui %or3A_243 : i1 to i32
          %cond3A_245 = arith.constant 0 : i32
          %cond3A_246 = arith.cmpi ne, %convert_element_type3A_244, %cond3A_245 : i32
          scf.if %cond3A_246 {
          } else {
          }
          %rem3A_247 = arith.constant 2 : i32
          %rem3A_248 = arith.remui %while3A_166, %rem3A_247 : i32
          %rem3A_249 = arith.constant 2 : i32
          %rem3A_250 = arith.remui %while3A_167, %rem3A_249 : i32
          %run_scoped3A_251 = arith.constant 0 : i32
          "tpu.trace_start"() <{level = 10 : i32, message = "ep_run_kernel"}> : () -> ()
          "tpu.region"() ({
            %run_scoped3A_316 = tpu.sem_alloc : memref<!tpu.dma_semaphore, #tpu.memory_space<semaphore_mem>>
            %dma_start3A_317 = arith.constant 0 : i32
            %dma_start3A_318 = arith.constant 0 : i32
            %dma_start3A_319 = tpu.memref_slice %run_scoped3A_40[%rem3A_250, %dma_start3A_317, %dma_start3A_318] : memref<2x128x128xf32, #tpu.memory_space<vmem>> -> memref<1x128x128xf32, #tpu.memory_space<vmem>>
            %dma_start3A_320 = tpu.memref_squeeze %dma_start3A_319 : memref<1x128x128xf32, #tpu.memory_space<vmem>> -> memref<128x128xf32, #tpu.memory_space<vmem>>
            %dma_start3A_321 = arith.constant 0 : i32
            %dma_start3A_322 = arith.constant 0 : i32
            %dma_start3A_323 = tpu.memref_slice %run_scoped3A[%rem3A_248, %dma_start3A_321, %dma_start3A_322] : memref<2x1x128xi32, #tpu.memory_space<vmem>> -> memref<1x1x128xi32, #tpu.memory_space<vmem>>
            %dma_start3A_324 = tpu.memref_squeeze %dma_start3A_323 : memref<1x1x128xi32, #tpu.memory_space<vmem>> -> memref<1x128xi32, #tpu.memory_space<vmem>>
            %dma_start3A_325 = arith.constant 0 : i32
            %dma_start3A_326 = tpu.memref_slice %dma_start3A_324[%run_scoped3A_251, %dma_start3A_325] : memref<1x128xi32, #tpu.memory_space<vmem>> -> memref<1x128xi32, #tpu.memory_space<vmem>>
            %dma_start3A_327 = tpu.memref_squeeze %dma_start3A_326 : memref<1x128xi32, #tpu.memory_space<vmem>> -> memref<128xi32, #tpu.memory_space<vmem>>
            %dma_start3A_328 = arith.constant 0 : i32
            %dma_start3A_329 = arith.constant 0 : i32
            %dma_start3A_330 = tpu.memref_slice %arg2[%dma_start3A_328, %dma_start3A_329] : memref<100000x128xf32, #tpu.memory_space<hbm>> -> memref<100000x128xf32, #tpu.memory_space<hbm>>
            tpu.enqueue_indirect_dma source(%dma_start3A_330 : memref<100000x128xf32, #tpu.memory_space<hbm>>) target(%dma_start3A_320 : memref<128x128xf32, #tpu.memory_space<vmem>>) offsets(%dma_start3A_327 : memref<128xi32, #tpu.memory_space<vmem>>) semaphore(%run_scoped3A_316 : memref<!tpu.dma_semaphore, #tpu.memory_space<semaphore_mem>>)
            %dma_wait3A = arith.constant 0 : i32
            %dma_wait3A_331 = arith.constant 0 : i32
            %dma_wait3A_332 = tpu.memref_slice %run_scoped3A_40[%rem3A_250, %dma_wait3A, %dma_wait3A_331] : memref<2x128x128xf32, #tpu.memory_space<vmem>> -> memref<1x128x128xf32, #tpu.memory_space<vmem>>
            %dma_wait3A_333 = tpu.memref_squeeze %dma_wait3A_332 : memref<1x128x128xf32, #tpu.memory_space<vmem>> -> memref<128x128xf32, #tpu.memory_space<vmem>>
            %dma_wait3A_334 = arith.constant 0 : i32
            %dma_wait3A_335 = arith.constant 0 : i32
            %dma_wait3A_336 = tpu.memref_slice %run_scoped3A[%rem3A_248, %dma_wait3A_334, %dma_wait3A_335] : memref<2x1x128xi32, #tpu.memory_space<vmem>> -> memref<1x1x128xi32, #tpu.memory_space<vmem>>
            %dma_wait3A_337 = tpu.memref_squeeze %dma_wait3A_336 : memref<1x1x128xi32, #tpu.memory_space<vmem>> -> memref<1x128xi32, #tpu.memory_space<vmem>>
            %dma_wait3A_338 = arith.constant 0 : i32
            %dma_wait3A_339 = tpu.memref_slice %dma_wait3A_337[%run_scoped3A_251, %dma_wait3A_338] : memref<1x128xi32, #tpu.memory_space<vmem>> -> memref<1x128xi32, #tpu.memory_space<vmem>>
            %dma_wait3A_340 = tpu.memref_squeeze %dma_wait3A_339 : memref<1x128xi32, #tpu.memory_space<vmem>> -> memref<128xi32, #tpu.memory_space<vmem>>
            %dma_wait3A_341 = arith.constant 0 : i32
            %dma_wait3A_342 = arith.constant 0 : i32
            %dma_wait3A_343 = tpu.memref_slice %arg2[%dma_wait3A_341, %dma_wait3A_342] : memref<100000x128xf32, #tpu.memory_space<hbm>> -> memref<100000x128xf32, #tpu.memory_space<hbm>>
            tpu.wait_indirect_dma semaphore(%run_scoped3A_316 : memref<!tpu.dma_semaphore, #tpu.memory_space<semaphore_mem>>) src(%dma_wait3A_343 : memref<100000x128xf32, #tpu.memory_space<hbm>>) dst(%dma_wait3A_333 : memref<128x128xf32, #tpu.memory_space<vmem>>)
            tpu.yield
          }) : () -> ()
          "tpu.trace_stop"() : () -> ()
          %ne3A_252 = arith.cmpi ne, %add3A_177, %add3A_195 : i32
          %or3A_253 = arith.constant false
          %or3A_254 = arith.ori %or3A_253, %ne3A_252 : i1
          %or3A_255 = arith.ori %or3A_254, %eq3A_176 : i1
          %convert_element_type3A_256 = arith.extui %or3A_255 : i1 to i32
          %cond3A_257 = arith.constant 0 : i32
          %cond3A_258 = arith.cmpi ne, %convert_element_type3A_256, %cond3A_257 : i32
          scf.if %cond3A_258 {
          } else {
          }
          %and3A_259 = arith.constant false
          %and3A_260 = arith.andi %or3A_255, %and3A_259 : i1
          %ne3A_261 = arith.cmpi ne, %add3A_177, %add3A_195 : i32
          %or3A_262 = arith.constant false
          %or3A_263 = arith.ori %or3A_262, %ne3A_261 : i1
          %or3A_264 = arith.constant false
          %or3A_265 = arith.ori %or3A_263, %or3A_264 : i1
          %or3A_266 = arith.ori %or3A_265, %eq3A_176 : i1
          %convert_element_type3A_267 = arith.extui %or3A_266 : i1 to i32
          %cond3A_268 = arith.constant 0 : i32
          %cond3A_269 = arith.cmpi ne, %convert_element_type3A_267, %cond3A_268 : i32
          scf.if %cond3A_269 {
            "tpu.trace_start"() <{level = 10 : i32, message = "ep_copy_out"}> : () -> ()
            %rem3A_316 = arith.constant 2 : i32
            %rem3A_317 = arith.remui %while3A_167, %rem3A_316 : i32
            %mul3A_318 = arith.constant 128 : i32
            %mul3A_319 = arith.muli %mul3A_318, %add3A_177 : i32
            %dma_start3A_320 = arith.constant 0 : i32
            %dma_start3A_321 = arith.constant 0 : i32
            %dma_start3A_322 = tpu.memref_slice %run_scoped3A_40[%rem3A_317, %dma_start3A_320, %dma_start3A_321] : memref<2x128x128xf32, #tpu.memory_space<vmem>> -> memref<1x128x128xf32, #tpu.memory_space<vmem>>
            %dma_start3A_323 = tpu.memref_squeeze %dma_start3A_322 : memref<1x128x128xf32, #tpu.memory_space<vmem>> -> memref<128x128xf32, #tpu.memory_space<vmem>>
            %dma_start3A_324 = arith.constant 0 : i32
            %dma_start3A_325 = tpu.memref_slice %arg6[%mul3A_319, %dma_start3A_324] : memref<1600000x128xf32, #tpu.memory_space<hbm>> -> memref<128x128xf32, #tpu.memory_space<hbm>>
            %dma_start3A_326 = tpu.memref_slice %run_scoped3A_41[%rem3A_317] : memref<2x!tpu.dma_semaphore, #tpu.memory_space<semaphore_mem>> -> memref<1x!tpu.dma_semaphore, #tpu.memory_space<semaphore_mem>>
            %dma_start3A_327 = tpu.memref_squeeze %dma_start3A_326 : memref<1x!tpu.dma_semaphore, #tpu.memory_space<semaphore_mem>> -> memref<!tpu.dma_semaphore, #tpu.memory_space<semaphore_mem>>
            %dma_start3A_328 = arith.constant 0 : i32
            %dma_start3A_329 = tpu.memref_slice %arg6[%mul3A_319, %dma_start3A_328] : memref<1600000x128xf32, #tpu.memory_space<hbm>> -> memref<128x128xf32, #tpu.memory_space<hbm>>
            %dma_start3A_330 = arith.constant 0 : i32
            %dma_start3A_331 = arith.constant 0 : i32
            %dma_start3A_332 = tpu.memref_slice %run_scoped3A_40[%rem3A_317, %dma_start3A_330, %dma_start3A_331] : memref<2x128x128xf32, #tpu.memory_space<vmem>> -> memref<1x128x128xf32, #tpu.memory_space<vmem>>
            %dma_start3A_333 = tpu.memref_squeeze %dma_start3A_332 : memref<1x128x128xf32, #tpu.memory_space<vmem>> -> memref<128x128xf32, #tpu.memory_space<vmem>>
            tpu.enqueue_dma source(%dma_start3A_333 : memref<128x128xf32, #tpu.memory_space<vmem>>) target(%dma_start3A_329 : memref<128x128xf32, #tpu.memory_space<hbm>>) target_semaphore(%dma_start3A_327 : memref<!tpu.dma_semaphore, #tpu.memory_space<semaphore_mem>>)
            "tpu.trace_stop"() : () -> ()
          } else {
          }
          %and3A_270 = arith.constant true
          %and3A_271 = arith.andi %or3A_266, %and3A_270 : i1
          %add3A_272 = arith.constant 1 : i32
          %add3A_273 = arith.addi %while3A_167, %add3A_272 : i32
          %select_n3A_274 = arith.select %and3A_271, %add3A_273, %while3A_167 : i32
          %ne3A_275 = arith.cmpi ne, %add3A_177, %add3A_187 : i32
          %or3A_276 = arith.constant false
          %or3A_277 = arith.ori %or3A_276, %ne3A_275 : i1
          %not3A_278 = arith.constant true
          %not3A_279 = arith.xori %eq3A_173, %not3A_278 : i1
          %and3A_280 = arith.andi %or3A_277, %not3A_279 : i1
          %convert_element_type3A_281 = arith.extui %and3A_280 : i1 to i32
          %cond3A_282 = arith.constant 0 : i32
          %cond3A_283 = arith.cmpi ne, %convert_element_type3A_281, %cond3A_282 : i32
          scf.if %cond3A_283 {
          } else {
          }
          %and3A_284 = arith.constant false
          %and3A_285 = arith.andi %and3A_280, %and3A_284 : i1
          %ne3A_286 = arith.cmpi ne, %add3A_177, %add3A_187 : i32
          %or3A_287 = arith.constant false
          %or3A_288 = arith.ori %or3A_287, %ne3A_286 : i1
          %or3A_289 = arith.constant false
          %or3A_290 = arith.ori %or3A_288, %or3A_289 : i1
          %not3A_291 = arith.constant true
          %not3A_292 = arith.xori %eq3A_173, %not3A_291 : i1
          %and3A_293 = arith.andi %or3A_290, %not3A_292 : i1
          %convert_element_type3A_294 = arith.extui %and3A_293 : i1 to i32
          %cond3A_295 = arith.constant 0 : i32
          %cond3A_296 = arith.cmpi ne, %convert_element_type3A_294, %cond3A_295 : i32
          scf.if %cond3A_296 {
            "tpu.trace_start"() <{level = 10 : i32, message = "ep_wait_out"}> : () -> ()
            %rem3A_316 = arith.constant 2 : i32
            %rem3A_317 = arith.remui %while3A_168, %rem3A_316 : i32
            %mul3A_318 = arith.constant 128 : i32
            %mul3A_319 = arith.muli %mul3A_318, %add3A_187 : i32
            %dma_wait3A = arith.constant 0 : i32
            %dma_wait3A_320 = arith.constant 0 : i32
            %dma_wait3A_321 = tpu.memref_slice %run_scoped3A_40[%rem3A_317, %dma_wait3A, %dma_wait3A_320] : memref<2x128x128xf32, #tpu.memory_space<vmem>> -> memref<1x128x128xf32, #tpu.memory_space<vmem>>
            %dma_wait3A_322 = tpu.memref_squeeze %dma_wait3A_321 : memref<1x128x128xf32, #tpu.memory_space<vmem>> -> memref<128x128xf32, #tpu.memory_space<vmem>>
            %dma_wait3A_323 = arith.constant 0 : i32
            %dma_wait3A_324 = tpu.memref_slice %arg6[%mul3A_319, %dma_wait3A_323] : memref<1600000x128xf32, #tpu.memory_space<hbm>> -> memref<128x128xf32, #tpu.memory_space<hbm>>
            %dma_wait3A_325 = tpu.memref_slice %run_scoped3A_41[%rem3A_317] : memref<2x!tpu.dma_semaphore, #tpu.memory_space<semaphore_mem>> -> memref<1x!tpu.dma_semaphore, #tpu.memory_space<semaphore_mem>>
            %dma_wait3A_326 = tpu.memref_squeeze %dma_wait3A_325 : memref<1x!tpu.dma_semaphore, #tpu.memory_space<semaphore_mem>> -> memref<!tpu.dma_semaphore, #tpu.memory_space<semaphore_mem>>
            %dma_wait3A_327 = arith.constant 0 : i32
            %dma_wait3A_328 = tpu.memref_slice %arg6[%mul3A_319, %dma_wait3A_327] : memref<1600000x128xf32, #tpu.memory_space<hbm>> -> memref<128x128xf32, #tpu.memory_space<hbm>>
            %dma_wait3A_329 = arith.constant 0 : i32
            %dma_wait3A_330 = arith.constant 0 : i32
            %dma_wait3A_331 = tpu.memref_slice %run_scoped3A_40[%rem3A_317, %dma_wait3A_329, %dma_wait3A_330] : memref<2x128x128xf32, #tpu.memory_space<vmem>> -> memref<1x128x128xf32, #tpu.memory_space<vmem>>
            %dma_wait3A_332 = tpu.memref_squeeze %dma_wait3A_331 : memref<1x128x128xf32, #tpu.memory_space<vmem>> -> memref<128x128xf32, #tpu.memory_space<vmem>>
            tpu.wait_dma2 semaphore(%dma_wait3A_326 : memref<!tpu.dma_semaphore, #tpu.memory_space<semaphore_mem>>) src(%dma_wait3A_332 : memref<128x128xf32, #tpu.memory_space<vmem>>) dst(%dma_wait3A_328 : memref<128x128xf32, #tpu.memory_space<hbm>>)
            "tpu.trace_stop"() : () -> ()
          } else {
          }
          %and3A_297 = arith.constant true
          %and3A_298 = arith.andi %and3A_293, %and3A_297 : i1
          %add3A_299 = arith.constant 1 : i32
          %add3A_300 = arith.addi %while3A_168, %add3A_299 : i32
          %select_n3A_301 = arith.select %and3A_298, %add3A_300, %while3A_168 : i32
          %ne3A_302 = arith.cmpi ne, %add3A_177, %add3A_195 : i32
          %or3A_303 = arith.constant false
          %or3A_304 = arith.ori %or3A_303, %ne3A_302 : i1
          %or3A_305 = arith.ori %or3A_304, %eq3A_176 : i1
          %add3A_306 = arith.constant 1 : i32
          %add3A_307 = arith.addi %while3A_166, %add3A_306 : i32
          %select_n3A_308 = arith.select %or3A_305, %add3A_307, %while3A_166 : i32
          %add3A_309 = arith.constant 1 : i32
          %add3A_310 = arith.addi %while3A_169, %add3A_309 : i32
          %select_n3A_311 = arith.constant true
          %select_n3A_312 = arith.select %select_n3A_311, %add3A_310, %while3A_169 : i32
          %eq3A_313 = arith.cmpi eq, %select_n3A_312, %select_n3A_28 : i32
          %select_n3A_314 = arith.constant 0 : i32
          %select_n3A_315 = arith.select %eq3A_313, %select_n3A_314, %select_n3A_312 : i32
          scf.yield %select_n3A_217, %select_n3A_308, %select_n3A_274, %select_n3A_301, %select_n3A_315 : i32, i32, i32, i32, i32
        }
        %sub3A_113 = arith.constant 1 : i32
        %sub3A_114 = arith.subi %while3A_112#4, %sub3A_113 : i32
        %select_n3A_115 = arith.constant true
        %select_n3A_116 = arith.select %select_n3A_115, %sub3A_114, %while3A_112#4 : i32
        %eq3A_117 = arith.constant -1 : i32
        %eq3A_118 = arith.cmpi eq, %select_n3A_116, %eq3A_117 : i32
        %sub3A_119 = arith.constant 1 : i32
        %sub3A_120 = arith.subi %select_n3A_28, %sub3A_119 : i32
        %select_n3A_121 = arith.select %eq3A_118, %sub3A_120, %select_n3A_116 : i32
        %sub3A_122 = arith.constant 1 : i32
        %sub3A_123 = arith.subi %mul3A_38, %sub3A_122 : i32
        %mul3A_124 = arith.constant 1 : i32
        %mul3A_125 = arith.muli %mul3A_124, %select_n3A_28 : i32
        %eq3A_126 = arith.constant 0 : i32
        %eq3A_127 = arith.cmpi eq, %sub3A_123, %eq3A_126 : i32
        %sub3A_128 = arith.constant 1 : i32
        %sub3A_129 = arith.subi %mul3A_125, %sub3A_128 : i32
        %eq3A_130 = arith.cmpi eq, %sub3A_123, %sub3A_129 : i32
        %add3A_131 = arith.addi %select_n3A_121, %select_n3A_36 : i32
        %sub3A_132 = arith.constant 1 : i32
        %sub3A_133 = arith.subi %select_n3A_121, %sub3A_132 : i32
        %select_n3A_134 = arith.constant true
        %select_n3A_135 = arith.select %select_n3A_134, %sub3A_133, %select_n3A_121 : i32
        %eq3A_136 = arith.constant -1 : i32
        %eq3A_137 = arith.cmpi eq, %select_n3A_135, %eq3A_136 : i32
        %sub3A_138 = arith.constant 1 : i32
        %sub3A_139 = arith.subi %select_n3A_28, %sub3A_138 : i32
        %select_n3A_140 = arith.select %eq3A_137, %sub3A_139, %select_n3A_135 : i32
        %add3A_141 = arith.addi %select_n3A_140, %select_n3A_36 : i32
        %add3A_142 = arith.constant 1 : i32
        %add3A_143 = arith.addi %select_n3A_121, %add3A_142 : i32
        %select_n3A_144 = arith.constant true
        %select_n3A_145 = arith.select %select_n3A_144, %add3A_143, %select_n3A_121 : i32
        %eq3A_146 = arith.cmpi eq, %select_n3A_145, %select_n3A_28 : i32
        %select_n3A_147 = arith.constant 0 : i32
        %select_n3A_148 = arith.select %eq3A_146, %select_n3A_147, %select_n3A_145 : i32
        %add3A_149 = arith.addi %select_n3A_148, %select_n3A_36 : i32
        %add3A_150 = arith.constant 1 : i32
        %add3A_151 = arith.addi %select_n3A_148, %add3A_150 : i32
        %select_n3A_152 = arith.constant true
        %select_n3A_153 = arith.select %select_n3A_152, %add3A_151, %select_n3A_148 : i32
        %eq3A_154 = arith.cmpi eq, %select_n3A_153, %select_n3A_28 : i32
        %select_n3A_155 = arith.constant 0 : i32
        %select_n3A_156 = arith.select %eq3A_154, %select_n3A_155, %select_n3A_153 : i32
        %add3A_157 = arith.addi %select_n3A_156, %select_n3A_36 : i32
        %convert_element_type3A_158 = arith.extui %eq3A_130 : i1 to i32
        %cond3A_159 = arith.constant 0 : i32
        %cond3A_160 = arith.cmpi ne, %convert_element_type3A_158, %cond3A_159 : i32
        scf.if %cond3A_160 {
        } else {
        }
        %convert_element_type3A_161 = arith.extui %eq3A_130 : i1 to i32
        %cond3A_162 = arith.constant 0 : i32
        %cond3A_163 = arith.cmpi ne, %convert_element_type3A_161, %cond3A_162 : i32
        scf.if %cond3A_163 {
          "tpu.trace_start"() <{level = 10 : i32, message = "ep_finalize"}> : () -> ()
          %rem3A_164 = arith.constant 2 : i32
          %rem3A_165 = arith.remui %while3A_112#3, %rem3A_164 : i32
          %mul3A_166 = arith.constant 128 : i32
          %mul3A_167 = arith.muli %mul3A_166, %add3A_131 : i32
          %dma_wait3A = arith.constant 0 : i32
          %dma_wait3A_168 = arith.constant 0 : i32
          %dma_wait3A_169 = tpu.memref_slice %run_scoped3A_40[%rem3A_165, %dma_wait3A, %dma_wait3A_168] : memref<2x128x128xf32, #tpu.memory_space<vmem>> -> memref<1x128x128xf32, #tpu.memory_space<vmem>>
          %dma_wait3A_170 = tpu.memref_squeeze %dma_wait3A_169 : memref<1x128x128xf32, #tpu.memory_space<vmem>> -> memref<128x128xf32, #tpu.memory_space<vmem>>
          %dma_wait3A_171 = arith.constant 0 : i32
          %dma_wait3A_172 = tpu.memref_slice %arg6[%mul3A_167, %dma_wait3A_171] : memref<1600000x128xf32, #tpu.memory_space<hbm>> -> memref<128x128xf32, #tpu.memory_space<hbm>>
          %dma_wait3A_173 = tpu.memref_slice %run_scoped3A_41[%rem3A_165] : memref<2x!tpu.dma_semaphore, #tpu.memory_space<semaphore_mem>> -> memref<1x!tpu.dma_semaphore, #tpu.memory_space<semaphore_mem>>
          %dma_wait3A_174 = tpu.memref_squeeze %dma_wait3A_173 : memref<1x!tpu.dma_semaphore, #tpu.memory_space<semaphore_mem>> -> memref<!tpu.dma_semaphore, #tpu.memory_space<semaphore_mem>>
          %dma_wait3A_175 = arith.constant 0 : i32
          %dma_wait3A_176 = tpu.memref_slice %arg6[%mul3A_167, %dma_wait3A_175] : memref<1600000x128xf32, #tpu.memory_space<hbm>> -> memref<128x128xf32, #tpu.memory_space<hbm>>
          %dma_wait3A_177 = arith.constant 0 : i32
          %dma_wait3A_178 = arith.constant 0 : i32
          %dma_wait3A_179 = tpu.memref_slice %run_scoped3A_40[%rem3A_165, %dma_wait3A_177, %dma_wait3A_178] : memref<2x128x128xf32, #tpu.memory_space<vmem>> -> memref<1x128x128xf32, #tpu.memory_space<vmem>>
          %dma_wait3A_180 = tpu.memref_squeeze %dma_wait3A_179 : memref<1x128x128xf32, #tpu.memory_space<vmem>> -> memref<128x128xf32, #tpu.memory_space<vmem>>
          tpu.wait_dma2 semaphore(%dma_wait3A_174 : memref<!tpu.dma_semaphore, #tpu.memory_space<semaphore_mem>>) src(%dma_wait3A_180 : memref<128x128xf32, #tpu.memory_space<vmem>>) dst(%dma_wait3A_176 : memref<128x128xf32, #tpu.memory_space<hbm>>)
          "tpu.trace_stop"() : () -> ()
        } else {
        }
      } else {
      }
      tpu.yield
    }) : () -> ()
    return
  }
}

module attributes {stable_mosaic.version = 14 : i64} {
  func.func @_edge_mlp_body(%arg0: i32, %arg1: memref<2000x128xf32, #tpu.memory_space<vmem>>, %arg2: memref<2000x128xf32, #tpu.memory_space<vmem>>, %arg3: memref<33x32xf32, #tpu.memory_space<vmem>>, %arg4: memref<1x32xf32, #tpu.memory_space<vmem>>, %arg5: memref<32x32xf32, #tpu.memory_space<vmem>>, %arg6: memref<1x32xf32, #tpu.memory_space<vmem>>, %arg7: memref<32x1xf32, #tpu.memory_space<vmem>>, %arg8: memref<1x1xf32, #tpu.memory_space<vmem>>, %arg9: memref<32x32xf32, #tpu.memory_space<vmem>>, %arg10: memref<1x32xf32, #tpu.memory_space<vmem>>, %arg11: memref<32x1xf32, #tpu.memory_space<vmem>>, %arg12: memref<2000x128xf32, #tpu.memory_space<vmem>>) attributes {dimension_semantics = [#tpu.dimension_semantics<arbitrary>], iteration_bounds = array<i64: 800>, scalar_prefetch = 0 : i64, scratch_operands = 0 : i64, tpu.core_type = #tpu.core_type<tc>, window_params = [{transform_indices = @transform_0, window_bounds = array<i64: 2000, 128>}, {transform_indices = @transform_1, window_bounds = array<i64: 2000, 128>}, {pipeline_mode = #tpu.pipeline_mode<synchronous>, transform_indices = @transform_2, window_bounds = array<i64: 33, 32>}, {pipeline_mode = #tpu.pipeline_mode<synchronous>, transform_indices = @transform_3, window_bounds = array<i64: 1, 32>}, {pipeline_mode = #tpu.pipeline_mode<synchronous>, transform_indices = @transform_4, window_bounds = array<i64: 32, 32>}, {pipeline_mode = #tpu.pipeline_mode<synchronous>, transform_indices = @transform_5, window_bounds = array<i64: 1, 32>}, {pipeline_mode = #tpu.pipeline_mode<synchronous>, transform_indices = @transform_6, window_bounds = array<i64: 32, 1>}, {pipeline_mode = #tpu.pipeline_mode<synchronous>, transform_indices = @transform_7, window_bounds = array<i64: 1, 1>}, {pipeline_mode = #tpu.pipeline_mode<synchronous>, transform_indices = @transform_8, window_bounds = array<i64: 32, 32>}, {pipeline_mode = #tpu.pipeline_mode<synchronous>, transform_indices = @transform_9, window_bounds = array<i64: 1, 32>}, {pipeline_mode = #tpu.pipeline_mode<synchronous>, transform_indices = @transform_10, window_bounds = array<i64: 32, 1>}, {transform_indices = @transform_11, window_bounds = array<i64: 2000, 128>}]} {
    %get3A = arith.constant 0 : index
    %get3A_0 = arith.constant 0 : index
    %get3A_1 = vector.load %arg1[%get3A, %get3A_0] : memref<2000x128xf32, #tpu.memory_space<vmem>>, vector<2000x128xf32>
    %get3A_2 = arith.constant 0 : index
    %get3A_3 = arith.constant 0 : index
    %get3A_4 = vector.load %arg2[%get3A_2, %get3A_3] : memref<2000x128xf32, #tpu.memory_space<vmem>>, vector<2000x128xf32>
    %slice3A = vector.extract_strided_slice %get3A_1 {offsets = [0, 16], sizes = [2000, 3], strides = [1, 1]} : vector<2000x128xf32> to vector<2000x3xf32>
    %slice3A_5 = vector.extract_strided_slice %get3A_4 {offsets = [0, 16], sizes = [2000, 3], strides = [1, 1]} : vector<2000x128xf32> to vector<2000x3xf32>
    %sub3A = arith.subf %slice3A, %slice3A_5 : vector<2000x3xf32>
    %mul3A = arith.mulf %sub3A, %sub3A : vector<2000x3xf32>
    %reduce_sum3A = arith.constant dense<0.000000e+00> : vector<2000xf32>
    %reduce_sum3A_6 = vector.multi_reduction <add>, %mul3A, %reduce_sum3A [1] : vector<2000x3xf32> to vector<2000xf32>
    %broadcast_in_dim3A = vector.shape_cast %reduce_sum3A_6 : vector<2000xf32> to vector<2000x1xf32>
    %slice3A_7 = vector.extract_strided_slice %get3A_1 {offsets = [0, 0], sizes = [2000, 16], strides = [1, 1]} : vector<2000x128xf32> to vector<2000x16xf32>
    %slice3A_8 = vector.extract_strided_slice %get3A_4 {offsets = [0, 0], sizes = [2000, 16], strides = [1, 1]} : vector<2000x128xf32> to vector<2000x16xf32>
    %concatenate3A = tpu.concatenate %slice3A_7, %slice3A_8, %broadcast_in_dim3A in 1 : vector<2000x16xf32>, vector<2000x16xf32>, vector<2000x1xf32> -> vector<2000x33xf32>
    %get3A_9 = arith.constant 0 : index
    %get3A_10 = arith.constant 0 : index
    %get3A_11 = vector.load %arg3[%get3A_9, %get3A_10] : memref<33x32xf32, #tpu.memory_space<vmem>>, vector<33x32xf32>
    %dot_general3A = arith.constant dense<0.000000e+00> : vector<2000x32xf32>
    %dot_general3A_12 = tpu.matmul %concatenate3A, %get3A_11, %dot_general3A {dimension_numbers = #tpu.dot_dimension_numbers<[1], [0], [0], [1], [0, 0, 1, 1], [], []>, transpose_lhs_hint = false} : vector<2000x33xf32>, vector<33x32xf32>, vector<2000x32xf32> -> vector<2000x32xf32>
    %get3A_13 = arith.constant 0 : index
    %get3A_14 = arith.constant 0 : index
    %get3A_15 = vector.load %arg4[%get3A_13, %get3A_14] : memref<1x32xf32, #tpu.memory_space<vmem>>, vector<1x32xf32>
    %add3A = vector.broadcast %get3A_15 : vector<1x32xf32> to vector<2000x32xf32>
    %add3A_16 = arith.addf %dot_general3A_12, %add3A : vector<2000x32xf32>
    %logistic3A = arith.negf %add3A_16 : vector<2000x32xf32>
    %logistic3A_17 = math.exp %logistic3A : vector<2000x32xf32>
    %logistic3A_18 = arith.constant 1.000000e+00 : f32
    %logistic3A_19 = vector.broadcast %logistic3A_18 : f32 to vector<2000x32xf32>
    %logistic3A_20 = arith.addf %logistic3A_19, %logistic3A_17 : vector<2000x32xf32>
    %logistic3A_21 = arith.divf %logistic3A_19, %logistic3A_20 : vector<2000x32xf32>
    %mul3A_22 = arith.mulf %add3A_16, %logistic3A_21 : vector<2000x32xf32>
    %get3A_23 = arith.constant 0 : index
    %get3A_24 = arith.constant 0 : index
    %get3A_25 = vector.load %arg5[%get3A_23, %get3A_24] : memref<32x32xf32, #tpu.memory_space<vmem>>, vector<32x32xf32>
    %dot_general3A_26 = arith.constant dense<0.000000e+00> : vector<2000x32xf32>
    %dot_general3A_27 = tpu.matmul %mul3A_22, %get3A_25, %dot_general3A_26 {dimension_numbers = #tpu.dot_dimension_numbers<[1], [0], [0], [1], [0, 0, 1, 1], [], []>, transpose_lhs_hint = false} : vector<2000x32xf32>, vector<32x32xf32>, vector<2000x32xf32> -> vector<2000x32xf32>
    %get3A_28 = arith.constant 0 : index
    %get3A_29 = arith.constant 0 : index
    %get3A_30 = vector.load %arg6[%get3A_28, %get3A_29] : memref<1x32xf32, #tpu.memory_space<vmem>>, vector<1x32xf32>
    %add3A_31 = vector.broadcast %get3A_30 : vector<1x32xf32> to vector<2000x32xf32>
    %add3A_32 = arith.addf %dot_general3A_27, %add3A_31 : vector<2000x32xf32>
    %logistic3A_33 = arith.negf %add3A_32 : vector<2000x32xf32>
    %logistic3A_34 = math.exp %logistic3A_33 : vector<2000x32xf32>
    %logistic3A_35 = arith.constant 1.000000e+00 : f32
    %logistic3A_36 = vector.broadcast %logistic3A_35 : f32 to vector<2000x32xf32>
    %logistic3A_37 = arith.addf %logistic3A_36, %logistic3A_34 : vector<2000x32xf32>
    %logistic3A_38 = arith.divf %logistic3A_36, %logistic3A_37 : vector<2000x32xf32>
    %mul3A_39 = arith.mulf %add3A_32, %logistic3A_38 : vector<2000x32xf32>
    %get3A_40 = arith.constant 0 : index
    %get3A_41 = arith.constant 0 : index
    %get3A_42 = vector.load %arg7[%get3A_40, %get3A_41] : memref<32x1xf32, #tpu.memory_space<vmem>>, vector<32x1xf32>
    %dot_general3A_43 = arith.constant dense<0.000000e+00> : vector<2000x1xf32>
    %dot_general3A_44 = tpu.matmul %mul3A_39, %get3A_42, %dot_general3A_43 {dimension_numbers = #tpu.dot_dimension_numbers<[1], [0], [0], [1], [0, 0, 1, 1], [], []>, transpose_lhs_hint = false} : vector<2000x32xf32>, vector<32x1xf32>, vector<2000x1xf32> -> vector<2000x1xf32>
    %get3A_45 = arith.constant 0 : index
    %get3A_46 = arith.constant 0 : index
    %get3A_47 = vector.load %arg8[%get3A_45, %get3A_46] : memref<1x1xf32, #tpu.memory_space<vmem>>, vector<1x1xf32>
    %add3A_48 = vector.broadcast %get3A_47 : vector<1x1xf32> to vector<2000x1xf32>
    %add3A_49 = arith.addf %dot_general3A_44, %add3A_48 : vector<2000x1xf32>
    %logistic3A_50 = arith.negf %add3A_49 : vector<2000x1xf32>
    %logistic3A_51 = math.exp %logistic3A_50 : vector<2000x1xf32>
    %logistic3A_52 = arith.constant 1.000000e+00 : f32
    %logistic3A_53 = vector.broadcast %logistic3A_52 : f32 to vector<2000x1xf32>
    %logistic3A_54 = arith.addf %logistic3A_53, %logistic3A_51 : vector<2000x1xf32>
    %logistic3A_55 = arith.divf %logistic3A_53, %logistic3A_54 : vector<2000x1xf32>
    %mul3A_56 = vector.broadcast %logistic3A_55 : vector<2000x1xf32> to vector<2000x32xf32>
    %mul3A_57 = arith.mulf %mul3A_39, %mul3A_56 : vector<2000x32xf32>
    %get3A_58 = arith.constant 0 : index
    %get3A_59 = arith.constant 0 : index
    %get3A_60 = vector.load %arg9[%get3A_58, %get3A_59] : memref<32x32xf32, #tpu.memory_space<vmem>>, vector<32x32xf32>
    %dot_general3A_61 = arith.constant dense<0.000000e+00> : vector<2000x32xf32>
    %dot_general3A_62 = tpu.matmul %mul3A_57, %get3A_60, %dot_general3A_61 {dimension_numbers = #tpu.dot_dimension_numbers<[1], [0], [0], [1], [0, 0, 1, 1], [], []>, transpose_lhs_hint = false} : vector<2000x32xf32>, vector<32x32xf32>, vector<2000x32xf32> -> vector<2000x32xf32>
    %get3A_63 = arith.constant 0 : index
    %get3A_64 = arith.constant 0 : index
    %get3A_65 = vector.load %arg10[%get3A_63, %get3A_64] : memref<1x32xf32, #tpu.memory_space<vmem>>, vector<1x32xf32>
    %add3A_66 = vector.broadcast %get3A_65 : vector<1x32xf32> to vector<2000x32xf32>
    %add3A_67 = arith.addf %dot_general3A_62, %add3A_66 : vector<2000x32xf32>
    %logistic3A_68 = arith.negf %add3A_67 : vector<2000x32xf32>
    %logistic3A_69 = math.exp %logistic3A_68 : vector<2000x32xf32>
    %logistic3A_70 = arith.constant 1.000000e+00 : f32
    %logistic3A_71 = vector.broadcast %logistic3A_70 : f32 to vector<2000x32xf32>
    %logistic3A_72 = arith.addf %logistic3A_71, %logistic3A_69 : vector<2000x32xf32>
    %logistic3A_73 = arith.divf %logistic3A_71, %logistic3A_72 : vector<2000x32xf32>
    %mul3A_74 = arith.mulf %add3A_67, %logistic3A_73 : vector<2000x32xf32>
    %get3A_75 = arith.constant 0 : index
    %get3A_76 = arith.constant 0 : index
    %get3A_77 = vector.load %arg11[%get3A_75, %get3A_76] : memref<32x1xf32, #tpu.memory_space<vmem>>, vector<32x1xf32>
    %dot_general3A_78 = arith.constant dense<0.000000e+00> : vector<2000x1xf32>
    %dot_general3A_79 = tpu.matmul %mul3A_74, %get3A_77, %dot_general3A_78 {dimension_numbers = #tpu.dot_dimension_numbers<[1], [0], [0], [1], [0, 0, 1, 1], [], []>, transpose_lhs_hint = false} : vector<2000x32xf32>, vector<32x1xf32>, vector<2000x1xf32> -> vector<2000x1xf32>
    %mul3A_80 = vector.broadcast %dot_general3A_79 : vector<2000x1xf32> to vector<2000x3xf32>
    %mul3A_81 = arith.mulf %sub3A, %mul3A_80 : vector<2000x3xf32>
    %broadcast_in_dim3A_82 = arith.constant 1.000000e+00 : f32
    %broadcast_in_dim3A_83 = vector.broadcast %broadcast_in_dim3A_82 : f32 to vector<2000x1xf32>
    %broadcast_in_dim3A_84 = arith.constant 0.000000e+00 : f32
    %broadcast_in_dim3A_85 = vector.broadcast %broadcast_in_dim3A_84 : f32 to vector<2000x92xf32>
    %concatenate3A_86 = tpu.concatenate %mul3A_57, %mul3A_81, %broadcast_in_dim3A_83, %broadcast_in_dim3A_85 in 1 : vector<2000x32xf32>, vector<2000x3xf32>, vector<2000x1xf32>, vector<2000x92xf32> -> vector<2000x128xf32>
    %swap3A = arith.constant 0 : index
    %swap3A_87 = arith.constant 0 : index
    %swap3A_88 = vector.load %arg12[%swap3A, %swap3A_87] : memref<2000x128xf32, #tpu.memory_space<vmem>>, vector<2000x128xf32>
    tpu.vector_store %arg12[%swap3A, %swap3A_87], %concatenate3A_86 {strides = array<i32>} : memref<2000x128xf32, #tpu.memory_space<vmem>>, vector<2000x128xf32>,
    return
  }
  func.func @transform_0(%arg0: i32) -> (i32, i32) {
    %c0_i32 = arith.constant 0 : i32
    %c0_i32_0 = arith.constant 0 : i32
    return %arg0, %c0_i32 : i32, i32
  }
  func.func @transform_1(%arg0: i32) -> (i32, i32) {
    %c0_i32 = arith.constant 0 : i32
    %c0_i32_0 = arith.constant 0 : i32
    return %arg0, %c0_i32 : i32, i32
  }
  func.func @transform_2(%arg0: i32) -> (i32, i32) {
    %c0_i32 = arith.constant 0 : i32
    %c0_i32_0 = arith.constant 0 : i32
    %c0_i32_1 = arith.constant 0 : i32
    return %c0_i32, %c0_i32_0 : i32, i32
  }
  func.func @transform_3(%arg0: i32) -> (i32, i32) {
    %c0_i32 = arith.constant 0 : i32
    %c0_i32_0 = arith.constant 0 : i32
    %c0_i32_1 = arith.constant 0 : i32
    return %c0_i32, %c0_i32_0 : i32, i32
  }
  func.func @transform_4(%arg0: i32) -> (i32, i32) {
    %c0_i32 = arith.constant 0 : i32
    %c0_i32_0 = arith.constant 0 : i32
    %c0_i32_1 = arith.constant 0 : i32
    return %c0_i32, %c0_i32_0 : i32, i32
  }
  func.func @transform_5(%arg0: i32) -> (i32, i32) {
    %c0_i32 = arith.constant 0 : i32
    %c0_i32_0 = arith.constant 0 : i32
    %c0_i32_1 = arith.constant 0 : i32
    return %c0_i32, %c0_i32_0 : i32, i32
  }
  func.func @transform_6(%arg0: i32) -> (i32, i32) {
    %c0_i32 = arith.constant 0 : i32
    %c0_i32_0 = arith.constant 0 : i32
    %c0_i32_1 = arith.constant 0 : i32
    return %c0_i32, %c0_i32_0 : i32, i32
  }
  func.func @transform_7(%arg0: i32) -> (i32, i32) {
    %c0_i32 = arith.constant 0 : i32
    %c0_i32_0 = arith.constant 0 : i32
    %c0_i32_1 = arith.constant 0 : i32
    return %c0_i32, %c0_i32_0 : i32, i32
  }
  func.func @transform_8(%arg0: i32) -> (i32, i32) {
    %c0_i32 = arith.constant 0 : i32
    %c0_i32_0 = arith.constant 0 : i32
    %c0_i32_1 = arith.constant 0 : i32
    return %c0_i32, %c0_i32_0 : i32, i32
  }
  func.func @transform_9(%arg0: i32) -> (i32, i32) {
    %c0_i32 = arith.constant 0 : i32
    %c0_i32_0 = arith.constant 0 : i32
    %c0_i32_1 = arith.constant 0 : i32
    return %c0_i32, %c0_i32_0 : i32, i32
  }
  func.func @transform_10(%arg0: i32) -> (i32, i32) {
    %c0_i32 = arith.constant 0 : i32
    %c0_i32_0 = arith.constant 0 : i32
    %c0_i32_1 = arith.constant 0 : i32
    return %c0_i32, %c0_i32_0 : i32, i32
  }
  func.func @transform_11(%arg0: i32) -> (i32, i32) {
    %c0_i32 = arith.constant 0 : i32
    %c0_i32_0 = arith.constant 0 : i32
    return %arg0, %c0_i32 : i32, i32
  }
}

module attributes {stable_mosaic.version = 14 : i64} {
  func.func @_node_body(%arg0: i32, %arg1: memref<2000x32xf32, #tpu.memory_space<vmem>>, %arg2: memref<2000x16xf32, #tpu.memory_space<vmem>>, %arg3: memref<2000x3xf32, #tpu.memory_space<vmem>>, %arg4: memref<2000x16xf32, #tpu.memory_space<vmem>>, %arg5: memref<16x32xf32, #tpu.memory_space<vmem>>, %arg6: memref<32x32xf32, #tpu.memory_space<vmem>>, %arg7: memref<1x32xf32, #tpu.memory_space<vmem>>, %arg8: memref<32x16xf32, #tpu.memory_space<vmem>>, %arg9: memref<1x16xf32, #tpu.memory_space<vmem>>, %arg10: memref<2000x3xf32, #tpu.memory_space<vmem>>, %arg11: memref<2000x16xf32, #tpu.memory_space<vmem>>, %arg12: memref<8x128xf32, #tpu.memory_space<vmem>>) attributes {dimension_semantics = [#tpu.dimension_semantics<arbitrary>], iteration_bounds = array<i64: 50>, scalar_prefetch = 0 : i64, scratch_operands = 0 : i64, tpu.core_type = #tpu.core_type<tc>, window_params = [{transform_indices = @transform_0, window_bounds = array<i64: 2000, 32>}, {transform_indices = @transform_1, window_bounds = array<i64: 2000, 16>}, {transform_indices = @transform_2, window_bounds = array<i64: 2000, 3>}, {transform_indices = @transform_3, window_bounds = array<i64: 2000, 16>}, {pipeline_mode = #tpu.pipeline_mode<synchronous>, transform_indices = @transform_4, window_bounds = array<i64: 16, 32>}, {pipeline_mode = #tpu.pipeline_mode<synchronous>, transform_indices = @transform_5, window_bounds = array<i64: 32, 32>}, {pipeline_mode = #tpu.pipeline_mode<synchronous>, transform_indices = @transform_6, window_bounds = array<i64: 1, 32>}, {pipeline_mode = #tpu.pipeline_mode<synchronous>, transform_indices = @transform_7, window_bounds = array<i64: 32, 16>}, {pipeline_mode = #tpu.pipeline_mode<synchronous>, transform_indices = @transform_8, window_bounds = array<i64: 1, 16>}, {transform_indices = @transform_9, window_bounds = array<i64: 2000, 3>}, {transform_indices = @transform_10, window_bounds = array<i64: 2000, 16>}, {pipeline_mode = #tpu.pipeline_mode<synchronous>, transform_indices = @transform_11, window_bounds = array<i64: 8, 128>}]} {
    %get3A = arith.constant 0 : index
    %get3A_0 = arith.constant 0 : index
    %get3A_1 = vector.load %arg1[%get3A, %get3A_0] : memref<2000x32xf32, #tpu.memory_space<vmem>>, vector<2000x32xf32>
    %get3A_2 = arith.constant 0 : index
    %get3A_3 = arith.constant 0 : index
    %get3A_4 = vector.load %arg2[%get3A_2, %get3A_3] : memref<2000x16xf32, #tpu.memory_space<vmem>>, vector<2000x16xf32>
    %slice3A = vector.extract_strided_slice %get3A_4 {offsets = [0, 0], sizes = [2000, 3], strides = [1, 1]} : vector<2000x16xf32> to vector<2000x3xf32>
    %slice3A_5 = vector.extract_strided_slice %get3A_4 {offsets = [0, 3], sizes = [2000, 1], strides = [1, 1]} : vector<2000x16xf32> to vector<2000x1xf32>
    %get3A_6 = arith.constant 0 : index
    %get3A_7 = arith.constant 0 : index
    %get3A_8 = vector.load %arg3[%get3A_6, %get3A_7] : memref<2000x3xf32, #tpu.memory_space<vmem>>, vector<2000x3xf32>
    %max3A = arith.constant 1.000000e+00 : f32
    %max3A_9 = vector.broadcast %max3A : f32 to vector<2000x1xf32>
    %max3A_10 = arith.maximumf %slice3A_5, %max3A_9 : vector<2000x1xf32>
    %div3A = vector.broadcast %max3A_10 : vector<2000x1xf32> to vector<2000x3xf32>
    %div3A_11 = arith.divf %slice3A, %div3A : vector<2000x3xf32>
    %add3A = arith.addf %get3A_8, %div3A_11 : vector<2000x3xf32>
    %swap3A = arith.constant 0 : index
    %swap3A_12 = arith.constant 0 : index
    %swap3A_13 = vector.load %arg10[%swap3A, %swap3A_12] : memref<2000x3xf32, #tpu.memory_space<vmem>>, vector<2000x3xf32>
    tpu.vector_store %arg10[%swap3A, %swap3A_12], %add3A {strides = array<i32>} : memref<2000x3xf32, #tpu.memory_space<vmem>>, vector<2000x3xf32>,
    %get3A_14 = arith.constant 0 : index
    %get3A_15 = arith.constant 0 : index
    %get3A_16 = vector.load %arg4[%get3A_14, %get3A_15] : memref<2000x16xf32, #tpu.memory_space<vmem>>, vector<2000x16xf32>
    %get3A_17 = arith.constant 0 : index
    %get3A_18 = arith.constant 0 : index
    %get3A_19 = vector.load %arg5[%get3A_17, %get3A_18] : memref<16x32xf32, #tpu.memory_space<vmem>>, vector<16x32xf32>
    %dot_general3A = arith.constant dense<0.000000e+00> : vector<2000x32xf32>
    %dot_general3A_20 = tpu.matmul %get3A_16, %get3A_19, %dot_general3A {dimension_numbers = #tpu.dot_dimension_numbers<[1], [0], [0], [1], [0, 0, 1, 1], [], []>, transpose_lhs_hint = false} : vector<2000x16xf32>, vector<16x32xf32>, vector<2000x32xf32> -> vector<2000x32xf32>
    %get3A_21 = arith.constant 0 : index
    %get3A_22 = arith.constant 0 : index
    %get3A_23 = vector.load %arg6[%get3A_21, %get3A_22] : memref<32x32xf32, #tpu.memory_space<vmem>>, vector<32x32xf32>
    %dot_general3A_24 = arith.constant dense<0.000000e+00> : vector<2000x32xf32>
    %dot_general3A_25 = tpu.matmul %get3A_1, %get3A_23, %dot_general3A_24 {dimension_numbers = #tpu.dot_dimension_numbers<[1], [0], [0], [1], [0, 0, 1, 1], [], []>, transpose_lhs_hint = false} : vector<2000x32xf32>, vector<32x32xf32>, vector<2000x32xf32> -> vector<2000x32xf32>
    %add3A_26 = arith.addf %dot_general3A_20, %dot_general3A_25 : vector<2000x32xf32>
    %get3A_27 = arith.constant 0 : index
    %get3A_28 = arith.constant 0 : index
    %get3A_29 = vector.load %arg7[%get3A_27, %get3A_28] : memref<1x32xf32, #tpu.memory_space<vmem>>, vector<1x32xf32>
    %add3A_30 = vector.broadcast %get3A_29 : vector<1x32xf32> to vector<2000x32xf32>
    %add3A_31 = arith.addf %add3A_26, %add3A_30 : vector<2000x32xf32>
    %logistic3A = arith.negf %add3A_31 : vector<2000x32xf32>
    %logistic3A_32 = math.exp %logistic3A : vector<2000x32xf32>
    %logistic3A_33 = arith.constant 1.000000e+00 : f32
    %logistic3A_34 = vector.broadcast %logistic3A_33 : f32 to vector<2000x32xf32>
    %logistic3A_35 = arith.addf %logistic3A_34, %logistic3A_32 : vector<2000x32xf32>
    %logistic3A_36 = arith.divf %logistic3A_34, %logistic3A_35 : vector<2000x32xf32>
    %mul3A = arith.mulf %add3A_31, %logistic3A_36 : vector<2000x32xf32>
    %get3A_37 = arith.constant 0 : index
    %get3A_38 = arith.constant 0 : index
    %get3A_39 = vector.load %arg8[%get3A_37, %get3A_38] : memref<32x16xf32, #tpu.memory_space<vmem>>, vector<32x16xf32>
    %dot_general3A_40 = arith.constant dense<0.000000e+00> : vector<2000x16xf32>
    %dot_general3A_41 = tpu.matmul %mul3A, %get3A_39, %dot_general3A_40 {dimension_numbers = #tpu.dot_dimension_numbers<[1], [0], [0], [1], [0, 0, 1, 1], [], []>, transpose_lhs_hint = false} : vector<2000x32xf32>, vector<32x16xf32>, vector<2000x16xf32> -> vector<2000x16xf32>
    %get3A_42 = arith.constant 0 : index
    %get3A_43 = arith.constant 0 : index
    %get3A_44 = vector.load %arg9[%get3A_42, %get3A_43] : memref<1x16xf32, #tpu.memory_space<vmem>>, vector<1x16xf32>
    %add3A_45 = vector.broadcast %get3A_44 : vector<1x16xf32> to vector<2000x16xf32>
    %add3A_46 = arith.addf %dot_general3A_41, %add3A_45 : vector<2000x16xf32>
    %add3A_47 = arith.addf %get3A_16, %add3A_46 : vector<2000x16xf32>
    %swap3A_48 = arith.constant 0 : index
    %swap3A_49 = arith.constant 0 : index
    %swap3A_50 = vector.load %arg11[%swap3A_48, %swap3A_49] : memref<2000x16xf32, #tpu.memory_space<vmem>>, vector<2000x16xf32>
    tpu.vector_store %arg11[%swap3A_48, %swap3A_49], %add3A_47 {strides = array<i32>} : memref<2000x16xf32, #tpu.memory_space<vmem>>, vector<2000x16xf32>,
    %reduce_sum3A = arith.constant dense<0.000000e+00> : vector<16xf32>
    %reduce_sum3A_51 = vector.multi_reduction <add>, %add3A_47, %reduce_sum3A [0] : vector<2000x16xf32> to vector<16xf32>
    %broadcast_in_dim3A = vector.shape_cast %reduce_sum3A_51 : vector<16xf32> to vector<1x16xf32>
    %mul3A_52 = arith.mulf %add3A_47, %add3A_47 : vector<2000x16xf32>
    %reduce_sum3A_53 = vector.shape_cast %mul3A_52 : vector<2000x16xf32> to vector<1x2000x16xf32>
    %reduce_sum3A_54 = arith.constant dense<0.000000e+00> : vector<1xf32>
    %reduce_sum3A_55 = vector.multi_reduction <add>, %reduce_sum3A_53, %reduce_sum3A_54 [1, 2] : vector<1x2000x16xf32> to vector<1xf32>
    %reduce_sum3A_56 = vector.shape_cast %reduce_sum3A_55 : vector<1xf32> to vector<1x1x1xf32>
    %reduce_sum3A_57 = vector.extract %reduce_sum3A_56[0, 0, 0] : f32 from vector<1x1x1xf32>
    %reshape3A = vector.broadcast %reduce_sum3A_57 : f32 to vector<1x1xf32>
    %concatenate3A = tpu.concatenate %broadcast_in_dim3A, %reshape3A in 1 : vector<1x16xf32>, vector<1x1xf32> -> vector<1x17xf32>
    %jit3A = arith.constant 0 : i32
    %convert_element_type3A = arith.sitofp %jit3A : i32 to f32
    %pad3A = vector.broadcast %convert_element_type3A : f32 to vector<1x111xf32>
    %pad3A_58 = tpu.concatenate %concatenate3A, %pad3A in 1 : vector<1x17xf32>, vector<1x111xf32> -> vector<1x128xf32>
    %broadcast_in_dim3A_59 = vector.shape_cast %pad3A_58 : vector<1x128xf32> to vector<1x128xf32>
    %broadcast_in_dim3A_60 = vector.broadcast %broadcast_in_dim3A_59 : vector<1x128xf32> to vector<8x128xf32>
    %eq3A = arith.constant 0 : i32
    %eq3A_61 = arith.cmpi eq, %arg0, %eq3A : i32
    %convert_element_type3A_62 = arith.extui %eq3A_61 : i1 to i32
    %cond3A = arith.constant 0 : i32
    %cond3A_63 = arith.cmpi ne, %convert_element_type3A_62, %cond3A : i32
    scf.if %cond3A_63 {
      %broadcast_in_dim3A_71 = arith.constant 0.000000e+00 : f32
      %broadcast_in_dim3A_72 = vector.broadcast %broadcast_in_dim3A_71 : f32 to vector<8x128xf32>
      %swap3A_73 = arith.constant 0 : index
      %swap3A_74 = arith.constant 0 : index
      %swap3A_75 = vector.load %arg12[%swap3A_73, %swap3A_74] : memref<8x128xf32, #tpu.memory_space<vmem>>, vector<8x128xf32>
      tpu.vector_store %arg12[%swap3A_73, %swap3A_74], %broadcast_in_dim3A_72 {strides = array<i32>} : memref<8x128xf32, #tpu.memory_space<vmem>>, vector<8x128xf32>,
    } else {
    }
    %get3A_64 = arith.constant 0 : index
    %get3A_65 = arith.constant 0 : index
    %get3A_66 = vector.load %arg12[%get3A_64, %get3A_65] : memref<8x128xf32, #tpu.memory_space<vmem>>, vector<8x128xf32>
    %add3A_67 = arith.addf %get3A_66, %broadcast_in_dim3A_60 : vector<8x128xf32>
    %swap3A_68 = arith.constant 0 : index
    %swap3A_69 = arith.constant 0 : index
    %swap3A_70 = vector.load %arg12[%swap3A_68, %swap3A_69] : memref<8x128xf32, #tpu.memory_space<vmem>>, vector<8x128xf32>
    tpu.vector_store %arg12[%swap3A_68, %swap3A_69], %add3A_67 {strides = array<i32>} : memref<8x128xf32, #tpu.memory_space<vmem>>, vector<8x128xf32>,
    return
  }
  func.func @transform_0(%arg0: i32) -> (i32, i32) {
    %c0_i32 = arith.constant 0 : i32
    %c0_i32_0 = arith.constant 0 : i32
    return %arg0, %c0_i32 : i32, i32
  }
  func.func @transform_1(%arg0: i32) -> (i32, i32) {
    %c0_i32 = arith.constant 0 : i32
    %c0_i32_0 = arith.constant 0 : i32
    return %arg0, %c0_i32 : i32, i32
  }
  func.func @transform_2(%arg0: i32) -> (i32, i32) {
    %c0_i32 = arith.constant 0 : i32
    %c0_i32_0 = arith.constant 0 : i32
    return %arg0, %c0_i32 : i32, i32
  }
  func.func @transform_3(%arg0: i32) -> (i32, i32) {
    %c0_i32 = arith.constant 0 : i32
    %c0_i32_0 = arith.constant 0 : i32
    return %arg0, %c0_i32 : i32, i32
  }
  func.func @transform_4(%arg0: i32) -> (i32, i32) {
    %c0_i32 = arith.constant 0 : i32
    %c0_i32_0 = arith.constant 0 : i32
    %c0_i32_1 = arith.constant 0 : i32
    return %c0_i32, %c0_i32_0 : i32, i32
  }
  func.func @transform_5(%arg0: i32) -> (i32, i32) {
    %c0_i32 = arith.constant 0 : i32
    %c0_i32_0 = arith.constant 0 : i32
    %c0_i32_1 = arith.constant 0 : i32
    return %c0_i32, %c0_i32_0 : i32, i32
  }
  func.func @transform_6(%arg0: i32) -> (i32, i32) {
    %c0_i32 = arith.constant 0 : i32
    %c0_i32_0 = arith.constant 0 : i32
    %c0_i32_1 = arith.constant 0 : i32
    return %c0_i32, %c0_i32_0 : i32, i32
  }
  func.func @transform_7(%arg0: i32) -> (i32, i32) {
    %c0_i32 = arith.constant 0 : i32
    %c0_i32_0 = arith.constant 0 : i32
    %c0_i32_1 = arith.constant 0 : i32
    return %c0_i32, %c0_i32_0 : i32, i32
  }
  func.func @transform_8(%arg0: i32) -> (i32, i32) {
    %c0_i32 = arith.constant 0 : i32
    %c0_i32_0 = arith.constant 0 : i32
    %c0_i32_1 = arith.constant 0 : i32
    return %c0_i32, %c0_i32_0 : i32, i32
  }
  func.func @transform_9(%arg0: i32) -> (i32, i32) {
    %c0_i32 = arith.constant 0 : i32
    %c0_i32_0 = arith.constant 0 : i32
    return %arg0, %c0_i32 : i32, i32
  }
  func.func @transform_10(%arg0: i32) -> (i32, i32) {
    %c0_i32 = arith.constant 0 : i32
    %c0_i32_0 = arith.constant 0 : i32
    return %arg0, %c0_i32 : i32, i32
  }
  func.func @transform_11(%arg0: i32) -> (i32, i32) {
    %c0_i32 = arith.constant 0 : i32
    %c0_i32_0 = arith.constant 0 : i32
    %c0_i32_1 = arith.constant 0 : i32
    return %c0_i32, %c0_i32_0 : i32, i32
  }
}

module attributes {stable_mosaic.version = 14 : i64} {
  func.func @_norm_body(%arg0: i32, %arg1: memref<4000x16xf32, #tpu.memory_space<vmem>>, %arg2: memref<8x128xf32, #tpu.memory_space<vmem>>, %arg3: memref<4000x16xf32, #tpu.memory_space<vmem>>) attributes {dimension_semantics = [#tpu.dimension_semantics<arbitrary>], iteration_bounds = array<i64: 25>, scalar_prefetch = 0 : i64, scratch_operands = 0 : i64, tpu.core_type = #tpu.core_type<tc>, window_params = [{transform_indices = @transform_0, window_bounds = array<i64: 4000, 16>}, {pipeline_mode = #tpu.pipeline_mode<synchronous>, transform_indices = @transform_1, window_bounds = array<i64: 8, 128>}, {transform_indices = @transform_2, window_bounds = array<i64: 4000, 16>}]} {
    %get3A = arith.constant 0 : index
    %get3A_0 = arith.constant 0 : index
    %get3A_1 = vector.load %arg2[%get3A, %get3A_0] : memref<8x128xf32, #tpu.memory_space<vmem>>, vector<8x128xf32>
    %slice3A = vector.extract_strided_slice %get3A_1 {offsets = [0, 0], sizes = [1, 16], strides = [1, 1]} : vector<8x128xf32> to vector<1x16xf32>
    %slice3A_2 = vector.extract_strided_slice %get3A_1 {offsets = [0, 16], sizes = [1, 1], strides = [1, 1]} : vector<8x128xf32> to vector<1x1xf32>
    %div3A = arith.constant 1.000000e+05 : f32
    %div3A_3 = vector.broadcast %div3A : f32 to vector<1x16xf32>
    %div3A_4 = arith.divf %slice3A, %div3A_3 : vector<1x16xf32>
    %div3A_5 = arith.constant 1.000000e+05 : f32
    %div3A_6 = vector.broadcast %div3A_5 : f32 to vector<1x1xf32>
    %div3A_7 = arith.divf %slice3A_2, %div3A_6 : vector<1x1xf32>
    %mul3A = arith.mulf %div3A_4, %div3A_4 : vector<1x16xf32>
    %reduce_sum3A = vector.shape_cast %mul3A : vector<1x16xf32> to vector<1x1x16xf32>
    %reduce_sum3A_8 = arith.constant dense<0.000000e+00> : vector<1xf32>
    %reduce_sum3A_9 = vector.multi_reduction <add>, %reduce_sum3A, %reduce_sum3A_8 [1, 2] : vector<1x1x16xf32> to vector<1xf32>
    %reduce_sum3A_10 = vector.shape_cast %reduce_sum3A_9 : vector<1xf32> to vector<1x1x1xf32>
    %reduce_sum3A_11 = vector.extract %reduce_sum3A_10[0, 0, 0] : f32 from vector<1x1x1xf32>
    %reshape3A = vector.broadcast %reduce_sum3A_11 : f32 to vector<1x1xf32>
    %sub3A = arith.subf %div3A_7, %reshape3A : vector<1x1xf32>
    %add3A = arith.constant 9.99999997E-7 : f32
    %add3A_12 = vector.broadcast %add3A : f32 to vector<1x1xf32>
    %add3A_13 = arith.addf %add3A_12, %sub3A : vector<1x1xf32>
    %rsqrt3A = math.rsqrt %add3A_13 : vector<1x1xf32>
    %get3A_14 = arith.constant 0 : index
    %get3A_15 = arith.constant 0 : index
    %get3A_16 = vector.load %arg1[%get3A_14, %get3A_15] : memref<4000x16xf32, #tpu.memory_space<vmem>>, vector<4000x16xf32>
    %sub3A_17 = vector.broadcast %div3A_4 : vector<1x16xf32> to vector<4000x16xf32>
    %sub3A_18 = arith.subf %get3A_16, %sub3A_17 : vector<4000x16xf32>
    %mul3A_19 = vector.broadcast %rsqrt3A : vector<1x1xf32> to vector<4000x16xf32>
    %mul3A_20 = arith.mulf %sub3A_18, %mul3A_19 : vector<4000x16xf32>
    %swap3A = arith.constant 0 : index
    %swap3A_21 = arith.constant 0 : index
    %swap3A_22 = vector.load %arg3[%swap3A, %swap3A_21] : memref<4000x16xf32, #tpu.memory_space<vmem>>, vector<4000x16xf32>
    tpu.vector_store %arg3[%swap3A, %swap3A_21], %mul3A_20 {strides = array<i32>} : memref<4000x16xf32, #tpu.memory_space<vmem>>, vector<4000x16xf32>,
    return
  }
  func.func @transform_0(%arg0: i32) -> (i32, i32) {
    %c0_i32 = arith.constant 0 : i32
    %c0_i32_0 = arith.constant 0 : i32
    return %arg0, %c0_i32 : i32, i32
  }
  func.func @transform_1(%arg0: i32) -> (i32, i32) {
    %c0_i32 = arith.constant 0 : i32
    %c0_i32_0 = arith.constant 0 : i32
    %c0_i32_1 = arith.constant 0 : i32
    return %c0_i32, %c0_i32_0 : i32, i32
  }
  func.func @transform_2(%arg0: i32) -> (i32, i32) {
    %c0_i32 = arith.constant 0 : i32
    %c0_i32_0 = arith.constant 0 : i32
    return %arg0, %c0_i32 : i32, i32
  }
}

</mosaic_0001>

<sc_bundles>
// kernel: kernel.11.cloned.1.call-start
scs
__scs_entry_jumppad:
0x0: {  	(pc) =	sbr.rel $0x88, $3  }
0x1: {  	(tag) =	ssettag $0x0;
	lr =	simm.s32 $0x1  }
0x2: {  	[smem:$0x3F91] =	sst lr;
	_ =	strace $0xD0000000  }
0x3: {  	_ = 	snop  }
0x4: {  	_ = 	snop  }
0x5: {  	_ = 	snop  }
0x6: {  	_ = 	snop  }
0x7: {  	_ = 	snop  }
__scs_overlays_trampoline_lowered:
0x8: {  	[smem:$0x3FA0] =	sst s0  }
0x9: {  	[smem:$0x3FA1] =	sst s1  }
0xa: {  	[smem:$0x3FA2] =	sst s2  }
0xb: {  	[smem:$0x3FA3] =	sst s3  }
0xc: {  	[smem:$0x3FA4] =	sst s4  }
0xd: {  	[smem:$0x3FA5] =	sst s5  }
0xe: {  	[smem:$0x3FA6] =	sst s6  }
0xf: {  	[smem:$0x3FA7] =	sst s7  }
0x10: {  	[smem:$0x3FA8] =	sst s8  }
0x11: {  	[smem:$0x3FA9] =	sst s9;
	s0 =	simm.s32 @!p0 $0x0  }
0x12: {  	s1 =	sld [smem:$0x3F8F];
	s0 =	simm.s32 @p0 $0x1  }
0x13: {  	[smem:$0x3FAA] =	sst s0;
	s0 =	simm.s32 @!p1 $0x0  }
0x14: {  	s2 =	sld [smem:$0x3F8E];
	s0 =	simm.s32 @p1 $0x1  }
0x15: {  	[smem:$0x3FAB] =	sst s0;
	s0 =	simm.s32 @!p2 $0x0  }
0x16: {  	s3 =	sld [smem:$0x3FDB];
	s0 =	simm.s32 @p2 $0x1  }
0x17: {  	s4 =	simm.s32 $0x1BF5;
	[smem:$0x3FAD] =	sst s0  }
0x18: {  	s0 =	sld [smem:$0x3F90];
	_ =	swait.ge [sflag:s4], $0x0  }
0x19: {  	s7 =	sld [smem:$0x3F91]  }
0x1a: {  	s8 =	sadd.s32 $0xFFFFE003, lr  }
0x1b: {  	s9 =	sadd.s32 $0xFFFFFEF7, lr;
	s5 =	simm.s32 $0xFFFFFFFF;
	p2 =	slt.u32 s8, $0xFFFFF086  }
0x1c: {  	p1 =	slt.u32 s9, $0xF7A;
	s5 =	simm.s32 @!p2 $0x0  }
0x1d: {  	s5 =	simm.s32 @p1 $0x1;
	p0 =	seq.s32 s7, s2  }
0x1e: {  	s7 =	smul.u32 @!p0 $0xF7A, s2;
	p2 =	seq.s32 @!p0 s5, $0x0  }
0x1f: {  	s9 =	smul.u32 $0xF7A, s1;
	s8 =	simm.s32 @!p0 $0x1BF5;
	p2 =	por !p2, p0  }
0x20: {  	[sflag:s8] =	ssyncset.s32 @!p0 $0xFFFFF086;
	s6 =	sadd.s32 @!p0 s3, s7;
	s7 =	simm.s32 @!p0 $0x108  }
0x21: {  	s3 =	sadd.s32 s3, s9;
	s6 =	sadd.s32 @!p0 $0x88, s6;
	s7 =	simm.s32 @p2 $0x1082  }
0x22: {  	[simem:s7], [sflag:s8] =	dma.local @!p0 [hbm:s6], $0xF7A  }
0x23: {  	s9 =	sor.u32 $0xD0000000, s2;
	s6 =	simm.s32 $0x108;
	_ =	swait.ge @!p0 [sflag:s8], $0x0  }
0x24: {  	s3 =	sadd.s32 $0x88, s3;
	s6 =	simm.s32 @!p1 $0x1082;
	[sflag:s4] =	ssyncset.s32 $0xFFFFF086  }
0x25: {  	[simem:s6], [sflag:s4] =	dma.local [hbm:s3], $0xF7A  }
0x26: {  	[smem:$0x3F91] =	sst s1;
	(tag) =	ssettag s2;
	_ =	strace s9  }
0x27: {  	s1 =	sld [smem:$0x3FA1]  }
0x28: {  	s2 =	sld [smem:$0x3FA2]  }
0x29: {  	s4 =	sld [smem:$0x3FA4]  }
0x2a: {  	p0 =	seq.s32 s5, $0x0;
	s5 =	sld [smem:$0x3FA5]  }
0x2b: {  	s6 =	sld [smem:$0x3FA6]  }
0x2c: {  	s7 =	sld [smem:$0x3FA7]  }
0x2d: {  	s3 =	simm.s32 $0x108;
	s8 =	sld [smem:$0x3FA8]  }
0x2e: {  	s3 =	simm.s32 @!p0 $0x1082;
	s9 =	sld [smem:$0x3FA9]  }
0x2f: {  	lr =	sadd.s32 s0, s3;
	s0 =	sld [smem:$0x3FA0]  }
0x30: {  	s3 =	sld [smem:$0x3FA3]  }
0x31: {  	[smem:$0x3FAC] =	sst s10  }
0x32: {  	s10 =	sld [smem:$0x3FAA];
	_ =	sdelay $0x3  }
0x33: {  	p0 =	seq.s32 s10, $0x1;
	s10 =	sld [smem:$0x3FAC];
	_ =	sdelay $0x3  }
0x34: {  	[smem:$0x3FAC] =	sst s10  }
0x35: {  	s10 =	sld [smem:$0x3FAB];
	_ =	sdelay $0x3  }
0x36: {  	p1 =	seq.s32 s10, $0x1;
	s10 =	sld [smem:$0x3FAC];
	_ =	sdelay $0x3  }
0x37: {  	[smem:$0x3FAC] =	sst s10  }
0x38: {  	s10 =	sld [smem:$0x3FAD]  }
0x39: {  	_ = 	snop;
	(pc) =	sbr.ind lr, $3  }
0x3a: {  	_ = 	snop  }
0x3b: {  	_ = 	snop  }
0x3c: {  	p2 =	seq.s32 s10, $0x1;
	s10 =	sld [smem:$0x3FAC]  }
0x3d: {  	_ =	shalt  }
0x3e: {  	_ =	shalt  }
0x3f: {  	_ =	shalt  }
0x40: {  	_ =	shalt  }
0x41: {  	_ =	shalt  }
0x42: {  	_ =	shalt  }
0x43: {  	_ =	shalt  }
0x44: {  	_ =	shalt  }
0x45: {  	_ =	shalt  }
0x46: {  	_ =	shalt  }
0x47: {  	_ =	shalt  }
0x48: {  	_ =	shalt  }
0x49: {  	_ =	shalt  }
0x4a: {  	_ =	shalt  }
0x4b: {  	_ =	shalt  }
0x4c: {  	_ =	shalt  }
0x4d: {  	_ =	shalt  }
0x4e: {  	_ =	shalt  }
0x4f: {  	_ =	shalt  }
0x50: {  	_ =	shalt  }
0x51: {  	_ =	shalt  }
0x52: {  	_ =	shalt  }
0x53: {  	_ =	shalt  }
0x54: {  	_ =	shalt  }
0x55: {  	_ =	shalt  }
0x56: {  	_ =	shalt  }
0x57: {  	_ =	shalt  }
0x58: {  	_ =	shalt  }
0x59: {  	_ =	shalt  }
0x5a: {  	_ =	shalt  }
0x5b: {  	_ =	shalt  }
0x5c: {  	_ =	shalt  }
0x5d: {  	_ =	shalt  }
0x5e: {  	_ =	shalt  }
0x5f: {  	_ =	shalt  }
0x60: {  	_ =	shalt  }
0x61: {  	_ =	shalt  }
0x62: {  	_ =	shalt  }
0x63: {  	_ =	shalt  }
0x64: {  	_ =	shalt  }
0x65: {  	_ =	shalt  }
0x66: {  	_ =	shalt  }
0x67: {  	_ =	shalt  }
0x68: {  	_ =	shalt  }
0x69: {  	_ =	shalt  }
0x6a: {  	_ =	shalt  }
0x6b: {  	_ =	shalt  }
0x6c: {  	_ =	shalt  }
0x6d: {  	_ =	shalt  }
0x6e: {  	_ =	shalt  }
0x6f: {  	_ =	shalt  }
0x70: {  	_ =	shalt  }
0x71: {  	_ =	shalt  }
0x72: {  	_ =	shalt  }
0x73: {  	_ =	shalt  }
0x74: {  	_ =	shalt  }
0x75: {  	_ =	shalt  }
0x76: {  	_ =	shalt  }
0x77: {  	_ =	shalt  }
0x78: {  	_ =	shalt  }
0x79: {  	_ =	shalt  }
0x7a: {  	_ =	shalt  }
0x7b: {  	_ =	shalt  }
0x7c: {  	_ =	shalt  }
0x7d: {  	_ =	shalt  }
0x7e: {  	_ =	shalt  }
0x7f: {  	_ =	shalt  }
0x80: {  	_ =	shalt  }
0x81: {  	_ =	shalt  }
0x82: {  	_ =	shalt  }
0x83: {  	_ =	shalt  }
0x84: {  	_ =	shalt  }
0x85: {  	_ =	shalt  }
0x86: {  	_ =	shalt  }
0x87: {  	_ =	shalt  }
.Lfunc_end0:
.L_simem_size_0:
called_computation.1_lowered:
.L_overlay_start_0:
0x88: {  	s2 =	sld [smem:$0x3FD9]  }
0x89: {  	s3 =	sld [smem:$0x3FFE];
	_ =	sdelay $0x1  }
0x8a: {  	s1 =	srdreg.scid  }
0x8b: {  	s0 =	sand.u32 $0x1, s1  }
0x8c: {  	s15 =	sshll.u32 s0, $0xA;
	s2 =	sadd.s32 s3, s2  }
0x8d: {  	s2 =	sadd.s32 s2, s15  }
0x8e: {  	[smem:$0x3FB8] =	sst s2  }
0x8f: {  	_ = 	snop  }
0x90: {  	s2 =	sld [smem:$0x3FD0];
	_ =	sdelay $0x2  }
0x91: {  	s4 =	simm.s32 $0xB;
	s16 =	simm.s32 $0x10  }
0x92: {  	[smem:s16], [sflag:s4] =	dma.local [hbm:s2], $0x1  }
0x93: {  	_ =	swait.eq [sflag:s4], $0x1  }
0x94: {  	[sflag:s4] =	ssyncset.done $0x0  }
0x95: {  	s17 =	sld [smem:$0x10];
	[sflag:s4] =	ssyncadd.s32 $0xFFFFFFFF  }
0x96: {  	s18 =	sld [smem:$0x11];
	(tm) =	ssettm $0x1  }
0x97: {  	s19 =	sld [smem:$0x3FFB];
	_ =	sdelay $0x3  }
0x98: {  	_ =	strace s19  }
0x99: {  	s2 =	sld [smem:$0x3FFC];
	_ =	sdelay $0x3  }
0x9a: {  	_ =	strace s2  }
0x9b: {  	s2 =	sld [smem:$0x3FFD];
	_ =	sdelay $0x3  }
0x9c: {  	_ =	strace s2  }
0x9d: {  	_ =	strace $0x8FFFFFFF  }
0x9e: {  	s20 =	sld [smem:$0x3FDB];
	_ =	sdelay $0x1  }
0x9f: {  	s5 =	simm.s32 $_scs_section_size  }
0xa0: {  	s6 =	simm.s32 $_size__tile_overlayer_lowered;
	s7 =	simm.s32 $_tile_overlayer_lowered  }
0xa1: {  	s8 =	simm.s32 $0x1BFF;
	s21 =	sshll.u32 s7, $0x1;
	s5 =	sadd.s32 s5, s20  }
0xa2: {  	s22 =	simm.s32 $0x0;
	s6 =	sshll.u32 s6, $0x1;
	s7 =	sadd.s32 s21, s5  }
0xa3: {  	[timem:s22], [sflag:s8] =	dma.local [hbm:s7], s6  }
0xa4: {  	_ =	swait.ge [sflag:s8], s6  }
0xa5: {  	s6 =	ssub.s32 $0x0, s6;
	[sflag:s8] =	ssyncset.done $0x0  }
0xa6: {  	[sflag:s8] =	ssyncadd.s32 s6;
	_ =	sdelay $0x1  }
0xa7: {  	s23 =	simm.s32 $0x1B8B  }
0xa8: {  	_ =	swait.ge [sflag:s23], $0x1  }
0xa9: {  	[sflag:s23] =	ssyncset.done $0x0  }
0xaa: {  	[sflag:s23] =	ssyncadd.s32 $0xFFFFFFFF  }
0xab: {  	s6 =	sld [smem:$0x0]  }
0xac: {  	s7 =	sand.u32 $0xFFFFFFFE, s1  }
0xad: {  	p0 =	sne.s32 s1, s7  }
0xae: {  	s7 =	sshll.u32 @p0 s7, $0xE  }
0xaf: {  	s7 =	sadd.s32 @p0 $0x11B8D, s7;
	s8 =	sshll.u32 @p0 s6, $0x11  }
0xb0: {  	s7 =	sor.u32 @p0 s8, s7  }
0xb1: {  	[sflag:s7] =	ssyncadd.remote.s32 @p0 $0x1;
	_ =	sdelay $0x1  }
0xb2: {  	s7 =	simm.s32 @p0 $0x1B8D  }
0xb3: {  	_ =	swait.eq @p0 [sflag:s7], $0x1  }
0xb4: {  	[sflag:s7] =	ssyncadd.s32 @p0 $0xFFFFFFFF  }
0xb5: {  	s8 =	sshll.u32 @!p0 s1, $0xE  }
0xb6: {  	s8 =	sor.u32 @!p0 $0x4000, s8;
	s7 =	simm.s32 @!p0 $0x1B8D  }
0xb7: {  	s6 =	sshll.u32 @!p0 s6, $0x11;
	s8 =	sadd.s32 @!p0 $0x11B8D, s8;
	_ =	swait.eq @!p0 [sflag:s7], $0x1  }
0xb8: {  	s6 =	sor.u32 @!p0 s6, s8;
	[sflag:s7] =	ssyncadd.s32 @!p0 $0xFFFFFFFF  }
0xb9: {  	s25 =	simm.s32 $0x1B8E;
	s24 =	sld [smem:$0x3FFE];
	[sflag:s6] =	ssyncadd.remote.s32 @!p0 $0x1  }
0xba: {  	s26 =	simm.s32 $execute0_lowered;
	[smem:$0x3FD2] =	sst s25  }
0xbb: {  	s7 =	sshll.u32 s26, $0x1;
	_ =	strace $0x80000062;
	[dreg:$0x1] =	wrdreg $0xFFFFFFFF  }
0xbc: {  	s28 =	simm.s32 $_size_execute0_lowered;
	s5 =	sadd.s32 s5, s7;
	[dreg:$0x0] =	wrdreg $0x0  }
0xbd: {  	s7 =	sshll.u32 s28, $0x1;
	[dreg:$0x2] =	wrdreg s5  }
0xbe: {  	[dreg:$0x3] =	wrdreg s7  }
0xbf: {  	[dreg:$0x4] =	wrdreg $0xC0  }
0xc0: {  	_ =	task [dreg:s22], $0x5FFFF  }
0xc1: {  	[dreg:$0x1] =	wrdreg $0xFFFFFFFF  }
0xc2: {  	[dreg:$0x0] =	wrdreg $0x60  }
0xc3: {  	[dreg:$0x2] =	wrdreg s24  }
0xc4: {  	[dreg:$0x3] =	wrdreg s18  }
0xc5: {  	[dreg:$0x4] =	wrdreg s17  }
0xc6: {  	[dreg:$0x5] =	wrdreg $0x0  }
0xc7: {  	[dreg:$0x6] =	wrdreg $0x9  }
0xc8: {  	_ =	task.clear_ibuf [dreg:s22], $0x7FFFF;
	_ =	strace $0x90000062  }
0xc9: {  	s29 =	simm.s32 $0x9;
	_ =	strace $0x8000006C  }
0xca: {  	_ =	swait.ge [sflag:s29], $0x1  }
0xcb: {  	[sflag:s29] =	ssyncadd.s32 $0xFFFFFFFF  }
0xcc: {  	_ =	strace $0x9000006C  }
0xcd: {  	_ =	sfence  }
0xce: {  	s30 =	sld [smem:$0x0];
	_ =	sdelay $0x2  }
0xcf: {  	s31 =	sshll.u32 s1, $0xD;
	s1 =	sshrl.u32 s1, $0x2  }
0xd0: {  	s4 =	sand.u32 $0x4000, s31;
	s1 =	sadd.s32 s1, s30  }
0xd1: {  	s0 =	sor.u32 s4, s0;
	s1 =	sshll.u32 s1, $0x11  }
0xd2: {  	s0 =	sor.u32 s1, s0  }
0xd3: {  	s0 =	sadd.s32 $0x8F2B, s0  }
0xd4: {  	[sflag:s0] =	ssyncadd.remote.s32 $0x1  }
0xd5: {  	_ =	sfence.sel $0xFFFF  }
0xd6: {  	[dreg:$0x0] =	wrdreg $0xFFFFFFFF;
	(pc) =	sbr.abs _section_cstart, $3  }
0xd7: {  	[dreg:$0x1] =	wrdreg $0xFFFFFFFF  }
0xd8: {  	_ =	task.clear_ibuf [dreg:s22], $0x2FFFF;
	_ =	strace $0x9FFFFFFF  }
0xd9: {  	(tm) =	ssettm $0x7FFFFFFF  }
tec
execute0_lowered:
.L_overlay_start_1:
0x0: {  	(tag) =	ssettag $0x1  }
0x1: {  	s0 =	rddreg [dreg:$0x0]  }
0x2: {  	s17 =	rddreg [dreg:$0x1]  }
0x3: {  	s16 =	rddreg [dreg:$0x3];
	s8 =	simm.s32 $0x0  }
0x4: {  	s1 =	srdreg.scid;
	s6 =	stileid.u32;
	s28 =	simm.s32 $0x30E  }
0x5: {  	s30 =	simm.s32 $0x80;
	[smem:$0x7FF] =	sst s8;
	s1 =	sand.u32 $0x1, s1  }
0x6: {  	s24 =	sadd.s32 $0x3477200, s0;
	s14 =	sadd.s32 $0x65000, s0;
	s4 =	smul.u32 $0x61C00, s6  }
0x7: {  	s5 =	smul.u32 $0x30D, s6;
	p0 =	slt.u32 s6, $0x4;
	_ =	strace $0x80000063  }
0x8: {  	s2 =	smul.u32 $0xC3800, s1;
	s3 =	ssub.s32 $0x2, s1;
	s28 =	simm.s32 @!p0 $0x30D  }
0x9: {  	s21 =	sshrl.u32 s3, $0x1;
	s22 =	sshrl.u32 s4, $0x2;
	s4 =	smul.u32 $0x30E, s6  }
0xa: {  	s15 =	sadd.s32 $0x4, s5;
	s19 =	sadd.s32 $0xFFFFFFFF, s28;
	s0 =	sadd.s32 s2, s0  }
0xb: {  	s2 =	ssub.s32 s3, s21;
	s18 =	sadd.s32 s22, s16;
	[dreg:$0x7] =	wrdreg s19  }
0xc: {  	s15 =	smov.u32 @p0 s4;
	s31 =	smax.u32 s2, $0x1;
	[dreg:$0x8] =	wrdreg s18  }
0xd: {  	s25 =	smul.u32 $0xC380, s6;
	s23 =	sshll.u32 s15, $0xB;
	[dreg:$0xc] =	wrdreg s31  }
0xe: {  	s4 =	sshll.u32 s15, $0x4;
	[dreg:$0x6] =	wrdreg s15;
	s3 =	sadd.s32 s24, s23  }
0xf: {  	p0 =	seq.s32 s1, $0x1;
	s26 =	sadd.s32 s14, s4;
	[dreg:$0x9] =	wrdreg s3  }
0x10: {  	s0 =	sadd.s32 s25, s0;
	s29 =	sadd.s32 s17, s4;
	[dreg:$0xa] =	wrdreg s26  }
0x11: {  	s25 =	simm.s32 $0x18700;
	s23 =	sadd.s32 $0x21CE00, s0;
	[dreg:$0xb] =	wrdreg s29  }
0x12: {  	s1 =	simm.s32 $0x0;
	s26 =	simm.s32 $0x1;
	[dreg:$0xd] =	wrdreg s23  }
.LBB2_1:
0x13: {  	[dreg:$0xe] =	wrdreg s1  }
0x14: {  	s0 =	rddreg [dreg:$0x2]  }
0x15: {  	[tilespmem:s25], [sflag:$0x1] =	stream.linear.gather [hbm4b:s0+s8], $0x100, $0x38;
	[tilespmem:$0x1AE00] =	vst v63  }
0x16: {  	_ =	swait.ge [sflag:s26], $0x100  }
0x17: {  	[sflag:s26] =	ssyncset.done $0x0  }
0x18: {  	s31 =	sadd.s32 $0x0, s18;
	[sflag:s26] =	ssyncadd.s32 $0xFFFFFF00  }
0x19: {  	[spmem:s31] =	stream.linear.scatter [tilespmem:s25], [sflag:$0x1], $0x100, $0x38;
	[tilespmem:$0x1AE00] =	vst v63  }
0x1a: {  	s0 =	simm.s32 $0x400;
	_ =	swait.ge [sflag:s26], $0x100  }
.LBB2_2:
0x1b: {  	s1 =	sshra.s32 s0, $0x2;
	[sflag:s26] =	ssyncset.done $0x0;
	p1 =	sne.s32 s0, $0x61800  }
.Ltmp0:
0x1c: {  	s1 =	sadd.s32 s1, s18;
	[sflag:s26] =	ssyncadd.s32 $0xFFFFFF00;
	(pc) =	sbr.rel @p1 .LBB2_2-.Ltmp0, $3  }
0x1d: {  	[spmem:s1] =	stream.linear.scatter [tilespmem:s25], [sflag:$0x1], $0x100, $0x38;
	[tilespmem:$0x1AE00] =	vst v63  }
0x1e: {  	s0 =	sadd.s32 $0x400, s0;
	_ =	sdelay $0x1  }
0x1f: {  	_ =	swait.ge [sflag:s26], $0x100  }
0x20: {  	[sflag:s26] =	ssyncset.done $0x0  }
0x21: {  	s1 =	simm.s32 $0x20;
	[sflag:s26] =	ssyncadd.s32 $0xFFFFFF00  }
0x22: {  	s2 =	simm.s32 $0x18C00;
	s12 =	simm.s32 $0x0;
	[bflag:$0x0] =	sbarrier.arrive $0xFFFF  }
0x23: {  	s20 =	simm.s32 $0x1AC00;
	s22 =	simm.s32 $0x1AD00;
	_ =	strace $0x80000064  }
0x24: {  	s29 =	simm.s32 $0x1;
	p1 =	seq.s32 s28, $0x1;
	s0 =	rddreg [dreg:$0x9]  }
0x25: {  	p3 =	sle.u32 s19, $0x0;
	s11 =	sand.u32 $0x1, s12;
	s13 =	rddreg [dreg:$0xa]  }
0x26: {  	p4 =	seq.s32 s19, $0x0;
	s31 =	sadd.s32 $0x1, s11;
	s21 =	rddreg [dreg:$0xb]  }
0x27: {  	[tilespmem:s2], [sflag:$0x1] =	stream.strided.gather [hbm4b:s0+s1], $0x1000, s30, s1, $0x200038;
	[tilespmem:$0x1AE00] =	vst v63  }
0x28: {  	s0 =	simm.s32 $0x1AD00;
	s2 =	sshll.u32 s11, $0xC;
	s1 =	simm.s32 $0x1  }
0x29: {  	[tilespmem:s20], [sflag:$0x3] =	stream.linear.gather [hbm4b:s13+s12], $0x80, $0x200038;
	[tilespmem:$0x1AE00] =	vst v63  }
0x2a: {  	s0 =	simm.s32 @!p0 $0x1AC00;
	s1 =	simm.s32 @p1 $0x0;
	p1 =	sne.s32 s28, $0x1  }
0x2b: {  	[tilespmem:s22], [sflag:$0x5] =	stream.linear.gather [hbm4b:s21+s12], $0x80, $0x200038;
	[tilespmem:$0x1AE00] =	vst v63  }
.Ltmp1:
0x2c: {  	p6 =	seq.s32 @!p3 s1, $0x0;
	p5 =	sne.s32 s1, $0x0;
	(pc) =	sbr.rel @!p1 .LBB2_4-.Ltmp1, $4  }
0x2d: {  	_ =	strace $0x90000064;
	[dreg:$0x5] =	wrdreg s0;
	s0 =	simm.s32 $0x0  }
0x2e: {  	p2 =	por p6, p3;
	p6 =	por !p6, p3;
	s0 =	smov.u32 @p0 s0  }
0x2f: {  	s22 =	sor.u32 $0x18C00, s2;
	s20 =	sadd.s32 @!p2 s15, s1;
	s0 =	sshll.u32 s0, $0x7  }
0x30: {  	s4 =	sand.u32 @!p2 $0x1, s29;
	s3 =	sand.u32 @!p2 $0x1, s29;
	s21 =	sand.u32 $0x80, s0  }
0x31: {  	s0 =	sshll.u32 @!p2 s20, $0xB;
	s2 =	sshll.u32 @!p2 s4, $0xC;
	s5 =	sshll.u32 @!p2 s3, $0x7  }
0x32: {  	s6 =	sadd.s32 @!p2 $0x3, s3;
	s7 =	simm.s32 @!p2 $0x80;
	s9 =	sshll.u32 @!p2 s20, $0x4  }
0x33: {  	_ =	strace @!p2 $0x80000065;
	s4 =	sadd.s32 @!p2 $0x1, s4;
	s0 =	sand.u32 @!p2 $0x1FFFF800, s0  }
0x34: {  	s12 =	simm.s32 @!p2 $0x20;
	s2 =	sor.u32 @!p2 $0x18C00, s2;
	s0 =	sadd.s32 @!p2 s24, s0  }
0x35: {  	[tilespmem:s2], [sflag:s4] =	stream.strided.gather @!p2 [hbm4b:s0+s12], $0x1000, s7, s12, $0x200038;
	[tilespmem:$0x1AE00] =	vst v63  }
0x36: {  	s0 =	simm.s32 @!p2 $0x0;
	s2 =	sand.u32 @!p2 $0x1FFFFFF0, s9;
	_ =	strace @!p2 $0x90000065  }
0x37: {  	s4 =	sor.u32 @!p2 $0x1AC00, s5;
	s7 =	sadd.s32 @!p2 s14, s2;
	_ =	strace @!p2 $0x80000066  }
0x38: {  	[tilespmem:s4], [sflag:s6] =	stream.linear.gather @!p2 [hbm4b:s7+s0], $0x80, $0x200038;
	[tilespmem:$0x1AE00] =	vst v63  }
0x39: {  	s3 =	sadd.s32 @!p2 $0x5, s3;
	_ =	strace @!p2 $0x90000066  }
0x3a: {  	s2 =	sadd.s32 @!p2 s17, s2;
	s4 =	sor.u32 @!p2 $0x1AD00, s5;
	_ =	strace @!p2 $0x80000067  }
0x3b: {  	[tilespmem:s4], [sflag:s3] =	stream.linear.gather @!p2 [hbm4b:s2+s0], $0x80, $0x200038;
	[tilespmem:$0x1AE00] =	vst v63  }
0x3c: {  	_ =	strace @!p2 $0x90000067  }
0x3d: {  	_ =	strace $0x80000068  }
0x3e: {  	_ =	swait.ge [sflag:s31], $0x1000  }
0x3f: {  	[sflag:s31] =	ssyncset.done $0x0  }
0x40: {  	[sflag:s31] =	ssyncadd.s32 $0xFFFFF000  }
0x41: {  	p1 =	por p4, p5;
	s20 =	sadd.s32 $0x3, s11;
	_ =	strace $0x90000068  }
0x42: {  	s25 =	sadd.s32 $0x5, s11;
	s11 =	sadd.s32 $0x1, s1;
	_ =	strace $0x80000069  }
0x43: {  	p4 =	sle.u32 s19, $0x1;
	s2 =	simm.s32 $0x1;
	_ =	swait.ge [sflag:s20], $0x80  }
0x44: {  	s2 =	simm.s32 @!p1 $0x0;
	p1 =	sne.s32 s28, $0x2;
	[sflag:s20] =	ssyncset.done $0x0  }
0x45: {  	s7 =	simm.s32 $0x1;
	s3 =	simm.s32 @!p1 $0x0;
	[sflag:s20] =	ssyncadd.s32 $0xFFFFFF80  }
0x46: {  	s0 =	simm.s32 @!p2 $0x2;
	s3 =	simm.s32 @p1 $0x1;
	_ =	strace $0x90000069  }
0x47: {  	s7 =	smov.u32 @p6 s0;
	_ =	strace $0x8000006A;
	[smem:$0x7FC] =	sst s3  }
0x48: {  	s0 =	simm.s32 $0x0;
	p2 =	seq.s32 s11, s28;
	_ =	swait.ge [sflag:s25], $0x80  }
0x49: {  	s7 =	smov.u32 @p3 s29;
	s0 =	simm.s32 @p6 $0x1;
	[sflag:s25] =	ssyncset.done $0x0  }
0x4a: {  	s13 =	sadd.s32 $0x0, s2;
	s11 =	simm.s32 @p2 $0x0;
	[sflag:s25] =	ssyncadd.s32 $0xFFFFFF80  }
0x4b: {  	s0 =	simm.s32 @p3 $0x0;
	s5 =	sand.u32 $0x1, s13;
	_ =	strace $0x9000006A  }
0x4c: {  	p3 =	seq.s32 s19, $0x1;
	p6 =	seq.s32 @!p4 s1, s11;
	_ =	strace $0x8000006B  }
0x4d: {  	p5 =	sne.s32 s1, s11;
	p1 =	por $0x1, $0x1;
	s26 =	sld [smem:$0x7FC]  }
0x4e: {  	s19 =	smov.u32 s13;
	s12 =	smov.u32 s13;
	s29 =	sadd.s32 $0x1, s0  }
0x4f: {  	s0 =	smov.u32 s13;
	s23 =	sshll.u32 s5, $0xC;
	s1 =	simm.s32 @!p1 $0x0  }
0x50: {  	p2 =	por p6, p4;
	s1 =	simm.s32 @p1 $0x1;
	p1 =	seq.s32 s26, $0x1  }
.Ltmp2:
0x51: {  	p6 =	por !p6, p4;
	s2 =	smov.u32 s5;
	(pc) =	sbr.rel @!p1 .LBB2_6-.Ltmp2, $4  }
0x52: {  	s0 =	smov.u32 @p0 s13;
	s30 =	sor.u32 $0x18C00, s23;
	s23 =	simm.s32 $0x2  }
0x53: {  	s31 =	sadd.s32 $0x1, s5;
	s4 =	sand.u32 @!p2 $0x1, s7;
	s0 =	sshll.u32 s0, $0x7  }
0x54: {  	s0 =	sand.u32 $0x80, s0;
	s20 =	sadd.s32 @!p2 s15, s11;
	[smem:$0x7FD] =	sst s1  }
0x55: {  	s3 =	sand.u32 @!p2 $0x1, s7;
	s25 =	smov.u32 s7;
	s9 =	rddreg [dreg:$0x5]  }
.LBB2_7:
0x56: {  	s6 =	sshll.u32 @!p2 s4, $0xC  }
0x57: {  	s26 =	sshll.u32 @!p2 s20, $0xB;
	s10 =	sand.u32 @!p2 $0x1, s29;
	s1 =	smov.u32 s23  }
0x58: {  	s15 =	smov.u32 s11;
	s9 =	sadd.s32 s21, s9;
	s8 =	simm.s32 $0x80  }
0x59: {  	s18 =	simm.s32 $0x7;
	s20 =	sshll.u32 @!p2 s20, $0x4;
	s4 =	sadd.s32 @!p2 $0x1, s4  }
0x5a: {  	p1 =	por p3, p5;
	s23 =	sadd.s32 $0x1, s23;
	s11 =	sadd.s32 $0x1, s11  }
0x5b: {  	[spmem:s16] =	stream.indirect.scatter.add.f32 [tilespmem:s22], [sflag:$0x7], $0x20, s9, s8, $0x2000b8;
	[tilespmem:$0x1AE00] =	vst v63  }
0x5c: {  	s6 =	sor.u32 @!p2 $0x18C00, s6;
	s26 =	sand.u32 @!p2 $0x1FFFF800, s26;
	_ =	swait.ge [sflag:s18], $0x1000  }
0x5d: {  	s21 =	sshll.u32 @!p2 s10, $0x7;
	s10 =	sadd.s32 @!p2 $0x5, s10;
	[sflag:s18] =	ssyncset.done $0x0  }
0x5e: {  	s22 =	sadd.s32 @!p2 $0x3, s3;
	s8 =	simm.s32 @!p2 $0x0;
	[sflag:s18] =	ssyncadd.s32 $0xFFFFF000  }
0x5f: {  	s3 =	sshll.u32 @!p2 s3, $0x7;
	s9 =	sadd.s32 @!p2 s24, s26;
	_ =	strace $0x9000006B  }
0x60: {  	s26 =	simm.s32 @!p2 $0x80;
	s18 =	simm.s32 @!p2 $0x20;
	_ =	strace @!p2 $0x80000065  }
0x61: {  	[tilespmem:s6], [sflag:s4] =	stream.strided.gather @!p2 [hbm4b:s9+s18], $0x1000, s26, s18, $0x200038;
	[tilespmem:$0x1AE00] =	vst v63  }
0x62: {  	s21 =	sor.u32 @!p2 $0x1AD00, s21;
	s3 =	sor.u32 @!p2 $0x1AC00, s3;
	s4 =	sand.u32 @!p2 $0x1FFFFFF0, s20  }
0x63: {  	s9 =	sadd.s32 @!p2 $0x1, s25;
	s26 =	smov.u32 s7;
	_ =	strace @!p2 $0x90000065  }
0x64: {  	s20 =	sadd.s32 $0x5, s2;
	s6 =	sadd.s32 @!p2 s14, s4;
	_ =	strace @!p2 $0x80000066  }
0x65: {  	[tilespmem:s3], [sflag:s22] =	stream.linear.gather @!p2 [hbm4b:s6+s8], $0x80, $0x200038;
	[tilespmem:$0x1AE00] =	vst v63  }
0x66: {  	s4 =	sadd.s32 @!p2 s17, s4;
	s3 =	sadd.s32 @!p2 $0x1, s7;
	s6 =	smov.u32 s25  }
0x67: {  	s22 =	smov.u32 s30;
	_ =	strace @!p2 $0x90000066;
	s26 =	smov.u32 @p6 s3  }
0x68: {  	s6 =	smov.u32 @p6 s9;
	s3 =	simm.s32 $0x0;
	_ =	strace @!p2 $0x80000067  }
0x69: {  	s26 =	smov.u32 @p4 s7;
	s3 =	simm.s32 @p6 $0x1;
	s6 =	smov.u32 @p4 s25  }
0x6a: {  	[tilespmem:s21], [sflag:s10] =	stream.linear.gather @!p2 [hbm4b:s4+s8], $0x80, $0x200038;
	[tilespmem:$0x1AE00] =	vst v63  }
0x6b: {  	s7 =	sadd.s32 $0x3, s5;
	s3 =	simm.s32 @p4 $0x0;
	_ =	strace @!p2 $0x90000067  }
0x6c: {  	s21 =	smov.u32 s0;
	s29 =	sadd.s32 s29, s3;
	_ =	strace $0x80000068  }
0x6d: {  	s3 =	simm.s32 $0x1;
	p2 =	seq.s32 s11, s28;
	_ =	swait.ge [sflag:s31], $0x1000  }
0x6e: {  	s3 =	simm.s32 @!p1 $0x0;
	p1 =	sne.s32 s28, s23;
	[sflag:s31] =	ssyncset.done $0x0  }
0x6f: {  	s11 =	simm.s32 @p2 $0x0;
	s19 =	sadd.s32 s3, s19;
	[sflag:s31] =	ssyncadd.s32 $0xFFFFF000  }
0x70: {  	s13 =	sadd.s32 s3, s13;
	s12 =	sadd.s32 s3, s12;
	_ =	strace $0x90000068  }
0x71: {  	p5 =	sne.s32 s15, s11;
	s4 =	sand.u32 $0x1, s19;
	_ =	strace $0x80000069  }
0x72: {  	s5 =	sand.u32 $0x1, s13;
	s9 =	smov.u32 s13;
	_ =	swait.ge [sflag:s7], $0x80  }
0x73: {  	s8 =	sand.u32 $0x1, s12;
	s9 =	smov.u32 @p0 s12;
	[sflag:s7] =	ssyncset.done $0x0  }
0x74: {  	s18 =	sshll.u32 s4, $0xC;
	s2 =	smov.u32 s8;
	[sflag:s7] =	ssyncadd.s32 $0xFFFFFF80  }
0x75: {  	s31 =	sadd.s32 $0x1, s4;
	s9 =	sshll.u32 s9, $0x7;
	_ =	strace $0x90000069  }
0x76: {  	s10 =	sor.u32 $0x18C00, s18;
	s9 =	sand.u32 $0x80, s9;
	_ =	strace $0x8000006A  }
0x77: {  	s30 =	smov.u32 s10;
	s0 =	smov.u32 s9;
	_ =	swait.ge [sflag:s20], $0x80  }
0x78: {  	s7 =	smov.u32 s26;
	s25 =	rddreg [dreg:$0x7];
	[sflag:s20] =	ssyncset.done $0x0  }
.Ltmp3:
0x79: {  	p3 =	seq.s32 s25, s1;
	[sflag:s20] =	ssyncadd.s32 $0xFFFFFF80;
	(pc) =	sbr.rel @p1 .LBB2_7-.Ltmp3, $4  }
0x7a: {  	p4 =	sge.u32 s1, s25;
	s25 =	smov.u32 s6;
	_ =	strace $0x9000006A  }
0x7b: {  	p6 =	seq.s32 @!p4 s15, s11;
	s15 =	rddreg [dreg:$0x6];
	_ =	strace $0x8000006B  }
0x7c: {  	p2 =	por p6, p4;
	p6 =	por !p6, p4;
	s9 =	rddreg [dreg:$0x5]  }
0x7d: {  	s20 =	sadd.s32 @!p2 s15, s11;
	s4 =	sand.u32 @!p2 $0x1, s26;
	s3 =	sand.u32 @!p2 $0x1, s6  }
0x7e: {  	s1 =	smov.u32 s21;
	s6 =	smov.u32 s22;
	s18 =	rddreg [dreg:$0x8]  }
0x7f: {  	s11 =	smov.u32 s5;
	s22 =	smov.u32 s30;
	s19 =	rddreg [dreg:$0x7]  }
0x80: {  	s21 =	smov.u32 s0;
	s8 =	simm.s32 $0x0;
	s23 =	rddreg [dreg:$0xd]  }
0x81: {  	s25 =	simm.s32 $0x18700;
	s26 =	simm.s32 $0x1;
	s30 =	simm.s32 $0x80  }
.LBB2_9:
0x82: {  	s10 =	sld [smem:$0x7FD];
	_ =	sdelay $0x2  }
0x83: {  	s0 =	sshll.u32 @!p2 s4, $0xC;
	p1 =	seq.s32 s10, $0x1  }
0x84: {  	s7 =	sand.u32 @!p2 $0x1, s29;
	s29 =	simm.s32 $0x7;
	s1 =	sadd.s32 @p1 s1, s9  }
0x85: {  	[spmem:s16] =	stream.indirect.scatter.add.f32 @p1 [tilespmem:s6], [sflag:$0x7], $0x20, s1, s30, $0x2000b8;
	[tilespmem:$0x1AE00] =	vst v63  }
0x86: {  	s5 =	sshll.u32 @!p2 s20, $0xB;
	s12 =	sshll.u32 @!p2 s20, $0x4;
	_ =	swait.ge @p1 [sflag:s29], $0x1000  }
0x87: {  	s4 =	sadd.s32 @!p2 $0x1, s4;
	s13 =	simm.s32 @!p2 $0x20;
	[sflag:s29] =	ssyncset.done @p1 $0x0  }
0x88: {  	s0 =	sor.u32 @!p2 $0x18C00, s0;
	s10 =	simm.s32 @!p2 $0x80;
	[sflag:s29] =	ssyncadd.s32 @p1 $0xFFFFF000  }
0x89: {  	s9 =	simm.s32 @!p2 $0x0;
	s1 =	sand.u32 @!p2 $0x1FFFF800, s5;
	_ =	strace @p1 $0x9000006B  }
0x8a: {  	s6 =	sadd.s32 @!p2 $0x3, s3;
	s1 =	sadd.s32 @!p2 s24, s1;
	_ =	strace @!p2 $0x80000065  }
0x8b: {  	[tilespmem:s0], [sflag:s4] =	stream.strided.gather @!p2 [hbm4b:s1+s13], $0x1000, s10, s13, $0x200038;
	[tilespmem:$0x1AE00] =	vst v63  }
0x8c: {  	s0 =	sshll.u32 @!p2 s3, $0x7;
	s1 =	sand.u32 @!p2 $0x1FFFFFF0, s12;
	_ =	strace @!p2 $0x90000065  }
0x8d: {  	s0 =	sor.u32 @!p2 $0x1AC00, s0;
	s3 =	sadd.s32 @!p2 s14, s1;
	_ =	strace @!p2 $0x80000066  }
0x8e: {  	[tilespmem:s0], [sflag:s6] =	stream.linear.gather @!p2 [hbm4b:s3+s9], $0x80, $0x200038;
	[tilespmem:$0x1AE00] =	vst v63  }
0x8f: {  	s5 =	sshll.u32 @!p2 s7, $0x7;
	s1 =	sadd.s32 @!p2 s17, s1;
	_ =	strace @!p2 $0x90000066  }
0x90: {  	s0 =	sor.u32 @!p2 $0x1AD00, s5;
	s3 =	sadd.s32 @!p2 $0x5, s7;
	_ =	strace @!p2 $0x80000067  }
0x91: {  	[tilespmem:s0], [sflag:s3] =	stream.linear.gather @!p2 [hbm4b:s1+s9], $0x80, $0x200038;
	[tilespmem:$0x1AE00] =	vst v63  }
0x92: {  	_ =	strace @!p2 $0x90000067  }
0x93: {  	_ =	strace $0x80000068  }
0x94: {  	_ =	swait.ge [sflag:s31], $0x1000  }
0x95: {  	[sflag:s31] =	ssyncset.done $0x0  }
0x96: {  	[sflag:s31] =	ssyncadd.s32 $0xFFFFF000  }
0x97: {  	_ =	strace $0x90000068  }
0x98: {  	s13 =	sadd.s32 $0x3, s11;
	_ =	strace $0x80000069  }
0x99: {  	_ =	swait.ge [sflag:s13], $0x80  }
0x9a: {  	[sflag:s13] =	ssyncset.done $0x0  }
0x9b: {  	[sflag:s13] =	ssyncadd.s32 $0xFFFFFF80  }
0x9c: {  	_ =	strace $0x90000069  }
0x9d: {  	s20 =	sadd.s32 $0x5, s2;
	_ =	strace $0x8000006A  }
0x9e: {  	_ =	swait.ge [sflag:s20], $0x80  }
0x9f: {  	[sflag:s20] =	ssyncset.done $0x0  }
0xa0: {  	[sflag:s20] =	ssyncadd.s32 $0xFFFFFF80  }
0xa1: {  	_ =	strace $0x9000006A  }
0xa2: {  	_ =	strace $0x8000006B  }
0xa3: {  	s31 =	rddreg [dreg:$0x5]  }
0xa4: {  	s0 =	sadd.s32 s21, s31  }
0xa5: {  	[spmem:s16] =	stream.indirect.scatter.add.f32 [tilespmem:s22], [sflag:$0x7], $0x20, s0, s30, $0x2000b8;
	[tilespmem:$0x1AE00] =	vst v63  }
0xa6: {  	_ =	swait.ge [sflag:s29], $0x1000  }
0xa7: {  	[sflag:s29] =	ssyncset.done $0x0  }
0xa8: {  	[sflag:s29] =	ssyncadd.s32 $0xFFFFF000  }
0xa9: {  	_ =	strace $0x9000006B  }
0xaa: {  	[bflag:$0x0] =	sbarrier.arrive $0xFFFF  }
0xab: {  	[tilespmem:s25], [sflag:$0x1] =	stream.linear.gather [spmem:s18], $0x100, $0x38;
	[tilespmem:$0x1AE00] =	vst v63  }
0xac: {  	_ =	swait.ge [sflag:s26], $0x100  }
0xad: {  	[sflag:s26] =	ssyncset.done $0x0  }
0xae: {  	[sflag:s26] =	ssyncadd.s32 $0xFFFFFF00  }
0xaf: {  	v1 =	vld [tilespmem:$0x187F0]  }
0xb0: {  	v2 =	vld [tilespmem:$0x187D0]  }
0xb1: {  	v3 =	vld [tilespmem:$0x187E0]  }
0xb2: {  	v5 =	vld [tilespmem:$0x187B0]  }
0xb3: {  	v4 =	vld [tilespmem:$0x187C0]  }
0xb4: {  	v0 =	vld [tilespmem:$0x18790];
	[tilespmem:$0x18B90] =	vst v1  }
0xb5: {  	v1 =	vld [tilespmem:$0x187A0];
	[tilespmem:$0x18B10] =	vst v2  }
0xb6: {  	s4 =	simm.s32 $0x18800;
	v2 =	vld [tilespmem:$0x18770];
	[tilespmem:$0x18B80] =	vst v3  }
0xb7: {  	s5 =	simm.s32 $0x0;
	s1 =	smov.u32 s18;
	s0 =	simm.s32 $0x80;
	v3 =	vld [tilespmem:$0x18780];
	[tilespmem:$0x18A90] =	vst v5  }
.LBB2_10:
0xb8: {  	p1 =	sne.s32 s0, $0xC300  }
0xb9: {  	v5 =	vld [tilespmem:$0x18760];
	[tilespmem:$0x18B00] =	vst v4;
	s1 =	sadd.s32 $0x100, s1;
	s2 =	smov.u32 s0;
	s0 =	sadd.s32 $0x80, s0  }
0xba: {  	v4 =	vld [tilespmem:$0x18750];
	[tilespmem:$0x18A10] =	vst v0  }
0xbb: {  	v0 =	vld [tilespmem:$0x18730];
	[tilespmem:$0x18A80] =	vst v1  }
0xbc: {  	v1 =	vld [tilespmem:$0x18740];
	[tilespmem:$0x18990] =	vst v2  }
0xbd: {  	v2 =	vld [tilespmem:$0x18700];
	[tilespmem:$0x18A00] =	vst v3  }
0xbe: {  	v3 =	vld [tilespmem:$0x18720];
	[tilespmem:$0x18980] =	vst v5  }
0xbf: {  	v5 =	vld [tilespmem:$0x18710];
	[tilespmem:$0x18910] =	vst v4  }
0xc0: {  	[tilespmem:$0x18890] =	vst v0  }
0xc1: {  	[tilespmem:$0x18900] =	vst v1  }
0xc2: {  	[tilespmem:$0x18800] =	vst v2  }
0xc3: {  	s3 =	sadd.s32 s5, s23;
	s5 =	smov.u32 s2;
	[tilespmem:$0x18880] =	vst v3  }
0xc4: {  	[tilespmem:$0x18810] =	vst v5  }
0xc5: {  	[hbm4b:s3+s8] =	stream.linear.scatter [tilespmem:s4], [sflag:$0x1], $0x400, $0x38;
	[tilespmem:$0x1AE00] =	vst v63  }
0xc6: {  	_ =	swait.ge [sflag:s26], $0x400  }
0xc7: {  	[sflag:s26] =	ssyncset.done $0x0  }
0xc8: {  	[sflag:s26] =	ssyncadd.s32 $0xFFFFFC00  }
0xc9: {  	[tilespmem:s25], [sflag:$0x1] =	stream.linear.gather [spmem:s1], $0x100, $0x38;
	[tilespmem:$0x1AE00] =	vst v63  }
0xca: {  	_ =	swait.ge [sflag:s26], $0x100  }
0xcb: {  	[sflag:s26] =	ssyncset.done $0x0  }
0xcc: {  	[sflag:s26] =	ssyncadd.s32 $0xFFFFFF00  }
0xcd: {  	v1 =	vld [tilespmem:$0x187F0]  }
0xce: {  	v2 =	vld [tilespmem:$0x187D0]  }
0xcf: {  	v3 =	vld [tilespmem:$0x187E0]  }
0xd0: {  	v5 =	vld [tilespmem:$0x187B0]  }
.Ltmp4:
0xd1: {  	v4 =	vld [tilespmem:$0x187C0];
	(pc) =	sbr.rel @p1 .LBB2_10-.Ltmp4, $4  }
0xd2: {  	v0 =	vld [tilespmem:$0x18790];
	[tilespmem:$0x18B90] =	vst v1  }
0xd3: {  	v1 =	vld [tilespmem:$0x187A0];
	[tilespmem:$0x18B10] =	vst v2  }
0xd4: {  	v2 =	vld [tilespmem:$0x18770];
	[tilespmem:$0x18B80] =	vst v3  }
0xd5: {  	v3 =	vld [tilespmem:$0x18780];
	[tilespmem:$0x18A90] =	vst v5  }
0xd6: {  	v5 =	vld [tilespmem:$0x18760];
	[tilespmem:$0x18B00] =	vst v4  }
0xd7: {  	v58 =	vld [tilespmem:$0x18750];
	[tilespmem:$0x18A10] =	vst v0  }
0xd8: {  	v59 =	vld [tilespmem:$0x18730];
	[tilespmem:$0x18A80] =	vst v1  }
0xd9: {  	v60 =	vld [tilespmem:$0x18740];
	[tilespmem:$0x18990] =	vst v2  }
0xda: {  	v61 =	vld [tilespmem:$0x18700];
	[tilespmem:$0x18A00] =	vst v3  }
0xdb: {  	v62 =	vld [tilespmem:$0x18720];
	[tilespmem:$0x18980] =	vst v5  }
0xdc: {  	v63 =	vld [tilespmem:$0x18710];
	[tilespmem:$0x18910] =	vst v58  }
0xdd: {  	[tilespmem:$0x18890] =	vst v59  }
0xde: {  	[tilespmem:$0x18900] =	vst v60  }
0xdf: {  	[tilespmem:$0x18800] =	vst v61  }
0xe0: {  	[tilespmem:$0x18880] =	vst v62  }
0xe1: {  	s0 =	sadd.s32 s5, s23;
	[tilespmem:$0x18810] =	vst v63  }
0xe2: {  	[hbm4b:s0+s8] =	stream.linear.scatter [tilespmem:s4], [sflag:$0x1], $0x400, $0x38;
	[tilespmem:$0x1AE00] =	vst v63  }
0xe3: {  	_ =	swait.ge [sflag:s26], $0x400  }
0xe4: {  	s1 =	rddreg [dreg:$0xe]  }
0xe5: {  	s31 =	rddreg [dreg:$0xc];
	s1 =	sadd.s32 $0x1, s1  }
0xe6: {  	p1 =	sne.s32 s1, s31  }
.Ltmp5:
0xe7: {  	_ = 	snop;
	(pc) =	sbr.rel @p1 .LBB2_1-.Ltmp5, $4  }
.Ltmp6:
0xe8: {  	_ = 	snop;
	(pc) =	sbr.rel @!p1 .LBB2_12-.Ltmp6, $4  }
0xe9: {  	_ = 	snop  }
0xea: {  	[sflag:s26] =	ssyncset.done $0x0  }
0xeb: {  	[sflag:s26] =	ssyncadd.s32 $0xFFFFFC00  }
0xec: {  	_ = 	snop  }
.LBB2_4:
.Ltmp7:
0xed: {  	(pc) =	sbr.rel .LBB2_9-.Ltmp7, $4  }
0xee: {  	p1 =	por $0x0, $0x0  }
0xef: {  	s0 =	simm.s32 @!p1 $0x0  }
0xf0: {  	s0 =	simm.s32 @p1 $0x1  }
0xf1: {  	s2 =	smov.u32 s11;
	[smem:$0x7FD] =	sst s0  }
.LBB2_6:
.Ltmp8:
0xf2: {  	s1 =	smov.u32 s21;
	(pc) =	sbr.rel .LBB2_9-.Ltmp8, $4  }
0xf3: {  	s6 =	smov.u32 s22;
	s11 =	smov.u32 s5;
	s18 =	rddreg [dreg:$0x8]  }
0xf4: {  	s22 =	smov.u32 s30;
	s2 =	smov.u32 s5;
	s19 =	rddreg [dreg:$0x7]  }
0xf5: {  	s21 =	smov.u32 s0;
	s8 =	simm.s32 $0x0;
	s23 =	rddreg [dreg:$0xd]  }
0xf6: {  	s25 =	simm.s32 $0x18700;
	s26 =	simm.s32 $0x1;
	s30 =	simm.s32 $0x80  }
.LBB2_12:
0xf7: {  	_ =	sfence.sel $0x180000  }
0xf8: {  	[bflag:$0x0] =	sbarrier.arrive $0xFFFF  }
0xf9: {  	_ =	strace $0x90000063  }
0xfa: {  	s0 =	stileid.u32;
	[bflag:$0x2] =	sbarrier.arrive $0xFFFF  }
0xfb: {  	p0 =	sne.s32 s0, $0x0;
	s0 =	rddreg [dreg:$0x4]  }
0xfc: {  	s0 =	sadd.s32 @!p0 $0x100000, s0  }
0xfd: {  	[sflag:s0] =	ssyncadd.tile.s32 @!p0 $0x1;
	_ =	shalt  }
.Lfunc_end2:
_tile_overlayer_lowered:
.L_overlay_start_2:
0xfe: {  	(tag) =	ssettag $0x2  }
0xff: {  	s0 =	rddreg [dreg:$0x0];
	s2 =	stileid.u32  }
0x100: {  	s1 =	rddreg [dreg:$0x1];
	p0 =	sne.s32 s2, $0x0  }
0x101: {  	s3 =	rddreg [dreg:$0x2];
	[bflag:$0x3] =	sbarrier.arrive $0xFFFF;
	s2 =	simm.s32 @!p0 $0x1C01  }
0x102: {  	[timem:s3], [sflag:s2] =	dma.local @!p0 [hbm:s0], s1  }
0x103: {  	s0 =	simm.s32 @!p0 $0x1  }
0x104: {  	_ =	swait.ge @!p0 [sflag:s0], s1  }
0x105: {  	s1 =	ssub.s32 @!p0 $0x0, s1;
	[sflag:s0] =	ssyncset.done @!p0 $0x0  }
0x106: {  	[sflag:s0] =	ssyncadd.s32 @!p0 s1  }
0x107: {  	[bflag:$0x3] =	sbarrier.arrive $0xFFFF  }
0x108: {  	_ =	shalt  }

// kernel: kernel.14.cloned.1.call-start
scs
__scs_entry_jumppad:
0x0: {  	(pc) =	sbr.rel $0x88, $3  }
0x1: {  	(tag) =	ssettag $0x0;
	lr =	simm.s32 $0x1  }
0x2: {  	[smem:$0x3F91] =	sst lr;
	_ =	strace $0xD0000000  }
0x3: {  	_ = 	snop  }
0x4: {  	_ = 	snop  }
0x5: {  	_ = 	snop  }
0x6: {  	_ = 	snop  }
0x7: {  	_ = 	snop  }
__scs_overlays_trampoline_lowered:
0x8: {  	[smem:$0x3FA0] =	sst s0  }
0x9: {  	[smem:$0x3FA1] =	sst s1  }
0xa: {  	[smem:$0x3FA2] =	sst s2  }
0xb: {  	[smem:$0x3FA3] =	sst s3  }
0xc: {  	[smem:$0x3FA4] =	sst s4  }
0xd: {  	[smem:$0x3FA5] =	sst s5  }
0xe: {  	[smem:$0x3FA6] =	sst s6  }
0xf: {  	[smem:$0x3FA7] =	sst s7  }
0x10: {  	[smem:$0x3FA8] =	sst s8  }
0x11: {  	[smem:$0x3FA9] =	sst s9;
	s0 =	simm.s32 @!p0 $0x0  }
0x12: {  	s1 =	sld [smem:$0x3F8F];
	s0 =	simm.s32 @p0 $0x1  }
0x13: {  	[smem:$0x3FAA] =	sst s0;
	s0 =	simm.s32 @!p1 $0x0  }
0x14: {  	s2 =	sld [smem:$0x3F8E];
	s0 =	simm.s32 @p1 $0x1  }
0x15: {  	[smem:$0x3FAB] =	sst s0;
	s0 =	simm.s32 @!p2 $0x0  }
0x16: {  	s3 =	sld [smem:$0x3FDB];
	s0 =	simm.s32 @p2 $0x1  }
0x17: {  	s4 =	simm.s32 $0x1BF5;
	[smem:$0x3FAD] =	sst s0  }
0x18: {  	s0 =	sld [smem:$0x3F90];
	_ =	swait.ge [sflag:s4], $0x0  }
0x19: {  	s7 =	sld [smem:$0x3F91]  }
0x1a: {  	s8 =	sadd.s32 $0xFFFFE003, lr  }
0x1b: {  	s9 =	sadd.s32 $0xFFFFFEF7, lr;
	s5 =	simm.s32 $0xFFFFFFFF;
	p2 =	slt.u32 s8, $0xFFFFF086  }
0x1c: {  	p1 =	slt.u32 s9, $0xF7A;
	s5 =	simm.s32 @!p2 $0x0  }
0x1d: {  	s5 =	simm.s32 @p1 $0x1;
	p0 =	seq.s32 s7, s2  }
0x1e: {  	s7 =	smul.u32 @!p0 $0xF7A, s2;
	p2 =	seq.s32 @!p0 s5, $0x0  }
0x1f: {  	s9 =	smul.u32 $0xF7A, s1;
	s8 =	simm.s32 @!p0 $0x1BF5;
	p2 =	por !p2, p0  }
0x20: {  	[sflag:s8] =	ssyncset.s32 @!p0 $0xFFFFF086;
	s6 =	sadd.s32 @!p0 s3, s7;
	s7 =	simm.s32 @!p0 $0x108  }
0x21: {  	s3 =	sadd.s32 s3, s9;
	s6 =	sadd.s32 @!p0 $0x88, s6;
	s7 =	simm.s32 @p2 $0x1082  }
0x22: {  	[simem:s7], [sflag:s8] =	dma.local @!p0 [hbm:s6], $0xF7A  }
0x23: {  	s9 =	sor.u32 $0xD0000000, s2;
	s6 =	simm.s32 $0x108;
	_ =	swait.ge @!p0 [sflag:s8], $0x0  }
0x24: {  	s3 =	sadd.s32 $0x88, s3;
	s6 =	simm.s32 @!p1 $0x1082;
	[sflag:s4] =	ssyncset.s32 $0xFFFFF086  }
0x25: {  	[simem:s6], [sflag:s4] =	dma.local [hbm:s3], $0xF7A  }
0x26: {  	[smem:$0x3F91] =	sst s1;
	(tag) =	ssettag s2;
	_ =	strace s9  }
0x27: {  	s1 =	sld [smem:$0x3FA1]  }
0x28: {  	s2 =	sld [smem:$0x3FA2]  }
0x29: {  	s4 =	sld [smem:$0x3FA4]  }
0x2a: {  	p0 =	seq.s32 s5, $0x0;
	s5 =	sld [smem:$0x3FA5]  }
0x2b: {  	s6 =	sld [smem:$0x3FA6]  }
0x2c: {  	s7 =	sld [smem:$0x3FA7]  }
0x2d: {  	s3 =	simm.s32 $0x108;
	s8 =	sld [smem:$0x3FA8]  }
0x2e: {  	s3 =	simm.s32 @!p0 $0x1082;
	s9 =	sld [smem:$0x3FA9]  }
0x2f: {  	lr =	sadd.s32 s0, s3;
	s0 =	sld [smem:$0x3FA0]  }
0x30: {  	s3 =	sld [smem:$0x3FA3]  }
0x31: {  	[smem:$0x3FAC] =	sst s10  }
0x32: {  	s10 =	sld [smem:$0x3FAA];
	_ =	sdelay $0x3  }
0x33: {  	p0 =	seq.s32 s10, $0x1;
	s10 =	sld [smem:$0x3FAC];
	_ =	sdelay $0x3  }
0x34: {  	[smem:$0x3FAC] =	sst s10  }
0x35: {  	s10 =	sld [smem:$0x3FAB];
	_ =	sdelay $0x3  }
0x36: {  	p1 =	seq.s32 s10, $0x1;
	s10 =	sld [smem:$0x3FAC];
	_ =	sdelay $0x3  }
0x37: {  	[smem:$0x3FAC] =	sst s10  }
0x38: {  	s10 =	sld [smem:$0x3FAD]  }
0x39: {  	_ = 	snop;
	(pc) =	sbr.ind lr, $3  }
0x3a: {  	_ = 	snop  }
0x3b: {  	_ = 	snop  }
0x3c: {  	p2 =	seq.s32 s10, $0x1;
	s10 =	sld [smem:$0x3FAC]  }
0x3d: {  	_ =	shalt  }
0x3e: {  	_ =	shalt  }
0x3f: {  	_ =	shalt  }
0x40: {  	_ =	shalt  }
0x41: {  	_ =	shalt  }
0x42: {  	_ =	shalt  }
0x43: {  	_ =	shalt  }
0x44: {  	_ =	shalt  }
0x45: {  	_ =	shalt  }
0x46: {  	_ =	shalt  }
0x47: {  	_ =	shalt  }
0x48: {  	_ =	shalt  }
0x49: {  	_ =	shalt  }
0x4a: {  	_ =	shalt  }
0x4b: {  	_ =	shalt  }
0x4c: {  	_ =	shalt  }
0x4d: {  	_ =	shalt  }
0x4e: {  	_ =	shalt  }
0x4f: {  	_ =	shalt  }
0x50: {  	_ =	shalt  }
0x51: {  	_ =	shalt  }
0x52: {  	_ =	shalt  }
0x53: {  	_ =	shalt  }
0x54: {  	_ =	shalt  }
0x55: {  	_ =	shalt  }
0x56: {  	_ =	shalt  }
0x57: {  	_ =	shalt  }
0x58: {  	_ =	shalt  }
0x59: {  	_ =	shalt  }
0x5a: {  	_ =	shalt  }
0x5b: {  	_ =	shalt  }
0x5c: {  	_ =	shalt  }
0x5d: {  	_ =	shalt  }
0x5e: {  	_ =	shalt  }
0x5f: {  	_ =	shalt  }
0x60: {  	_ =	shalt  }
0x61: {  	_ =	shalt  }
0x62: {  	_ =	shalt  }
0x63: {  	_ =	shalt  }
0x64: {  	_ =	shalt  }
0x65: {  	_ =	shalt  }
0x66: {  	_ =	shalt  }
0x67: {  	_ =	shalt  }
0x68: {  	_ =	shalt  }
0x69: {  	_ =	shalt  }
0x6a: {  	_ =	shalt  }
0x6b: {  	_ =	shalt  }
0x6c: {  	_ =	shalt  }
0x6d: {  	_ =	shalt  }
0x6e: {  	_ =	shalt  }
0x6f: {  	_ =	shalt  }
0x70: {  	_ =	shalt  }
0x71: {  	_ =	shalt  }
0x72: {  	_ =	shalt  }
0x73: {  	_ =	shalt  }
0x74: {  	_ =	shalt  }
0x75: {  	_ =	shalt  }
0x76: {  	_ =	shalt  }
0x77: {  	_ =	shalt  }
0x78: {  	_ =	shalt  }
0x79: {  	_ =	shalt  }
0x7a: {  	_ =	shalt  }
0x7b: {  	_ =	shalt  }
0x7c: {  	_ =	shalt  }
0x7d: {  	_ =	shalt  }
0x7e: {  	_ =	shalt  }
0x7f: {  	_ =	shalt  }
0x80: {  	_ =	shalt  }
0x81: {  	_ =	shalt  }
0x82: {  	_ =	shalt  }
0x83: {  	_ =	shalt  }
0x84: {  	_ =	shalt  }
0x85: {  	_ =	shalt  }
0x86: {  	_ =	shalt  }
0x87: {  	_ =	shalt  }
.Lfunc_end0:
.L_simem_size_0:
called_computation.2_lowered:
.L_overlay_start_0:
0x88: {  	s2 =	sld [smem:$0x3FD9]  }
0x89: {  	s3 =	sld [smem:$0x3FFE];
	_ =	sdelay $0x1  }
0x8a: {  	s1 =	srdreg.scid  }
0x8b: {  	s0 =	sand.u32 $0x1, s1  }
0x8c: {  	s14 =	sshll.u32 s0, $0xA;
	s2 =	sadd.s32 s3, s2  }
0x8d: {  	s2 =	sadd.s32 s2, s14  }
0x8e: {  	[smem:$0x3FB8] =	sst s2  }
0x8f: {  	_ = 	snop  }
0x90: {  	s2 =	sld [smem:$0x3FD0];
	_ =	sdelay $0x2  }
0x91: {  	s15 =	simm.s32 $0xB;
	s4 =	simm.s32 $0x10  }
0x92: {  	[smem:s4], [sflag:s15] =	dma.local [hbm:s2], $0x1  }
0x93: {  	_ =	swait.eq [sflag:s15], $0x1  }
0x94: {  	[sflag:s15] =	ssyncset.done $0x0  }
0x95: {  	[sflag:s15] =	ssyncadd.s32 $0xFFFFFFFF  }
0x96: {  	s16 =	sld [smem:$0x11];
	(tm) =	ssettm $0x1  }
0x97: {  	s17 =	sld [smem:$0x3FFB];
	_ =	sdelay $0x3  }
0x98: {  	_ =	strace s17  }
0x99: {  	s3 =	sld [smem:$0x3FFC];
	_ =	sdelay $0x3  }
0x9a: {  	_ =	strace s3  }
0x9b: {  	s3 =	sld [smem:$0x3FFD];
	_ =	sdelay $0x3  }
0x9c: {  	_ =	strace s3  }
0x9d: {  	_ =	strace $0x8FFFFFFF  }
0x9e: {  	s18 =	sld [smem:$0x3FDB];
	_ =	sdelay $0x1  }
0x9f: {  	s19 =	simm.s32 $_scs_section_size  }
0xa0: {  	s5 =	simm.s32 $_size__tile_overlayer_lowered;
	s6 =	simm.s32 $_tile_overlayer_lowered  }
0xa1: {  	s22 =	simm.s32 $0x1BFF;
	s21 =	sshll.u32 s6, $0x1;
	s3 =	sadd.s32 s19, s18  }
0xa2: {  	s7 =	simm.s32 $0x0;
	s20 =	sshll.u32 s5, $0x1;
	s5 =	sadd.s32 s21, s3  }
0xa3: {  	[timem:s7], [sflag:s22] =	dma.local [hbm:s5], s20  }
0xa4: {  	_ =	swait.ge [sflag:s22], s20  }
0xa5: {  	s4 =	ssub.s32 $0x0, s20;
	[sflag:s22] =	ssyncset.done $0x0  }
0xa6: {  	[sflag:s22] =	ssyncadd.s32 s4;
	_ =	sdelay $0x1  }
0xa7: {  	s23 =	simm.s32 $0x1B8B  }
0xa8: {  	_ =	swait.ge [sflag:s23], $0x1  }
0xa9: {  	[sflag:s23] =	ssyncset.done $0x0  }
0xaa: {  	s25 =	simm.s32 $0x1B8E;
	s24 =	sld [smem:$0x3FFE];
	[sflag:s23] =	ssyncadd.s32 $0xFFFFFFFF  }
0xab: {  	s26 =	simm.s32 $execute0_lowered;
	[smem:$0x3FD2] =	sst s25  }
0xac: {  	s5 =	sshll.u32 s26, $0x1;
	_ =	strace $0x80000057;
	[dreg:$0x1] =	wrdreg $0xFFFFFFFF  }
0xad: {  	s28 =	simm.s32 $_size_execute0_lowered;
	s3 =	sadd.s32 s3, s5;
	[dreg:$0x0] =	wrdreg $0x0  }
0xae: {  	s5 =	sshll.u32 s28, $0x1;
	[dreg:$0x2] =	wrdreg s3  }
0xaf: {  	[dreg:$0x3] =	wrdreg s5  }
0xb0: {  	[dreg:$0x4] =	wrdreg $0xC0  }
0xb1: {  	_ =	task [dreg:s7], $0x5FFFF  }
0xb2: {  	[dreg:$0x1] =	wrdreg $0xFFFFFFFF  }
0xb3: {  	[dreg:$0x0] =	wrdreg $0x60  }
0xb4: {  	[dreg:$0x2] =	wrdreg s24  }
0xb5: {  	[dreg:$0x3] =	wrdreg s16  }
0xb6: {  	[dreg:$0x4] =	wrdreg $0x0  }
0xb7: {  	[dreg:$0x5] =	wrdreg $0xA  }
0xb8: {  	_ =	task.clear_ibuf [dreg:s7], $0x6FFFF;
	_ =	strace $0x90000057  }
0xb9: {  	s29 =	simm.s32 $0xA;
	_ =	strace $0x80000061  }
0xba: {  	_ =	swait.ge [sflag:s29], $0x1  }
0xbb: {  	[sflag:s29] =	ssyncadd.s32 $0xFFFFFFFF  }
0xbc: {  	_ =	strace $0x90000061  }
0xbd: {  	_ =	sfence  }
0xbe: {  	s30 =	sld [smem:$0x0];
	_ =	sdelay $0x2  }
0xbf: {  	s31 =	sshll.u32 s1, $0xD;
	s1 =	sshrl.u32 s1, $0x2  }
0xc0: {  	s3 =	sand.u32 $0x4000, s31;
	s1 =	sadd.s32 s1, s30  }
0xc1: {  	s0 =	sor.u32 s3, s0;
	s1 =	sshll.u32 s1, $0x11  }
0xc2: {  	s0 =	sor.u32 s1, s0  }
0xc3: {  	s0 =	sadd.s32 $0x8F2B, s0  }
0xc4: {  	[sflag:s0] =	ssyncadd.remote.s32 $0x1  }
0xc5: {  	_ =	sfence.sel $0xFFFF  }
0xc6: {  	[dreg:$0x0] =	wrdreg $0xFFFFFFFF;
	(pc) =	sbr.abs _section_cstart, $3  }
0xc7: {  	[dreg:$0x1] =	wrdreg $0xFFFFFFFF  }
0xc8: {  	_ =	task.clear_ibuf [dreg:s7], $0x2FFFF;
	_ =	strace $0x9FFFFFFF  }
0xc9: {  	(tm) =	ssettm $0x7FFFFFFF  }
tec
execute0_lowered:
.L_overlay_start_1:
0x0: {  	(tag) =	ssettag $0x1  }
0x1: {  	s0 =	rddreg [dreg:$0x0]  }
0x2: {  	s17 =	rddreg [dreg:$0x1]  }
0x3: {  	s16 =	rddreg [dreg:$0x2];
	s8 =	simm.s32 $0x0;
	s9 =	stileid.u32  }
0x4: {  	s1 =	srdreg.scid;
	s28 =	simm.s32 $0x30E;
	s3 =	smul.u32 $0x30E00, s9  }
0x5: {  	s30 =	simm.s32 $0x7;
	[smem:$0x7FF] =	sst s8;
	s5 =	smul.u32 $0x30D, s9  }
0x6: {  	s1 =	sand.u32 $0x1, s1;
	s24 =	sadd.s32 $0x65000, s0;
	s7 =	smul.u32 $0x30E, s9  }
0x7: {  	s4 =	sadd.s32 $0x3400, s0;
	s18 =	sadd.s32 $0x3477204, s0;
	s25 =	smul.u32 $0xC380, s9  }
0x8: {  	p0 =	slt.u32 s9, $0x4;
	s2 =	smul.u32 $0xC3800, s1;
	_ =	strace $0x80000058  }
0x9: {  	[dreg:$0x7] =	wrdreg s4;
	s21 =	ssub.s32 $0x2, s1;
	s28 =	simm.s32 @!p0 $0x30D  }
0xa: {  	s6 =	sshrl.u32 s21, $0x1;
	s14 =	sadd.s32 $0x4, s5;
	s3 =	sshrl.u32 s3, $0x2  }
0xb: {  	s19 =	sadd.s32 $0xFFFFFFFF, s28;
	s2 =	sadd.s32 s2, s0;
	s4 =	ssub.s32 s21, s6  }
0xc: {  	s14 =	smov.u32 @p0 s7;
	s13 =	sadd.s32 s3, s16;
	p0 =	seq.s32 s1, $0x1  }
0xd: {  	s22 =	sshll.u32 s14, $0xB;
	s31 =	smax.u32 s4, $0x1;
	[dreg:$0x8] =	wrdreg s13  }
0xe: {  	s23 =	sshll.u32 s14, $0x4;
	s3 =	sadd.s32 s22, s18;
	[dreg:$0xc] =	wrdreg s31  }
0xf: {  	s21 =	simm.s32 $0xC380;
	s26 =	sadd.s32 s24, s23;
	[dreg:$0x9] =	wrdreg s3  }
0x10: {  	s29 =	sadd.s32 s25, s2;
	s0 =	sadd.s32 s17, s23;
	[dreg:$0xa] =	wrdreg s26  }
0x11: {  	s7 =	simm.s32 $0x80;
	s15 =	sadd.s32 $0x95E00, s29;
	[dreg:$0xb] =	wrdreg s0  }
0x12: {  	s1 =	simm.s32 $0x0;
	s25 =	simm.s32 $0x1;
	[dreg:$0xd] =	wrdreg s15  }
.LBB2_1:
0x13: {  	[dreg:$0xe] =	wrdreg s1  }
0x14: {  	s0 =	rddreg [dreg:$0x7]  }
0x15: {  	[tilespmem:s21], [sflag:$0x1] =	stream.linear.gather [hbm4b:s0+s8], $0x80, $0x38;
	[tilespmem:$0xDA00] =	vst v63  }
0x16: {  	_ =	swait.ge [sflag:s25], $0x80  }
0x17: {  	[sflag:s25] =	ssyncset.done $0x0  }
0x18: {  	s31 =	sadd.s32 $0x0, s13;
	[sflag:s25] =	ssyncadd.s32 $0xFFFFFF80  }
0x19: {  	[spmem:s31] =	stream.linear.scatter [tilespmem:s21], [sflag:$0x1], $0x80, $0x38;
	[tilespmem:$0xDA00] =	vst v63  }
0x1a: {  	s0 =	simm.s32 $0x200;
	_ =	swait.ge [sflag:s25], $0x80  }
.LBB2_2:
0x1b: {  	s1 =	sshra.s32 s0, $0x2;
	[sflag:s25] =	ssyncset.done $0x0;
	p1 =	sne.s32 s0, $0x30C00  }
.Ltmp0:
0x1c: {  	s1 =	sadd.s32 s1, s13;
	[sflag:s25] =	ssyncadd.s32 $0xFFFFFF80;
	(pc) =	sbr.rel @p1 .LBB2_2-.Ltmp0, $3  }
0x1d: {  	[spmem:s1] =	stream.linear.scatter [tilespmem:s21], [sflag:$0x1], $0x80, $0x38;
	[tilespmem:$0xDA00] =	vst v63  }
0x1e: {  	s0 =	sadd.s32 $0x200, s0;
	_ =	sdelay $0x1  }
0x1f: {  	_ =	swait.ge [sflag:s25], $0x80  }
0x20: {  	[sflag:s25] =	ssyncset.done $0x0  }
0x21: {  	s1 =	simm.s32 $0x10;
	[sflag:s25] =	ssyncadd.s32 $0xFFFFFF80  }
0x22: {  	s2 =	simm.s32 $0xC800;
	s12 =	simm.s32 $0x0;
	[bflag:$0x0] =	sbarrier.arrive $0xFFFF  }
0x23: {  	s22 =	simm.s32 $0xD800;
	s26 =	simm.s32 $0xD900;
	_ =	strace $0x80000059  }
0x24: {  	s29 =	simm.s32 $0x1;
	p1 =	seq.s32 s28, $0x1;
	s0 =	rddreg [dreg:$0x9]  }
0x25: {  	p3 =	sle.u32 s19, $0x0;
	s11 =	sand.u32 $0x1, s12;
	s20 =	rddreg [dreg:$0xa]  }
0x26: {  	p4 =	seq.s32 s19, $0x0;
	s31 =	sadd.s32 $0x1, s11;
	s23 =	rddreg [dreg:$0xb]  }
0x27: {  	[tilespmem:s2], [sflag:$0x1] =	stream.strided.gather [hbm4b:s0+s1], $0x800, s7, s1, $0x200038;
	[tilespmem:$0xDA00] =	vst v63  }
0x28: {  	s0 =	simm.s32 $0xD900;
	s2 =	sshll.u32 s11, $0xB;
	s1 =	simm.s32 $0x1  }
0x29: {  	[tilespmem:s22], [sflag:$0x3] =	stream.linear.gather [hbm4b:s20+s12], $0x80, $0x200038;
	[tilespmem:$0xDA00] =	vst v63  }
0x2a: {  	s0 =	simm.s32 @!p0 $0xD800;
	s1 =	simm.s32 @p1 $0x0;
	p1 =	sne.s32 s28, $0x1  }
0x2b: {  	[tilespmem:s26], [sflag:$0x5] =	stream.linear.gather [hbm4b:s23+s12], $0x80, $0x200038;
	[tilespmem:$0xDA00] =	vst v63  }
.Ltmp1:
0x2c: {  	p6 =	seq.s32 @!p3 s1, $0x0;
	p5 =	sne.s32 s1, $0x0;
	(pc) =	sbr.rel @!p1 .LBB2_4-.Ltmp1, $4  }
0x2d: {  	_ =	strace $0x90000059;
	[dreg:$0x4] =	wrdreg s0;
	s0 =	simm.s32 $0x0  }
0x2e: {  	p2 =	por p6, p3;
	p6 =	por !p6, p3;
	s0 =	smov.u32 @p0 s0  }
0x2f: {  	s23 =	sadd.s32 $0xC800, s2;
	s20 =	sadd.s32 @!p2 s14, s1;
	s0 =	sshll.u32 s0, $0x7  }
0x30: {  	s3 =	sand.u32 @!p2 $0x1, s29;
	s2 =	sand.u32 @!p2 $0x1, s29;
	s22 =	sand.u32 $0x80, s0  }
0x31: {  	s0 =	sshll.u32 @!p2 s20, $0xB;
	s4 =	sshll.u32 @!p2 s3, $0xB;
	s5 =	sshll.u32 @!p2 s2, $0x7  }
0x32: {  	s6 =	sadd.s32 @!p2 $0x3, s2;
	s7 =	simm.s32 @!p2 $0x80;
	s10 =	sshll.u32 @!p2 s20, $0x4  }
0x33: {  	_ =	strace @!p2 $0x8000005A;
	s3 =	sadd.s32 @!p2 $0x1, s3;
	s0 =	sand.u32 @!p2 $0x1FFFF800, s0  }
0x34: {  	s12 =	simm.s32 @!p2 $0x10;
	s4 =	sadd.s32 @!p2 $0xC800, s4;
	s0 =	sadd.s32 @!p2 s0, s18  }
0x35: {  	[tilespmem:s4], [sflag:s3] =	stream.strided.gather @!p2 [hbm4b:s0+s12], $0x800, s7, s12, $0x200038;
	[tilespmem:$0xDA00] =	vst v63  }
0x36: {  	s0 =	simm.s32 @!p2 $0x0;
	s3 =	sand.u32 @!p2 $0x1FFFFFF0, s10;
	_ =	strace @!p2 $0x9000005A  }
0x37: {  	s4 =	sor.u32 @!p2 $0xD800, s5;
	s7 =	sadd.s32 @!p2 s24, s3;
	_ =	strace @!p2 $0x8000005B  }
0x38: {  	[tilespmem:s4], [sflag:s6] =	stream.linear.gather @!p2 [hbm4b:s7+s0], $0x80, $0x200038;
	[tilespmem:$0xDA00] =	vst v63  }
0x39: {  	s2 =	sadd.s32 @!p2 $0x5, s2;
	_ =	strace @!p2 $0x9000005B  }
0x3a: {  	s3 =	sadd.s32 @!p2 s17, s3;
	s4 =	sor.u32 @!p2 $0xD900, s5;
	_ =	strace @!p2 $0x8000005C  }
0x3b: {  	[tilespmem:s4], [sflag:s2] =	stream.linear.gather @!p2 [hbm4b:s3+s0], $0x80, $0x200038;
	[tilespmem:$0xDA00] =	vst v63  }
0x3c: {  	p1 =	por p4, p5;
	s20 =	sadd.s32 $0x3, s11;
	_ =	strace @!p2 $0x9000005C  }
0x3d: {  	s7 =	simm.s32 $0x1;
	s0 =	simm.s32 @!p2 $0x2;
	_ =	strace $0x8000005D  }
0x3e: {  	s2 =	simm.s32 $0x1;
	s7 =	smov.u32 @p6 s0;
	_ =	swait.ge [sflag:s31], $0x800  }
0x3f: {  	s0 =	simm.s32 $0x0;
	s2 =	simm.s32 @!p1 $0x0;
	[sflag:s31] =	ssyncset.done $0x0  }
0x40: {  	s7 =	smov.u32 @p3 s29;
	s0 =	simm.s32 @p6 $0x1;
	[sflag:s31] =	ssyncadd.s32 $0xFFFFF800  }
0x41: {  	s13 =	sadd.s32 $0x0, s2;
	s0 =	simm.s32 @p3 $0x0;
	_ =	strace $0x9000005D  }
0x42: {  	s29 =	sadd.s32 $0x1, s0;
	s0 =	smov.u32 s13;
	_ =	strace $0x8000005E  }
0x43: {  	s0 =	smov.u32 @p0 s13;
	_ =	swait.ge [sflag:s20], $0x80  }
0x44: {  	p1 =	sne.s32 s28, $0x2;
	s0 =	sshll.u32 s0, $0x7;
	[sflag:s20] =	ssyncset.done $0x0  }
0x45: {  	s8 =	sand.u32 $0x80, s0;
	s0 =	simm.s32 @!p1 $0x0;
	[sflag:s20] =	ssyncadd.s32 $0xFFFFFF80  }
0x46: {  	s0 =	simm.s32 @p1 $0x1;
	_ =	strace $0x9000005E  }
0x47: {  	s25 =	sadd.s32 $0x5, s11;
	_ =	strace $0x8000005F;
	[smem:$0x7FC] =	sst s0  }
0x48: {  	_ =	swait.ge [sflag:s25], $0x80  }
0x49: {  	[sflag:s25] =	ssyncset.done $0x0  }
0x4a: {  	[sflag:s25] =	ssyncadd.s32 $0xFFFFFF80  }
0x4b: {  	_ =	strace $0x9000005F  }
0x4c: {  	s11 =	sadd.s32 $0x1, s1;
	p4 =	sle.u32 s19, $0x1;
	_ =	strace $0x80000060  }
0x4d: {  	s6 =	simm.s32 $0x2;
	p2 =	seq.s32 s11, s28;
	s26 =	sld [smem:$0x7FC]  }
0x4e: {  	s11 =	simm.s32 @p2 $0x0;
	s4 =	sand.u32 $0x1, s13;
	p1 =	por $0x1, $0x1  }
0x4f: {  	p3 =	seq.s32 s19, $0x1;
	p6 =	seq.s32 @!p4 s1, s11;
	s0 =	simm.s32 @!p1 $0x0  }
0x50: {  	p5 =	sne.s32 s1, s11;
	s0 =	simm.s32 @p1 $0x1;
	p1 =	seq.s32 s26, $0x1  }
.Ltmp2:
0x51: {  	s12 =	smov.u32 s13;
	s21 =	sshll.u32 s4, $0xB;
	(pc) =	sbr.rel @!p1 .LBB2_6-.Ltmp2, $4  }
0x52: {  	p2 =	por p6, p4;
	p6 =	por !p6, p4;
	s30 =	sadd.s32 $0xC800, s21  }
0x53: {  	s31 =	sadd.s32 $0x1, s4;
	s3 =	sand.u32 @!p2 $0x1, s7;
	s2 =	sand.u32 @!p2 $0x1, s7  }
0x54: {  	s21 =	smov.u32 s13;
	s20 =	sadd.s32 @!p2 s14, s11;
	[smem:$0x7FD] =	sst s0  }
0x55: {  	s25 =	smov.u32 s7;
	s0 =	smov.u32 s4;
	s10 =	rddreg [dreg:$0x4]  }
.LBB2_7:
0x56: {  	[dreg:$0x6] =	wrdreg s0  }
0x57: {  	[dreg:$0x5] =	wrdreg s8  }
0x58: {  	s5 =	sshll.u32 @!p2 s3, $0xB;
	s26 =	sshll.u32 @!p2 s20, $0xB;
	s9 =	sand.u32 @!p2 $0x1, s29  }
0x59: {  	s1 =	smov.u32 s6;
	s15 =	smov.u32 s11;
	s10 =	sadd.s32 s22, s10  }
0x5a: {  	s8 =	simm.s32 $0x80;
	s0 =	simm.s32 $0x7;
	s20 =	sshll.u32 @!p2 s20, $0x4  }
0x5b: {  	s3 =	sadd.s32 @!p2 $0x1, s3;
	p1 =	por p3, p5;
	s6 =	sadd.s32 $0x1, s6  }
0x5c: {  	s11 =	sadd.s32 $0x1, s11;
	s5 =	sadd.s32 @!p2 $0xC800, s5;
	s26 =	sand.u32 @!p2 $0x1FFFF800, s26  }
0x5d: {  	[spmem:s16] =	stream.indirect.scatter.add.f32 [tilespmem:s23], [sflag:$0x7], $0x10, s10, s8, $0x2000b8;
	[tilespmem:$0xDA00] =	vst v63  }
0x5e: {  	s22 =	sshll.u32 @!p2 s9, $0x7;
	s9 =	sadd.s32 @!p2 $0x5, s9;
	s23 =	sadd.s32 @!p2 $0x3, s2  }
0x5f: {  	s8 =	simm.s32 @!p2 $0x0;
	s2 =	sshll.u32 @!p2 s2, $0x7;
	_ =	swait.ge [sflag:s0], $0x800  }
0x60: {  	p3 =	seq.s32 s19, s1;
	s10 =	sadd.s32 @!p2 s26, s18;
	[sflag:s0] =	ssyncset.done $0x0  }
0x61: {  	s22 =	sor.u32 @!p2 $0xD900, s22;
	s26 =	simm.s32 @!p2 $0x80;
	[sflag:s0] =	ssyncadd.s32 $0xFFFFF800  }
0x62: {  	s2 =	sor.u32 @!p2 $0xD800, s2;
	s0 =	smov.u32 s30;
	_ =	strace $0x90000060  }
0x63: {  	s30 =	smov.u32 s4;
	s4 =	simm.s32 @!p2 $0x10;
	_ =	strace @!p2 $0x8000005A  }
0x64: {  	[tilespmem:s5], [sflag:s3] =	stream.strided.gather @!p2 [hbm4b:s10+s4], $0x800, s26, s4, $0x200038;
	[tilespmem:$0xDA00] =	vst v63  }
0x65: {  	s3 =	sand.u32 @!p2 $0x1FFFFFF0, s20;
	s10 =	sadd.s32 @!p2 $0x1, s25;
	_ =	strace @!p2 $0x9000005A  }
0x66: {  	s26 =	smov.u32 s7;
	s5 =	sadd.s32 @!p2 s24, s3;
	_ =	strace @!p2 $0x8000005B  }
0x67: {  	[tilespmem:s2], [sflag:s23] =	stream.linear.gather @!p2 [hbm4b:s5+s8], $0x80, $0x200038;
	[tilespmem:$0xDA00] =	vst v63  }
0x68: {  	s3 =	sadd.s32 @!p2 s17, s3;
	s2 =	sadd.s32 @!p2 $0x1, s7;
	s5 =	smov.u32 s25  }
0x69: {  	s23 =	sadd.s32 $0x3, s30;
	_ =	strace @!p2 $0x9000005B;
	s26 =	smov.u32 @p6 s2  }
0x6a: {  	s5 =	smov.u32 @p6 s10;
	s2 =	simm.s32 $0x0;
	_ =	strace @!p2 $0x8000005C  }
0x6b: {  	[tilespmem:s22], [sflag:s9] =	stream.linear.gather @!p2 [hbm4b:s3+s8], $0x80, $0x200038;
	[tilespmem:$0xDA00] =	vst v63  }
0x6c: {  	s26 =	smov.u32 @p4 s7;
	s2 =	simm.s32 @p6 $0x1;
	_ =	strace @!p2 $0x9000005C  }
0x6d: {  	s5 =	smov.u32 @p4 s25;
	s2 =	simm.s32 @p4 $0x0;
	_ =	strace $0x8000005D  }
0x6e: {  	p4 =	sge.u32 s1, s19;
	s7 =	smov.u32 s26;
	_ =	swait.ge [sflag:s31], $0x800  }
0x6f: {  	s29 =	sadd.s32 s29, s2;
	s2 =	simm.s32 $0x1;
	[sflag:s31] =	ssyncset.done $0x0  }
0x70: {  	p2 =	seq.s32 s11, s28;
	s2 =	simm.s32 @!p1 $0x0;
	[sflag:s31] =	ssyncadd.s32 $0xFFFFF800  }
0x71: {  	p1 =	sne.s32 s28, s6;
	s11 =	simm.s32 @p2 $0x0;
	_ =	strace $0x9000005D  }
0x72: {  	s21 =	sadd.s32 s2, s21;
	s13 =	sadd.s32 s2, s13;
	_ =	strace $0x8000005E  }
0x73: {  	s12 =	sadd.s32 s2, s12;
	p6 =	seq.s32 @!p4 s15, s11;
	_ =	swait.ge [sflag:s23], $0x80  }
0x74: {  	p5 =	sne.s32 s15, s11;
	s3 =	sand.u32 $0x1, s21;
	[sflag:s23] =	ssyncset.done $0x0  }
0x75: {  	s4 =	sand.u32 $0x1, s13;
	s25 =	sand.u32 $0x1, s12;
	[sflag:s23] =	ssyncadd.s32 $0xFFFFFF80  }
0x76: {  	s9 =	smov.u32 s13;
	s8 =	sshll.u32 s3, $0xB;
	_ =	strace $0x9000005E  }
0x77: {  	p2 =	por p6, p4;
	s10 =	sadd.s32 $0xC800, s8;
	_ =	strace $0x8000005F  }
0x78: {  	p6 =	por !p6, p4;
	s30 =	smov.u32 s10;
	s10 =	rddreg [dreg:$0x6]  }
0x79: {  	s9 =	smov.u32 @p0 s12;
	s23 =	smov.u32 s0;
	s20 =	sadd.s32 $0x5, s10  }
0x7a: {  	s0 =	smov.u32 s25;
	s25 =	rddreg [dreg:$0x5];
	_ =	swait.ge [sflag:s20], $0x80  }
.Ltmp3:
0x7b: {  	s31 =	sadd.s32 $0x1, s3;
	[sflag:s20] =	ssyncset.done $0x0;
	(pc) =	sbr.rel @p1 .LBB2_7-.Ltmp3, $4  }
0x7c: {  	s3 =	sand.u32 @!p2 $0x1, s26;
	s9 =	sshll.u32 s9, $0x7;
	[sflag:s20] =	ssyncadd.s32 $0xFFFFFF80  }
0x7d: {  	s2 =	sand.u32 @!p2 $0x1, s5;
	s9 =	sand.u32 $0x80, s9;
	_ =	strace $0x9000005F  }
0x7e: {  	s8 =	smov.u32 s9;
	s22 =	smov.u32 s25;
	_ =	strace $0x80000060  }
0x7f: {  	s25 =	smov.u32 s5;
	s20 =	sadd.s32 @!p2 s14, s11;
	s10 =	rddreg [dreg:$0x4]  }
0x80: {  	s26 =	smov.u32 s0  }
0x81: {  	s1 =	smov.u32 s22;
	s5 =	smov.u32 s23;
	s11 =	smov.u32 s4  }
0x82: {  	s23 =	smov.u32 s30;
	s22 =	smov.u32 s8;
	s13 =	rddreg [dreg:$0x8]  }
0x83: {  	s8 =	simm.s32 $0x0;
	s15 =	rddreg [dreg:$0xd];
	s21 =	simm.s32 $0xC380  }
0x84: {  	s25 =	simm.s32 $0x1;
	s7 =	simm.s32 $0x80;
	s30 =	simm.s32 $0x7  }
.LBB2_9:
0x85: {  	s9 =	sld [smem:$0x7FD];
	_ =	sdelay $0x2  }
0x86: {  	p1 =	seq.s32 s9, $0x1  }
0x87: {  	s0 =	sshll.u32 @!p2 s3, $0xB;
	s4 =	sshll.u32 @!p2 s20, $0xB;
	s1 =	sadd.s32 @p1 s1, s10  }
0x88: {  	[spmem:s16] =	stream.indirect.scatter.add.f32 @p1 [tilespmem:s5], [sflag:$0x7], $0x10, s1, s7, $0x2000b8;
	[tilespmem:$0xDA00] =	vst v63  }
0x89: {  	s6 =	sand.u32 @!p2 $0x1, s29;
	s3 =	sadd.s32 @!p2 $0x1, s3;
	_ =	swait.ge @p1 [sflag:s30], $0x800  }
0x8a: {  	s12 =	simm.s32 @!p2 $0x10;
	s0 =	sadd.s32 @!p2 $0xC800, s0;
	[sflag:s30] =	ssyncset.done @p1 $0x0  }
0x8b: {  	s9 =	simm.s32 @!p2 $0x80;
	s10 =	sshll.u32 @!p2 s20, $0x4;
	[sflag:s30] =	ssyncadd.s32 @p1 $0xFFFFF800  }
0x8c: {  	s1 =	sand.u32 @!p2 $0x1FFFF800, s4;
	s5 =	sadd.s32 @!p2 $0x3, s2;
	_ =	strace @p1 $0x90000060  }
0x8d: {  	s7 =	simm.s32 @!p2 $0x0;
	s1 =	sadd.s32 @!p2 s1, s18;
	_ =	strace @!p2 $0x8000005A  }
0x8e: {  	[tilespmem:s0], [sflag:s3] =	stream.strided.gather @!p2 [hbm4b:s1+s12], $0x800, s9, s12, $0x200038;
	[tilespmem:$0xDA00] =	vst v63  }
0x8f: {  	s0 =	sshll.u32 @!p2 s2, $0x7;
	s1 =	sand.u32 @!p2 $0x1FFFFFF0, s10;
	_ =	strace @!p2 $0x9000005A  }
0x90: {  	s0 =	sor.u32 @!p2 $0xD800, s0;
	s2 =	sadd.s32 @!p2 s24, s1;
	_ =	strace @!p2 $0x8000005B  }
0x91: {  	[tilespmem:s0], [sflag:s5] =	stream.linear.gather @!p2 [hbm4b:s2+s7], $0x80, $0x200038;
	[tilespmem:$0xDA00] =	vst v63  }
0x92: {  	s4 =	sshll.u32 @!p2 s6, $0x7;
	s1 =	sadd.s32 @!p2 s17, s1;
	_ =	strace @!p2 $0x9000005B  }
0x93: {  	s0 =	sor.u32 @!p2 $0xD900, s4;
	s2 =	sadd.s32 @!p2 $0x5, s6;
	_ =	strace @!p2 $0x8000005C  }
0x94: {  	[tilespmem:s0], [sflag:s2] =	stream.linear.gather @!p2 [hbm4b:s1+s7], $0x80, $0x200038;
	[tilespmem:$0xDA00] =	vst v63  }
0x95: {  	_ =	strace @!p2 $0x9000005C  }
0x96: {  	_ =	strace $0x8000005D  }
0x97: {  	_ =	swait.ge [sflag:s31], $0x800  }
0x98: {  	[sflag:s31] =	ssyncset.done $0x0  }
0x99: {  	[sflag:s31] =	ssyncadd.s32 $0xFFFFF800  }
0x9a: {  	_ =	strace $0x9000005D  }
0x9b: {  	s20 =	sadd.s32 $0x3, s11;
	_ =	strace $0x8000005E  }
0x9c: {  	_ =	swait.ge [sflag:s20], $0x80  }
0x9d: {  	[sflag:s20] =	ssyncset.done $0x0  }
0x9e: {  	[sflag:s20] =	ssyncadd.s32 $0xFFFFFF80  }
0x9f: {  	_ =	strace $0x9000005E  }
0xa0: {  	s29 =	sadd.s32 $0x5, s26;
	_ =	strace $0x8000005F  }
0xa1: {  	_ =	swait.ge [sflag:s29], $0x80  }
0xa2: {  	[sflag:s29] =	ssyncset.done $0x0  }
0xa3: {  	[sflag:s29] =	ssyncadd.s32 $0xFFFFFF80  }
0xa4: {  	_ =	strace $0x9000005F  }
0xa5: {  	_ =	strace $0x80000060  }
0xa6: {  	s31 =	rddreg [dreg:$0x4]  }
0xa7: {  	s7 =	simm.s32 $0x80;
	s0 =	sadd.s32 s22, s31  }
0xa8: {  	[spmem:s16] =	stream.indirect.scatter.add.f32 [tilespmem:s23], [sflag:$0x7], $0x10, s0, s7, $0x2000b8;
	[tilespmem:$0xDA00] =	vst v63  }
0xa9: {  	_ =	swait.ge [sflag:s30], $0x800  }
0xaa: {  	[sflag:s30] =	ssyncset.done $0x0  }
0xab: {  	[sflag:s30] =	ssyncadd.s32 $0xFFFFF800  }
0xac: {  	_ =	strace $0x90000060  }
0xad: {  	[bflag:$0x0] =	sbarrier.arrive $0xFFFF  }
0xae: {  	[tilespmem:s21], [sflag:$0x1] =	stream.linear.gather [spmem:s13], $0x80, $0x38;
	[tilespmem:$0xDA00] =	vst v63  }
0xaf: {  	_ =	swait.ge [sflag:s25], $0x80  }
0xb0: {  	[sflag:s25] =	ssyncset.done $0x0  }
0xb1: {  	[sflag:s25] =	ssyncadd.s32 $0xFFFFFF80  }
0xb2: {  	v0 =	vld [tilespmem:$0xC3F0]  }
0xb3: {  	v2 =	vld [tilespmem:$0xC3D0]  }
0xb4: {  	v3 =	vld [tilespmem:$0xC3E0]  }
0xb5: {  	v4 =	vld [tilespmem:$0xC3B0];
	_ =	sdelay $0x1  }
0xb6: {  	v1 =	vld [tilespmem:$0xC380];
	[tilespmem:$0xC780] =	vst v0  }
0xb7: {  	v0 =	vld [tilespmem:$0xC3C0];
	[tilespmem:$0xC680] =	vst v2  }
0xb8: {  	s4 =	simm.s32 $0xC400;
	v2 =	vld [tilespmem:$0xC3A0];
	[tilespmem:$0xC700] =	vst v3  }
0xb9: {  	s5 =	simm.s32 $0x0;
	s1 =	smov.u32 s13;
	s0 =	simm.s32 $0x80;
	v3 =	vld [tilespmem:$0xC390];
	[tilespmem:$0xC580] =	vst v4  }
.LBB2_10:
0xba: {  	p1 =	sne.s32 s0, $0xC300  }
0xbb: {  	[tilespmem:$0xC400] =	vst v1;
	s1 =	sadd.s32 $0x80, s1;
	s2 =	smov.u32 s0;
	s0 =	sadd.s32 $0x80, s0  }
0xbc: {  	[tilespmem:$0xC600] =	vst v0  }
0xbd: {  	s3 =	sadd.s32 s5, s15;
	s5 =	smov.u32 s2;
	[tilespmem:$0xC500] =	vst v2  }
0xbe: {  	[tilespmem:$0xC480] =	vst v3  }
0xbf: {  	[hbm4b:s3+s8] =	stream.linear.scatter [tilespmem:s4], [sflag:$0x1], $0x400, $0x38;
	[tilespmem:$0xDA00] =	vst v63  }
0xc0: {  	_ =	swait.ge [sflag:s25], $0x400  }
0xc1: {  	[sflag:s25] =	ssyncset.done $0x0  }
0xc2: {  	[sflag:s25] =	ssyncadd.s32 $0xFFFFFC00  }
0xc3: {  	[tilespmem:s21], [sflag:$0x1] =	stream.linear.gather [spmem:s1], $0x80, $0x38;
	[tilespmem:$0xDA00] =	vst v63  }
0xc4: {  	_ =	swait.ge [sflag:s25], $0x80  }
0xc5: {  	[sflag:s25] =	ssyncset.done $0x0  }
0xc6: {  	[sflag:s25] =	ssyncadd.s32 $0xFFFFFF80  }
0xc7: {  	v2 =	vld [tilespmem:$0xC3F0]  }
0xc8: {  	v3 =	vld [tilespmem:$0xC3D0]  }
0xc9: {  	v4 =	vld [tilespmem:$0xC3E0]  }
0xca: {  	v5 =	vld [tilespmem:$0xC3B0]  }
.Ltmp4:
0xcb: {  	v1 =	vld [tilespmem:$0xC380];
	(pc) =	sbr.rel @p1 .LBB2_10-.Ltmp4, $4  }
0xcc: {  	v0 =	vld [tilespmem:$0xC3C0];
	[tilespmem:$0xC780] =	vst v2  }
0xcd: {  	v2 =	vld [tilespmem:$0xC3A0];
	[tilespmem:$0xC680] =	vst v3  }
0xce: {  	v3 =	vld [tilespmem:$0xC390];
	[tilespmem:$0xC700] =	vst v4  }
0xcf: {  	[tilespmem:$0xC580] =	vst v5  }
0xd0: {  	[tilespmem:$0xC400] =	vst v1  }
0xd1: {  	[tilespmem:$0xC600] =	vst v0  }
0xd2: {  	[tilespmem:$0xC500] =	vst v2  }
0xd3: {  	s0 =	sadd.s32 s5, s15;
	[tilespmem:$0xC480] =	vst v3  }
0xd4: {  	[hbm4b:s0+s8] =	stream.linear.scatter [tilespmem:s4], [sflag:$0x1], $0x400, $0x38;
	[tilespmem:$0xDA00] =	vst v63  }
0xd5: {  	_ =	swait.ge [sflag:s25], $0x400  }
0xd6: {  	s1 =	rddreg [dreg:$0xe]  }
0xd7: {  	s31 =	rddreg [dreg:$0xc];
	s1 =	sadd.s32 $0x1, s1  }
0xd8: {  	p1 =	sne.s32 s1, s31  }
.Ltmp5:
0xd9: {  	_ = 	snop;
	(pc) =	sbr.rel @p1 .LBB2_1-.Ltmp5, $4  }
.Ltmp6:
0xda: {  	_ = 	snop;
	(pc) =	sbr.rel @!p1 .LBB2_12-.Ltmp6, $4  }
0xdb: {  	_ = 	snop  }
0xdc: {  	[sflag:s25] =	ssyncset.done $0x0  }
0xdd: {  	[sflag:s25] =	ssyncadd.s32 $0xFFFFFC00  }
0xde: {  	_ = 	snop  }
.LBB2_4:
.Ltmp7:
0xdf: {  	(pc) =	sbr.rel .LBB2_9-.Ltmp7, $4  }
0xe0: {  	p1 =	por $0x0, $0x0  }
0xe1: {  	s0 =	simm.s32 @!p1 $0x0  }
0xe2: {  	s0 =	simm.s32 @p1 $0x1  }
0xe3: {  	s26 =	smov.u32 s11;
	[smem:$0x7FD] =	sst s0  }
.LBB2_6:
.Ltmp8:
0xe4: {  	s1 =	smov.u32 s22;
	(pc) =	sbr.rel .LBB2_9-.Ltmp8, $4  }
0xe5: {  	s5 =	smov.u32 s23;
	s11 =	smov.u32 s4;
	s23 =	smov.u32 s30  }
0xe6: {  	s26 =	smov.u32 s4;
	s22 =	smov.u32 s8;
	s13 =	rddreg [dreg:$0x8]  }
0xe7: {  	s8 =	simm.s32 $0x0;
	s15 =	rddreg [dreg:$0xd];
	s21 =	simm.s32 $0xC380  }
0xe8: {  	s25 =	simm.s32 $0x1;
	s7 =	simm.s32 $0x80;
	s30 =	simm.s32 $0x7  }
.LBB2_12:
0xe9: {  	_ =	sfence.sel $0x180000  }
0xea: {  	[bflag:$0x0] =	sbarrier.arrive $0xFFFF  }
0xeb: {  	_ =	strace $0x90000058  }
0xec: {  	s0 =	stileid.u32;
	[bflag:$0x2] =	sbarrier.arrive $0xFFFF  }
0xed: {  	p0 =	sne.s32 s0, $0x0;
	s0 =	rddreg [dreg:$0x3]  }
0xee: {  	s0 =	sadd.s32 @!p0 $0x100000, s0  }
0xef: {  	[sflag:s0] =	ssyncadd.tile.s32 @!p0 $0x1;
	_ =	shalt  }
.Lfunc_end2:
_tile_overlayer_lowered:
.L_overlay_start_2:
0xf0: {  	(tag) =	ssettag $0x2  }
0xf1: {  	s0 =	rddreg [dreg:$0x0];
	s2 =	stileid.u32  }
0xf2: {  	s1 =	rddreg [dreg:$0x1];
	p0 =	sne.s32 s2, $0x0  }
0xf3: {  	s3 =	rddreg [dreg:$0x2];
	[bflag:$0x3] =	sbarrier.arrive $0xFFFF;
	s2 =	simm.s32 @!p0 $0x1C01  }
0xf4: {  	[timem:s3], [sflag:s2] =	dma.local @!p0 [hbm:s0], s1  }
0xf5: {  	s0 =	simm.s32 @!p0 $0x1  }
0xf6: {  	_ =	swait.ge @!p0 [sflag:s0], s1  }
0xf7: {  	s1 =	ssub.s32 @!p0 $0x0, s1;
	[sflag:s0] =	ssyncset.done @!p0 $0x0  }
0xf8: {  	[sflag:s0] =	ssyncadd.s32 @!p0 s1  }
0xf9: {  	[bflag:$0x3] =	sbarrier.arrive $0xFFFF  }
0xfa: {  	_ =	shalt  }

// kernel: kernel.8.cloned.1.call-start
scs
__scs_entry_jumppad:
0x0: {  	(pc) =	sbr.rel $0x88, $3  }
0x1: {  	(tag) =	ssettag $0x0;
	lr =	simm.s32 $0x1  }
0x2: {  	[smem:$0x3F91] =	sst lr;
	_ =	strace $0xD0000000  }
0x3: {  	_ = 	snop  }
0x4: {  	_ = 	snop  }
0x5: {  	_ = 	snop  }
0x6: {  	_ = 	snop  }
0x7: {  	_ = 	snop  }
__scs_overlays_trampoline_lowered:
0x8: {  	[smem:$0x3FA0] =	sst s0  }
0x9: {  	[smem:$0x3FA1] =	sst s1  }
0xa: {  	[smem:$0x3FA2] =	sst s2  }
0xb: {  	[smem:$0x3FA3] =	sst s3  }
0xc: {  	[smem:$0x3FA4] =	sst s4  }
0xd: {  	[smem:$0x3FA5] =	sst s5  }
0xe: {  	[smem:$0x3FA6] =	sst s6  }
0xf: {  	[smem:$0x3FA7] =	sst s7  }
0x10: {  	[smem:$0x3FA8] =	sst s8  }
0x11: {  	[smem:$0x3FA9] =	sst s9;
	s0 =	simm.s32 @!p0 $0x0  }
0x12: {  	s1 =	sld [smem:$0x3F8F];
	s0 =	simm.s32 @p0 $0x1  }
0x13: {  	[smem:$0x3FAA] =	sst s0;
	s0 =	simm.s32 @!p1 $0x0  }
0x14: {  	s2 =	sld [smem:$0x3F8E];
	s0 =	simm.s32 @p1 $0x1  }
0x15: {  	[smem:$0x3FAB] =	sst s0;
	s0 =	simm.s32 @!p2 $0x0  }
0x16: {  	s3 =	sld [smem:$0x3FDB];
	s0 =	simm.s32 @p2 $0x1  }
0x17: {  	s4 =	simm.s32 $0x1BF5;
	[smem:$0x3FAD] =	sst s0  }
0x18: {  	s0 =	sld [smem:$0x3F90];
	_ =	swait.ge [sflag:s4], $0x0  }
0x19: {  	s7 =	sld [smem:$0x3F91]  }
0x1a: {  	s8 =	sadd.s32 $0xFFFFE003, lr  }
0x1b: {  	s9 =	sadd.s32 $0xFFFFFEF7, lr;
	s5 =	simm.s32 $0xFFFFFFFF;
	p2 =	slt.u32 s8, $0xFFFFF086  }
0x1c: {  	p1 =	slt.u32 s9, $0xF7A;
	s5 =	simm.s32 @!p2 $0x0  }
0x1d: {  	s5 =	simm.s32 @p1 $0x1;
	p0 =	seq.s32 s7, s2  }
0x1e: {  	s7 =	smul.u32 @!p0 $0xF7A, s2;
	p2 =	seq.s32 @!p0 s5, $0x0  }
0x1f: {  	s9 =	smul.u32 $0xF7A, s1;
	s8 =	simm.s32 @!p0 $0x1BF5;
	p2 =	por !p2, p0  }
0x20: {  	[sflag:s8] =	ssyncset.s32 @!p0 $0xFFFFF086;
	s6 =	sadd.s32 @!p0 s3, s7;
	s7 =	simm.s32 @!p0 $0x108  }
0x21: {  	s3 =	sadd.s32 s3, s9;
	s6 =	sadd.s32 @!p0 $0x88, s6;
	s7 =	simm.s32 @p2 $0x1082  }
0x22: {  	[simem:s7], [sflag:s8] =	dma.local @!p0 [hbm:s6], $0xF7A  }
0x23: {  	s9 =	sor.u32 $0xD0000000, s2;
	s6 =	simm.s32 $0x108;
	_ =	swait.ge @!p0 [sflag:s8], $0x0  }
0x24: {  	s3 =	sadd.s32 $0x88, s3;
	s6 =	simm.s32 @!p1 $0x1082;
	[sflag:s4] =	ssyncset.s32 $0xFFFFF086  }
0x25: {  	[simem:s6], [sflag:s4] =	dma.local [hbm:s3], $0xF7A  }
0x26: {  	[smem:$0x3F91] =	sst s1;
	(tag) =	ssettag s2;
	_ =	strace s9  }
0x27: {  	s1 =	sld [smem:$0x3FA1]  }
0x28: {  	s2 =	sld [smem:$0x3FA2]  }
0x29: {  	s4 =	sld [smem:$0x3FA4]  }
0x2a: {  	p0 =	seq.s32 s5, $0x0;
	s5 =	sld [smem:$0x3FA5]  }
0x2b: {  	s6 =	sld [smem:$0x3FA6]  }
0x2c: {  	s7 =	sld [smem:$0x3FA7]  }
0x2d: {  	s3 =	simm.s32 $0x108;
	s8 =	sld [smem:$0x3FA8]  }
0x2e: {  	s3 =	simm.s32 @!p0 $0x1082;
	s9 =	sld [smem:$0x3FA9]  }
0x2f: {  	lr =	sadd.s32 s0, s3;
	s0 =	sld [smem:$0x3FA0]  }
0x30: {  	s3 =	sld [smem:$0x3FA3]  }
0x31: {  	[smem:$0x3FAC] =	sst s10  }
0x32: {  	s10 =	sld [smem:$0x3FAA];
	_ =	sdelay $0x3  }
0x33: {  	p0 =	seq.s32 s10, $0x1;
	s10 =	sld [smem:$0x3FAC];
	_ =	sdelay $0x3  }
0x34: {  	[smem:$0x3FAC] =	sst s10  }
0x35: {  	s10 =	sld [smem:$0x3FAB];
	_ =	sdelay $0x3  }
0x36: {  	p1 =	seq.s32 s10, $0x1;
	s10 =	sld [smem:$0x3FAC];
	_ =	sdelay $0x3  }
0x37: {  	[smem:$0x3FAC] =	sst s10  }
0x38: {  	s10 =	sld [smem:$0x3FAD]  }
0x39: {  	_ = 	snop;
	(pc) =	sbr.ind lr, $3  }
0x3a: {  	_ = 	snop  }
0x3b: {  	_ = 	snop  }
0x3c: {  	p2 =	seq.s32 s10, $0x1;
	s10 =	sld [smem:$0x3FAC]  }
0x3d: {  	_ =	shalt  }
0x3e: {  	_ =	shalt  }
0x3f: {  	_ =	shalt  }
0x40: {  	_ =	shalt  }
0x41: {  	_ =	shalt  }
0x42: {  	_ =	shalt  }
0x43: {  	_ =	shalt  }
0x44: {  	_ =	shalt  }
0x45: {  	_ =	shalt  }
0x46: {  	_ =	shalt  }
0x47: {  	_ =	shalt  }
0x48: {  	_ =	shalt  }
0x49: {  	_ =	shalt  }
0x4a: {  	_ =	shalt  }
0x4b: {  	_ =	shalt  }
0x4c: {  	_ =	shalt  }
0x4d: {  	_ =	shalt  }
0x4e: {  	_ =	shalt  }
0x4f: {  	_ =	shalt  }
0x50: {  	_ =	shalt  }
0x51: {  	_ =	shalt  }
0x52: {  	_ =	shalt  }
0x53: {  	_ =	shalt  }
0x54: {  	_ =	shalt  }
0x55: {  	_ =	shalt  }
0x56: {  	_ =	shalt  }
0x57: {  	_ =	shalt  }
0x58: {  	_ =	shalt  }
0x59: {  	_ =	shalt  }
0x5a: {  	_ =	shalt  }
0x5b: {  	_ =	shalt  }
0x5c: {  	_ =	shalt  }
0x5d: {  	_ =	shalt  }
0x5e: {  	_ =	shalt  }
0x5f: {  	_ =	shalt  }
0x60: {  	_ =	shalt  }
0x61: {  	_ =	shalt  }
0x62: {  	_ =	shalt  }
0x63: {  	_ =	shalt  }
0x64: {  	_ =	shalt  }
0x65: {  	_ =	shalt  }
0x66: {  	_ =	shalt  }
0x67: {  	_ =	shalt  }
0x68: {  	_ =	shalt  }
0x69: {  	_ =	shalt  }
0x6a: {  	_ =	shalt  }
0x6b: {  	_ =	shalt  }
0x6c: {  	_ =	shalt  }
0x6d: {  	_ =	shalt  }
0x6e: {  	_ =	shalt  }
0x6f: {  	_ =	shalt  }
0x70: {  	_ =	shalt  }
0x71: {  	_ =	shalt  }
0x72: {  	_ =	shalt  }
0x73: {  	_ =	shalt  }
0x74: {  	_ =	shalt  }
0x75: {  	_ =	shalt  }
0x76: {  	_ =	shalt  }
0x77: {  	_ =	shalt  }
0x78: {  	_ =	shalt  }
0x79: {  	_ =	shalt  }
0x7a: {  	_ =	shalt  }
0x7b: {  	_ =	shalt  }
0x7c: {  	_ =	shalt  }
0x7d: {  	_ =	shalt  }
0x7e: {  	_ =	shalt  }
0x7f: {  	_ =	shalt  }
0x80: {  	_ =	shalt  }
0x81: {  	_ =	shalt  }
0x82: {  	_ =	shalt  }
0x83: {  	_ =	shalt  }
0x84: {  	_ =	shalt  }
0x85: {  	_ =	shalt  }
0x86: {  	_ =	shalt  }
0x87: {  	_ =	shalt  }
.Lfunc_end0:
.L_simem_size_0:
called_computation_lowered:
.L_overlay_start_0:
0x88: {  	s2 =	sld [smem:$0x3FD9]  }
0x89: {  	s3 =	sld [smem:$0x3FFE];
	_ =	sdelay $0x1  }
0x8a: {  	s1 =	srdreg.scid  }
0x8b: {  	s0 =	sand.u32 $0x1, s1  }
0x8c: {  	s16 =	sshll.u32 s0, $0xA;
	s2 =	sadd.s32 s3, s2  }
0x8d: {  	s2 =	sadd.s32 s2, s16  }
0x8e: {  	[smem:$0x3FB8] =	sst s2  }
0x8f: {  	_ = 	snop  }
0x90: {  	(tm) =	ssettm $0x1  }
0x91: {  	s17 =	sld [smem:$0x3FFB];
	_ =	sdelay $0x3  }
0x92: {  	_ =	strace s17  }
0x93: {  	s2 =	sld [smem:$0x3FFC];
	_ =	sdelay $0x3  }
0x94: {  	_ =	strace s2  }
0x95: {  	s2 =	sld [smem:$0x3FFD];
	_ =	sdelay $0x3  }
0x96: {  	_ =	strace s2  }
0x97: {  	_ =	strace $0x8FFFFFFF  }
0x98: {  	s18 =	sld [smem:$0x3FDB];
	_ =	sdelay $0x1  }
0x99: {  	s19 =	simm.s32 $_scs_section_size  }
0x9a: {  	s4 =	simm.s32 $_size__tile_overlayer_lowered;
	s5 =	simm.s32 $_tile_overlayer_lowered  }
0x9b: {  	s22 =	simm.s32 $0x1BFF;
	s21 =	sshll.u32 s5, $0x1;
	s2 =	sadd.s32 s19, s18  }
0x9c: {  	s6 =	simm.s32 $0x0;
	s20 =	sshll.u32 s4, $0x1;
	s4 =	sadd.s32 s21, s2  }
0x9d: {  	[timem:s6], [sflag:s22] =	dma.local [hbm:s4], s20  }
0x9e: {  	_ =	swait.ge [sflag:s22], s20  }
0x9f: {  	s3 =	ssub.s32 $0x0, s20;
	[sflag:s22] =	ssyncset.done $0x0  }
0xa0: {  	[sflag:s22] =	ssyncadd.s32 s3;
	_ =	sdelay $0x1  }
0xa1: {  	s23 =	simm.s32 $0x1B8B  }
0xa2: {  	_ =	swait.ge [sflag:s23], $0x1  }
0xa3: {  	[sflag:s23] =	ssyncset.done $0x0  }
0xa4: {  	s25 =	simm.s32 $0x1B8E;
	s24 =	sld [smem:$0x3FFE];
	[sflag:s23] =	ssyncadd.s32 $0xFFFFFFFF  }
0xa5: {  	s26 =	simm.s32 $execute0_lowered;
	[smem:$0x3FD2] =	sst s25  }
0xa6: {  	s4 =	sshll.u32 s26, $0x1;
	_ =	strace $0x80000046;
	[dreg:$0x1] =	wrdreg $0xFFFFFFFF  }
0xa7: {  	s28 =	simm.s32 $_size_execute0_lowered;
	s2 =	sadd.s32 s2, s4;
	[dreg:$0x0] =	wrdreg $0x0  }
0xa8: {  	s4 =	sshll.u32 s28, $0x1;
	[dreg:$0x2] =	wrdreg s2  }
0xa9: {  	[dreg:$0x3] =	wrdreg s4  }
0xaa: {  	[dreg:$0x4] =	wrdreg $0xC0  }
0xab: {  	_ =	task [dreg:s6], $0x5FFFF  }
0xac: {  	[dreg:$0x1] =	wrdreg $0xFFFFFFFF  }
0xad: {  	[dreg:$0x0] =	wrdreg $0x60  }
0xae: {  	[dreg:$0x2] =	wrdreg s24  }
0xaf: {  	[dreg:$0x3] =	wrdreg $0x9  }
0xb0: {  	_ =	task.clear_ibuf [dreg:s6], $0x4FFFF;
	_ =	strace $0x90000046  }
0xb1: {  	s29 =	simm.s32 $0x9;
	_ =	strace $0x80000056  }
0xb2: {  	_ =	swait.ge [sflag:s29], $0x1  }
0xb3: {  	[sflag:s29] =	ssyncadd.s32 $0xFFFFFFFF  }
0xb4: {  	_ =	strace $0x90000056  }
0xb5: {  	_ =	sfence  }
0xb6: {  	s30 =	sld [smem:$0x0];
	_ =	sdelay $0x2  }
0xb7: {  	s31 =	sshll.u32 s1, $0xD;
	s1 =	sshrl.u32 s1, $0x2  }
0xb8: {  	s3 =	sand.u32 $0x4000, s31;
	s1 =	sadd.s32 s1, s30  }
0xb9: {  	s0 =	sor.u32 s3, s0;
	s1 =	sshll.u32 s1, $0x11  }
0xba: {  	s0 =	sor.u32 s1, s0  }
0xbb: {  	s0 =	sadd.s32 $0x8F2B, s0  }
0xbc: {  	[sflag:s0] =	ssyncadd.remote.s32 $0x1  }
0xbd: {  	_ =	sfence.sel $0xFFFF  }
0xbe: {  	[dreg:$0x0] =	wrdreg $0xFFFFFFFF;
	(pc) =	sbr.abs _section_cstart, $3  }
0xbf: {  	[dreg:$0x1] =	wrdreg $0xFFFFFFFF  }
0xc0: {  	_ =	task.clear_ibuf [dreg:s6], $0x2FFFF;
	_ =	strace $0x9FFFFFFF  }
0xc1: {  	(tm) =	ssettm $0x7FFFFFFF  }
tec
execute0_lowered:
.L_overlay_start_1:
0x0: {  	(tag) =	ssettag $0x1  }
0x1: {  	s0 =	rddreg [dreg:$0x0];
	s1 =	srdreg.scid;
	s2 =	simm.s32 $0x0  }
0x2: {  	s4 =	stileid.u32;
	s16 =	simm.s32 $0x80;
	s17 =	simm.s32 $0x5  }
0x3: {  	s19 =	simm.s32 $0x0;
	s1 =	sand.u32 $0x1, s1;
	[smem:$0x7FF] =	sst s2  }
0x4: {  	s5 =	sadd.s32 $0x3400, s0;
	s9 =	sadd.s32 $0x3A3200, s0;
	s3 =	sshll.u32 s1, $0x4  }
0x5: {  	_ =	strace $0x80000047;
	[dreg:$0x2] =	wrdreg s9;
	s6 =	sor.u32 s4, s3  }
0x6: {  	s22 =	ssub.s32 $0x2, s1;
	s3 =	sadd.s32 $0x21C800, s0;
	s7 =	smul.u32 $0x186, s6  }
0x7: {  	s4 =	sadd.s32 $0x34200, s0;
	s24 =	sshrl.u32 s22, $0x1;
	s8 =	smul.u32 $0x187, s6  }
0x8: {  	p0 =	slt.u32 s6, $0x14;
	s6 =	sadd.s32 $0x14, s7;
	s7 =	sadd.s32 $0x1C0D200, s0  }
0x9: {  	s0 =	ssub.s32 s22, s24;
	s6 =	smov.u32 @p0 s8;
	s8 =	simm.s32 $0x187  }
0xa: {  	s0 =	smax.u32 s0, $0x1;
	s23 =	sshll.u32 s6, $0x4;
	s8 =	simm.s32 @!p0 $0x186  }
0xb: {  	s28 =	sshll.u32 s6, $0xB;
	[dreg:$0x6] =	wrdreg s0;
	s11 =	sand.u32 $0x1FFFFFF0, s23  }
0xc: {  	s10 =	sadd.s32 $0xFFFFFFFF, s8;
	s1 =	sadd.s32 $0x10, s23;
	s31 =	sadd.s32 $0xFFFFFFFE, s8  }
0xd: {  	s30 =	sand.u32 $0x1FFFF800, s28;
	s25 =	sadd.s32 s4, s11;
	[dreg:$0x3] =	wrdreg s31  }
0xe: {  	s26 =	sadd.s32 s5, s11;
	s29 =	sand.u32 $0x1FFFFFF0, s1;
	[dreg:$0x4] =	wrdreg s25  }
0xf: {  	s14 =	sadd.s32 s7, s30;
	[dreg:$0x5] =	wrdreg s26;
	s13 =	sadd.s32 s5, s29  }
.LBB2_1:
0x10: {  	_ =	strace $0x80000048;
	p0 =	seq.s32 s8, $0x1  }
0x11: {  	s21 =	simm.s32 $0x1;
	p4 =	sne.s32 s8, $0x1;
	s0 =	rddreg [dreg:$0x4]  }
0x12: {  	[tilespmem:s2], [sflag:$0x1] =	stream.linear.gather [hbm4b:s0+s2], $0x80, $0x200038;
	[tilespmem:$0x8100] =	vst v63  }
.Ltmp0:
0x13: {  	s21 =	simm.s32 @p0 $0x0;
	(pc) =	sbr.rel @!p4 .LBB2_2-.Ltmp0, $4  }
0x14: {  	p6 =	sgt.u32 s10, $0x0;
	p1 =	sne.s32 s21, $0x0  }
0x15: {  	s20 =	simm.s32 $0x1;
	p0 =	por !p6, !p1  }
0x16: {  	p2 =	por $0x1, $0x1;
	s0 =	simm.s32 $0x1;
	p3 =	por !p0, !p0  }
0x17: {  	_ =	strace $0x90000048;
	s31 =	sand.u32 @p3 $0x1, s0;
	s11 =	sadd.s32 @p3 s6, s21  }
0x18: {  	s0 =	sshll.u32 @p3 s11, $0x4;
	s29 =	sand.u32 $0x1, s2;
	s1 =	simm.s32 $0x0  }
0x19: {  	s9 =	simm.s32 @p3 $0x0;
	s11 =	sshll.u32 @p3 s31, $0x7;
	s15 =	sadd.s32 @p3 $0x1, s31  }
0x1a: {  	_ =	strace @p3 $0x80000049;
	s24 =	simm.s32 $0x2;
	p4 =	por p2, p2  }
0x1b: {  	p0 =	sne.s32 s8, $0x2;
	p5 =	por $0x0, $0x0;
	s0 =	sand.u32 @p3 $0x1FFFFFF0, s0  }
0x1c: {  	s28 =	simm.s32 $0x0;
	s23 =	sadd.s32 $0x1, s29;
	s0 =	sadd.s32 @p3 s4, s0  }
0x1d: {  	[tilespmem:s11], [sflag:s15] =	stream.linear.gather @p3 [hbm4b:s0+s9], $0x80, $0x200038;
	[tilespmem:$0x8100] =	vst v63  }
0x1e: {  	s1 =	sand.u32 $0x80, s1;
	s26 =	sshll.u32 s29, $0xE;
	s0 =	sand.u32 @!p2 $0x1, s2  }
0x1f: {  	p2 =	por $0x0, $0x0;
	s11 =	sadd.s32 $0x0, s6;
	_ =	strace @p3 $0x90000049  }
0x20: {  	s9 =	simm.s32 $0x1;
	s15 =	simm.s32 $0x1;
	_ =	strace $0x8000004A  }
0x21: {  	s25 =	sadd.s32 @!p4 $0x3, s0;
	s9 =	simm.s32 @!p5 $0x0;
	_ =	swait.ge [sflag:s23], $0x80  }
0x22: {  	s0 =	sor.u32 $0x100, s26;
	s26 =	sadd.s32 $0x1, s21;
	[sflag:s23] =	ssyncset.done $0x0  }
0x23: {  	p5 =	seq.s32 s10, $0x0;
	s15 =	simm.s32 @!p3 $0x0;
	[sflag:s23] =	ssyncadd.s32 $0xFFFFFF80  }
0x24: {  	s22 =	sadd.s32 $0x0, s9;
	p6 =	seq.s32 s26, s8;
	_ =	strace $0x9000004A  }
0x25: {  	s30 =	sadd.s32 $0x1, s15;
	s26 =	simm.s32 @p6 $0x0;
	_ =	strace $0x8000004B  }
0x26: {  	[tilespmem:s0], [sflag:$0x5] =	stream.indirect.gather [hbm4b:s3+s16], $0x80, s1, s16, $0x2000b8;
	[tilespmem:$0x8100] =	vst v63  }
0x27: {  	p6 =	por p5, p1;
	p5 =	sgt.u32 s10, $0x1;
	_ =	swait.ge [sflag:s17], $0x4000  }
.Ltmp1:
0x28: {  	p1 =	sne.s32 s21, s26;
	[sflag:s17] =	ssyncset.done $0x0;
	(pc) =	sbr.rel @!p0 .LBB2_4-.Ltmp1, $4  }
0x29: {  	s9 =	sshll.u32 @p6 s11, $0xB;
	p3 =	por !p5, !p1;
	[sflag:s17] =	ssyncadd.s32 $0xFFFFC000  }
0x2a: {  	s23 =	simm.s32 $0x0;
	p3 =	por !p3, !p3;
	_ =	strace $0x9000004B  }
0x2b: {  	s31 =	sand.u32 @p3 $0x1, s30;
	s1 =	simm.s32 $0x1;
	_ =	strace @p6 $0x8000004C  }
0x2c: {  	s11 =	sadd.s32 @p3 s6, s26;
	s1 =	simm.s32 @!p6 $0x0;
	s15 =	rddreg [dreg:$0x2]  }
.LBB2_5:
0x2d: {  	s11 =	sshll.u32 @p3 s11, $0x4;
	s12 =	sand.u32 @p6 $0x1FFFF800, s9;
	s23 =	sadd.s32 s1, s23  }
0x2e: {  	s9 =	smov.u32 s20;
	s20 =	smov.u32 s24;
	s18 =	smov.u32 s21  }
0x2f: {  	s21 =	sadd.s32 @p6 $0x3, s29;
	s29 =	simm.s32 @p6 $0x0;
	s28 =	sadd.s32 s1, s28  }
0x30: {  	s24 =	sadd.s32 $0x1, s24;
	s11 =	sand.u32 @p3 $0x1FFFFFF0, s11;
	s12 =	sadd.s32 @p6 s15, s12  }
0x31: {  	[hbm4b:s12+s29] =	stream.linear.scatter @p6 [tilespmem:s0], [sflag:s21], $0x4000, $0x200038;
	[tilespmem:$0x8100] =	vst v63  }
0x32: {  	s1 =	sshll.u32 s28, $0x7;
	p0 =	sne.s32 s8, s24;
	_ =	strace @p6 $0x9000004C  }
0x33: {  	s15 =	simm.s32 @p3 $0x0;
	s11 =	sadd.s32 @p3 s4, s11;
	_ =	strace @!p4 $0x8000004D  }
0x34: {  	s0 =	sand.u32 $0x1, s28;
	s12 =	sand.u32 @!p2 $0x1, s22;
	_ =	swait.ge @!p4 [sflag:s25], $0x4000  }
0x35: {  	s21 =	smov.u32 s26;
	s29 =	sadd.s32 @p3 $0x1, s31;
	[sflag:s25] =	ssyncset.done @!p4 $0x0  }
0x36: {  	s1 =	sand.u32 $0x80, s1;
	s26 =	sadd.s32 $0x1, s26;
	[sflag:s25] =	ssyncadd.s32 @!p4 $0xFFFFC000  }
0x37: {  	s0 =	sadd.s32 $0x1, s0;
	p6 =	sne.s32 s9, $0x0;
	_ =	strace @!p4 $0x9000004D  }
0x38: {  	p5 =	seq.s32 s26, s8;
	s25 =	sshll.u32 @p3 s31, $0x7;
	_ =	strace @p3 $0x80000049  }
0x39: {  	[tilespmem:s25], [sflag:s29] =	stream.linear.gather @p3 [hbm4b:s11+s15], $0x80, $0x200038;
	[tilespmem:$0x8100] =	vst v63  }
0x3a: {  	s26 =	simm.s32 @p5 $0x0;
	p5 =	slt.u32 s20, s10;
	_ =	strace @p3 $0x90000049  }
0x3b: {  	p4 =	por p2, p2;
	p2 =	seq.s32 s20, $0x0;
	_ =	strace $0x8000004A  }
0x3c: {  	s11 =	sadd.s32 s6, s18;
	s25 =	sadd.s32 @!p4 $0x3, s12;
	_ =	swait.ge [sflag:s0], $0x80  }
0x3d: {  	s29 =	sand.u32 $0x1, s23;
	s12 =	simm.s32 $0x1;
	[sflag:s0] =	ssyncset.done $0x0  }
0x3e: {  	s18 =	sshll.u32 s29, $0xE;
	s12 =	simm.s32 @!p6 $0x0;
	[sflag:s0] =	ssyncadd.s32 $0xFFFFFF80  }
0x3f: {  	p6 =	seq.s32 s10, s9;
	s22 =	sadd.s32 s12, s22;
	_ =	strace $0x9000004A  }
0x40: {  	s12 =	simm.s32 $0x1;
	s0 =	sor.u32 $0x100, s18;
	_ =	strace $0x8000004B  }
0x41: {  	[tilespmem:s0], [sflag:$0x5] =	stream.indirect.gather [hbm4b:s3+s16], $0x80, s1, s16, $0x2000b8;
	[tilespmem:$0x8100] =	vst v63  }
0x42: {  	p6 =	por p6, p1;
	p1 =	sne.s32 s21, s26;
	_ =	swait.ge [sflag:s17], $0x4000  }
.Ltmp2:
0x43: {  	s12 =	simm.s32 @!p3 $0x0;
	[sflag:s17] =	ssyncset.done $0x0;
	(pc) =	sbr.rel @p0 .LBB2_5-.Ltmp2, $4  }
0x44: {  	s9 =	sshll.u32 @p6 s11, $0xB;
	p3 =	por !p5, !p1;
	[sflag:s17] =	ssyncadd.s32 $0xFFFFC000  }
0x45: {  	p3 =	por !p3, !p3;
	s30 =	sadd.s32 s12, s30;
	_ =	strace $0x9000004B  }
0x46: {  	s31 =	sand.u32 @p3 $0x1, s30;
	s1 =	simm.s32 $0x1;
	_ =	strace @p6 $0x8000004C  }
0x47: {  	s11 =	sadd.s32 @p3 s6, s26;
	s1 =	simm.s32 @!p6 $0x0;
	s15 =	rddreg [dreg:$0x2]  }
0x48: {  	p5 =	por $0x1, $0x1  }
.LBB2_7:
0x49: {  	p0 =	por !p6, !p5  }
0x4a: {  	s9 =	sand.u32 @!p0 $0x1FFFF800, s9  }
0x4b: {  	s12 =	sadd.s32 @!p0 $0x3, s29;
	s18 =	simm.s32 @!p0 $0x0;
	s9 =	sadd.s32 @!p0 s15, s9  }
0x4c: {  	[hbm4b:s9+s18] =	stream.linear.scatter @!p0 [tilespmem:s0], [sflag:s12], $0x4000, $0x200038;
	[tilespmem:$0x8100] =	vst v63  }
0x4d: {  	_ =	strace @!p0 $0x9000004C;
	p0 =	por p4, !p5  }
0x4e: {  	_ =	strace @!p0 $0x8000004D  }
0x4f: {  	s15 =	sadd.s32 @p3 $0x1, s31;
	_ =	swait.ge @!p0 [sflag:s25], $0x4000  }
0x50: {  	s0 =	sshll.u32 @p3 s11, $0x4;
	s9 =	sadd.s32 @p5 s1, s28;
	[sflag:s25] =	ssyncset.done @!p0 $0x0  }
0x51: {  	s11 =	simm.s32 $0x0;
	s12 =	sshll.u32 @p3 s31, $0x7;
	[sflag:s25] =	ssyncadd.s32 @!p0 $0xFFFFC000  }
0x52: {  	s0 =	sand.u32 @p3 $0x1FFFFFF0, s0;
	s11 =	smov.u32 @p5 s9;
	_ =	strace @!p0 $0x9000004D  }
0x53: {  	s9 =	simm.s32 @p3 $0x0;
	s0 =	sadd.s32 @p3 s4, s0;
	_ =	strace @p3 $0x80000049  }
0x54: {  	[tilespmem:s12], [sflag:s15] =	stream.linear.gather @p3 [hbm4b:s0+s9], $0x80, $0x200038;
	[tilespmem:$0x8100] =	vst v63  }
0x55: {  	s26 =	sand.u32 $0x1, s11;
	_ =	strace @p3 $0x90000049  }
0x56: {  	s0 =	sadd.s32 $0x1, s26;
	_ =	strace $0x8000004A  }
0x57: {  	s1 =	sadd.s32 @p5 s1, s23;
	s9 =	simm.s32 $0x0;
	_ =	swait.ge [sflag:s0], $0x80  }
0x58: {  	s9 =	smov.u32 @p5 s1;
	[sflag:s0] =	ssyncset.done $0x0  }
0x59: {  	[sflag:s0] =	ssyncadd.s32 $0xFFFFFF80;
	s0 =	sand.u32 $0x1, s9  }
0x5a: {  	s28 =	sshll.u32 s11, $0x7;
	_ =	strace $0x9000004A;
	s9 =	sshll.u32 s0, $0xE  }
0x5b: {  	s1 =	sand.u32 $0x80, s28;
	_ =	strace $0x8000004B;
	s9 =	sor.u32 $0x100, s9  }
0x5c: {  	[tilespmem:s9], [sflag:$0x5] =	stream.indirect.gather [hbm4b:s3+s16], $0x80, s1, s16, $0x2000b8;
	[tilespmem:$0x8100] =	vst v63  }
0x5d: {  	_ =	swait.ge [sflag:s17], $0x4000  }
0x5e: {  	[sflag:s17] =	ssyncset.done $0x0  }
0x5f: {  	p5 =	seq.s32 s10, s20;
	[sflag:s17] =	ssyncadd.s32 $0xFFFFC000  }
0x60: {  	p0 =	por p5, p1;
	s1 =	sadd.s32 s6, s21;
	_ =	strace $0x9000004B  }
0x61: {  	s1 =	sshll.u32 @p0 s1, $0xB;
	_ =	strace @p0 $0x8000004C  }
0x62: {  	s1 =	sand.u32 @p0 $0x1FFFF800, s1;
	s11 =	rddreg [dreg:$0x2]  }
0x63: {  	s12 =	simm.s32 @p0 $0x0;
	s0 =	sadd.s32 @p0 $0x3, s0;
	s1 =	sadd.s32 @p0 s11, s1  }
0x64: {  	[hbm4b:s1+s12] =	stream.linear.scatter @p0 [tilespmem:s9], [sflag:s0], $0x4000, $0x200038;
	[tilespmem:$0x8100] =	vst v63  }
0x65: {  	p1 =	por p2, p2;
	s0 =	sand.u32 @!p2 $0x1, s22;
	_ =	strace @p0 $0x9000004C  }
0x66: {  	s0 =	sadd.s32 @!p1 $0x3, s0;
	_ =	strace @!p1 $0x8000004D  }
0x67: {  	s1 =	simm.s32 $0x1;
	p0 =	sne.s32 s20, $0x0;
	_ =	swait.ge @!p1 [sflag:s0], $0x4000  }
0x68: {  	s1 =	simm.s32 @!p0 $0x0;
	[sflag:s0] =	ssyncset.done @!p1 $0x0  }
0x69: {  	s1 =	sadd.s32 s1, s22;
	[sflag:s0] =	ssyncadd.s32 @!p1 $0xFFFFC000  }
0x6a: {  	s29 =	sand.u32 $0x1, s1;
	_ =	strace @!p1 $0x9000004D  }
0x6b: {  	s0 =	sadd.s32 $0x3, s29;
	_ =	strace $0x8000004E  }
0x6c: {  	_ =	swait.ge [sflag:s0], $0x4000  }
0x6d: {  	[sflag:s0] =	ssyncset.done $0x0  }
0x6e: {  	[sflag:s0] =	ssyncadd.s32 $0xFFFFC000  }
0x6f: {  	_ =	strace $0x9000004E  }
0x70: {  	_ =	strace $0x8000004F  }
0x71: {  	s23 =	simm.s32 $0x0;
	s30 =	rddreg [dreg:$0x5]  }
0x72: {  	[tilespmem:s23], [sflag:$0x1] =	stream.linear.gather [hbm4b:s30+s23], $0x80, $0x200038;
	[tilespmem:$0x8100] =	vst v63  }
0x73: {  	_ =	strace $0x9000004F  }
0x74: {  	_ =	strace $0x80000050  }
0x75: {  	[tilespmem:s16], [sflag:$0x2] =	stream.linear.gather [hbm4b:s13+s23], $0x80, $0x200038;
	[tilespmem:$0x8100] =	vst v63  }
0x76: {  	_ =	strace $0x90000050  }
0x77: {  	s21 =	simm.s32 $0x1;
	_ =	strace $0x80000051  }
0x78: {  	_ =	swait.ge [sflag:s21], $0x80  }
0x79: {  	[sflag:s21] =	ssyncset.done $0x0  }
0x7a: {  	[sflag:s21] =	ssyncadd.s32 $0xFFFFFF80  }
0x7b: {  	_ =	strace $0x90000051  }
0x7c: {  	s31 =	simm.s32 $0x100;
	_ =	strace $0x80000052  }
0x7d: {  	[tilespmem:s31], [sflag:$0x5] =	stream.indirect.gather [hbm4b:s3+s16], $0x80, s23, s16, $0x2000b8;
	[tilespmem:$0x8100] =	vst v63  }
0x7e: {  	s26 =	simm.s32 $0x2;
	p0 =	seq.s32 s8, $0x2;
	_ =	swait.ge [sflag:s17], $0x4000  }
0x7f: {  	s26 =	simm.s32 @p0 $0x0;
	p0 =	sne.s32 s10, $0x1;
	[sflag:s17] =	ssyncset.done $0x0  }
.Ltmp3:
0x80: {  	[sflag:s17] =	ssyncadd.s32 $0xFFFFC000;
	(pc) =	sbr.rel @!p0 .LBB2_8-.Ltmp3, $4  }
0x81: {  	p6 =	sgt.u32 s10, $0x1;
	_ =	strace $0x90000052  }
0x82: {  	s24 =	simm.s32 $0x1;
	p1 =	sne.s32 s26, $0x1;
	_ =	strace $0x80000053  }
0x83: {  	[hbm4b:s14+s23] =	stream.linear.scatter [tilespmem:s31], [sflag:$0x3], $0x4000, $0x200038;
	[tilespmem:$0x8100] =	vst v63  }
0x84: {  	s22 =	simm.s32 $0x2;
	p2 =	por !p6, !p1;
	_ =	strace $0x90000053  }
0x85: {  	p2 =	por !p2, !p2  }
0x86: {  	s20 =	simm.s32 $0x2;
	p0 =	por p1, p1;
	p3 =	sne.s32 s10, $0x2  }
0x87: {  	s11 =	simm.s32 $0x1;
	s30 =	sand.u32 $0x1, s21;
	s12 =	simm.s32 $0x80  }
0x88: {  	s29 =	sadd.s32 $0x1, s26;
	p6 =	sgt.u32 s10, $0x2;
	s28 =	simm.s32 $0x1  }
0x89: {  	s0 =	sadd.s32 @p2 s6, s26;
	s1 =	sand.u32 @p2 $0x1, s22;
	s11 =	simm.s32 @!p2 $0x0  }
0x8a: {  	_ =	strace @p2 $0x80000050;
	s18 =	sadd.s32 $0x1, s30;
	s15 =	sand.u32 $0x80, s12  }
0x8b: {  	p1 =	seq.s32 s29, s8;
	s25 =	sshll.u32 s30, $0xE;
	s0 =	sshll.u32 @p2 s0, $0x4  }
0x8c: {  	s9 =	sshll.u32 @p2 s1, $0x7;
	s1 =	sadd.s32 @p2 $0x1, s1;
	s22 =	sadd.s32 $0x2, s11  }
0x8d: {  	s11 =	simm.s32 @p2 $0x0;
	s29 =	simm.s32 @p1 $0x0;
	s0 =	sand.u32 @p2 $0x1FFFFFF0, s0  }
0x8e: {  	s31 =	sor.u32 $0x100, s25;
	s25 =	simm.s32 $0x1;
	s0 =	sadd.s32 @p2 s5, s0  }
0x8f: {  	[tilespmem:s9], [sflag:s1] =	stream.linear.gather @p2 [hbm4b:s0+s11], $0x80, $0x200038;
	[tilespmem:$0x8100] =	vst v63  }
0x90: {  	p1 =	sne.s32 s26, s29;
	s9 =	sadd.s32 $0x1, s6;
	_ =	strace @p2 $0x90000050  }
.Ltmp4:
0x91: {  	s11 =	rddreg [dreg:$0x3];
	_ =	strace $0x80000051;
	(pc) =	sbr.rel @!p3 .LBB2_10-.Ltmp4, $4  }
0x92: {  	s1 =	sand.u32 $0x1, s23;
	s0 =	simm.s32 $0x1;
	_ =	swait.ge [sflag:s18], $0x80  }
0x93: {  	p2 =	por !p6, !p1;
	p4 =	seq.s32 s11, $0x0;
	[sflag:s18] =	ssyncset.done $0x0  }
0x94: {  	p6 =	por $0x1, $0x1;
	p0 =	por p4, p0;
	[sflag:s18] =	ssyncadd.s32 $0xFFFFFF80  }
0x95: {  	s11 =	sshll.u32 @p0 s9, $0xB;
	s0 =	simm.s32 @!p0 $0x0;
	_ =	strace $0x90000051  }
.LBB2_11:
0x96: {  	_ =	strace $0x80000052  }
0x97: {  	s28 =	sadd.s32 s0, s28;
	s23 =	smov.u32 s24;
	s24 =	smov.u32 s20  }
0x98: {  	s20 =	sadd.s32 $0x1, s20;
	s9 =	smov.u32 s26;
	p4 =	por p1, p1  }
0x99: {  	s1 =	sadd.s32 $0x3, s1;
	s11 =	sand.u32 @p0 $0x1FFFF800, s11;
	s12 =	simm.s32 @p0 $0x0  }
0x9a: {  	[tilespmem:s31], [sflag:$0x5] =	stream.indirect.gather [hbm4b:s3+s16], $0x80, s15, s16, $0x2000b8;
	[tilespmem:$0x8100] =	vst v63  }
0x9b: {  	p1 =	por !p2, !p2;
	s25 =	sadd.s32 s0, s25;
	_ =	swait.ge [sflag:s17], $0x4000  }
0x9c: {  	s26 =	smov.u32 s29;
	p3 =	sne.s32 s10, s20;
	[sflag:s17] =	ssyncset.done $0x0  }
0x9d: {  	s15 =	sadd.s32 @p0 $0x3, s30;
	s11 =	sadd.s32 @p0 s7, s11;
	[sflag:s17] =	ssyncadd.s32 $0xFFFFC000  }
0x9e: {  	s0 =	sand.u32 @p1 $0x1, s22;
	s18 =	sadd.s32 @p1 s6, s29;
	_ =	strace $0x90000052  }
0x9f: {  	s29 =	sadd.s32 $0x1, s29;
	p2 =	slt.u32 s20, s10;
	_ =	strace @p0 $0x80000053  }
0xa0: {  	[hbm4b:s11+s12] =	stream.linear.scatter @p0 [tilespmem:s31], [sflag:s15], $0x4000, $0x200038;
	[tilespmem:$0x8100] =	vst v63  }
0xa1: {  	s30 =	sand.u32 $0x1, s25;
	s11 =	sshll.u32 @p1 s0, $0x7;
	_ =	strace @p0 $0x90000053  }
0xa2: {  	s12 =	sshll.u32 @p1 s18, $0x4;
	s0 =	sadd.s32 @p1 $0x1, s0;
	_ =	strace $0x80000054  }
0xa3: {  	s15 =	sand.u32 $0x1, s28;
	s18 =	simm.s32 $0x1;
	_ =	swait.ge [sflag:s1], $0x4000  }
0xa4: {  	s31 =	sshll.u32 s28, $0x7;
	s12 =	sand.u32 @p1 $0x1FFFFFF0, s12;
	[sflag:s1] =	ssyncset.done $0x0  }
0xa5: {  	s18 =	simm.s32 @!p1 $0x0;
	s12 =	sadd.s32 @p1 s5, s12;
	[sflag:s1] =	ssyncadd.s32 $0xFFFFC000  }
0xa6: {  	s22 =	sadd.s32 s18, s22;
	s18 =	sadd.s32 $0x1, s15;
	_ =	strace $0x90000054  }
0xa7: {  	s15 =	sand.u32 $0x80, s31;
	s1 =	simm.s32 @p1 $0x0;
	_ =	strace @p1 $0x80000050  }
0xa8: {  	[tilespmem:s11], [sflag:s0] =	stream.linear.gather @p1 [hbm4b:s12+s1], $0x80, $0x200038;
	[tilespmem:$0x8100] =	vst v63  }
0xa9: {  	s0 =	sadd.s32 s6, s9;
	s1 =	sand.u32 $0x1, s23;
	_ =	strace @p1 $0x90000050  }
0xaa: {  	p1 =	seq.s32 s29, s8;
	s12 =	rddreg [dreg:$0x3];
	_ =	strace $0x80000051  }
.Ltmp5:
0xab: {  	s29 =	simm.s32 @p1 $0x0;
	_ =	swait.ge [sflag:s18], $0x80;
	(pc) =	sbr.rel @p3 .LBB2_11-.Ltmp5, $4  }
0xac: {  	p5 =	seq.s32 s12, s23;
	p1 =	sne.s32 s26, s29;
	s23 =	sshll.u32 s30, $0xE  }
0xad: {  	[sflag:s18] =	ssyncset.done $0x0;
	p2 =	por !p2, !p1;
	p0 =	por p5, p4  }
0xae: {  	[sflag:s18] =	ssyncadd.s32 $0xFFFFFF80;
	s11 =	sshll.u32 @p0 s0, $0xB;
	s0 =	simm.s32 $0x1  }
0xaf: {  	s31 =	sor.u32 $0x100, s23;
	_ =	strace $0x90000051;
	s0 =	simm.s32 @!p0 $0x0  }
0xb0: {  	s9 =	smov.u32 s26;
	s23 =	smov.u32 s24;
	s26 =	smov.u32 s29  }
.LBB2_13:
0xb1: {  	_ =	strace @p6 $0x80000052  }
0xb2: {  	[tilespmem:s31], [sflag:$0x5] =	stream.indirect.gather @p6 [hbm4b:s3+s16], $0x80, s15, s16, $0x2000b8;
	[tilespmem:$0x8100] =	vst v63  }
0xb3: {  	_ =	swait.ge @p6 [sflag:s17], $0x4000  }
0xb4: {  	[sflag:s17] =	ssyncset.done @p6 $0x0  }
0xb5: {  	p0 =	por !p0, !p6;
	[sflag:s17] =	ssyncadd.s32 @p6 $0xFFFFC000  }
0xb6: {  	s11 =	sand.u32 @!p0 $0x1FFFF800, s11;
	s12 =	simm.s32 @!p0 $0x0;
	_ =	strace @p6 $0x90000052  }
0xb7: {  	s15 =	sadd.s32 @!p0 $0x3, s30;
	s11 =	sadd.s32 @!p0 s7, s11;
	_ =	strace @!p0 $0x80000053  }
0xb8: {  	[hbm4b:s11+s12] =	stream.linear.scatter @!p0 [tilespmem:s31], [sflag:s15], $0x4000, $0x200038;
	[tilespmem:$0x8100] =	vst v63  }
0xb9: {  	s1 =	sadd.s32 @p6 $0x3, s1;
	_ =	strace @!p0 $0x90000053  }
0xba: {  	s11 =	sadd.s32 @p6 s0, s28;
	p0 =	por !p2, !p2;
	_ =	strace @p6 $0x80000054  }
0xbb: {  	s12 =	sadd.s32 @p0 s6, s26;
	s15 =	sand.u32 @p0 $0x1, s22;
	_ =	swait.ge @p6 [sflag:s1], $0x4000  }
0xbc: {  	s22 =	simm.s32 @p0 $0x0;
	s12 =	sshll.u32 @p0 s12, $0x4;
	[sflag:s1] =	ssyncset.done @p6 $0x0  }
0xbd: {  	s18 =	sshll.u32 @p0 s15, $0x7;
	s12 =	sand.u32 @p0 $0x1FFFFFF0, s12;
	[sflag:s1] =	ssyncadd.s32 @p6 $0xFFFFC000  }
0xbe: {  	s1 =	sadd.s32 @p0 $0x1, s15;
	s15 =	simm.s32 $0x1;
	_ =	strace @p6 $0x90000054  }
0xbf: {  	s12 =	sadd.s32 @p0 s5, s12;
	s15 =	smov.u32 @p6 s11;
	_ =	strace @p0 $0x80000050  }
0xc0: {  	[tilespmem:s18], [sflag:s1] =	stream.linear.gather @p0 [hbm4b:s12+s22], $0x80, $0x200038;
	[tilespmem:$0x8100] =	vst v63  }
0xc1: {  	s22 =	sand.u32 $0x1, s15;
	_ =	strace @p0 $0x90000050  }
0xc2: {  	s1 =	sadd.s32 $0x1, s22;
	s24 =	rddreg [dreg:$0x3];
	_ =	strace $0x80000051  }
0xc3: {  	s0 =	sadd.s32 @p6 s0, s25;
	_ =	swait.ge [sflag:s1], $0x80  }
0xc4: {  	s21 =	smov.u32 @p6 s0;
	[sflag:s1] =	ssyncset.done $0x0  }
0xc5: {  	s0 =	sand.u32 $0x1, s21;
	[sflag:s1] =	ssyncadd.s32 $0xFFFFFF80  }
0xc6: {  	s28 =	sshll.u32 s0, $0xE;
	s26 =	sshll.u32 s15, $0x7;
	_ =	strace $0x90000051  }
0xc7: {  	s12 =	sor.u32 $0x100, s28;
	s1 =	sand.u32 $0x80, s26;
	_ =	strace $0x80000052  }
0xc8: {  	[tilespmem:s12], [sflag:$0x5] =	stream.indirect.gather [hbm4b:s3+s16], $0x80, s1, s16, $0x2000b8;
	[tilespmem:$0x8100] =	vst v63  }
0xc9: {  	p5 =	por p1, p1;
	p6 =	seq.s32 s24, s23;
	_ =	swait.ge [sflag:s17], $0x4000  }
0xca: {  	p0 =	por p6, p5;
	s1 =	sadd.s32 s6, s9;
	[sflag:s17] =	ssyncset.done $0x0  }
0xcb: {  	s1 =	sshll.u32 @p0 s1, $0xB;
	[sflag:s17] =	ssyncadd.s32 $0xFFFFC000  }
0xcc: {  	s0 =	sadd.s32 @p0 $0x3, s0;
	s1 =	sand.u32 @p0 $0x1FFFF800, s1;
	_ =	strace $0x90000052  }
0xcd: {  	s9 =	simm.s32 @p0 $0x0;
	s1 =	sadd.s32 @p0 s7, s1;
	_ =	strace @p0 $0x80000053  }
0xce: {  	[hbm4b:s1+s9] =	stream.linear.scatter @p0 [tilespmem:s12], [sflag:s0], $0x4000, $0x200038;
	[tilespmem:$0x8100] =	vst v63  }
0xcf: {  	s29 =	sand.u32 $0x1, s23;
	_ =	strace @p0 $0x90000053  }
0xd0: {  	s0 =	sadd.s32 $0x3, s29;
	_ =	strace $0x80000054  }
0xd1: {  	_ =	swait.ge [sflag:s0], $0x4000  }
0xd2: {  	[sflag:s0] =	ssyncset.done $0x0  }
0xd3: {  	[sflag:s0] =	ssyncadd.s32 $0xFFFFC000  }
0xd4: {  	s30 =	sand.u32 $0x1, s20;
	_ =	strace $0x90000054  }
0xd5: {  	s0 =	sadd.s32 $0x3, s30;
	_ =	strace $0x80000055  }
0xd6: {  	_ =	swait.ge [sflag:s0], $0x4000  }
0xd7: {  	s19 =	sadd.s32 $0x1, s19;
	s31 =	rddreg [dreg:$0x6]  }
0xd8: {  	p0 =	sne.s32 s19, s31  }
.Ltmp6:
0xd9: {  	_ = 	snop;
	(pc) =	sbr.rel @p0 .LBB2_1-.Ltmp6, $4  }
.Ltmp7:
0xda: {  	_ = 	snop;
	(pc) =	sbr.rel @!p0 .LBB2_14-.Ltmp7, $4  }
0xdb: {  	[sflag:s0] =	ssyncset.done $0x0  }
0xdc: {  	[sflag:s0] =	ssyncadd.s32 $0xFFFFC000  }
0xdd: {  	_ =	strace $0x90000055  }
0xde: {  	_ = 	snop  }
.LBB2_2:
.Ltmp8:
0xdf: {  	(pc) =	sbr.rel .LBB2_7-.Ltmp8, $3  }
0xe0: {  	_ =	sdelay $0x1  }
0xe1: {  	s23 =	simm.s32 $0x0;
	s20 =	simm.s32 $0x0;
	s21 =	simm.s32 $0x0  }
0xe2: {  	s28 =	simm.s32 $0x0;
	s22 =	simm.s32 $0x0;
	p5 =	por $0x0, $0x0  }
.LBB2_8:
.Ltmp9:
0xe3: {  	(pc) =	sbr.rel .LBB2_13-.Ltmp9, $3  }
0xe4: {  	_ =	sdelay $0x1  }
0xe5: {  	s20 =	simm.s32 $0x1;
	s28 =	simm.s32 $0x1  }
0xe6: {  	s9 =	simm.s32 $0x1;
	s25 =	simm.s32 $0x1;
	p6 =	por $0x0, $0x0  }
.LBB2_4:
.Ltmp10:
0xe7: {  	(pc) =	sbr.rel .LBB2_7-.Ltmp10, $2  }
0xe8: {  	_ =	sdelay $0x2  }
0xe9: {  	s23 =	simm.s32 $0x0;
	s28 =	simm.s32 $0x0;
	p5 =	por $0x1, $0x1  }
.LBB2_10:
.Ltmp11:
0xea: {  	(pc) =	sbr.rel .LBB2_13-.Ltmp11, $3  }
0xeb: {  	_ =	sdelay $0x1  }
0xec: {  	s9 =	smov.u32 s26;
	s28 =	simm.s32 $0x1  }
0xed: {  	s23 =	simm.s32 $0x1;
	s25 =	simm.s32 $0x1;
	s26 =	smov.u32 s29  }
.LBB2_14:
0xee: {  	_ =	sfence.sel $0x180000  }
0xef: {  	[bflag:$0x0] =	sbarrier.arrive $0xFFFF  }
0xf0: {  	_ =	strace $0x90000047  }
0xf1: {  	s0 =	stileid.u32;
	[bflag:$0x2] =	sbarrier.arrive $0xFFFF  }
0xf2: {  	p0 =	sne.s32 s0, $0x0;
	s0 =	rddreg [dreg:$0x1]  }
0xf3: {  	s0 =	sadd.s32 @!p0 $0x100000, s0  }
0xf4: {  	[sflag:s0] =	ssyncadd.tile.s32 @!p0 $0x1;
	_ =	shalt  }
.Lfunc_end2:
_tile_overlayer_lowered:
.L_overlay_start_2:
0xf5: {  	(tag) =	ssettag $0x2  }
0xf6: {  	s0 =	rddreg [dreg:$0x0];
	s2 =	stileid.u32  }
0xf7: {  	s1 =	rddreg [dreg:$0x1];
	p0 =	sne.s32 s2, $0x0  }
0xf8: {  	s3 =	rddreg [dreg:$0x2];
	[bflag:$0x3] =	sbarrier.arrive $0xFFFF;
	s2 =	simm.s32 @!p0 $0x1C01  }
0xf9: {  	[timem:s3], [sflag:s2] =	dma.local @!p0 [hbm:s0], s1  }
0xfa: {  	s0 =	simm.s32 @!p0 $0x1  }
0xfb: {  	_ =	swait.ge @!p0 [sflag:s0], s1  }
0xfc: {  	s1 =	ssub.s32 @!p0 $0x0, s1;
	[sflag:s0] =	ssyncset.done @!p0 $0x0  }
0xfd: {  	[sflag:s0] =	ssyncadd.s32 @!p0 s1  }
0xfe: {  	[bflag:$0x3] =	sbarrier.arrive $0xFFFF  }
0xff: {  	_ =	shalt  }

</sc_bundles>
